<compile_context>
chip_gen: v7x
topology: tpu7x:2x2x1
jax: 0.10.2.dev20260603
libtpu: 0.0.44.dev20260713+nightly
codegen_flags: <defaults>
</compile_context>

<pallas_src>
import dataclasses
import functools

import jax
import jax.numpy as jnp
from jax import lax
from jax.experimental import pallas as pl
from jax.experimental.pallas import tpu as pltpu
from jax.experimental.pallas import tpu_sc as plsc

NUM_BUCKETS = 1000000
EMB = 128
LANES = 16
WINDOW = 128

_MULT_LO = 435761
_MULT_HI = 219264


def _hash16(v):
    xh = lax.shift_right_logical(v, jnp.int32(10))
    xl = lax.bitwise_and(v, jnp.int32(1023))
    s = xh * jnp.int32(_MULT_HI) + xl * jnp.int32(_MULT_LO)
    for k in (512, 256, 128, 64, 32, 16, 8, 4, 2, 1):
        t = jnp.int32(k * NUM_BUCKETS)
        s = jnp.where(s >= t, s - t, s)
    return s


_NWORKERS = 32
_NBUF = 6
_DEPTH = 4


def _sc_gather(xt, table):
    (n,) = xt.shape
    per_tile = n // _NWORKERS
    chunks = per_tile // WINDOW
    mesh = plsc.VectorSubcoreMesh(core_axis_name="core", subcore_axis_name="subcore")

    @functools.partial(
        pl.kernel,
        out_type=jax.ShapeDtypeStruct((n, EMB), jnp.float32),
        mesh=mesh,
        scratch_types=[
            pltpu.VMEM((per_tile,), jnp.int32),
            pltpu.VMEM((per_tile,), jnp.int32),
            pltpu.VMEM((_NBUF, WINDOW, EMB), jnp.float32),
            pltpu.SemaphoreType.DMA,
        ]
        + [pltpu.SemaphoreType.DMA] * (2 * _NBUF),
    )
    def gather_kernel(x_hbm, table_hbm, o_hbm, ids_v, idx_v, gbuf_v, sem_in, *sems):
        gsem = sems[:_NBUF]
        osem = sems[_NBUF:]
        core = lax.axis_index("core")
        sub = lax.axis_index("subcore")
        wid = sub * 2 + core
        base = pl.multiple_of(wid * per_tile, per_tile)

        pltpu.async_copy(x_hbm.at[pl.ds(base, per_tile)], ids_v, sem_in).wait()

        head = min(_DEPTH * WINDOW, per_tile)

        @pl.loop(0, head, step=LANES * 8)
        def _(i):
            off = pl.multiple_of(i, LANES * 8)
            for j in range(8):
                v = ids_v[pl.ds(off + j * LANES, LANES)]
                idx_v[pl.ds(off + j * LANES, LANES)] = _hash16(v)

        def gather_copy(c):
            b = c % _NBUF
            return pltpu.make_async_copy(
                table_hbm.at[idx_v.at[pl.ds(c * WINDOW, WINDOW)]],
                gbuf_v.at[b],
                gsem[b],
            )

        def out_copy(c):
            b = c % _NBUF
            return pltpu.make_async_copy(
                gbuf_v.at[b],
                o_hbm.at[pl.ds(base + c * WINDOW, WINDOW)],
                osem[b],
            )

        for c in range(min(_DEPTH, chunks)):
            gather_copy(c).start()

        @pl.loop(head, per_tile, step=LANES * 8)
        def _(i):
            off = pl.multiple_of(i, LANES * 8)
            for j in range(8):
                v = ids_v[pl.ds(off + j * LANES, LANES)]
                idx_v[pl.ds(off + j * LANES, LANES)] = _hash16(v)

        for c in range(chunks):
            gather_copy(c).wait()
            out_copy(c).start()
            k = c + _DEPTH
            if k < chunks:
                if k >= _NBUF:
                    out_copy(k - _NBUF).wait()
                gather_copy(k).start()
        for c in range(max(chunks - _NBUF, 0), chunks):
            out_copy(c).wait()

    return gather_kernel(xt, table)


def _mlp(embeds_fm, w1t, b1, w2t, b2, bsz, nf):
    h = w1t.shape[1]
    o = w2t.shape[1]
    bm = 1024
    nbm = bsz // bm

    def body(e_ref, w1_ref, b1_ref, w2_ref, b2_ref, o_ref):
        e_full = jnp.concatenate(
            [e_ref[f].astype(jnp.bfloat16) for f in range(nf)], axis=1
        )
        hid = jnp.dot(e_full, w1_ref[...], preferred_element_type=jnp.float32)
        hid = jnp.maximum(hid + b1_ref[...], 0.0)
        o_ref[...] = (
            jnp.dot(
                hid.astype(jnp.bfloat16),
                w2_ref[...],
                preferred_element_type=jnp.float32,
            )
            + b2_ref[...]
        )

    return pl.pallas_call(
        body,
        grid=(nbm,),
        in_specs=[
            pl.BlockSpec((nf, bm, EMB), lambda i: (0, i, 0)),
            pl.BlockSpec((nf * EMB, h), lambda i: (0, 0)),
            pl.BlockSpec((1, h), lambda i: (0, 0)),
            pl.BlockSpec((h, o), lambda i: (0, 0)),
            pl.BlockSpec((1, o), lambda i: (0, 0)),
        ],
        out_specs=pl.BlockSpec((bm, o), lambda i: (i, 0)),
        out_shape=jax.ShapeDtypeStruct((bsz, o), jnp.float32),
    )(embeds_fm, w1t, b1, w2t, b2)


_NCHUNKS = 1


def kernel(x, table, W1, b1, W2, b2):
    bsz, nf = x.shape
    cb = bsz // _NCHUNKS
    xt = x.astype(jnp.int32).T
    w1t = W1.T.astype(jnp.bfloat16)
    w2t = W2.T.astype(jnp.bfloat16)
    b1r = b1.reshape(1, -1)
    b2r = b2.reshape(1, -1)
    with jax.enable_x64(False):
        outs = []
        for h in range(_NCHUNKS):
            xth = lax.slice(xt, (0, h * cb), (nf, (h + 1) * cb)).reshape(-1)
            embeds_fm = _sc_gather(xth, table)
            outs.append(
                _mlp(embeds_fm.reshape(nf, cb, EMB), w1t, b1r, w2t, b2r, cb, nf)
            )
        out = jnp.concatenate(outs, axis=0) if _NCHUNKS > 1 else outs[0]
    return out

# --- scband reference (transcript-rebuilt; emitter-appended) ---
"""Pipeline reference for scband-host-bottom-66468913873648 (READ-ONLY COPY).

The authoritative reference and input builder live on the scoring server;
editing this copy changes nothing except your own understanding.
"""

import jax, jax.numpy as jnp
import numpy as np

jax.config.update("jax_enable_x64", True)

NUM_BUCKETS = 1000000
EMB = 128
NF = 26
B = 4096
HASH_MULT = 2654435761


def setup_inputs(seed: int = 0) -> dict:
    key = jax.random.key(seed)
    k1, k2, k3, k4 = jax.random.split(key, 4)
    x = jax.random.randint(k1, (B, NF), 0, NUM_BUCKETS, dtype=jnp.int64)
    table = (jax.random.normal(k2, (NUM_BUCKETS, EMB), dtype=jnp.float32) * 0.01)
    W1 = jax.random.normal(k3, (256, NF * EMB), dtype=jnp.float32) * 0.01
    b1 = jnp.zeros((256,), dtype=jnp.float32)
    W2 = jax.random.normal(k4, (256, 256), dtype=jnp.float32) * 0.01
    b2 = jnp.zeros((256,), dtype=jnp.float32)
    return {"x": x, "table": table, "W1": W1, "b1": b1, "W2": W2, "b2": b2}


def reference(x, table, W1, b1, W2, b2):
    # x: int64[B, NF]
    batch_size = x.shape[0]
    # Per-feature multiplicative hashing into num_buckets, then embedding lookup.
    hash_buckets = jnp.remainder(x.astype(jnp.int64) * HASH_MULT, NUM_BUCKETS)
    # Gather: [B, NF, EMB]; torch loop + cat(dim=1) + view == reshape of gathered stack
    embeds = jnp.take(table, hash_buckets, axis=0)
    embeds = embeds.reshape(batch_size, -1)
    h = jax.nn.relu(embeds @ W1.T + b1)
    out = h @ W2.T + b2
    return out

if __name__ == "__main__":
    import jax
    _d = setup_inputs()
    print(jax.jit(kernel)(*tuple(_d.values())))

</pallas_src>

<mosaic_0001>
#map = affine_map<(d0, d1) -> (0)>
#map1 = affine_map<(d0, d1) -> (0, 0)>
module attributes {stable_mosaic.version = 14 : i64} {
  func.func @gather_kernel(%arg0: i32, %arg1: i32, %arg2: memref<106496xi32, #tpu.memory_space<hbm>>, %arg3: memref<1000000x128xf32, #tpu.memory_space<hbm>>, %arg4: memref<106496x128xf32, #tpu.memory_space<hbm>>, %arg5: memref<3328xi32, #tpu.memory_space<vmem>>, %arg6: memref<3328xi32, #tpu.memory_space<vmem>>, %arg7: memref<6x128x128xf32, #tpu.memory_space<vmem>>, %arg8: memref<!tpu.dma_semaphore, #tpu.memory_space<semaphore_mem>>, %arg9: memref<!tpu.dma_semaphore, #tpu.memory_space<semaphore_mem>>, %arg10: memref<!tpu.dma_semaphore, #tpu.memory_space<semaphore_mem>>, %arg11: memref<!tpu.dma_semaphore, #tpu.memory_space<semaphore_mem>>, %arg12: memref<!tpu.dma_semaphore, #tpu.memory_space<semaphore_mem>>, %arg13: memref<!tpu.dma_semaphore, #tpu.memory_space<semaphore_mem>>, %arg14: memref<!tpu.dma_semaphore, #tpu.memory_space<semaphore_mem>>, %arg15: memref<!tpu.dma_semaphore, #tpu.memory_space<semaphore_mem>>, %arg16: memref<!tpu.dma_semaphore, #tpu.memory_space<semaphore_mem>>, %arg17: memref<!tpu.dma_semaphore, #tpu.memory_space<semaphore_mem>>, %arg18: memref<!tpu.dma_semaphore, #tpu.memory_space<semaphore_mem>>, %arg19: memref<!tpu.dma_semaphore, #tpu.memory_space<semaphore_mem>>, %arg20: memref<!tpu.dma_semaphore, #tpu.memory_space<semaphore_mem>>) attributes {dimension_semantics = [#tpu.dimension_semantics<core_parallel>, #tpu.dimension_semantics<subcore_parallel>], iteration_bounds = array<i64: 2, 16>, scalar_prefetch = 0 : i64, scratch_operands = 16 : i64, tpu.core_type = #tpu.core_type<sc_vector_subcore>, window_params = [{transform_indices = #map}, {transform_indices = #map1}, {transform_indices = #map1}]} {
    %mul3A = arith.constant 2 : i32
    %mul3A_0 = arith.muli %arg1, %mul3A : i32
    %add3A = arith.addi %mul3A_0, %arg0 : i32
    %mul3A_1 = arith.constant 3328 : i32
    %mul3A_2 = arith.muli %add3A, %mul3A_1 : i32
    %multiple_of3A = tpu.assume_multiple %mul3A_2, 3328 : i32
    %dma_start3A = tpu.memref_slice %arg2[%multiple_of3A] : memref<106496xi32, #tpu.memory_space<hbm>> -> memref<3328xi32, #tpu.memory_space<hbm>>
    %dma_start3A_3 = tpu.memref_slice %arg2[%multiple_of3A] : memref<106496xi32, #tpu.memory_space<hbm>> -> memref<3328xi32, #tpu.memory_space<hbm>>
    tpu.enqueue_dma source(%dma_start3A_3 : memref<3328xi32, #tpu.memory_space<hbm>>) target(%arg5 : memref<3328xi32, #tpu.memory_space<vmem>>) target_semaphore(%arg8 : memref<!tpu.dma_semaphore, #tpu.memory_space<semaphore_mem>>)
    %dma_wait3A = tpu.memref_slice %arg2[%multiple_of3A] : memref<106496xi32, #tpu.memory_space<hbm>> -> memref<3328xi32, #tpu.memory_space<hbm>>
    %dma_wait3A_4 = tpu.memref_slice %arg2[%multiple_of3A] : memref<106496xi32, #tpu.memory_space<hbm>> -> memref<3328xi32, #tpu.memory_space<hbm>>
    tpu.wait_dma2 semaphore(%arg8 : memref<!tpu.dma_semaphore, #tpu.memory_space<semaphore_mem>>) src(%dma_wait3A_4 : memref<3328xi32, #tpu.memory_space<hbm>>) dst(%arg5 : memref<3328xi32, #tpu.memory_space<vmem>>)
    %scan3A = arith.constant 0 : i32
    %scan3A_5 = arith.constant 4 : i32
    %scan3A_6 = arith.addi %scan3A, %scan3A_5 : i32
    %scan3A_7 = arith.constant 1 : i32
    scf.for %scan3A_1314 = %scan3A to %scan3A_6 step %scan3A_7  : i32 {
      %mul3A_1315 = arith.constant 128 : i32
      %mul3A_1316 = arith.muli %scan3A_1314, %mul3A_1315 : i32
      %add3A_1317 = arith.constant 0 : i32
      %add3A_1318 = arith.addi %add3A_1317, %mul3A_1316 : i32
      %multiple_of3A_1319 = tpu.assume_multiple %add3A_1318, 128 : i32
      %add3A_1320 = arith.constant 0 : i32
      %add3A_1321 = arith.addi %multiple_of3A_1319, %add3A_1320 : i32
      %get3A = arith.index_cast %add3A_1321 : i32 to index
      %get3A_1322 = tpu.vector_load %arg5[%get3A] {strides = array<i32>} : memref<3328xi32, #tpu.memory_space<vmem>>, vector<16xi32>,
      %get3A_1323 = vector.shape_cast %get3A_1322 : vector<16xi32> to vector<16xi32>
      %shift_right_logical3A = arith.constant 10 : i32
      %shift_right_logical3A_1324 = vector.broadcast %shift_right_logical3A : i32 to vector<16xi32>
      %shift_right_logical3A_1325 = arith.shrui %get3A_1323, %shift_right_logical3A_1324 : vector<16xi32>
      %and3A = arith.constant 1023 : i32
      %and3A_1326 = vector.broadcast %and3A : i32 to vector<16xi32>
      %and3A_1327 = arith.andi %get3A_1323, %and3A_1326 : vector<16xi32>
      %mul3A_1328 = arith.constant 219264 : i32
      %mul3A_1329 = vector.broadcast %mul3A_1328 : i32 to vector<16xi32>
      %mul3A_1330 = arith.muli %shift_right_logical3A_1325, %mul3A_1329 : vector<16xi32>
      %mul3A_1331 = arith.constant 435761 : i32
      %mul3A_1332 = vector.broadcast %mul3A_1331 : i32 to vector<16xi32>
      %mul3A_1333 = arith.muli %and3A_1327, %mul3A_1332 : vector<16xi32>
      %add3A_1334 = arith.addi %mul3A_1330, %mul3A_1333 : vector<16xi32>
      %ge3A = arith.constant 512000000 : i32
      %ge3A_1335 = vector.broadcast %ge3A : i32 to vector<16xi32>
      %ge3A_1336 = arith.cmpi sge, %add3A_1334, %ge3A_1335 : vector<16xi32>
      %sub3A = arith.constant 512000000 : i32
      %sub3A_1337 = vector.broadcast %sub3A : i32 to vector<16xi32>
      %sub3A_1338 = arith.subi %add3A_1334, %sub3A_1337 : vector<16xi32>
      %select_n3A = arith.select %ge3A_1336, %sub3A_1338, %add3A_1334 : vector<16xi1>, vector<16xi32>
      %ge3A_1339 = arith.constant 256000000 : i32
      %ge3A_1340 = vector.broadcast %ge3A_1339 : i32 to vector<16xi32>
      %ge3A_1341 = arith.cmpi sge, %select_n3A, %ge3A_1340 : vector<16xi32>
      %sub3A_1342 = arith.constant 256000000 : i32
      %sub3A_1343 = vector.broadcast %sub3A_1342 : i32 to vector<16xi32>
      %sub3A_1344 = arith.subi %select_n3A, %sub3A_1343 : vector<16xi32>
      %select_n3A_1345 = arith.select %ge3A_1341, %sub3A_1344, %select_n3A : vector<16xi1>, vector<16xi32>
      %ge3A_1346 = arith.constant 128000000 : i32
      %ge3A_1347 = vector.broadcast %ge3A_1346 : i32 to vector<16xi32>
      %ge3A_1348 = arith.cmpi sge, %select_n3A_1345, %ge3A_1347 : vector<16xi32>
      %sub3A_1349 = arith.constant 128000000 : i32
      %sub3A_1350 = vector.broadcast %sub3A_1349 : i32 to vector<16xi32>
      %sub3A_1351 = arith.subi %select_n3A_1345, %sub3A_1350 : vector<16xi32>
      %select_n3A_1352 = arith.select %ge3A_1348, %sub3A_1351, %select_n3A_1345 : vector<16xi1>, vector<16xi32>
      %ge3A_1353 = arith.constant 64000000 : i32
      %ge3A_1354 = vector.broadcast %ge3A_1353 : i32 to vector<16xi32>
      %ge3A_1355 = arith.cmpi sge, %select_n3A_1352, %ge3A_1354 : vector<16xi32>
      %sub3A_1356 = arith.constant 64000000 : i32
      %sub3A_1357 = vector.broadcast %sub3A_1356 : i32 to vector<16xi32>
      %sub3A_1358 = arith.subi %select_n3A_1352, %sub3A_1357 : vector<16xi32>
      %select_n3A_1359 = arith.select %ge3A_1355, %sub3A_1358, %select_n3A_1352 : vector<16xi1>, vector<16xi32>
      %ge3A_1360 = arith.constant 32000000 : i32
      %ge3A_1361 = vector.broadcast %ge3A_1360 : i32 to vector<16xi32>
      %ge3A_1362 = arith.cmpi sge, %select_n3A_1359, %ge3A_1361 : vector<16xi32>
      %sub3A_1363 = arith.constant 32000000 : i32
      %sub3A_1364 = vector.broadcast %sub3A_1363 : i32 to vector<16xi32>
      %sub3A_1365 = arith.subi %select_n3A_1359, %sub3A_1364 : vector<16xi32>
      %select_n3A_1366 = arith.select %ge3A_1362, %sub3A_1365, %select_n3A_1359 : vector<16xi1>, vector<16xi32>
      %ge3A_1367 = arith.constant 16000000 : i32
      %ge3A_1368 = vector.broadcast %ge3A_1367 : i32 to vector<16xi32>
      %ge3A_1369 = arith.cmpi sge, %select_n3A_1366, %ge3A_1368 : vector<16xi32>
      %sub3A_1370 = arith.constant 16000000 : i32
      %sub3A_1371 = vector.broadcast %sub3A_1370 : i32 to vector<16xi32>
      %sub3A_1372 = arith.subi %select_n3A_1366, %sub3A_1371 : vector<16xi32>
      %select_n3A_1373 = arith.select %ge3A_1369, %sub3A_1372, %select_n3A_1366 : vector<16xi1>, vector<16xi32>
      %ge3A_1374 = arith.constant 8000000 : i32
      %ge3A_1375 = vector.broadcast %ge3A_1374 : i32 to vector<16xi32>
      %ge3A_1376 = arith.cmpi sge, %select_n3A_1373, %ge3A_1375 : vector<16xi32>
      %sub3A_1377 = arith.constant 8000000 : i32
      %sub3A_1378 = vector.broadcast %sub3A_1377 : i32 to vector<16xi32>
      %sub3A_1379 = arith.subi %select_n3A_1373, %sub3A_1378 : vector<16xi32>
      %select_n3A_1380 = arith.select %ge3A_1376, %sub3A_1379, %select_n3A_1373 : vector<16xi1>, vector<16xi32>
      %ge3A_1381 = arith.constant 4000000 : i32
      %ge3A_1382 = vector.broadcast %ge3A_1381 : i32 to vector<16xi32>
      %ge3A_1383 = arith.cmpi sge, %select_n3A_1380, %ge3A_1382 : vector<16xi32>
      %sub3A_1384 = arith.constant 4000000 : i32
      %sub3A_1385 = vector.broadcast %sub3A_1384 : i32 to vector<16xi32>
      %sub3A_1386 = arith.subi %select_n3A_1380, %sub3A_1385 : vector<16xi32>
      %select_n3A_1387 = arith.select %ge3A_1383, %sub3A_1386, %select_n3A_1380 : vector<16xi1>, vector<16xi32>
      %ge3A_1388 = arith.constant 2000000 : i32
      %ge3A_1389 = vector.broadcast %ge3A_1388 : i32 to vector<16xi32>
      %ge3A_1390 = arith.cmpi sge, %select_n3A_1387, %ge3A_1389 : vector<16xi32>
      %sub3A_1391 = arith.constant 2000000 : i32
      %sub3A_1392 = vector.broadcast %sub3A_1391 : i32 to vector<16xi32>
      %sub3A_1393 = arith.subi %select_n3A_1387, %sub3A_1392 : vector<16xi32>
      %select_n3A_1394 = arith.select %ge3A_1390, %sub3A_1393, %select_n3A_1387 : vector<16xi1>, vector<16xi32>
      %ge3A_1395 = arith.constant 1000000 : i32
      %ge3A_1396 = vector.broadcast %ge3A_1395 : i32 to vector<16xi32>
      %ge3A_1397 = arith.cmpi sge, %select_n3A_1394, %ge3A_1396 : vector<16xi32>
      %sub3A_1398 = arith.constant 1000000 : i32
      %sub3A_1399 = vector.broadcast %sub3A_1398 : i32 to vector<16xi32>
      %sub3A_1400 = arith.subi %select_n3A_1394, %sub3A_1399 : vector<16xi32>
      %select_n3A_1401 = arith.select %ge3A_1397, %sub3A_1400, %select_n3A_1394 : vector<16xi1>, vector<16xi32>
      %add3A_1402 = arith.constant 0 : i32
      %add3A_1403 = arith.addi %multiple_of3A_1319, %add3A_1402 : i32
      %swap3A = arith.index_cast %add3A_1403 : i32 to index
      %swap3A_1404 = tpu.vector_load %arg6[%swap3A] {strides = array<i32>} : memref<3328xi32, #tpu.memory_space<vmem>>, vector<16xi32>,
      %swap3A_1405 = vector.shape_cast %swap3A_1404 : vector<16xi32> to vector<16xi32>
      %swap3A_1406 = vector.shape_cast %select_n3A_1401 : vector<16xi32> to vector<16xi32>
      tpu.vector_store %arg6[%swap3A], %swap3A_1406 {strides = array<i32>} : memref<3328xi32, #tpu.memory_space<vmem>>, vector<16xi32>,
      %add3A_1407 = arith.constant 16 : i32
      %add3A_1408 = arith.addi %multiple_of3A_1319, %add3A_1407 : i32
      %get3A_1409 = arith.index_cast %add3A_1408 : i32 to index
      %get3A_1410 = tpu.vector_load %arg5[%get3A_1409] {strides = array<i32>} : memref<3328xi32, #tpu.memory_space<vmem>>, vector<16xi32>,
      %get3A_1411 = vector.shape_cast %get3A_1410 : vector<16xi32> to vector<16xi32>
      %shift_right_logical3A_1412 = arith.constant 10 : i32
      %shift_right_logical3A_1413 = vector.broadcast %shift_right_logical3A_1412 : i32 to vector<16xi32>
      %shift_right_logical3A_1414 = arith.shrui %get3A_1411, %shift_right_logical3A_1413 : vector<16xi32>
      %and3A_1415 = arith.constant 1023 : i32
      %and3A_1416 = vector.broadcast %and3A_1415 : i32 to vector<16xi32>
      %and3A_1417 = arith.andi %get3A_1411, %and3A_1416 : vector<16xi32>
      %mul3A_1418 = arith.constant 219264 : i32
      %mul3A_1419 = vector.broadcast %mul3A_1418 : i32 to vector<16xi32>
      %mul3A_1420 = arith.muli %shift_right_logical3A_1414, %mul3A_1419 : vector<16xi32>
      %mul3A_1421 = arith.constant 435761 : i32
      %mul3A_1422 = vector.broadcast %mul3A_1421 : i32 to vector<16xi32>
      %mul3A_1423 = arith.muli %and3A_1417, %mul3A_1422 : vector<16xi32>
      %add3A_1424 = arith.addi %mul3A_1420, %mul3A_1423 : vector<16xi32>
      %ge3A_1425 = arith.constant 512000000 : i32
      %ge3A_1426 = vector.broadcast %ge3A_1425 : i32 to vector<16xi32>
      %ge3A_1427 = arith.cmpi sge, %add3A_1424, %ge3A_1426 : vector<16xi32>
      %sub3A_1428 = arith.constant 512000000 : i32
      %sub3A_1429 = vector.broadcast %sub3A_1428 : i32 to vector<16xi32>
      %sub3A_1430 = arith.subi %add3A_1424, %sub3A_1429 : vector<16xi32>
      %select_n3A_1431 = arith.select %ge3A_1427, %sub3A_1430, %add3A_1424 : vector<16xi1>, vector<16xi32>
      %ge3A_1432 = arith.constant 256000000 : i32
      %ge3A_1433 = vector.broadcast %ge3A_1432 : i32 to vector<16xi32>
      %ge3A_1434 = arith.cmpi sge, %select_n3A_1431, %ge3A_1433 : vector<16xi32>
      %sub3A_1435 = arith.constant 256000000 : i32
      %sub3A_1436 = vector.broadcast %sub3A_1435 : i32 to vector<16xi32>
      %sub3A_1437 = arith.subi %select_n3A_1431, %sub3A_1436 : vector<16xi32>
      %select_n3A_1438 = arith.select %ge3A_1434, %sub3A_1437, %select_n3A_1431 : vector<16xi1>, vector<16xi32>
      %ge3A_1439 = arith.constant 128000000 : i32
      %ge3A_1440 = vector.broadcast %ge3A_1439 : i32 to vector<16xi32>
      %ge3A_1441 = arith.cmpi sge, %select_n3A_1438, %ge3A_1440 : vector<16xi32>
      %sub3A_1442 = arith.constant 128000000 : i32
      %sub3A_1443 = vector.broadcast %sub3A_1442 : i32 to vector<16xi32>
      %sub3A_1444 = arith.subi %select_n3A_1438, %sub3A_1443 : vector<16xi32>
      %select_n3A_1445 = arith.select %ge3A_1441, %sub3A_1444, %select_n3A_1438 : vector<16xi1>, vector<16xi32>
      %ge3A_1446 = arith.constant 64000000 : i32
      %ge3A_1447 = vector.broadcast %ge3A_1446 : i32 to vector<16xi32>
      %ge3A_1448 = arith.cmpi sge, %select_n3A_1445, %ge3A_1447 : vector<16xi32>
      %sub3A_1449 = arith.constant 64000000 : i32
      %sub3A_1450 = vector.broadcast %sub3A_1449 : i32 to vector<16xi32>
      %sub3A_1451 = arith.subi %select_n3A_1445, %sub3A_1450 : vector<16xi32>
      %select_n3A_1452 = arith.select %ge3A_1448, %sub3A_1451, %select_n3A_1445 : vector<16xi1>, vector<16xi32>
      %ge3A_1453 = arith.constant 32000000 : i32
      %ge3A_1454 = vector.broadcast %ge3A_1453 : i32 to vector<16xi32>
      %ge3A_1455 = arith.cmpi sge, %select_n3A_1452, %ge3A_1454 : vector<16xi32>
      %sub3A_1456 = arith.constant 32000000 : i32
      %sub3A_1457 = vector.broadcast %sub3A_1456 : i32 to vector<16xi32>
      %sub3A_1458 = arith.subi %select_n3A_1452, %sub3A_1457 : vector<16xi32>
      %select_n3A_1459 = arith.select %ge3A_1455, %sub3A_1458, %select_n3A_1452 : vector<16xi1>, vector<16xi32>
      %ge3A_1460 = arith.constant 16000000 : i32
      %ge3A_1461 = vector.broadcast %ge3A_1460 : i32 to vector<16xi32>
      %ge3A_1462 = arith.cmpi sge, %select_n3A_1459, %ge3A_1461 : vector<16xi32>
      %sub3A_1463 = arith.constant 16000000 : i32
      %sub3A_1464 = vector.broadcast %sub3A_1463 : i32 to vector<16xi32>
      %sub3A_1465 = arith.subi %select_n3A_1459, %sub3A_1464 : vector<16xi32>
      %select_n3A_1466 = arith.select %ge3A_1462, %sub3A_1465, %select_n3A_1459 : vector<16xi1>, vector<16xi32>
      %ge3A_1467 = arith.constant 8000000 : i32
      %ge3A_1468 = vector.broadcast %ge3A_1467 : i32 to vector<16xi32>
      %ge3A_1469 = arith.cmpi sge, %select_n3A_1466, %ge3A_1468 : vector<16xi32>
      %sub3A_1470 = arith.constant 8000000 : i32
      %sub3A_1471 = vector.broadcast %sub3A_1470 : i32 to vector<16xi32>
      %sub3A_1472 = arith.subi %select_n3A_1466, %sub3A_1471 : vector<16xi32>
      %select_n3A_1473 = arith.select %ge3A_1469, %sub3A_1472, %select_n3A_1466 : vector<16xi1>, vector<16xi32>
      %ge3A_1474 = arith.constant 4000000 : i32
      %ge3A_1475 = vector.broadcast %ge3A_1474 : i32 to vector<16xi32>
      %ge3A_1476 = arith.cmpi sge, %select_n3A_1473, %ge3A_1475 : vector<16xi32>
      %sub3A_1477 = arith.constant 4000000 : i32
      %sub3A_1478 = vector.broadcast %sub3A_1477 : i32 to vector<16xi32>
      %sub3A_1479 = arith.subi %select_n3A_1473, %sub3A_1478 : vector<16xi32>
      %select_n3A_1480 = arith.select %ge3A_1476, %sub3A_1479, %select_n3A_1473 : vector<16xi1>, vector<16xi32>
      %ge3A_1481 = arith.constant 2000000 : i32
      %ge3A_1482 = vector.broadcast %ge3A_1481 : i32 to vector<16xi32>
      %ge3A_1483 = arith.cmpi sge, %select_n3A_1480, %ge3A_1482 : vector<16xi32>
      %sub3A_1484 = arith.constant 2000000 : i32
      %sub3A_1485 = vector.broadcast %sub3A_1484 : i32 to vector<16xi32>
      %sub3A_1486 = arith.subi %select_n3A_1480, %sub3A_1485 : vector<16xi32>
      %select_n3A_1487 = arith.select %ge3A_1483, %sub3A_1486, %select_n3A_1480 : vector<16xi1>, vector<16xi32>
      %ge3A_1488 = arith.constant 1000000 : i32
      %ge3A_1489 = vector.broadcast %ge3A_1488 : i32 to vector<16xi32>
      %ge3A_1490 = arith.cmpi sge, %select_n3A_1487, %ge3A_1489 : vector<16xi32>
      %sub3A_1491 = arith.constant 1000000 : i32
      %sub3A_1492 = vector.broadcast %sub3A_1491 : i32 to vector<16xi32>
      %sub3A_1493 = arith.subi %select_n3A_1487, %sub3A_1492 : vector<16xi32>
      %select_n3A_1494 = arith.select %ge3A_1490, %sub3A_1493, %select_n3A_1487 : vector<16xi1>, vector<16xi32>
      %add3A_1495 = arith.constant 16 : i32
      %add3A_1496 = arith.addi %multiple_of3A_1319, %add3A_1495 : i32
      %swap3A_1497 = arith.index_cast %add3A_1496 : i32 to index
      %swap3A_1498 = tpu.vector_load %arg6[%swap3A_1497] {strides = array<i32>} : memref<3328xi32, #tpu.memory_space<vmem>>, vector<16xi32>,
      %swap3A_1499 = vector.shape_cast %swap3A_1498 : vector<16xi32> to vector<16xi32>
      %swap3A_1500 = vector.shape_cast %select_n3A_1494 : vector<16xi32> to vector<16xi32>
      tpu.vector_store %arg6[%swap3A_1497], %swap3A_1500 {strides = array<i32>} : memref<3328xi32, #tpu.memory_space<vmem>>, vector<16xi32>,
      %add3A_1501 = arith.constant 32 : i32
      %add3A_1502 = arith.addi %multiple_of3A_1319, %add3A_1501 : i32
      %get3A_1503 = arith.index_cast %add3A_1502 : i32 to index
      %get3A_1504 = tpu.vector_load %arg5[%get3A_1503] {strides = array<i32>} : memref<3328xi32, #tpu.memory_space<vmem>>, vector<16xi32>,
      %get3A_1505 = vector.shape_cast %get3A_1504 : vector<16xi32> to vector<16xi32>
      %shift_right_logical3A_1506 = arith.constant 10 : i32
      %shift_right_logical3A_1507 = vector.broadcast %shift_right_logical3A_1506 : i32 to vector<16xi32>
      %shift_right_logical3A_1508 = arith.shrui %get3A_1505, %shift_right_logical3A_1507 : vector<16xi32>
      %and3A_1509 = arith.constant 1023 : i32
      %and3A_1510 = vector.broadcast %and3A_1509 : i32 to vector<16xi32>
      %and3A_1511 = arith.andi %get3A_1505, %and3A_1510 : vector<16xi32>
      %mul3A_1512 = arith.constant 219264 : i32
      %mul3A_1513 = vector.broadcast %mul3A_1512 : i32 to vector<16xi32>
      %mul3A_1514 = arith.muli %shift_right_logical3A_1508, %mul3A_1513 : vector<16xi32>
      %mul3A_1515 = arith.constant 435761 : i32
      %mul3A_1516 = vector.broadcast %mul3A_1515 : i32 to vector<16xi32>
      %mul3A_1517 = arith.muli %and3A_1511, %mul3A_1516 : vector<16xi32>
      %add3A_1518 = arith.addi %mul3A_1514, %mul3A_1517 : vector<16xi32>
      %ge3A_1519 = arith.constant 512000000 : i32
      %ge3A_1520 = vector.broadcast %ge3A_1519 : i32 to vector<16xi32>
      %ge3A_1521 = arith.cmpi sge, %add3A_1518, %ge3A_1520 : vector<16xi32>
      %sub3A_1522 = arith.constant 512000000 : i32
      %sub3A_1523 = vector.broadcast %sub3A_1522 : i32 to vector<16xi32>
      %sub3A_1524 = arith.subi %add3A_1518, %sub3A_1523 : vector<16xi32>
      %select_n3A_1525 = arith.select %ge3A_1521, %sub3A_1524, %add3A_1518 : vector<16xi1>, vector<16xi32>
      %ge3A_1526 = arith.constant 256000000 : i32
      %ge3A_1527 = vector.broadcast %ge3A_1526 : i32 to vector<16xi32>
      %ge3A_1528 = arith.cmpi sge, %select_n3A_1525, %ge3A_1527 : vector<16xi32>
      %sub3A_1529 = arith.constant 256000000 : i32
      %sub3A_1530 = vector.broadcast %sub3A_1529 : i32 to vector<16xi32>
      %sub3A_1531 = arith.subi %select_n3A_1525, %sub3A_1530 : vector<16xi32>
      %select_n3A_1532 = arith.select %ge3A_1528, %sub3A_1531, %select_n3A_1525 : vector<16xi1>, vector<16xi32>
      %ge3A_1533 = arith.constant 128000000 : i32
      %ge3A_1534 = vector.broadcast %ge3A_1533 : i32 to vector<16xi32>
      %ge3A_1535 = arith.cmpi sge, %select_n3A_1532, %ge3A_1534 : vector<16xi32>
      %sub3A_1536 = arith.constant 128000000 : i32
      %sub3A_1537 = vector.broadcast %sub3A_1536 : i32 to vector<16xi32>
      %sub3A_1538 = arith.subi %select_n3A_1532, %sub3A_1537 : vector<16xi32>
      %select_n3A_1539 = arith.select %ge3A_1535, %sub3A_1538, %select_n3A_1532 : vector<16xi1>, vector<16xi32>
      %ge3A_1540 = arith.constant 64000000 : i32
      %ge3A_1541 = vector.broadcast %ge3A_1540 : i32 to vector<16xi32>
      %ge3A_1542 = arith.cmpi sge, %select_n3A_1539, %ge3A_1541 : vector<16xi32>
      %sub3A_1543 = arith.constant 64000000 : i32
      %sub3A_1544 = vector.broadcast %sub3A_1543 : i32 to vector<16xi32>
      %sub3A_1545 = arith.subi %select_n3A_1539, %sub3A_1544 : vector<16xi32>
      %select_n3A_1546 = arith.select %ge3A_1542, %sub3A_1545, %select_n3A_1539 : vector<16xi1>, vector<16xi32>
      %ge3A_1547 = arith.constant 32000000 : i32
      %ge3A_1548 = vector.broadcast %ge3A_1547 : i32 to vector<16xi32>
      %ge3A_1549 = arith.cmpi sge, %select_n3A_1546, %ge3A_1548 : vector<16xi32>
      %sub3A_1550 = arith.constant 32000000 : i32
      %sub3A_1551 = vector.broadcast %sub3A_1550 : i32 to vector<16xi32>
      %sub3A_1552 = arith.subi %select_n3A_1546, %sub3A_1551 : vector<16xi32>
      %select_n3A_1553 = arith.select %ge3A_1549, %sub3A_1552, %select_n3A_1546 : vector<16xi1>, vector<16xi32>
      %ge3A_1554 = arith.constant 16000000 : i32
      %ge3A_1555 = vector.broadcast %ge3A_1554 : i32 to vector<16xi32>
      %ge3A_1556 = arith.cmpi sge, %select_n3A_1553, %ge3A_1555 : vector<16xi32>
      %sub3A_1557 = arith.constant 16000000 : i32
      %sub3A_1558 = vector.broadcast %sub3A_1557 : i32 to vector<16xi32>
      %sub3A_1559 = arith.subi %select_n3A_1553, %sub3A_1558 : vector<16xi32>
      %select_n3A_1560 = arith.select %ge3A_1556, %sub3A_1559, %select_n3A_1553 : vector<16xi1>, vector<16xi32>
      %ge3A_1561 = arith.constant 8000000 : i32
      %ge3A_1562 = vector.broadcast %ge3A_1561 : i32 to vector<16xi32>
      %ge3A_1563 = arith.cmpi sge, %select_n3A_1560, %ge3A_1562 : vector<16xi32>
      %sub3A_1564 = arith.constant 8000000 : i32
      %sub3A_1565 = vector.broadcast %sub3A_1564 : i32 to vector<16xi32>
      %sub3A_1566 = arith.subi %select_n3A_1560, %sub3A_1565 : vector<16xi32>
      %select_n3A_1567 = arith.select %ge3A_1563, %sub3A_1566, %select_n3A_1560 : vector<16xi1>, vector<16xi32>
      %ge3A_1568 = arith.constant 4000000 : i32
      %ge3A_1569 = vector.broadcast %ge3A_1568 : i32 to vector<16xi32>
      %ge3A_1570 = arith.cmpi sge, %select_n3A_1567, %ge3A_1569 : vector<16xi32>
      %sub3A_1571 = arith.constant 4000000 : i32
      %sub3A_1572 = vector.broadcast %sub3A_1571 : i32 to vector<16xi32>
      %sub3A_1573 = arith.subi %select_n3A_1567, %sub3A_1572 : vector<16xi32>
      %select_n3A_1574 = arith.select %ge3A_1570, %sub3A_1573, %select_n3A_1567 : vector<16xi1>, vector<16xi32>
      %ge3A_1575 = arith.constant 2000000 : i32
      %ge3A_1576 = vector.broadcast %ge3A_1575 : i32 to vector<16xi32>
      %ge3A_1577 = arith.cmpi sge, %select_n3A_1574, %ge3A_1576 : vector<16xi32>
      %sub3A_1578 = arith.constant 2000000 : i32
      %sub3A_1579 = vector.broadcast %sub3A_1578 : i32 to vector<16xi32>
      %sub3A_1580 = arith.subi %select_n3A_1574, %sub3A_1579 : vector<16xi32>
      %select_n3A_1581 = arith.select %ge3A_1577, %sub3A_1580, %select_n3A_1574 : vector<16xi1>, vector<16xi32>
      %ge3A_1582 = arith.constant 1000000 : i32
      %ge3A_1583 = vector.broadcast %ge3A_1582 : i32 to vector<16xi32>
      %ge3A_1584 = arith.cmpi sge, %select_n3A_1581, %ge3A_1583 : vector<16xi32>
      %sub3A_1585 = arith.constant 1000000 : i32
      %sub3A_1586 = vector.broadcast %sub3A_1585 : i32 to vector<16xi32>
      %sub3A_1587 = arith.subi %select_n3A_1581, %sub3A_1586 : vector<16xi32>
      %select_n3A_1588 = arith.select %ge3A_1584, %sub3A_1587, %select_n3A_1581 : vector<16xi1>, vector<16xi32>
      %add3A_1589 = arith.constant 32 : i32
      %add3A_1590 = arith.addi %multiple_of3A_1319, %add3A_1589 : i32
      %swap3A_1591 = arith.index_cast %add3A_1590 : i32 to index
      %swap3A_1592 = tpu.vector_load %arg6[%swap3A_1591] {strides = array<i32>} : memref<3328xi32, #tpu.memory_space<vmem>>, vector<16xi32>,
      %swap3A_1593 = vector.shape_cast %swap3A_1592 : vector<16xi32> to vector<16xi32>
      %swap3A_1594 = vector.shape_cast %select_n3A_1588 : vector<16xi32> to vector<16xi32>
      tpu.vector_store %arg6[%swap3A_1591], %swap3A_1594 {strides = array<i32>} : memref<3328xi32, #tpu.memory_space<vmem>>, vector<16xi32>,
      %add3A_1595 = arith.constant 48 : i32
      %add3A_1596 = arith.addi %multiple_of3A_1319, %add3A_1595 : i32
      %get3A_1597 = arith.index_cast %add3A_1596 : i32 to index
      %get3A_1598 = tpu.vector_load %arg5[%get3A_1597] {strides = array<i32>} : memref<3328xi32, #tpu.memory_space<vmem>>, vector<16xi32>,
      %get3A_1599 = vector.shape_cast %get3A_1598 : vector<16xi32> to vector<16xi32>
      %shift_right_logical3A_1600 = arith.constant 10 : i32
      %shift_right_logical3A_1601 = vector.broadcast %shift_right_logical3A_1600 : i32 to vector<16xi32>
      %shift_right_logical3A_1602 = arith.shrui %get3A_1599, %shift_right_logical3A_1601 : vector<16xi32>
      %and3A_1603 = arith.constant 1023 : i32
      %and3A_1604 = vector.broadcast %and3A_1603 : i32 to vector<16xi32>
      %and3A_1605 = arith.andi %get3A_1599, %and3A_1604 : vector<16xi32>
      %mul3A_1606 = arith.constant 219264 : i32
      %mul3A_1607 = vector.broadcast %mul3A_1606 : i32 to vector<16xi32>
      %mul3A_1608 = arith.muli %shift_right_logical3A_1602, %mul3A_1607 : vector<16xi32>
      %mul3A_1609 = arith.constant 435761 : i32
      %mul3A_1610 = vector.broadcast %mul3A_1609 : i32 to vector<16xi32>
      %mul3A_1611 = arith.muli %and3A_1605, %mul3A_1610 : vector<16xi32>
      %add3A_1612 = arith.addi %mul3A_1608, %mul3A_1611 : vector<16xi32>
      %ge3A_1613 = arith.constant 512000000 : i32
      %ge3A_1614 = vector.broadcast %ge3A_1613 : i32 to vector<16xi32>
      %ge3A_1615 = arith.cmpi sge, %add3A_1612, %ge3A_1614 : vector<16xi32>
      %sub3A_1616 = arith.constant 512000000 : i32
      %sub3A_1617 = vector.broadcast %sub3A_1616 : i32 to vector<16xi32>
      %sub3A_1618 = arith.subi %add3A_1612, %sub3A_1617 : vector<16xi32>
      %select_n3A_1619 = arith.select %ge3A_1615, %sub3A_1618, %add3A_1612 : vector<16xi1>, vector<16xi32>
      %ge3A_1620 = arith.constant 256000000 : i32
      %ge3A_1621 = vector.broadcast %ge3A_1620 : i32 to vector<16xi32>
      %ge3A_1622 = arith.cmpi sge, %select_n3A_1619, %ge3A_1621 : vector<16xi32>
      %sub3A_1623 = arith.constant 256000000 : i32
      %sub3A_1624 = vector.broadcast %sub3A_1623 : i32 to vector<16xi32>
      %sub3A_1625 = arith.subi %select_n3A_1619, %sub3A_1624 : vector<16xi32>
      %select_n3A_1626 = arith.select %ge3A_1622, %sub3A_1625, %select_n3A_1619 : vector<16xi1>, vector<16xi32>
      %ge3A_1627 = arith.constant 128000000 : i32
      %ge3A_1628 = vector.broadcast %ge3A_1627 : i32 to vector<16xi32>
      %ge3A_1629 = arith.cmpi sge, %select_n3A_1626, %ge3A_1628 : vector<16xi32>
      %sub3A_1630 = arith.constant 128000000 : i32
      %sub3A_1631 = vector.broadcast %sub3A_1630 : i32 to vector<16xi32>
      %sub3A_1632 = arith.subi %select_n3A_1626, %sub3A_1631 : vector<16xi32>
      %select_n3A_1633 = arith.select %ge3A_1629, %sub3A_1632, %select_n3A_1626 : vector<16xi1>, vector<16xi32>
      %ge3A_1634 = arith.constant 64000000 : i32
      %ge3A_1635 = vector.broadcast %ge3A_1634 : i32 to vector<16xi32>
      %ge3A_1636 = arith.cmpi sge, %select_n3A_1633, %ge3A_1635 : vector<16xi32>
      %sub3A_1637 = arith.constant 64000000 : i32
      %sub3A_1638 = vector.broadcast %sub3A_1637 : i32 to vector<16xi32>
      %sub3A_1639 = arith.subi %select_n3A_1633, %sub3A_1638 : vector<16xi32>
      %select_n3A_1640 = arith.select %ge3A_1636, %sub3A_1639, %select_n3A_1633 : vector<16xi1>, vector<16xi32>
      %ge3A_1641 = arith.constant 32000000 : i32
      %ge3A_1642 = vector.broadcast %ge3A_1641 : i32 to vector<16xi32>
      %ge3A_1643 = arith.cmpi sge, %select_n3A_1640, %ge3A_1642 : vector<16xi32>
      %sub3A_1644 = arith.constant 32000000 : i32
      %sub3A_1645 = vector.broadcast %sub3A_1644 : i32 to vector<16xi32>
      %sub3A_1646 = arith.subi %select_n3A_1640, %sub3A_1645 : vector<16xi32>
      %select_n3A_1647 = arith.select %ge3A_1643, %sub3A_1646, %select_n3A_1640 : vector<16xi1>, vector<16xi32>
      %ge3A_1648 = arith.constant 16000000 : i32
      %ge3A_1649 = vector.broadcast %ge3A_1648 : i32 to vector<16xi32>
      %ge3A_1650 = arith.cmpi sge, %select_n3A_1647, %ge3A_1649 : vector<16xi32>
      %sub3A_1651 = arith.constant 16000000 : i32
      %sub3A_1652 = vector.broadcast %sub3A_1651 : i32 to vector<16xi32>
      %sub3A_1653 = arith.subi %select_n3A_1647, %sub3A_1652 : vector<16xi32>
      %select_n3A_1654 = arith.select %ge3A_1650, %sub3A_1653, %select_n3A_1647 : vector<16xi1>, vector<16xi32>
      %ge3A_1655 = arith.constant 8000000 : i32
      %ge3A_1656 = vector.broadcast %ge3A_1655 : i32 to vector<16xi32>
      %ge3A_1657 = arith.cmpi sge, %select_n3A_1654, %ge3A_1656 : vector<16xi32>
      %sub3A_1658 = arith.constant 8000000 : i32
      %sub3A_1659 = vector.broadcast %sub3A_1658 : i32 to vector<16xi32>
      %sub3A_1660 = arith.subi %select_n3A_1654, %sub3A_1659 : vector<16xi32>
      %select_n3A_1661 = arith.select %ge3A_1657, %sub3A_1660, %select_n3A_1654 : vector<16xi1>, vector<16xi32>
      %ge3A_1662 = arith.constant 4000000 : i32
      %ge3A_1663 = vector.broadcast %ge3A_1662 : i32 to vector<16xi32>
      %ge3A_1664 = arith.cmpi sge, %select_n3A_1661, %ge3A_1663 : vector<16xi32>
      %sub3A_1665 = arith.constant 4000000 : i32
      %sub3A_1666 = vector.broadcast %sub3A_1665 : i32 to vector<16xi32>
      %sub3A_1667 = arith.subi %select_n3A_1661, %sub3A_1666 : vector<16xi32>
      %select_n3A_1668 = arith.select %ge3A_1664, %sub3A_1667, %select_n3A_1661 : vector<16xi1>, vector<16xi32>
      %ge3A_1669 = arith.constant 2000000 : i32
      %ge3A_1670 = vector.broadcast %ge3A_1669 : i32 to vector<16xi32>
      %ge3A_1671 = arith.cmpi sge, %select_n3A_1668, %ge3A_1670 : vector<16xi32>
      %sub3A_1672 = arith.constant 2000000 : i32
      %sub3A_1673 = vector.broadcast %sub3A_1672 : i32 to vector<16xi32>
      %sub3A_1674 = arith.subi %select_n3A_1668, %sub3A_1673 : vector<16xi32>
      %select_n3A_1675 = arith.select %ge3A_1671, %sub3A_1674, %select_n3A_1668 : vector<16xi1>, vector<16xi32>
      %ge3A_1676 = arith.constant 1000000 : i32
      %ge3A_1677 = vector.broadcast %ge3A_1676 : i32 to vector<16xi32>
      %ge3A_1678 = arith.cmpi sge, %select_n3A_1675, %ge3A_1677 : vector<16xi32>
      %sub3A_1679 = arith.constant 1000000 : i32
      %sub3A_1680 = vector.broadcast %sub3A_1679 : i32 to vector<16xi32>
      %sub3A_1681 = arith.subi %select_n3A_1675, %sub3A_1680 : vector<16xi32>
      %select_n3A_1682 = arith.select %ge3A_1678, %sub3A_1681, %select_n3A_1675 : vector<16xi1>, vector<16xi32>
      %add3A_1683 = arith.constant 48 : i32
      %add3A_1684 = arith.addi %multiple_of3A_1319, %add3A_1683 : i32
      %swap3A_1685 = arith.index_cast %add3A_1684 : i32 to index
      %swap3A_1686 = tpu.vector_load %arg6[%swap3A_1685] {strides = array<i32>} : memref<3328xi32, #tpu.memory_space<vmem>>, vector<16xi32>,
      %swap3A_1687 = vector.shape_cast %swap3A_1686 : vector<16xi32> to vector<16xi32>
      %swap3A_1688 = vector.shape_cast %select_n3A_1682 : vector<16xi32> to vector<16xi32>
      tpu.vector_store %arg6[%swap3A_1685], %swap3A_1688 {strides = array<i32>} : memref<3328xi32, #tpu.memory_space<vmem>>, vector<16xi32>,
      %add3A_1689 = arith.constant 64 : i32
      %add3A_1690 = arith.addi %multiple_of3A_1319, %add3A_1689 : i32
      %get3A_1691 = arith.index_cast %add3A_1690 : i32 to index
      %get3A_1692 = tpu.vector_load %arg5[%get3A_1691] {strides = array<i32>} : memref<3328xi32, #tpu.memory_space<vmem>>, vector<16xi32>,
      %get3A_1693 = vector.shape_cast %get3A_1692 : vector<16xi32> to vector<16xi32>
      %shift_right_logical3A_1694 = arith.constant 10 : i32
      %shift_right_logical3A_1695 = vector.broadcast %shift_right_logical3A_1694 : i32 to vector<16xi32>
      %shift_right_logical3A_1696 = arith.shrui %get3A_1693, %shift_right_logical3A_1695 : vector<16xi32>
      %and3A_1697 = arith.constant 1023 : i32
      %and3A_1698 = vector.broadcast %and3A_1697 : i32 to vector<16xi32>
      %and3A_1699 = arith.andi %get3A_1693, %and3A_1698 : vector<16xi32>
      %mul3A_1700 = arith.constant 219264 : i32
      %mul3A_1701 = vector.broadcast %mul3A_1700 : i32 to vector<16xi32>
      %mul3A_1702 = arith.muli %shift_right_logical3A_1696, %mul3A_1701 : vector<16xi32>
      %mul3A_1703 = arith.constant 435761 : i32
      %mul3A_1704 = vector.broadcast %mul3A_1703 : i32 to vector<16xi32>
      %mul3A_1705 = arith.muli %and3A_1699, %mul3A_1704 : vector<16xi32>
      %add3A_1706 = arith.addi %mul3A_1702, %mul3A_1705 : vector<16xi32>
      %ge3A_1707 = arith.constant 512000000 : i32
      %ge3A_1708 = vector.broadcast %ge3A_1707 : i32 to vector<16xi32>
      %ge3A_1709 = arith.cmpi sge, %add3A_1706, %ge3A_1708 : vector<16xi32>
      %sub3A_1710 = arith.constant 512000000 : i32
      %sub3A_1711 = vector.broadcast %sub3A_1710 : i32 to vector<16xi32>
      %sub3A_1712 = arith.subi %add3A_1706, %sub3A_1711 : vector<16xi32>
      %select_n3A_1713 = arith.select %ge3A_1709, %sub3A_1712, %add3A_1706 : vector<16xi1>, vector<16xi32>
      %ge3A_1714 = arith.constant 256000000 : i32
      %ge3A_1715 = vector.broadcast %ge3A_1714 : i32 to vector<16xi32>
      %ge3A_1716 = arith.cmpi sge, %select_n3A_1713, %ge3A_1715 : vector<16xi32>
      %sub3A_1717 = arith.constant 256000000 : i32
      %sub3A_1718 = vector.broadcast %sub3A_1717 : i32 to vector<16xi32>
      %sub3A_1719 = arith.subi %select_n3A_1713, %sub3A_1718 : vector<16xi32>
      %select_n3A_1720 = arith.select %ge3A_1716, %sub3A_1719, %select_n3A_1713 : vector<16xi1>, vector<16xi32>
      %ge3A_1721 = arith.constant 128000000 : i32
      %ge3A_1722 = vector.broadcast %ge3A_1721 : i32 to vector<16xi32>
      %ge3A_1723 = arith.cmpi sge, %select_n3A_1720, %ge3A_1722 : vector<16xi32>
      %sub3A_1724 = arith.constant 128000000 : i32
      %sub3A_1725 = vector.broadcast %sub3A_1724 : i32 to vector<16xi32>
      %sub3A_1726 = arith.subi %select_n3A_1720, %sub3A_1725 : vector<16xi32>
      %select_n3A_1727 = arith.select %ge3A_1723, %sub3A_1726, %select_n3A_1720 : vector<16xi1>, vector<16xi32>
      %ge3A_1728 = arith.constant 64000000 : i32
      %ge3A_1729 = vector.broadcast %ge3A_1728 : i32 to vector<16xi32>
      %ge3A_1730 = arith.cmpi sge, %select_n3A_1727, %ge3A_1729 : vector<16xi32>
      %sub3A_1731 = arith.constant 64000000 : i32
      %sub3A_1732 = vector.broadcast %sub3A_1731 : i32 to vector<16xi32>
      %sub3A_1733 = arith.subi %select_n3A_1727, %sub3A_1732 : vector<16xi32>
      %select_n3A_1734 = arith.select %ge3A_1730, %sub3A_1733, %select_n3A_1727 : vector<16xi1>, vector<16xi32>
      %ge3A_1735 = arith.constant 32000000 : i32
      %ge3A_1736 = vector.broadcast %ge3A_1735 : i32 to vector<16xi32>
      %ge3A_1737 = arith.cmpi sge, %select_n3A_1734, %ge3A_1736 : vector<16xi32>
      %sub3A_1738 = arith.constant 32000000 : i32
      %sub3A_1739 = vector.broadcast %sub3A_1738 : i32 to vector<16xi32>
      %sub3A_1740 = arith.subi %select_n3A_1734, %sub3A_1739 : vector<16xi32>
      %select_n3A_1741 = arith.select %ge3A_1737, %sub3A_1740, %select_n3A_1734 : vector<16xi1>, vector<16xi32>
      %ge3A_1742 = arith.constant 16000000 : i32
      %ge3A_1743 = vector.broadcast %ge3A_1742 : i32 to vector<16xi32>
      %ge3A_1744 = arith.cmpi sge, %select_n3A_1741, %ge3A_1743 : vector<16xi32>
      %sub3A_1745 = arith.constant 16000000 : i32
      %sub3A_1746 = vector.broadcast %sub3A_1745 : i32 to vector<16xi32>
      %sub3A_1747 = arith.subi %select_n3A_1741, %sub3A_1746 : vector<16xi32>
      %select_n3A_1748 = arith.select %ge3A_1744, %sub3A_1747, %select_n3A_1741 : vector<16xi1>, vector<16xi32>
      %ge3A_1749 = arith.constant 8000000 : i32
      %ge3A_1750 = vector.broadcast %ge3A_1749 : i32 to vector<16xi32>
      %ge3A_1751 = arith.cmpi sge, %select_n3A_1748, %ge3A_1750 : vector<16xi32>
      %sub3A_1752 = arith.constant 8000000 : i32
      %sub3A_1753 = vector.broadcast %sub3A_1752 : i32 to vector<16xi32>
      %sub3A_1754 = arith.subi %select_n3A_1748, %sub3A_1753 : vector<16xi32>
      %select_n3A_1755 = arith.select %ge3A_1751, %sub3A_1754, %select_n3A_1748 : vector<16xi1>, vector<16xi32>
      %ge3A_1756 = arith.constant 4000000 : i32
      %ge3A_1757 = vector.broadcast %ge3A_1756 : i32 to vector<16xi32>
      %ge3A_1758 = arith.cmpi sge, %select_n3A_1755, %ge3A_1757 : vector<16xi32>
      %sub3A_1759 = arith.constant 4000000 : i32
      %sub3A_1760 = vector.broadcast %sub3A_1759 : i32 to vector<16xi32>
      %sub3A_1761 = arith.subi %select_n3A_1755, %sub3A_1760 : vector<16xi32>
      %select_n3A_1762 = arith.select %ge3A_1758, %sub3A_1761, %select_n3A_1755 : vector<16xi1>, vector<16xi32>
      %ge3A_1763 = arith.constant 2000000 : i32
      %ge3A_1764 = vector.broadcast %ge3A_1763 : i32 to vector<16xi32>
      %ge3A_1765 = arith.cmpi sge, %select_n3A_1762, %ge3A_1764 : vector<16xi32>
      %sub3A_1766 = arith.constant 2000000 : i32
      %sub3A_1767 = vector.broadcast %sub3A_1766 : i32 to vector<16xi32>
      %sub3A_1768 = arith.subi %select_n3A_1762, %sub3A_1767 : vector<16xi32>
      %select_n3A_1769 = arith.select %ge3A_1765, %sub3A_1768, %select_n3A_1762 : vector<16xi1>, vector<16xi32>
      %ge3A_1770 = arith.constant 1000000 : i32
      %ge3A_1771 = vector.broadcast %ge3A_1770 : i32 to vector<16xi32>
      %ge3A_1772 = arith.cmpi sge, %select_n3A_1769, %ge3A_1771 : vector<16xi32>
      %sub3A_1773 = arith.constant 1000000 : i32
      %sub3A_1774 = vector.broadcast %sub3A_1773 : i32 to vector<16xi32>
      %sub3A_1775 = arith.subi %select_n3A_1769, %sub3A_1774 : vector<16xi32>
      %select_n3A_1776 = arith.select %ge3A_1772, %sub3A_1775, %select_n3A_1769 : vector<16xi1>, vector<16xi32>
      %add3A_1777 = arith.constant 64 : i32
      %add3A_1778 = arith.addi %multiple_of3A_1319, %add3A_1777 : i32
      %swap3A_1779 = arith.index_cast %add3A_1778 : i32 to index
      %swap3A_1780 = tpu.vector_load %arg6[%swap3A_1779] {strides = array<i32>} : memref<3328xi32, #tpu.memory_space<vmem>>, vector<16xi32>,
      %swap3A_1781 = vector.shape_cast %swap3A_1780 : vector<16xi32> to vector<16xi32>
      %swap3A_1782 = vector.shape_cast %select_n3A_1776 : vector<16xi32> to vector<16xi32>
      tpu.vector_store %arg6[%swap3A_1779], %swap3A_1782 {strides = array<i32>} : memref<3328xi32, #tpu.memory_space<vmem>>, vector<16xi32>,
      %add3A_1783 = arith.constant 80 : i32
      %add3A_1784 = arith.addi %multiple_of3A_1319, %add3A_1783 : i32
      %get3A_1785 = arith.index_cast %add3A_1784 : i32 to index
      %get3A_1786 = tpu.vector_load %arg5[%get3A_1785] {strides = array<i32>} : memref<3328xi32, #tpu.memory_space<vmem>>, vector<16xi32>,
      %get3A_1787 = vector.shape_cast %get3A_1786 : vector<16xi32> to vector<16xi32>
      %shift_right_logical3A_1788 = arith.constant 10 : i32
      %shift_right_logical3A_1789 = vector.broadcast %shift_right_logical3A_1788 : i32 to vector<16xi32>
      %shift_right_logical3A_1790 = arith.shrui %get3A_1787, %shift_right_logical3A_1789 : vector<16xi32>
      %and3A_1791 = arith.constant 1023 : i32
      %and3A_1792 = vector.broadcast %and3A_1791 : i32 to vector<16xi32>
      %and3A_1793 = arith.andi %get3A_1787, %and3A_1792 : vector<16xi32>
      %mul3A_1794 = arith.constant 219264 : i32
      %mul3A_1795 = vector.broadcast %mul3A_1794 : i32 to vector<16xi32>
      %mul3A_1796 = arith.muli %shift_right_logical3A_1790, %mul3A_1795 : vector<16xi32>
      %mul3A_1797 = arith.constant 435761 : i32
      %mul3A_1798 = vector.broadcast %mul3A_1797 : i32 to vector<16xi32>
      %mul3A_1799 = arith.muli %and3A_1793, %mul3A_1798 : vector<16xi32>
      %add3A_1800 = arith.addi %mul3A_1796, %mul3A_1799 : vector<16xi32>
      %ge3A_1801 = arith.constant 512000000 : i32
      %ge3A_1802 = vector.broadcast %ge3A_1801 : i32 to vector<16xi32>
      %ge3A_1803 = arith.cmpi sge, %add3A_1800, %ge3A_1802 : vector<16xi32>
      %sub3A_1804 = arith.constant 512000000 : i32
      %sub3A_1805 = vector.broadcast %sub3A_1804 : i32 to vector<16xi32>
      %sub3A_1806 = arith.subi %add3A_1800, %sub3A_1805 : vector<16xi32>
      %select_n3A_1807 = arith.select %ge3A_1803, %sub3A_1806, %add3A_1800 : vector<16xi1>, vector<16xi32>
      %ge3A_1808 = arith.constant 256000000 : i32
      %ge3A_1809 = vector.broadcast %ge3A_1808 : i32 to vector<16xi32>
      %ge3A_1810 = arith.cmpi sge, %select_n3A_1807, %ge3A_1809 : vector<16xi32>
      %sub3A_1811 = arith.constant 256000000 : i32
      %sub3A_1812 = vector.broadcast %sub3A_1811 : i32 to vector<16xi32>
      %sub3A_1813 = arith.subi %select_n3A_1807, %sub3A_1812 : vector<16xi32>
      %select_n3A_1814 = arith.select %ge3A_1810, %sub3A_1813, %select_n3A_1807 : vector<16xi1>, vector<16xi32>
      %ge3A_1815 = arith.constant 128000000 : i32
      %ge3A_1816 = vector.broadcast %ge3A_1815 : i32 to vector<16xi32>
      %ge3A_1817 = arith.cmpi sge, %select_n3A_1814, %ge3A_1816 : vector<16xi32>
      %sub3A_1818 = arith.constant 128000000 : i32
      %sub3A_1819 = vector.broadcast %sub3A_1818 : i32 to vector<16xi32>
      %sub3A_1820 = arith.subi %select_n3A_1814, %sub3A_1819 : vector<16xi32>
      %select_n3A_1821 = arith.select %ge3A_1817, %sub3A_1820, %select_n3A_1814 : vector<16xi1>, vector<16xi32>
      %ge3A_1822 = arith.constant 64000000 : i32
      %ge3A_1823 = vector.broadcast %ge3A_1822 : i32 to vector<16xi32>
      %ge3A_1824 = arith.cmpi sge, %select_n3A_1821, %ge3A_1823 : vector<16xi32>
      %sub3A_1825 = arith.constant 64000000 : i32
      %sub3A_1826 = vector.broadcast %sub3A_1825 : i32 to vector<16xi32>
      %sub3A_1827 = arith.subi %select_n3A_1821, %sub3A_1826 : vector<16xi32>
      %select_n3A_1828 = arith.select %ge3A_1824, %sub3A_1827, %select_n3A_1821 : vector<16xi1>, vector<16xi32>
      %ge3A_1829 = arith.constant 32000000 : i32
      %ge3A_1830 = vector.broadcast %ge3A_1829 : i32 to vector<16xi32>
      %ge3A_1831 = arith.cmpi sge, %select_n3A_1828, %ge3A_1830 : vector<16xi32>
      %sub3A_1832 = arith.constant 32000000 : i32
      %sub3A_1833 = vector.broadcast %sub3A_1832 : i32 to vector<16xi32>
      %sub3A_1834 = arith.subi %select_n3A_1828, %sub3A_1833 : vector<16xi32>
      %select_n3A_1835 = arith.select %ge3A_1831, %sub3A_1834, %select_n3A_1828 : vector<16xi1>, vector<16xi32>
      %ge3A_1836 = arith.constant 16000000 : i32
      %ge3A_1837 = vector.broadcast %ge3A_1836 : i32 to vector<16xi32>
      %ge3A_1838 = arith.cmpi sge, %select_n3A_1835, %ge3A_1837 : vector<16xi32>
      %sub3A_1839 = arith.constant 16000000 : i32
      %sub3A_1840 = vector.broadcast %sub3A_1839 : i32 to vector<16xi32>
      %sub3A_1841 = arith.subi %select_n3A_1835, %sub3A_1840 : vector<16xi32>
      %select_n3A_1842 = arith.select %ge3A_1838, %sub3A_1841, %select_n3A_1835 : vector<16xi1>, vector<16xi32>
      %ge3A_1843 = arith.constant 8000000 : i32
      %ge3A_1844 = vector.broadcast %ge3A_1843 : i32 to vector<16xi32>
      %ge3A_1845 = arith.cmpi sge, %select_n3A_1842, %ge3A_1844 : vector<16xi32>
      %sub3A_1846 = arith.constant 8000000 : i32
      %sub3A_1847 = vector.broadcast %sub3A_1846 : i32 to vector<16xi32>
      %sub3A_1848 = arith.subi %select_n3A_1842, %sub3A_1847 : vector<16xi32>
      %select_n3A_1849 = arith.select %ge3A_1845, %sub3A_1848, %select_n3A_1842 : vector<16xi1>, vector<16xi32>
      %ge3A_1850 = arith.constant 4000000 : i32
      %ge3A_1851 = vector.broadcast %ge3A_1850 : i32 to vector<16xi32>
      %ge3A_1852 = arith.cmpi sge, %select_n3A_1849, %ge3A_1851 : vector<16xi32>
      %sub3A_1853 = arith.constant 4000000 : i32
      %sub3A_1854 = vector.broadcast %sub3A_1853 : i32 to vector<16xi32>
      %sub3A_1855 = arith.subi %select_n3A_1849, %sub3A_1854 : vector<16xi32>
      %select_n3A_1856 = arith.select %ge3A_1852, %sub3A_1855, %select_n3A_1849 : vector<16xi1>, vector<16xi32>
      %ge3A_1857 = arith.constant 2000000 : i32
      %ge3A_1858 = vector.broadcast %ge3A_1857 : i32 to vector<16xi32>
      %ge3A_1859 = arith.cmpi sge, %select_n3A_1856, %ge3A_1858 : vector<16xi32>
      %sub3A_1860 = arith.constant 2000000 : i32
      %sub3A_1861 = vector.broadcast %sub3A_1860 : i32 to vector<16xi32>
      %sub3A_1862 = arith.subi %select_n3A_1856, %sub3A_1861 : vector<16xi32>
      %select_n3A_1863 = arith.select %ge3A_1859, %sub3A_1862, %select_n3A_1856 : vector<16xi1>, vector<16xi32>
      %ge3A_1864 = arith.constant 1000000 : i32
      %ge3A_1865 = vector.broadcast %ge3A_1864 : i32 to vector<16xi32>
      %ge3A_1866 = arith.cmpi sge, %select_n3A_1863, %ge3A_1865 : vector<16xi32>
      %sub3A_1867 = arith.constant 1000000 : i32
      %sub3A_1868 = vector.broadcast %sub3A_1867 : i32 to vector<16xi32>
      %sub3A_1869 = arith.subi %select_n3A_1863, %sub3A_1868 : vector<16xi32>
      %select_n3A_1870 = arith.select %ge3A_1866, %sub3A_1869, %select_n3A_1863 : vector<16xi1>, vector<16xi32>
      %add3A_1871 = arith.constant 80 : i32
      %add3A_1872 = arith.addi %multiple_of3A_1319, %add3A_1871 : i32
      %swap3A_1873 = arith.index_cast %add3A_1872 : i32 to index
      %swap3A_1874 = tpu.vector_load %arg6[%swap3A_1873] {strides = array<i32>} : memref<3328xi32, #tpu.memory_space<vmem>>, vector<16xi32>,
      %swap3A_1875 = vector.shape_cast %swap3A_1874 : vector<16xi32> to vector<16xi32>
      %swap3A_1876 = vector.shape_cast %select_n3A_1870 : vector<16xi32> to vector<16xi32>
      tpu.vector_store %arg6[%swap3A_1873], %swap3A_1876 {strides = array<i32>} : memref<3328xi32, #tpu.memory_space<vmem>>, vector<16xi32>,
      %add3A_1877 = arith.constant 96 : i32
      %add3A_1878 = arith.addi %multiple_of3A_1319, %add3A_1877 : i32
      %get3A_1879 = arith.index_cast %add3A_1878 : i32 to index
      %get3A_1880 = tpu.vector_load %arg5[%get3A_1879] {strides = array<i32>} : memref<3328xi32, #tpu.memory_space<vmem>>, vector<16xi32>,
      %get3A_1881 = vector.shape_cast %get3A_1880 : vector<16xi32> to vector<16xi32>
      %shift_right_logical3A_1882 = arith.constant 10 : i32
      %shift_right_logical3A_1883 = vector.broadcast %shift_right_logical3A_1882 : i32 to vector<16xi32>
      %shift_right_logical3A_1884 = arith.shrui %get3A_1881, %shift_right_logical3A_1883 : vector<16xi32>
      %and3A_1885 = arith.constant 1023 : i32
      %and3A_1886 = vector.broadcast %and3A_1885 : i32 to vector<16xi32>
      %and3A_1887 = arith.andi %get3A_1881, %and3A_1886 : vector<16xi32>
      %mul3A_1888 = arith.constant 219264 : i32
      %mul3A_1889 = vector.broadcast %mul3A_1888 : i32 to vector<16xi32>
      %mul3A_1890 = arith.muli %shift_right_logical3A_1884, %mul3A_1889 : vector<16xi32>
      %mul3A_1891 = arith.constant 435761 : i32
      %mul3A_1892 = vector.broadcast %mul3A_1891 : i32 to vector<16xi32>
      %mul3A_1893 = arith.muli %and3A_1887, %mul3A_1892 : vector<16xi32>
      %add3A_1894 = arith.addi %mul3A_1890, %mul3A_1893 : vector<16xi32>
      %ge3A_1895 = arith.constant 512000000 : i32
      %ge3A_1896 = vector.broadcast %ge3A_1895 : i32 to vector<16xi32>
      %ge3A_1897 = arith.cmpi sge, %add3A_1894, %ge3A_1896 : vector<16xi32>
      %sub3A_1898 = arith.constant 512000000 : i32
      %sub3A_1899 = vector.broadcast %sub3A_1898 : i32 to vector<16xi32>
      %sub3A_1900 = arith.subi %add3A_1894, %sub3A_1899 : vector<16xi32>
      %select_n3A_1901 = arith.select %ge3A_1897, %sub3A_1900, %add3A_1894 : vector<16xi1>, vector<16xi32>
      %ge3A_1902 = arith.constant 256000000 : i32
      %ge3A_1903 = vector.broadcast %ge3A_1902 : i32 to vector<16xi32>
      %ge3A_1904 = arith.cmpi sge, %select_n3A_1901, %ge3A_1903 : vector<16xi32>
      %sub3A_1905 = arith.constant 256000000 : i32
      %sub3A_1906 = vector.broadcast %sub3A_1905 : i32 to vector<16xi32>
      %sub3A_1907 = arith.subi %select_n3A_1901, %sub3A_1906 : vector<16xi32>
      %select_n3A_1908 = arith.select %ge3A_1904, %sub3A_1907, %select_n3A_1901 : vector<16xi1>, vector<16xi32>
      %ge3A_1909 = arith.constant 128000000 : i32
      %ge3A_1910 = vector.broadcast %ge3A_1909 : i32 to vector<16xi32>
      %ge3A_1911 = arith.cmpi sge, %select_n3A_1908, %ge3A_1910 : vector<16xi32>
      %sub3A_1912 = arith.constant 128000000 : i32
      %sub3A_1913 = vector.broadcast %sub3A_1912 : i32 to vector<16xi32>
      %sub3A_1914 = arith.subi %select_n3A_1908, %sub3A_1913 : vector<16xi32>
      %select_n3A_1915 = arith.select %ge3A_1911, %sub3A_1914, %select_n3A_1908 : vector<16xi1>, vector<16xi32>
      %ge3A_1916 = arith.constant 64000000 : i32
      %ge3A_1917 = vector.broadcast %ge3A_1916 : i32 to vector<16xi32>
      %ge3A_1918 = arith.cmpi sge, %select_n3A_1915, %ge3A_1917 : vector<16xi32>
      %sub3A_1919 = arith.constant 64000000 : i32
      %sub3A_1920 = vector.broadcast %sub3A_1919 : i32 to vector<16xi32>
      %sub3A_1921 = arith.subi %select_n3A_1915, %sub3A_1920 : vector<16xi32>
      %select_n3A_1922 = arith.select %ge3A_1918, %sub3A_1921, %select_n3A_1915 : vector<16xi1>, vector<16xi32>
      %ge3A_1923 = arith.constant 32000000 : i32
      %ge3A_1924 = vector.broadcast %ge3A_1923 : i32 to vector<16xi32>
      %ge3A_1925 = arith.cmpi sge, %select_n3A_1922, %ge3A_1924 : vector<16xi32>
      %sub3A_1926 = arith.constant 32000000 : i32
      %sub3A_1927 = vector.broadcast %sub3A_1926 : i32 to vector<16xi32>
      %sub3A_1928 = arith.subi %select_n3A_1922, %sub3A_1927 : vector<16xi32>
      %select_n3A_1929 = arith.select %ge3A_1925, %sub3A_1928, %select_n3A_1922 : vector<16xi1>, vector<16xi32>
      %ge3A_1930 = arith.constant 16000000 : i32
      %ge3A_1931 = vector.broadcast %ge3A_1930 : i32 to vector<16xi32>
      %ge3A_1932 = arith.cmpi sge, %select_n3A_1929, %ge3A_1931 : vector<16xi32>
      %sub3A_1933 = arith.constant 16000000 : i32
      %sub3A_1934 = vector.broadcast %sub3A_1933 : i32 to vector<16xi32>
      %sub3A_1935 = arith.subi %select_n3A_1929, %sub3A_1934 : vector<16xi32>
      %select_n3A_1936 = arith.select %ge3A_1932, %sub3A_1935, %select_n3A_1929 : vector<16xi1>, vector<16xi32>
      %ge3A_1937 = arith.constant 8000000 : i32
      %ge3A_1938 = vector.broadcast %ge3A_1937 : i32 to vector<16xi32>
      %ge3A_1939 = arith.cmpi sge, %select_n3A_1936, %ge3A_1938 : vector<16xi32>
      %sub3A_1940 = arith.constant 8000000 : i32
      %sub3A_1941 = vector.broadcast %sub3A_1940 : i32 to vector<16xi32>
      %sub3A_1942 = arith.subi %select_n3A_1936, %sub3A_1941 : vector<16xi32>
      %select_n3A_1943 = arith.select %ge3A_1939, %sub3A_1942, %select_n3A_1936 : vector<16xi1>, vector<16xi32>
      %ge3A_1944 = arith.constant 4000000 : i32
      %ge3A_1945 = vector.broadcast %ge3A_1944 : i32 to vector<16xi32>
      %ge3A_1946 = arith.cmpi sge, %select_n3A_1943, %ge3A_1945 : vector<16xi32>
      %sub3A_1947 = arith.constant 4000000 : i32
      %sub3A_1948 = vector.broadcast %sub3A_1947 : i32 to vector<16xi32>
      %sub3A_1949 = arith.subi %select_n3A_1943, %sub3A_1948 : vector<16xi32>
      %select_n3A_1950 = arith.select %ge3A_1946, %sub3A_1949, %select_n3A_1943 : vector<16xi1>, vector<16xi32>
      %ge3A_1951 = arith.constant 2000000 : i32
      %ge3A_1952 = vector.broadcast %ge3A_1951 : i32 to vector<16xi32>
      %ge3A_1953 = arith.cmpi sge, %select_n3A_1950, %ge3A_1952 : vector<16xi32>
      %sub3A_1954 = arith.constant 2000000 : i32
      %sub3A_1955 = vector.broadcast %sub3A_1954 : i32 to vector<16xi32>
      %sub3A_1956 = arith.subi %select_n3A_1950, %sub3A_1955 : vector<16xi32>
      %select_n3A_1957 = arith.select %ge3A_1953, %sub3A_1956, %select_n3A_1950 : vector<16xi1>, vector<16xi32>
      %ge3A_1958 = arith.constant 1000000 : i32
      %ge3A_1959 = vector.broadcast %ge3A_1958 : i32 to vector<16xi32>
      %ge3A_1960 = arith.cmpi sge, %select_n3A_1957, %ge3A_1959 : vector<16xi32>
      %sub3A_1961 = arith.constant 1000000 : i32
      %sub3A_1962 = vector.broadcast %sub3A_1961 : i32 to vector<16xi32>
      %sub3A_1963 = arith.subi %select_n3A_1957, %sub3A_1962 : vector<16xi32>
      %select_n3A_1964 = arith.select %ge3A_1960, %sub3A_1963, %select_n3A_1957 : vector<16xi1>, vector<16xi32>
      %add3A_1965 = arith.constant 96 : i32
      %add3A_1966 = arith.addi %multiple_of3A_1319, %add3A_1965 : i32
      %swap3A_1967 = arith.index_cast %add3A_1966 : i32 to index
      %swap3A_1968 = tpu.vector_load %arg6[%swap3A_1967] {strides = array<i32>} : memref<3328xi32, #tpu.memory_space<vmem>>, vector<16xi32>,
      %swap3A_1969 = vector.shape_cast %swap3A_1968 : vector<16xi32> to vector<16xi32>
      %swap3A_1970 = vector.shape_cast %select_n3A_1964 : vector<16xi32> to vector<16xi32>
      tpu.vector_store %arg6[%swap3A_1967], %swap3A_1970 {strides = array<i32>} : memref<3328xi32, #tpu.memory_space<vmem>>, vector<16xi32>,
      %add3A_1971 = arith.constant 112 : i32
      %add3A_1972 = arith.addi %multiple_of3A_1319, %add3A_1971 : i32
      %get3A_1973 = arith.index_cast %add3A_1972 : i32 to index
      %get3A_1974 = tpu.vector_load %arg5[%get3A_1973] {strides = array<i32>} : memref<3328xi32, #tpu.memory_space<vmem>>, vector<16xi32>,
      %get3A_1975 = vector.shape_cast %get3A_1974 : vector<16xi32> to vector<16xi32>
      %shift_right_logical3A_1976 = arith.constant 10 : i32
      %shift_right_logical3A_1977 = vector.broadcast %shift_right_logical3A_1976 : i32 to vector<16xi32>
      %shift_right_logical3A_1978 = arith.shrui %get3A_1975, %shift_right_logical3A_1977 : vector<16xi32>
      %and3A_1979 = arith.constant 1023 : i32
      %and3A_1980 = vector.broadcast %and3A_1979 : i32 to vector<16xi32>
      %and3A_1981 = arith.andi %get3A_1975, %and3A_1980 : vector<16xi32>
      %mul3A_1982 = arith.constant 219264 : i32
      %mul3A_1983 = vector.broadcast %mul3A_1982 : i32 to vector<16xi32>
      %mul3A_1984 = arith.muli %shift_right_logical3A_1978, %mul3A_1983 : vector<16xi32>
      %mul3A_1985 = arith.constant 435761 : i32
      %mul3A_1986 = vector.broadcast %mul3A_1985 : i32 to vector<16xi32>
      %mul3A_1987 = arith.muli %and3A_1981, %mul3A_1986 : vector<16xi32>
      %add3A_1988 = arith.addi %mul3A_1984, %mul3A_1987 : vector<16xi32>
      %ge3A_1989 = arith.constant 512000000 : i32
      %ge3A_1990 = vector.broadcast %ge3A_1989 : i32 to vector<16xi32>
      %ge3A_1991 = arith.cmpi sge, %add3A_1988, %ge3A_1990 : vector<16xi32>
      %sub3A_1992 = arith.constant 512000000 : i32
      %sub3A_1993 = vector.broadcast %sub3A_1992 : i32 to vector<16xi32>
      %sub3A_1994 = arith.subi %add3A_1988, %sub3A_1993 : vector<16xi32>
      %select_n3A_1995 = arith.select %ge3A_1991, %sub3A_1994, %add3A_1988 : vector<16xi1>, vector<16xi32>
      %ge3A_1996 = arith.constant 256000000 : i32
      %ge3A_1997 = vector.broadcast %ge3A_1996 : i32 to vector<16xi32>
      %ge3A_1998 = arith.cmpi sge, %select_n3A_1995, %ge3A_1997 : vector<16xi32>
      %sub3A_1999 = arith.constant 256000000 : i32
      %sub3A_2000 = vector.broadcast %sub3A_1999 : i32 to vector<16xi32>
      %sub3A_2001 = arith.subi %select_n3A_1995, %sub3A_2000 : vector<16xi32>
      %select_n3A_2002 = arith.select %ge3A_1998, %sub3A_2001, %select_n3A_1995 : vector<16xi1>, vector<16xi32>
      %ge3A_2003 = arith.constant 128000000 : i32
      %ge3A_2004 = vector.broadcast %ge3A_2003 : i32 to vector<16xi32>
      %ge3A_2005 = arith.cmpi sge, %select_n3A_2002, %ge3A_2004 : vector<16xi32>
      %sub3A_2006 = arith.constant 128000000 : i32
      %sub3A_2007 = vector.broadcast %sub3A_2006 : i32 to vector<16xi32>
      %sub3A_2008 = arith.subi %select_n3A_2002, %sub3A_2007 : vector<16xi32>
      %select_n3A_2009 = arith.select %ge3A_2005, %sub3A_2008, %select_n3A_2002 : vector<16xi1>, vector<16xi32>
      %ge3A_2010 = arith.constant 64000000 : i32
      %ge3A_2011 = vector.broadcast %ge3A_2010 : i32 to vector<16xi32>
      %ge3A_2012 = arith.cmpi sge, %select_n3A_2009, %ge3A_2011 : vector<16xi32>
      %sub3A_2013 = arith.constant 64000000 : i32
      %sub3A_2014 = vector.broadcast %sub3A_2013 : i32 to vector<16xi32>
      %sub3A_2015 = arith.subi %select_n3A_2009, %sub3A_2014 : vector<16xi32>
      %select_n3A_2016 = arith.select %ge3A_2012, %sub3A_2015, %select_n3A_2009 : vector<16xi1>, vector<16xi32>
      %ge3A_2017 = arith.constant 32000000 : i32
      %ge3A_2018 = vector.broadcast %ge3A_2017 : i32 to vector<16xi32>
      %ge3A_2019 = arith.cmpi sge, %select_n3A_2016, %ge3A_2018 : vector<16xi32>
      %sub3A_2020 = arith.constant 32000000 : i32
      %sub3A_2021 = vector.broadcast %sub3A_2020 : i32 to vector<16xi32>
      %sub3A_2022 = arith.subi %select_n3A_2016, %sub3A_2021 : vector<16xi32>
      %select_n3A_2023 = arith.select %ge3A_2019, %sub3A_2022, %select_n3A_2016 : vector<16xi1>, vector<16xi32>
      %ge3A_2024 = arith.constant 16000000 : i32
      %ge3A_2025 = vector.broadcast %ge3A_2024 : i32 to vector<16xi32>
      %ge3A_2026 = arith.cmpi sge, %select_n3A_2023, %ge3A_2025 : vector<16xi32>
      %sub3A_2027 = arith.constant 16000000 : i32
      %sub3A_2028 = vector.broadcast %sub3A_2027 : i32 to vector<16xi32>
      %sub3A_2029 = arith.subi %select_n3A_2023, %sub3A_2028 : vector<16xi32>
      %select_n3A_2030 = arith.select %ge3A_2026, %sub3A_2029, %select_n3A_2023 : vector<16xi1>, vector<16xi32>
      %ge3A_2031 = arith.constant 8000000 : i32
      %ge3A_2032 = vector.broadcast %ge3A_2031 : i32 to vector<16xi32>
      %ge3A_2033 = arith.cmpi sge, %select_n3A_2030, %ge3A_2032 : vector<16xi32>
      %sub3A_2034 = arith.constant 8000000 : i32
      %sub3A_2035 = vector.broadcast %sub3A_2034 : i32 to vector<16xi32>
      %sub3A_2036 = arith.subi %select_n3A_2030, %sub3A_2035 : vector<16xi32>
      %select_n3A_2037 = arith.select %ge3A_2033, %sub3A_2036, %select_n3A_2030 : vector<16xi1>, vector<16xi32>
      %ge3A_2038 = arith.constant 4000000 : i32
      %ge3A_2039 = vector.broadcast %ge3A_2038 : i32 to vector<16xi32>
      %ge3A_2040 = arith.cmpi sge, %select_n3A_2037, %ge3A_2039 : vector<16xi32>
      %sub3A_2041 = arith.constant 4000000 : i32
      %sub3A_2042 = vector.broadcast %sub3A_2041 : i32 to vector<16xi32>
      %sub3A_2043 = arith.subi %select_n3A_2037, %sub3A_2042 : vector<16xi32>
      %select_n3A_2044 = arith.select %ge3A_2040, %sub3A_2043, %select_n3A_2037 : vector<16xi1>, vector<16xi32>
      %ge3A_2045 = arith.constant 2000000 : i32
      %ge3A_2046 = vector.broadcast %ge3A_2045 : i32 to vector<16xi32>
      %ge3A_2047 = arith.cmpi sge, %select_n3A_2044, %ge3A_2046 : vector<16xi32>
      %sub3A_2048 = arith.constant 2000000 : i32
      %sub3A_2049 = vector.broadcast %sub3A_2048 : i32 to vector<16xi32>
      %sub3A_2050 = arith.subi %select_n3A_2044, %sub3A_2049 : vector<16xi32>
      %select_n3A_2051 = arith.select %ge3A_2047, %sub3A_2050, %select_n3A_2044 : vector<16xi1>, vector<16xi32>
      %ge3A_2052 = arith.constant 1000000 : i32
      %ge3A_2053 = vector.broadcast %ge3A_2052 : i32 to vector<16xi32>
      %ge3A_2054 = arith.cmpi sge, %select_n3A_2051, %ge3A_2053 : vector<16xi32>
      %sub3A_2055 = arith.constant 1000000 : i32
      %sub3A_2056 = vector.broadcast %sub3A_2055 : i32 to vector<16xi32>
      %sub3A_2057 = arith.subi %select_n3A_2051, %sub3A_2056 : vector<16xi32>
      %select_n3A_2058 = arith.select %ge3A_2054, %sub3A_2057, %select_n3A_2051 : vector<16xi1>, vector<16xi32>
      %add3A_2059 = arith.constant 112 : i32
      %add3A_2060 = arith.addi %multiple_of3A_1319, %add3A_2059 : i32
      %swap3A_2061 = arith.index_cast %add3A_2060 : i32 to index
      %swap3A_2062 = tpu.vector_load %arg6[%swap3A_2061] {strides = array<i32>} : memref<3328xi32, #tpu.memory_space<vmem>>, vector<16xi32>,
      %swap3A_2063 = vector.shape_cast %swap3A_2062 : vector<16xi32> to vector<16xi32>
      %swap3A_2064 = vector.shape_cast %select_n3A_2058 : vector<16xi32> to vector<16xi32>
      tpu.vector_store %arg6[%swap3A_2061], %swap3A_2064 {strides = array<i32>} : memref<3328xi32, #tpu.memory_space<vmem>>, vector<16xi32>,
    }
    %scan3A_8 = arith.constant 4 : i32
    %dma_start3A_9 = arith.constant 0 : i32
    %dma_start3A_10 = arith.constant 0 : i32
    %dma_start3A_11 = arith.constant 0 : i32
    %dma_start3A_12 = tpu.memref_slice %arg7[%dma_start3A_9, %dma_start3A_10, %dma_start3A_11] : memref<6x128x128xf32, #tpu.memory_space<vmem>> -> memref<1x128x128xf32, #tpu.memory_space<vmem>>
    %dma_start3A_13 = tpu.memref_squeeze %dma_start3A_12 : memref<1x128x128xf32, #tpu.memory_space<vmem>> -> memref<128x128xf32, #tpu.memory_space<vmem>>
    %dma_start3A_14 = arith.constant 0 : i32
    %dma_start3A_15 = tpu.memref_slice %arg6[%dma_start3A_14] : memref<3328xi32, #tpu.memory_space<vmem>> -> memref<128xi32, #tpu.memory_space<vmem>>
    %dma_start3A_16 = arith.constant 0 : i32
    %dma_start3A_17 = arith.constant 0 : i32
    %dma_start3A_18 = tpu.memref_slice %arg3[%dma_start3A_16, %dma_start3A_17] : memref<1000000x128xf32, #tpu.memory_space<hbm>> -> memref<1000000x128xf32, #tpu.memory_space<hbm>>
    tpu.enqueue_indirect_dma source(%dma_start3A_18 : memref<1000000x128xf32, #tpu.memory_space<hbm>>) target(%dma_start3A_13 : memref<128x128xf32, #tpu.memory_space<vmem>>) offsets(%dma_start3A_15 : memref<128xi32, #tpu.memory_space<vmem>>) semaphore(%arg9 : memref<!tpu.dma_semaphore, #tpu.memory_space<semaphore_mem>>)
    %dma_start3A_19 = arith.constant 1 : i32
    %dma_start3A_20 = arith.constant 0 : i32
    %dma_start3A_21 = arith.constant 0 : i32
    %dma_start3A_22 = tpu.memref_slice %arg7[%dma_start3A_19, %dma_start3A_20, %dma_start3A_21] : memref<6x128x128xf32, #tpu.memory_space<vmem>> -> memref<1x128x128xf32, #tpu.memory_space<vmem>>
    %dma_start3A_23 = tpu.memref_squeeze %dma_start3A_22 : memref<1x128x128xf32, #tpu.memory_space<vmem>> -> memref<128x128xf32, #tpu.memory_space<vmem>>
    %dma_start3A_24 = arith.constant 128 : i32
    %dma_start3A_25 = tpu.memref_slice %arg6[%dma_start3A_24] : memref<3328xi32, #tpu.memory_space<vmem>> -> memref<128xi32, #tpu.memory_space<vmem>>
    %dma_start3A_26 = arith.constant 0 : i32
    %dma_start3A_27 = arith.constant 0 : i32
    %dma_start3A_28 = tpu.memref_slice %arg3[%dma_start3A_26, %dma_start3A_27] : memref<1000000x128xf32, #tpu.memory_space<hbm>> -> memref<1000000x128xf32, #tpu.memory_space<hbm>>
    tpu.enqueue_indirect_dma source(%dma_start3A_28 : memref<1000000x128xf32, #tpu.memory_space<hbm>>) target(%dma_start3A_23 : memref<128x128xf32, #tpu.memory_space<vmem>>) offsets(%dma_start3A_25 : memref<128xi32, #tpu.memory_space<vmem>>) semaphore(%arg10 : memref<!tpu.dma_semaphore, #tpu.memory_space<semaphore_mem>>)
    %dma_start3A_29 = arith.constant 2 : i32
    %dma_start3A_30 = arith.constant 0 : i32
    %dma_start3A_31 = arith.constant 0 : i32
    %dma_start3A_32 = tpu.memref_slice %arg7[%dma_start3A_29, %dma_start3A_30, %dma_start3A_31] : memref<6x128x128xf32, #tpu.memory_space<vmem>> -> memref<1x128x128xf32, #tpu.memory_space<vmem>>
    %dma_start3A_33 = tpu.memref_squeeze %dma_start3A_32 : memref<1x128x128xf32, #tpu.memory_space<vmem>> -> memref<128x128xf32, #tpu.memory_space<vmem>>
    %dma_start3A_34 = arith.constant 256 : i32
    %dma_start3A_35 = tpu.memref_slice %arg6[%dma_start3A_34] : memref<3328xi32, #tpu.memory_space<vmem>> -> memref<128xi32, #tpu.memory_space<vmem>>
    %dma_start3A_36 = arith.constant 0 : i32
    %dma_start3A_37 = arith.constant 0 : i32
    %dma_start3A_38 = tpu.memref_slice %arg3[%dma_start3A_36, %dma_start3A_37] : memref<1000000x128xf32, #tpu.memory_space<hbm>> -> memref<1000000x128xf32, #tpu.memory_space<hbm>>
    tpu.enqueue_indirect_dma source(%dma_start3A_38 : memref<1000000x128xf32, #tpu.memory_space<hbm>>) target(%dma_start3A_33 : memref<128x128xf32, #tpu.memory_space<vmem>>) offsets(%dma_start3A_35 : memref<128xi32, #tpu.memory_space<vmem>>) semaphore(%arg11 : memref<!tpu.dma_semaphore, #tpu.memory_space<semaphore_mem>>)
    %dma_start3A_39 = arith.constant 3 : i32
    %dma_start3A_40 = arith.constant 0 : i32
    %dma_start3A_41 = arith.constant 0 : i32
    %dma_start3A_42 = tpu.memref_slice %arg7[%dma_start3A_39, %dma_start3A_40, %dma_start3A_41] : memref<6x128x128xf32, #tpu.memory_space<vmem>> -> memref<1x128x128xf32, #tpu.memory_space<vmem>>
    %dma_start3A_43 = tpu.memref_squeeze %dma_start3A_42 : memref<1x128x128xf32, #tpu.memory_space<vmem>> -> memref<128x128xf32, #tpu.memory_space<vmem>>
    %dma_start3A_44 = arith.constant 384 : i32
    %dma_start3A_45 = tpu.memref_slice %arg6[%dma_start3A_44] : memref<3328xi32, #tpu.memory_space<vmem>> -> memref<128xi32, #tpu.memory_space<vmem>>
    %dma_start3A_46 = arith.constant 0 : i32
    %dma_start3A_47 = arith.constant 0 : i32
    %dma_start3A_48 = tpu.memref_slice %arg3[%dma_start3A_46, %dma_start3A_47] : memref<1000000x128xf32, #tpu.memory_space<hbm>> -> memref<1000000x128xf32, #tpu.memory_space<hbm>>
    tpu.enqueue_indirect_dma source(%dma_start3A_48 : memref<1000000x128xf32, #tpu.memory_space<hbm>>) target(%dma_start3A_43 : memref<128x128xf32, #tpu.memory_space<vmem>>) offsets(%dma_start3A_45 : memref<128xi32, #tpu.memory_space<vmem>>) semaphore(%arg12 : memref<!tpu.dma_semaphore, #tpu.memory_space<semaphore_mem>>)
    %scan3A_49 = arith.constant 0 : i32
    %scan3A_50 = arith.constant 22 : i32
    %scan3A_51 = arith.addi %scan3A_49, %scan3A_50 : i32
    %scan3A_52 = arith.constant 1 : i32
    scf.for %scan3A_1314 = %scan3A_49 to %scan3A_51 step %scan3A_52  : i32 {
      %mul3A_1315 = arith.constant 128 : i32
      %mul3A_1316 = arith.muli %scan3A_1314, %mul3A_1315 : i32
      %add3A_1317 = arith.constant 512 : i32
      %add3A_1318 = arith.addi %add3A_1317, %mul3A_1316 : i32
      %multiple_of3A_1319 = tpu.assume_multiple %add3A_1318, 128 : i32
      %add3A_1320 = arith.constant 0 : i32
      %add3A_1321 = arith.addi %multiple_of3A_1319, %add3A_1320 : i32
      %get3A = arith.index_cast %add3A_1321 : i32 to index
      %get3A_1322 = tpu.vector_load %arg5[%get3A] {strides = array<i32>} : memref<3328xi32, #tpu.memory_space<vmem>>, vector<16xi32>,
      %get3A_1323 = vector.shape_cast %get3A_1322 : vector<16xi32> to vector<16xi32>
      %shift_right_logical3A = arith.constant 10 : i32
      %shift_right_logical3A_1324 = vector.broadcast %shift_right_logical3A : i32 to vector<16xi32>
      %shift_right_logical3A_1325 = arith.shrui %get3A_1323, %shift_right_logical3A_1324 : vector<16xi32>
      %and3A = arith.constant 1023 : i32
      %and3A_1326 = vector.broadcast %and3A : i32 to vector<16xi32>
      %and3A_1327 = arith.andi %get3A_1323, %and3A_1326 : vector<16xi32>
      %mul3A_1328 = arith.constant 219264 : i32
      %mul3A_1329 = vector.broadcast %mul3A_1328 : i32 to vector<16xi32>
      %mul3A_1330 = arith.muli %shift_right_logical3A_1325, %mul3A_1329 : vector<16xi32>
      %mul3A_1331 = arith.constant 435761 : i32
      %mul3A_1332 = vector.broadcast %mul3A_1331 : i32 to vector<16xi32>
      %mul3A_1333 = arith.muli %and3A_1327, %mul3A_1332 : vector<16xi32>
      %add3A_1334 = arith.addi %mul3A_1330, %mul3A_1333 : vector<16xi32>
      %ge3A = arith.constant 512000000 : i32
      %ge3A_1335 = vector.broadcast %ge3A : i32 to vector<16xi32>
      %ge3A_1336 = arith.cmpi sge, %add3A_1334, %ge3A_1335 : vector<16xi32>
      %sub3A = arith.constant 512000000 : i32
      %sub3A_1337 = vector.broadcast %sub3A : i32 to vector<16xi32>
      %sub3A_1338 = arith.subi %add3A_1334, %sub3A_1337 : vector<16xi32>
      %select_n3A = arith.select %ge3A_1336, %sub3A_1338, %add3A_1334 : vector<16xi1>, vector<16xi32>
      %ge3A_1339 = arith.constant 256000000 : i32
      %ge3A_1340 = vector.broadcast %ge3A_1339 : i32 to vector<16xi32>
      %ge3A_1341 = arith.cmpi sge, %select_n3A, %ge3A_1340 : vector<16xi32>
      %sub3A_1342 = arith.constant 256000000 : i32
      %sub3A_1343 = vector.broadcast %sub3A_1342 : i32 to vector<16xi32>
      %sub3A_1344 = arith.subi %select_n3A, %sub3A_1343 : vector<16xi32>
      %select_n3A_1345 = arith.select %ge3A_1341, %sub3A_1344, %select_n3A : vector<16xi1>, vector<16xi32>
      %ge3A_1346 = arith.constant 128000000 : i32
      %ge3A_1347 = vector.broadcast %ge3A_1346 : i32 to vector<16xi32>
      %ge3A_1348 = arith.cmpi sge, %select_n3A_1345, %ge3A_1347 : vector<16xi32>
      %sub3A_1349 = arith.constant 128000000 : i32
      %sub3A_1350 = vector.broadcast %sub3A_1349 : i32 to vector<16xi32>
      %sub3A_1351 = arith.subi %select_n3A_1345, %sub3A_1350 : vector<16xi32>
      %select_n3A_1352 = arith.select %ge3A_1348, %sub3A_1351, %select_n3A_1345 : vector<16xi1>, vector<16xi32>
      %ge3A_1353 = arith.constant 64000000 : i32
      %ge3A_1354 = vector.broadcast %ge3A_1353 : i32 to vector<16xi32>
      %ge3A_1355 = arith.cmpi sge, %select_n3A_1352, %ge3A_1354 : vector<16xi32>
      %sub3A_1356 = arith.constant 64000000 : i32
      %sub3A_1357 = vector.broadcast %sub3A_1356 : i32 to vector<16xi32>
      %sub3A_1358 = arith.subi %select_n3A_1352, %sub3A_1357 : vector<16xi32>
      %select_n3A_1359 = arith.select %ge3A_1355, %sub3A_1358, %select_n3A_1352 : vector<16xi1>, vector<16xi32>
      %ge3A_1360 = arith.constant 32000000 : i32
      %ge3A_1361 = vector.broadcast %ge3A_1360 : i32 to vector<16xi32>
      %ge3A_1362 = arith.cmpi sge, %select_n3A_1359, %ge3A_1361 : vector<16xi32>
      %sub3A_1363 = arith.constant 32000000 : i32
      %sub3A_1364 = vector.broadcast %sub3A_1363 : i32 to vector<16xi32>
      %sub3A_1365 = arith.subi %select_n3A_1359, %sub3A_1364 : vector<16xi32>
      %select_n3A_1366 = arith.select %ge3A_1362, %sub3A_1365, %select_n3A_1359 : vector<16xi1>, vector<16xi32>
      %ge3A_1367 = arith.constant 16000000 : i32
      %ge3A_1368 = vector.broadcast %ge3A_1367 : i32 to vector<16xi32>
      %ge3A_1369 = arith.cmpi sge, %select_n3A_1366, %ge3A_1368 : vector<16xi32>
      %sub3A_1370 = arith.constant 16000000 : i32
      %sub3A_1371 = vector.broadcast %sub3A_1370 : i32 to vector<16xi32>
      %sub3A_1372 = arith.subi %select_n3A_1366, %sub3A_1371 : vector<16xi32>
      %select_n3A_1373 = arith.select %ge3A_1369, %sub3A_1372, %select_n3A_1366 : vector<16xi1>, vector<16xi32>
      %ge3A_1374 = arith.constant 8000000 : i32
      %ge3A_1375 = vector.broadcast %ge3A_1374 : i32 to vector<16xi32>
      %ge3A_1376 = arith.cmpi sge, %select_n3A_1373, %ge3A_1375 : vector<16xi32>
      %sub3A_1377 = arith.constant 8000000 : i32
      %sub3A_1378 = vector.broadcast %sub3A_1377 : i32 to vector<16xi32>
      %sub3A_1379 = arith.subi %select_n3A_1373, %sub3A_1378 : vector<16xi32>
      %select_n3A_1380 = arith.select %ge3A_1376, %sub3A_1379, %select_n3A_1373 : vector<16xi1>, vector<16xi32>
      %ge3A_1381 = arith.constant 4000000 : i32
      %ge3A_1382 = vector.broadcast %ge3A_1381 : i32 to vector<16xi32>
      %ge3A_1383 = arith.cmpi sge, %select_n3A_1380, %ge3A_1382 : vector<16xi32>
      %sub3A_1384 = arith.constant 4000000 : i32
      %sub3A_1385 = vector.broadcast %sub3A_1384 : i32 to vector<16xi32>
      %sub3A_1386 = arith.subi %select_n3A_1380, %sub3A_1385 : vector<16xi32>
      %select_n3A_1387 = arith.select %ge3A_1383, %sub3A_1386, %select_n3A_1380 : vector<16xi1>, vector<16xi32>
      %ge3A_1388 = arith.constant 2000000 : i32
      %ge3A_1389 = vector.broadcast %ge3A_1388 : i32 to vector<16xi32>
      %ge3A_1390 = arith.cmpi sge, %select_n3A_1387, %ge3A_1389 : vector<16xi32>
      %sub3A_1391 = arith.constant 2000000 : i32
      %sub3A_1392 = vector.broadcast %sub3A_1391 : i32 to vector<16xi32>
      %sub3A_1393 = arith.subi %select_n3A_1387, %sub3A_1392 : vector<16xi32>
      %select_n3A_1394 = arith.select %ge3A_1390, %sub3A_1393, %select_n3A_1387 : vector<16xi1>, vector<16xi32>
      %ge3A_1395 = arith.constant 1000000 : i32
      %ge3A_1396 = vector.broadcast %ge3A_1395 : i32 to vector<16xi32>
      %ge3A_1397 = arith.cmpi sge, %select_n3A_1394, %ge3A_1396 : vector<16xi32>
      %sub3A_1398 = arith.constant 1000000 : i32
      %sub3A_1399 = vector.broadcast %sub3A_1398 : i32 to vector<16xi32>
      %sub3A_1400 = arith.subi %select_n3A_1394, %sub3A_1399 : vector<16xi32>
      %select_n3A_1401 = arith.select %ge3A_1397, %sub3A_1400, %select_n3A_1394 : vector<16xi1>, vector<16xi32>
      %add3A_1402 = arith.constant 0 : i32
      %add3A_1403 = arith.addi %multiple_of3A_1319, %add3A_1402 : i32
      %swap3A = arith.index_cast %add3A_1403 : i32 to index
      %swap3A_1404 = tpu.vector_load %arg6[%swap3A] {strides = array<i32>} : memref<3328xi32, #tpu.memory_space<vmem>>, vector<16xi32>,
      %swap3A_1405 = vector.shape_cast %swap3A_1404 : vector<16xi32> to vector<16xi32>
      %swap3A_1406 = vector.shape_cast %select_n3A_1401 : vector<16xi32> to vector<16xi32>
      tpu.vector_store %arg6[%swap3A], %swap3A_1406 {strides = array<i32>} : memref<3328xi32, #tpu.memory_space<vmem>>, vector<16xi32>,
      %add3A_1407 = arith.constant 16 : i32
      %add3A_1408 = arith.addi %multiple_of3A_1319, %add3A_1407 : i32
      %get3A_1409 = arith.index_cast %add3A_1408 : i32 to index
      %get3A_1410 = tpu.vector_load %arg5[%get3A_1409] {strides = array<i32>} : memref<3328xi32, #tpu.memory_space<vmem>>, vector<16xi32>,
      %get3A_1411 = vector.shape_cast %get3A_1410 : vector<16xi32> to vector<16xi32>
      %shift_right_logical3A_1412 = arith.constant 10 : i32
      %shift_right_logical3A_1413 = vector.broadcast %shift_right_logical3A_1412 : i32 to vector<16xi32>
      %shift_right_logical3A_1414 = arith.shrui %get3A_1411, %shift_right_logical3A_1413 : vector<16xi32>
      %and3A_1415 = arith.constant 1023 : i32
      %and3A_1416 = vector.broadcast %and3A_1415 : i32 to vector<16xi32>
      %and3A_1417 = arith.andi %get3A_1411, %and3A_1416 : vector<16xi32>
      %mul3A_1418 = arith.constant 219264 : i32
      %mul3A_1419 = vector.broadcast %mul3A_1418 : i32 to vector<16xi32>
      %mul3A_1420 = arith.muli %shift_right_logical3A_1414, %mul3A_1419 : vector<16xi32>
      %mul3A_1421 = arith.constant 435761 : i32
      %mul3A_1422 = vector.broadcast %mul3A_1421 : i32 to vector<16xi32>
      %mul3A_1423 = arith.muli %and3A_1417, %mul3A_1422 : vector<16xi32>
      %add3A_1424 = arith.addi %mul3A_1420, %mul3A_1423 : vector<16xi32>
      %ge3A_1425 = arith.constant 512000000 : i32
      %ge3A_1426 = vector.broadcast %ge3A_1425 : i32 to vector<16xi32>
      %ge3A_1427 = arith.cmpi sge, %add3A_1424, %ge3A_1426 : vector<16xi32>
      %sub3A_1428 = arith.constant 512000000 : i32
      %sub3A_1429 = vector.broadcast %sub3A_1428 : i32 to vector<16xi32>
      %sub3A_1430 = arith.subi %add3A_1424, %sub3A_1429 : vector<16xi32>
      %select_n3A_1431 = arith.select %ge3A_1427, %sub3A_1430, %add3A_1424 : vector<16xi1>, vector<16xi32>
      %ge3A_1432 = arith.constant 256000000 : i32
      %ge3A_1433 = vector.broadcast %ge3A_1432 : i32 to vector<16xi32>
      %ge3A_1434 = arith.cmpi sge, %select_n3A_1431, %ge3A_1433 : vector<16xi32>
      %sub3A_1435 = arith.constant 256000000 : i32
      %sub3A_1436 = vector.broadcast %sub3A_1435 : i32 to vector<16xi32>
      %sub3A_1437 = arith.subi %select_n3A_1431, %sub3A_1436 : vector<16xi32>
      %select_n3A_1438 = arith.select %ge3A_1434, %sub3A_1437, %select_n3A_1431 : vector<16xi1>, vector<16xi32>
      %ge3A_1439 = arith.constant 128000000 : i32
      %ge3A_1440 = vector.broadcast %ge3A_1439 : i32 to vector<16xi32>
      %ge3A_1441 = arith.cmpi sge, %select_n3A_1438, %ge3A_1440 : vector<16xi32>
      %sub3A_1442 = arith.constant 128000000 : i32
      %sub3A_1443 = vector.broadcast %sub3A_1442 : i32 to vector<16xi32>
      %sub3A_1444 = arith.subi %select_n3A_1438, %sub3A_1443 : vector<16xi32>
      %select_n3A_1445 = arith.select %ge3A_1441, %sub3A_1444, %select_n3A_1438 : vector<16xi1>, vector<16xi32>
      %ge3A_1446 = arith.constant 64000000 : i32
      %ge3A_1447 = vector.broadcast %ge3A_1446 : i32 to vector<16xi32>
      %ge3A_1448 = arith.cmpi sge, %select_n3A_1445, %ge3A_1447 : vector<16xi32>
      %sub3A_1449 = arith.constant 64000000 : i32
      %sub3A_1450 = vector.broadcast %sub3A_1449 : i32 to vector<16xi32>
      %sub3A_1451 = arith.subi %select_n3A_1445, %sub3A_1450 : vector<16xi32>
      %select_n3A_1452 = arith.select %ge3A_1448, %sub3A_1451, %select_n3A_1445 : vector<16xi1>, vector<16xi32>
      %ge3A_1453 = arith.constant 32000000 : i32
      %ge3A_1454 = vector.broadcast %ge3A_1453 : i32 to vector<16xi32>
      %ge3A_1455 = arith.cmpi sge, %select_n3A_1452, %ge3A_1454 : vector<16xi32>
      %sub3A_1456 = arith.constant 32000000 : i32
      %sub3A_1457 = vector.broadcast %sub3A_1456 : i32 to vector<16xi32>
      %sub3A_1458 = arith.subi %select_n3A_1452, %sub3A_1457 : vector<16xi32>
      %select_n3A_1459 = arith.select %ge3A_1455, %sub3A_1458, %select_n3A_1452 : vector<16xi1>, vector<16xi32>
      %ge3A_1460 = arith.constant 16000000 : i32
      %ge3A_1461 = vector.broadcast %ge3A_1460 : i32 to vector<16xi32>
      %ge3A_1462 = arith.cmpi sge, %select_n3A_1459, %ge3A_1461 : vector<16xi32>
      %sub3A_1463 = arith.constant 16000000 : i32
      %sub3A_1464 = vector.broadcast %sub3A_1463 : i32 to vector<16xi32>
      %sub3A_1465 = arith.subi %select_n3A_1459, %sub3A_1464 : vector<16xi32>
      %select_n3A_1466 = arith.select %ge3A_1462, %sub3A_1465, %select_n3A_1459 : vector<16xi1>, vector<16xi32>
      %ge3A_1467 = arith.constant 8000000 : i32
      %ge3A_1468 = vector.broadcast %ge3A_1467 : i32 to vector<16xi32>
      %ge3A_1469 = arith.cmpi sge, %select_n3A_1466, %ge3A_1468 : vector<16xi32>
      %sub3A_1470 = arith.constant 8000000 : i32
      %sub3A_1471 = vector.broadcast %sub3A_1470 : i32 to vector<16xi32>
      %sub3A_1472 = arith.subi %select_n3A_1466, %sub3A_1471 : vector<16xi32>
      %select_n3A_1473 = arith.select %ge3A_1469, %sub3A_1472, %select_n3A_1466 : vector<16xi1>, vector<16xi32>
      %ge3A_1474 = arith.constant 4000000 : i32
      %ge3A_1475 = vector.broadcast %ge3A_1474 : i32 to vector<16xi32>
      %ge3A_1476 = arith.cmpi sge, %select_n3A_1473, %ge3A_1475 : vector<16xi32>
      %sub3A_1477 = arith.constant 4000000 : i32
      %sub3A_1478 = vector.broadcast %sub3A_1477 : i32 to vector<16xi32>
      %sub3A_1479 = arith.subi %select_n3A_1473, %sub3A_1478 : vector<16xi32>
      %select_n3A_1480 = arith.select %ge3A_1476, %sub3A_1479, %select_n3A_1473 : vector<16xi1>, vector<16xi32>
      %ge3A_1481 = arith.constant 2000000 : i32
      %ge3A_1482 = vector.broadcast %ge3A_1481 : i32 to vector<16xi32>
      %ge3A_1483 = arith.cmpi sge, %select_n3A_1480, %ge3A_1482 : vector<16xi32>
      %sub3A_1484 = arith.constant 2000000 : i32
      %sub3A_1485 = vector.broadcast %sub3A_1484 : i32 to vector<16xi32>
      %sub3A_1486 = arith.subi %select_n3A_1480, %sub3A_1485 : vector<16xi32>
      %select_n3A_1487 = arith.select %ge3A_1483, %sub3A_1486, %select_n3A_1480 : vector<16xi1>, vector<16xi32>
      %ge3A_1488 = arith.constant 1000000 : i32
      %ge3A_1489 = vector.broadcast %ge3A_1488 : i32 to vector<16xi32>
      %ge3A_1490 = arith.cmpi sge, %select_n3A_1487, %ge3A_1489 : vector<16xi32>
      %sub3A_1491 = arith.constant 1000000 : i32
      %sub3A_1492 = vector.broadcast %sub3A_1491 : i32 to vector<16xi32>
      %sub3A_1493 = arith.subi %select_n3A_1487, %sub3A_1492 : vector<16xi32>
      %select_n3A_1494 = arith.select %ge3A_1490, %sub3A_1493, %select_n3A_1487 : vector<16xi1>, vector<16xi32>
      %add3A_1495 = arith.constant 16 : i32
      %add3A_1496 = arith.addi %multiple_of3A_1319, %add3A_1495 : i32
      %swap3A_1497 = arith.index_cast %add3A_1496 : i32 to index
      %swap3A_1498 = tpu.vector_load %arg6[%swap3A_1497] {strides = array<i32>} : memref<3328xi32, #tpu.memory_space<vmem>>, vector<16xi32>,
      %swap3A_1499 = vector.shape_cast %swap3A_1498 : vector<16xi32> to vector<16xi32>
      %swap3A_1500 = vector.shape_cast %select_n3A_1494 : vector<16xi32> to vector<16xi32>
      tpu.vector_store %arg6[%swap3A_1497], %swap3A_1500 {strides = array<i32>} : memref<3328xi32, #tpu.memory_space<vmem>>, vector<16xi32>,
      %add3A_1501 = arith.constant 32 : i32
      %add3A_1502 = arith.addi %multiple_of3A_1319, %add3A_1501 : i32
      %get3A_1503 = arith.index_cast %add3A_1502 : i32 to index
      %get3A_1504 = tpu.vector_load %arg5[%get3A_1503] {strides = array<i32>} : memref<3328xi32, #tpu.memory_space<vmem>>, vector<16xi32>,
      %get3A_1505 = vector.shape_cast %get3A_1504 : vector<16xi32> to vector<16xi32>
      %shift_right_logical3A_1506 = arith.constant 10 : i32
      %shift_right_logical3A_1507 = vector.broadcast %shift_right_logical3A_1506 : i32 to vector<16xi32>
      %shift_right_logical3A_1508 = arith.shrui %get3A_1505, %shift_right_logical3A_1507 : vector<16xi32>
      %and3A_1509 = arith.constant 1023 : i32
      %and3A_1510 = vector.broadcast %and3A_1509 : i32 to vector<16xi32>
      %and3A_1511 = arith.andi %get3A_1505, %and3A_1510 : vector<16xi32>
      %mul3A_1512 = arith.constant 219264 : i32
      %mul3A_1513 = vector.broadcast %mul3A_1512 : i32 to vector<16xi32>
      %mul3A_1514 = arith.muli %shift_right_logical3A_1508, %mul3A_1513 : vector<16xi32>
      %mul3A_1515 = arith.constant 435761 : i32
      %mul3A_1516 = vector.broadcast %mul3A_1515 : i32 to vector<16xi32>
      %mul3A_1517 = arith.muli %and3A_1511, %mul3A_1516 : vector<16xi32>
      %add3A_1518 = arith.addi %mul3A_1514, %mul3A_1517 : vector<16xi32>
      %ge3A_1519 = arith.constant 512000000 : i32
      %ge3A_1520 = vector.broadcast %ge3A_1519 : i32 to vector<16xi32>
      %ge3A_1521 = arith.cmpi sge, %add3A_1518, %ge3A_1520 : vector<16xi32>
      %sub3A_1522 = arith.constant 512000000 : i32
      %sub3A_1523 = vector.broadcast %sub3A_1522 : i32 to vector<16xi32>
      %sub3A_1524 = arith.subi %add3A_1518, %sub3A_1523 : vector<16xi32>
      %select_n3A_1525 = arith.select %ge3A_1521, %sub3A_1524, %add3A_1518 : vector<16xi1>, vector<16xi32>
      %ge3A_1526 = arith.constant 256000000 : i32
      %ge3A_1527 = vector.broadcast %ge3A_1526 : i32 to vector<16xi32>
      %ge3A_1528 = arith.cmpi sge, %select_n3A_1525, %ge3A_1527 : vector<16xi32>
      %sub3A_1529 = arith.constant 256000000 : i32
      %sub3A_1530 = vector.broadcast %sub3A_1529 : i32 to vector<16xi32>
      %sub3A_1531 = arith.subi %select_n3A_1525, %sub3A_1530 : vector<16xi32>
      %select_n3A_1532 = arith.select %ge3A_1528, %sub3A_1531, %select_n3A_1525 : vector<16xi1>, vector<16xi32>
      %ge3A_1533 = arith.constant 128000000 : i32
      %ge3A_1534 = vector.broadcast %ge3A_1533 : i32 to vector<16xi32>
      %ge3A_1535 = arith.cmpi sge, %select_n3A_1532, %ge3A_1534 : vector<16xi32>
      %sub3A_1536 = arith.constant 128000000 : i32
      %sub3A_1537 = vector.broadcast %sub3A_1536 : i32 to vector<16xi32>
      %sub3A_1538 = arith.subi %select_n3A_1532, %sub3A_1537 : vector<16xi32>
      %select_n3A_1539 = arith.select %ge3A_1535, %sub3A_1538, %select_n3A_1532 : vector<16xi1>, vector<16xi32>
      %ge3A_1540 = arith.constant 64000000 : i32
      %ge3A_1541 = vector.broadcast %ge3A_1540 : i32 to vector<16xi32>
      %ge3A_1542 = arith.cmpi sge, %select_n3A_1539, %ge3A_1541 : vector<16xi32>
      %sub3A_1543 = arith.constant 64000000 : i32
      %sub3A_1544 = vector.broadcast %sub3A_1543 : i32 to vector<16xi32>
      %sub3A_1545 = arith.subi %select_n3A_1539, %sub3A_1544 : vector<16xi32>
      %select_n3A_1546 = arith.select %ge3A_1542, %sub3A_1545, %select_n3A_1539 : vector<16xi1>, vector<16xi32>
      %ge3A_1547 = arith.constant 32000000 : i32
      %ge3A_1548 = vector.broadcast %ge3A_1547 : i32 to vector<16xi32>
      %ge3A_1549 = arith.cmpi sge, %select_n3A_1546, %ge3A_1548 : vector<16xi32>
      %sub3A_1550 = arith.constant 32000000 : i32
      %sub3A_1551 = vector.broadcast %sub3A_1550 : i32 to vector<16xi32>
      %sub3A_1552 = arith.subi %select_n3A_1546, %sub3A_1551 : vector<16xi32>
      %select_n3A_1553 = arith.select %ge3A_1549, %sub3A_1552, %select_n3A_1546 : vector<16xi1>, vector<16xi32>
      %ge3A_1554 = arith.constant 16000000 : i32
      %ge3A_1555 = vector.broadcast %ge3A_1554 : i32 to vector<16xi32>
      %ge3A_1556 = arith.cmpi sge, %select_n3A_1553, %ge3A_1555 : vector<16xi32>
      %sub3A_1557 = arith.constant 16000000 : i32
      %sub3A_1558 = vector.broadcast %sub3A_1557 : i32 to vector<16xi32>
      %sub3A_1559 = arith.subi %select_n3A_1553, %sub3A_1558 : vector<16xi32>
      %select_n3A_1560 = arith.select %ge3A_1556, %sub3A_1559, %select_n3A_1553 : vector<16xi1>, vector<16xi32>
      %ge3A_1561 = arith.constant 8000000 : i32
      %ge3A_1562 = vector.broadcast %ge3A_1561 : i32 to vector<16xi32>
      %ge3A_1563 = arith.cmpi sge, %select_n3A_1560, %ge3A_1562 : vector<16xi32>
      %sub3A_1564 = arith.constant 8000000 : i32
      %sub3A_1565 = vector.broadcast %sub3A_1564 : i32 to vector<16xi32>
      %sub3A_1566 = arith.subi %select_n3A_1560, %sub3A_1565 : vector<16xi32>
      %select_n3A_1567 = arith.select %ge3A_1563, %sub3A_1566, %select_n3A_1560 : vector<16xi1>, vector<16xi32>
      %ge3A_1568 = arith.constant 4000000 : i32
      %ge3A_1569 = vector.broadcast %ge3A_1568 : i32 to vector<16xi32>
      %ge3A_1570 = arith.cmpi sge, %select_n3A_1567, %ge3A_1569 : vector<16xi32>
      %sub3A_1571 = arith.constant 4000000 : i32
      %sub3A_1572 = vector.broadcast %sub3A_1571 : i32 to vector<16xi32>
      %sub3A_1573 = arith.subi %select_n3A_1567, %sub3A_1572 : vector<16xi32>
      %select_n3A_1574 = arith.select %ge3A_1570, %sub3A_1573, %select_n3A_1567 : vector<16xi1>, vector<16xi32>
      %ge3A_1575 = arith.constant 2000000 : i32
      %ge3A_1576 = vector.broadcast %ge3A_1575 : i32 to vector<16xi32>
      %ge3A_1577 = arith.cmpi sge, %select_n3A_1574, %ge3A_1576 : vector<16xi32>
      %sub3A_1578 = arith.constant 2000000 : i32
      %sub3A_1579 = vector.broadcast %sub3A_1578 : i32 to vector<16xi32>
      %sub3A_1580 = arith.subi %select_n3A_1574, %sub3A_1579 : vector<16xi32>
      %select_n3A_1581 = arith.select %ge3A_1577, %sub3A_1580, %select_n3A_1574 : vector<16xi1>, vector<16xi32>
      %ge3A_1582 = arith.constant 1000000 : i32
      %ge3A_1583 = vector.broadcast %ge3A_1582 : i32 to vector<16xi32>
      %ge3A_1584 = arith.cmpi sge, %select_n3A_1581, %ge3A_1583 : vector<16xi32>
      %sub3A_1585 = arith.constant 1000000 : i32
      %sub3A_1586 = vector.broadcast %sub3A_1585 : i32 to vector<16xi32>
      %sub3A_1587 = arith.subi %select_n3A_1581, %sub3A_1586 : vector<16xi32>
      %select_n3A_1588 = arith.select %ge3A_1584, %sub3A_1587, %select_n3A_1581 : vector<16xi1>, vector<16xi32>
      %add3A_1589 = arith.constant 32 : i32
      %add3A_1590 = arith.addi %multiple_of3A_1319, %add3A_1589 : i32
      %swap3A_1591 = arith.index_cast %add3A_1590 : i32 to index
      %swap3A_1592 = tpu.vector_load %arg6[%swap3A_1591] {strides = array<i32>} : memref<3328xi32, #tpu.memory_space<vmem>>, vector<16xi32>,
      %swap3A_1593 = vector.shape_cast %swap3A_1592 : vector<16xi32> to vector<16xi32>
      %swap3A_1594 = vector.shape_cast %select_n3A_1588 : vector<16xi32> to vector<16xi32>
      tpu.vector_store %arg6[%swap3A_1591], %swap3A_1594 {strides = array<i32>} : memref<3328xi32, #tpu.memory_space<vmem>>, vector<16xi32>,
      %add3A_1595 = arith.constant 48 : i32
      %add3A_1596 = arith.addi %multiple_of3A_1319, %add3A_1595 : i32
      %get3A_1597 = arith.index_cast %add3A_1596 : i32 to index
      %get3A_1598 = tpu.vector_load %arg5[%get3A_1597] {strides = array<i32>} : memref<3328xi32, #tpu.memory_space<vmem>>, vector<16xi32>,
      %get3A_1599 = vector.shape_cast %get3A_1598 : vector<16xi32> to vector<16xi32>
      %shift_right_logical3A_1600 = arith.constant 10 : i32
      %shift_right_logical3A_1601 = vector.broadcast %shift_right_logical3A_1600 : i32 to vector<16xi32>
      %shift_right_logical3A_1602 = arith.shrui %get3A_1599, %shift_right_logical3A_1601 : vector<16xi32>
      %and3A_1603 = arith.constant 1023 : i32
      %and3A_1604 = vector.broadcast %and3A_1603 : i32 to vector<16xi32>
      %and3A_1605 = arith.andi %get3A_1599, %and3A_1604 : vector<16xi32>
      %mul3A_1606 = arith.constant 219264 : i32
      %mul3A_1607 = vector.broadcast %mul3A_1606 : i32 to vector<16xi32>
      %mul3A_1608 = arith.muli %shift_right_logical3A_1602, %mul3A_1607 : vector<16xi32>
      %mul3A_1609 = arith.constant 435761 : i32
      %mul3A_1610 = vector.broadcast %mul3A_1609 : i32 to vector<16xi32>
      %mul3A_1611 = arith.muli %and3A_1605, %mul3A_1610 : vector<16xi32>
      %add3A_1612 = arith.addi %mul3A_1608, %mul3A_1611 : vector<16xi32>
      %ge3A_1613 = arith.constant 512000000 : i32
      %ge3A_1614 = vector.broadcast %ge3A_1613 : i32 to vector<16xi32>
      %ge3A_1615 = arith.cmpi sge, %add3A_1612, %ge3A_1614 : vector<16xi32>
      %sub3A_1616 = arith.constant 512000000 : i32
      %sub3A_1617 = vector.broadcast %sub3A_1616 : i32 to vector<16xi32>
      %sub3A_1618 = arith.subi %add3A_1612, %sub3A_1617 : vector<16xi32>
      %select_n3A_1619 = arith.select %ge3A_1615, %sub3A_1618, %add3A_1612 : vector<16xi1>, vector<16xi32>
      %ge3A_1620 = arith.constant 256000000 : i32
      %ge3A_1621 = vector.broadcast %ge3A_1620 : i32 to vector<16xi32>
      %ge3A_1622 = arith.cmpi sge, %select_n3A_1619, %ge3A_1621 : vector<16xi32>
      %sub3A_1623 = arith.constant 256000000 : i32
      %sub3A_1624 = vector.broadcast %sub3A_1623 : i32 to vector<16xi32>
      %sub3A_1625 = arith.subi %select_n3A_1619, %sub3A_1624 : vector<16xi32>
      %select_n3A_1626 = arith.select %ge3A_1622, %sub3A_1625, %select_n3A_1619 : vector<16xi1>, vector<16xi32>
      %ge3A_1627 = arith.constant 128000000 : i32
      %ge3A_1628 = vector.broadcast %ge3A_1627 : i32 to vector<16xi32>
      %ge3A_1629 = arith.cmpi sge, %select_n3A_1626, %ge3A_1628 : vector<16xi32>
      %sub3A_1630 = arith.constant 128000000 : i32
      %sub3A_1631 = vector.broadcast %sub3A_1630 : i32 to vector<16xi32>
      %sub3A_1632 = arith.subi %select_n3A_1626, %sub3A_1631 : vector<16xi32>
      %select_n3A_1633 = arith.select %ge3A_1629, %sub3A_1632, %select_n3A_1626 : vector<16xi1>, vector<16xi32>
      %ge3A_1634 = arith.constant 64000000 : i32
      %ge3A_1635 = vector.broadcast %ge3A_1634 : i32 to vector<16xi32>
      %ge3A_1636 = arith.cmpi sge, %select_n3A_1633, %ge3A_1635 : vector<16xi32>
      %sub3A_1637 = arith.constant 64000000 : i32
      %sub3A_1638 = vector.broadcast %sub3A_1637 : i32 to vector<16xi32>
      %sub3A_1639 = arith.subi %select_n3A_1633, %sub3A_1638 : vector<16xi32>
      %select_n3A_1640 = arith.select %ge3A_1636, %sub3A_1639, %select_n3A_1633 : vector<16xi1>, vector<16xi32>
      %ge3A_1641 = arith.constant 32000000 : i32
      %ge3A_1642 = vector.broadcast %ge3A_1641 : i32 to vector<16xi32>
      %ge3A_1643 = arith.cmpi sge, %select_n3A_1640, %ge3A_1642 : vector<16xi32>
      %sub3A_1644 = arith.constant 32000000 : i32
      %sub3A_1645 = vector.broadcast %sub3A_1644 : i32 to vector<16xi32>
      %sub3A_1646 = arith.subi %select_n3A_1640, %sub3A_1645 : vector<16xi32>
      %select_n3A_1647 = arith.select %ge3A_1643, %sub3A_1646, %select_n3A_1640 : vector<16xi1>, vector<16xi32>
      %ge3A_1648 = arith.constant 16000000 : i32
      %ge3A_1649 = vector.broadcast %ge3A_1648 : i32 to vector<16xi32>
      %ge3A_1650 = arith.cmpi sge, %select_n3A_1647, %ge3A_1649 : vector<16xi32>
      %sub3A_1651 = arith.constant 16000000 : i32
      %sub3A_1652 = vector.broadcast %sub3A_1651 : i32 to vector<16xi32>
      %sub3A_1653 = arith.subi %select_n3A_1647, %sub3A_1652 : vector<16xi32>
      %select_n3A_1654 = arith.select %ge3A_1650, %sub3A_1653, %select_n3A_1647 : vector<16xi1>, vector<16xi32>
      %ge3A_1655 = arith.constant 8000000 : i32
      %ge3A_1656 = vector.broadcast %ge3A_1655 : i32 to vector<16xi32>
      %ge3A_1657 = arith.cmpi sge, %select_n3A_1654, %ge3A_1656 : vector<16xi32>
      %sub3A_1658 = arith.constant 8000000 : i32
      %sub3A_1659 = vector.broadcast %sub3A_1658 : i32 to vector<16xi32>
      %sub3A_1660 = arith.subi %select_n3A_1654, %sub3A_1659 : vector<16xi32>
      %select_n3A_1661 = arith.select %ge3A_1657, %sub3A_1660, %select_n3A_1654 : vector<16xi1>, vector<16xi32>
      %ge3A_1662 = arith.constant 4000000 : i32
      %ge3A_1663 = vector.broadcast %ge3A_1662 : i32 to vector<16xi32>
      %ge3A_1664 = arith.cmpi sge, %select_n3A_1661, %ge3A_1663 : vector<16xi32>
      %sub3A_1665 = arith.constant 4000000 : i32
      %sub3A_1666 = vector.broadcast %sub3A_1665 : i32 to vector<16xi32>
      %sub3A_1667 = arith.subi %select_n3A_1661, %sub3A_1666 : vector<16xi32>
      %select_n3A_1668 = arith.select %ge3A_1664, %sub3A_1667, %select_n3A_1661 : vector<16xi1>, vector<16xi32>
      %ge3A_1669 = arith.constant 2000000 : i32
      %ge3A_1670 = vector.broadcast %ge3A_1669 : i32 to vector<16xi32>
      %ge3A_1671 = arith.cmpi sge, %select_n3A_1668, %ge3A_1670 : vector<16xi32>
      %sub3A_1672 = arith.constant 2000000 : i32
      %sub3A_1673 = vector.broadcast %sub3A_1672 : i32 to vector<16xi32>
      %sub3A_1674 = arith.subi %select_n3A_1668, %sub3A_1673 : vector<16xi32>
      %select_n3A_1675 = arith.select %ge3A_1671, %sub3A_1674, %select_n3A_1668 : vector<16xi1>, vector<16xi32>
      %ge3A_1676 = arith.constant 1000000 : i32
      %ge3A_1677 = vector.broadcast %ge3A_1676 : i32 to vector<16xi32>
      %ge3A_1678 = arith.cmpi sge, %select_n3A_1675, %ge3A_1677 : vector<16xi32>
      %sub3A_1679 = arith.constant 1000000 : i32
      %sub3A_1680 = vector.broadcast %sub3A_1679 : i32 to vector<16xi32>
      %sub3A_1681 = arith.subi %select_n3A_1675, %sub3A_1680 : vector<16xi32>
      %select_n3A_1682 = arith.select %ge3A_1678, %sub3A_1681, %select_n3A_1675 : vector<16xi1>, vector<16xi32>
      %add3A_1683 = arith.constant 48 : i32
      %add3A_1684 = arith.addi %multiple_of3A_1319, %add3A_1683 : i32
      %swap3A_1685 = arith.index_cast %add3A_1684 : i32 to index
      %swap3A_1686 = tpu.vector_load %arg6[%swap3A_1685] {strides = array<i32>} : memref<3328xi32, #tpu.memory_space<vmem>>, vector<16xi32>,
      %swap3A_1687 = vector.shape_cast %swap3A_1686 : vector<16xi32> to vector<16xi32>
      %swap3A_1688 = vector.shape_cast %select_n3A_1682 : vector<16xi32> to vector<16xi32>
      tpu.vector_store %arg6[%swap3A_1685], %swap3A_1688 {strides = array<i32>} : memref<3328xi32, #tpu.memory_space<vmem>>, vector<16xi32>,
      %add3A_1689 = arith.constant 64 : i32
      %add3A_1690 = arith.addi %multiple_of3A_1319, %add3A_1689 : i32
      %get3A_1691 = arith.index_cast %add3A_1690 : i32 to index
      %get3A_1692 = tpu.vector_load %arg5[%get3A_1691] {strides = array<i32>} : memref<3328xi32, #tpu.memory_space<vmem>>, vector<16xi32>,
      %get3A_1693 = vector.shape_cast %get3A_1692 : vector<16xi32> to vector<16xi32>
      %shift_right_logical3A_1694 = arith.constant 10 : i32
      %shift_right_logical3A_1695 = vector.broadcast %shift_right_logical3A_1694 : i32 to vector<16xi32>
      %shift_right_logical3A_1696 = arith.shrui %get3A_1693, %shift_right_logical3A_1695 : vector<16xi32>
      %and3A_1697 = arith.constant 1023 : i32
      %and3A_1698 = vector.broadcast %and3A_1697 : i32 to vector<16xi32>
      %and3A_1699 = arith.andi %get3A_1693, %and3A_1698 : vector<16xi32>
      %mul3A_1700 = arith.constant 219264 : i32
      %mul3A_1701 = vector.broadcast %mul3A_1700 : i32 to vector<16xi32>
      %mul3A_1702 = arith.muli %shift_right_logical3A_1696, %mul3A_1701 : vector<16xi32>
      %mul3A_1703 = arith.constant 435761 : i32
      %mul3A_1704 = vector.broadcast %mul3A_1703 : i32 to vector<16xi32>
      %mul3A_1705 = arith.muli %and3A_1699, %mul3A_1704 : vector<16xi32>
      %add3A_1706 = arith.addi %mul3A_1702, %mul3A_1705 : vector<16xi32>
      %ge3A_1707 = arith.constant 512000000 : i32
      %ge3A_1708 = vector.broadcast %ge3A_1707 : i32 to vector<16xi32>
      %ge3A_1709 = arith.cmpi sge, %add3A_1706, %ge3A_1708 : vector<16xi32>
      %sub3A_1710 = arith.constant 512000000 : i32
      %sub3A_1711 = vector.broadcast %sub3A_1710 : i32 to vector<16xi32>
      %sub3A_1712 = arith.subi %add3A_1706, %sub3A_1711 : vector<16xi32>
      %select_n3A_1713 = arith.select %ge3A_1709, %sub3A_1712, %add3A_1706 : vector<16xi1>, vector<16xi32>
      %ge3A_1714 = arith.constant 256000000 : i32
      %ge3A_1715 = vector.broadcast %ge3A_1714 : i32 to vector<16xi32>
      %ge3A_1716 = arith.cmpi sge, %select_n3A_1713, %ge3A_1715 : vector<16xi32>
      %sub3A_1717 = arith.constant 256000000 : i32
      %sub3A_1718 = vector.broadcast %sub3A_1717 : i32 to vector<16xi32>
      %sub3A_1719 = arith.subi %select_n3A_1713, %sub3A_1718 : vector<16xi32>
      %select_n3A_1720 = arith.select %ge3A_1716, %sub3A_1719, %select_n3A_1713 : vector<16xi1>, vector<16xi32>
      %ge3A_1721 = arith.constant 128000000 : i32
      %ge3A_1722 = vector.broadcast %ge3A_1721 : i32 to vector<16xi32>
      %ge3A_1723 = arith.cmpi sge, %select_n3A_1720, %ge3A_1722 : vector<16xi32>
      %sub3A_1724 = arith.constant 128000000 : i32
      %sub3A_1725 = vector.broadcast %sub3A_1724 : i32 to vector<16xi32>
      %sub3A_1726 = arith.subi %select_n3A_1720, %sub3A_1725 : vector<16xi32>
      %select_n3A_1727 = arith.select %ge3A_1723, %sub3A_1726, %select_n3A_1720 : vector<16xi1>, vector<16xi32>
      %ge3A_1728 = arith.constant 64000000 : i32
      %ge3A_1729 = vector.broadcast %ge3A_1728 : i32 to vector<16xi32>
      %ge3A_1730 = arith.cmpi sge, %select_n3A_1727, %ge3A_1729 : vector<16xi32>
      %sub3A_1731 = arith.constant 64000000 : i32
      %sub3A_1732 = vector.broadcast %sub3A_1731 : i32 to vector<16xi32>
      %sub3A_1733 = arith.subi %select_n3A_1727, %sub3A_1732 : vector<16xi32>
      %select_n3A_1734 = arith.select %ge3A_1730, %sub3A_1733, %select_n3A_1727 : vector<16xi1>, vector<16xi32>
      %ge3A_1735 = arith.constant 32000000 : i32
      %ge3A_1736 = vector.broadcast %ge3A_1735 : i32 to vector<16xi32>
      %ge3A_1737 = arith.cmpi sge, %select_n3A_1734, %ge3A_1736 : vector<16xi32>
      %sub3A_1738 = arith.constant 32000000 : i32
      %sub3A_1739 = vector.broadcast %sub3A_1738 : i32 to vector<16xi32>
      %sub3A_1740 = arith.subi %select_n3A_1734, %sub3A_1739 : vector<16xi32>
      %select_n3A_1741 = arith.select %ge3A_1737, %sub3A_1740, %select_n3A_1734 : vector<16xi1>, vector<16xi32>
      %ge3A_1742 = arith.constant 16000000 : i32
      %ge3A_1743 = vector.broadcast %ge3A_1742 : i32 to vector<16xi32>
      %ge3A_1744 = arith.cmpi sge, %select_n3A_1741, %ge3A_1743 : vector<16xi32>
      %sub3A_1745 = arith.constant 16000000 : i32
      %sub3A_1746 = vector.broadcast %sub3A_1745 : i32 to vector<16xi32>
      %sub3A_1747 = arith.subi %select_n3A_1741, %sub3A_1746 : vector<16xi32>
      %select_n3A_1748 = arith.select %ge3A_1744, %sub3A_1747, %select_n3A_1741 : vector<16xi1>, vector<16xi32>
      %ge3A_1749 = arith.constant 8000000 : i32
      %ge3A_1750 = vector.broadcast %ge3A_1749 : i32 to vector<16xi32>
      %ge3A_1751 = arith.cmpi sge, %select_n3A_1748, %ge3A_1750 : vector<16xi32>
      %sub3A_1752 = arith.constant 8000000 : i32
      %sub3A_1753 = vector.broadcast %sub3A_1752 : i32 to vector<16xi32>
      %sub3A_1754 = arith.subi %select_n3A_1748, %sub3A_1753 : vector<16xi32>
      %select_n3A_1755 = arith.select %ge3A_1751, %sub3A_1754, %select_n3A_1748 : vector<16xi1>, vector<16xi32>
      %ge3A_1756 = arith.constant 4000000 : i32
      %ge3A_1757 = vector.broadcast %ge3A_1756 : i32 to vector<16xi32>
      %ge3A_1758 = arith.cmpi sge, %select_n3A_1755, %ge3A_1757 : vector<16xi32>
      %sub3A_1759 = arith.constant 4000000 : i32
      %sub3A_1760 = vector.broadcast %sub3A_1759 : i32 to vector<16xi32>
      %sub3A_1761 = arith.subi %select_n3A_1755, %sub3A_1760 : vector<16xi32>
      %select_n3A_1762 = arith.select %ge3A_1758, %sub3A_1761, %select_n3A_1755 : vector<16xi1>, vector<16xi32>
      %ge3A_1763 = arith.constant 2000000 : i32
      %ge3A_1764 = vector.broadcast %ge3A_1763 : i32 to vector<16xi32>
      %ge3A_1765 = arith.cmpi sge, %select_n3A_1762, %ge3A_1764 : vector<16xi32>
      %sub3A_1766 = arith.constant 2000000 : i32
      %sub3A_1767 = vector.broadcast %sub3A_1766 : i32 to vector<16xi32>
      %sub3A_1768 = arith.subi %select_n3A_1762, %sub3A_1767 : vector<16xi32>
      %select_n3A_1769 = arith.select %ge3A_1765, %sub3A_1768, %select_n3A_1762 : vector<16xi1>, vector<16xi32>
      %ge3A_1770 = arith.constant 1000000 : i32
      %ge3A_1771 = vector.broadcast %ge3A_1770 : i32 to vector<16xi32>
      %ge3A_1772 = arith.cmpi sge, %select_n3A_1769, %ge3A_1771 : vector<16xi32>
      %sub3A_1773 = arith.constant 1000000 : i32
      %sub3A_1774 = vector.broadcast %sub3A_1773 : i32 to vector<16xi32>
      %sub3A_1775 = arith.subi %select_n3A_1769, %sub3A_1774 : vector<16xi32>
      %select_n3A_1776 = arith.select %ge3A_1772, %sub3A_1775, %select_n3A_1769 : vector<16xi1>, vector<16xi32>
      %add3A_1777 = arith.constant 64 : i32
      %add3A_1778 = arith.addi %multiple_of3A_1319, %add3A_1777 : i32
      %swap3A_1779 = arith.index_cast %add3A_1778 : i32 to index
      %swap3A_1780 = tpu.vector_load %arg6[%swap3A_1779] {strides = array<i32>} : memref<3328xi32, #tpu.memory_space<vmem>>, vector<16xi32>,
      %swap3A_1781 = vector.shape_cast %swap3A_1780 : vector<16xi32> to vector<16xi32>
      %swap3A_1782 = vector.shape_cast %select_n3A_1776 : vector<16xi32> to vector<16xi32>
      tpu.vector_store %arg6[%swap3A_1779], %swap3A_1782 {strides = array<i32>} : memref<3328xi32, #tpu.memory_space<vmem>>, vector<16xi32>,
      %add3A_1783 = arith.constant 80 : i32
      %add3A_1784 = arith.addi %multiple_of3A_1319, %add3A_1783 : i32
      %get3A_1785 = arith.index_cast %add3A_1784 : i32 to index
      %get3A_1786 = tpu.vector_load %arg5[%get3A_1785] {strides = array<i32>} : memref<3328xi32, #tpu.memory_space<vmem>>, vector<16xi32>,
      %get3A_1787 = vector.shape_cast %get3A_1786 : vector<16xi32> to vector<16xi32>
      %shift_right_logical3A_1788 = arith.constant 10 : i32
      %shift_right_logical3A_1789 = vector.broadcast %shift_right_logical3A_1788 : i32 to vector<16xi32>
      %shift_right_logical3A_1790 = arith.shrui %get3A_1787, %shift_right_logical3A_1789 : vector<16xi32>
      %and3A_1791 = arith.constant 1023 : i32
      %and3A_1792 = vector.broadcast %and3A_1791 : i32 to vector<16xi32>
      %and3A_1793 = arith.andi %get3A_1787, %and3A_1792 : vector<16xi32>
      %mul3A_1794 = arith.constant 219264 : i32
      %mul3A_1795 = vector.broadcast %mul3A_1794 : i32 to vector<16xi32>
      %mul3A_1796 = arith.muli %shift_right_logical3A_1790, %mul3A_1795 : vector<16xi32>
      %mul3A_1797 = arith.constant 435761 : i32
      %mul3A_1798 = vector.broadcast %mul3A_1797 : i32 to vector<16xi32>
      %mul3A_1799 = arith.muli %and3A_1793, %mul3A_1798 : vector<16xi32>
      %add3A_1800 = arith.addi %mul3A_1796, %mul3A_1799 : vector<16xi32>
      %ge3A_1801 = arith.constant 512000000 : i32
      %ge3A_1802 = vector.broadcast %ge3A_1801 : i32 to vector<16xi32>
      %ge3A_1803 = arith.cmpi sge, %add3A_1800, %ge3A_1802 : vector<16xi32>
      %sub3A_1804 = arith.constant 512000000 : i32
      %sub3A_1805 = vector.broadcast %sub3A_1804 : i32 to vector<16xi32>
      %sub3A_1806 = arith.subi %add3A_1800, %sub3A_1805 : vector<16xi32>
      %select_n3A_1807 = arith.select %ge3A_1803, %sub3A_1806, %add3A_1800 : vector<16xi1>, vector<16xi32>
      %ge3A_1808 = arith.constant 256000000 : i32
      %ge3A_1809 = vector.broadcast %ge3A_1808 : i32 to vector<16xi32>
      %ge3A_1810 = arith.cmpi sge, %select_n3A_1807, %ge3A_1809 : vector<16xi32>
      %sub3A_1811 = arith.constant 256000000 : i32
      %sub3A_1812 = vector.broadcast %sub3A_1811 : i32 to vector<16xi32>
      %sub3A_1813 = arith.subi %select_n3A_1807, %sub3A_1812 : vector<16xi32>
      %select_n3A_1814 = arith.select %ge3A_1810, %sub3A_1813, %select_n3A_1807 : vector<16xi1>, vector<16xi32>
      %ge3A_1815 = arith.constant 128000000 : i32
      %ge3A_1816 = vector.broadcast %ge3A_1815 : i32 to vector<16xi32>
      %ge3A_1817 = arith.cmpi sge, %select_n3A_1814, %ge3A_1816 : vector<16xi32>
      %sub3A_1818 = arith.constant 128000000 : i32
      %sub3A_1819 = vector.broadcast %sub3A_1818 : i32 to vector<16xi32>
      %sub3A_1820 = arith.subi %select_n3A_1814, %sub3A_1819 : vector<16xi32>
      %select_n3A_1821 = arith.select %ge3A_1817, %sub3A_1820, %select_n3A_1814 : vector<16xi1>, vector<16xi32>
      %ge3A_1822 = arith.constant 64000000 : i32
      %ge3A_1823 = vector.broadcast %ge3A_1822 : i32 to vector<16xi32>
      %ge3A_1824 = arith.cmpi sge, %select_n3A_1821, %ge3A_1823 : vector<16xi32>
      %sub3A_1825 = arith.constant 64000000 : i32
      %sub3A_1826 = vector.broadcast %sub3A_1825 : i32 to vector<16xi32>
      %sub3A_1827 = arith.subi %select_n3A_1821, %sub3A_1826 : vector<16xi32>
      %select_n3A_1828 = arith.select %ge3A_1824, %sub3A_1827, %select_n3A_1821 : vector<16xi1>, vector<16xi32>
      %ge3A_1829 = arith.constant 32000000 : i32
      %ge3A_1830 = vector.broadcast %ge3A_1829 : i32 to vector<16xi32>
      %ge3A_1831 = arith.cmpi sge, %select_n3A_1828, %ge3A_1830 : vector<16xi32>
      %sub3A_1832 = arith.constant 32000000 : i32
      %sub3A_1833 = vector.broadcast %sub3A_1832 : i32 to vector<16xi32>
      %sub3A_1834 = arith.subi %select_n3A_1828, %sub3A_1833 : vector<16xi32>
      %select_n3A_1835 = arith.select %ge3A_1831, %sub3A_1834, %select_n3A_1828 : vector<16xi1>, vector<16xi32>
      %ge3A_1836 = arith.constant 16000000 : i32
      %ge3A_1837 = vector.broadcast %ge3A_1836 : i32 to vector<16xi32>
      %ge3A_1838 = arith.cmpi sge, %select_n3A_1835, %ge3A_1837 : vector<16xi32>
      %sub3A_1839 = arith.constant 16000000 : i32
      %sub3A_1840 = vector.broadcast %sub3A_1839 : i32 to vector<16xi32>
      %sub3A_1841 = arith.subi %select_n3A_1835, %sub3A_1840 : vector<16xi32>
      %select_n3A_1842 = arith.select %ge3A_1838, %sub3A_1841, %select_n3A_1835 : vector<16xi1>, vector<16xi32>
      %ge3A_1843 = arith.constant 8000000 : i32
      %ge3A_1844 = vector.broadcast %ge3A_1843 : i32 to vector<16xi32>
      %ge3A_1845 = arith.cmpi sge, %select_n3A_1842, %ge3A_1844 : vector<16xi32>
      %sub3A_1846 = arith.constant 8000000 : i32
      %sub3A_1847 = vector.broadcast %sub3A_1846 : i32 to vector<16xi32>
      %sub3A_1848 = arith.subi %select_n3A_1842, %sub3A_1847 : vector<16xi32>
      %select_n3A_1849 = arith.select %ge3A_1845, %sub3A_1848, %select_n3A_1842 : vector<16xi1>, vector<16xi32>
      %ge3A_1850 = arith.constant 4000000 : i32
      %ge3A_1851 = vector.broadcast %ge3A_1850 : i32 to vector<16xi32>
      %ge3A_1852 = arith.cmpi sge, %select_n3A_1849, %ge3A_1851 : vector<16xi32>
      %sub3A_1853 = arith.constant 4000000 : i32
      %sub3A_1854 = vector.broadcast %sub3A_1853 : i32 to vector<16xi32>
      %sub3A_1855 = arith.subi %select_n3A_1849, %sub3A_1854 : vector<16xi32>
      %select_n3A_1856 = arith.select %ge3A_1852, %sub3A_1855, %select_n3A_1849 : vector<16xi1>, vector<16xi32>
      %ge3A_1857 = arith.constant 2000000 : i32
      %ge3A_1858 = vector.broadcast %ge3A_1857 : i32 to vector<16xi32>
      %ge3A_1859 = arith.cmpi sge, %select_n3A_1856, %ge3A_1858 : vector<16xi32>
      %sub3A_1860 = arith.constant 2000000 : i32
      %sub3A_1861 = vector.broadcast %sub3A_1860 : i32 to vector<16xi32>
      %sub3A_1862 = arith.subi %select_n3A_1856, %sub3A_1861 : vector<16xi32>
      %select_n3A_1863 = arith.select %ge3A_1859, %sub3A_1862, %select_n3A_1856 : vector<16xi1>, vector<16xi32>
      %ge3A_1864 = arith.constant 1000000 : i32
      %ge3A_1865 = vector.broadcast %ge3A_1864 : i32 to vector<16xi32>
      %ge3A_1866 = arith.cmpi sge, %select_n3A_1863, %ge3A_1865 : vector<16xi32>
      %sub3A_1867 = arith.constant 1000000 : i32
      %sub3A_1868 = vector.broadcast %sub3A_1867 : i32 to vector<16xi32>
      %sub3A_1869 = arith.subi %select_n3A_1863, %sub3A_1868 : vector<16xi32>
      %select_n3A_1870 = arith.select %ge3A_1866, %sub3A_1869, %select_n3A_1863 : vector<16xi1>, vector<16xi32>
      %add3A_1871 = arith.constant 80 : i32
      %add3A_1872 = arith.addi %multiple_of3A_1319, %add3A_1871 : i32
      %swap3A_1873 = arith.index_cast %add3A_1872 : i32 to index
      %swap3A_1874 = tpu.vector_load %arg6[%swap3A_1873] {strides = array<i32>} : memref<3328xi32, #tpu.memory_space<vmem>>, vector<16xi32>,
      %swap3A_1875 = vector.shape_cast %swap3A_1874 : vector<16xi32> to vector<16xi32>
      %swap3A_1876 = vector.shape_cast %select_n3A_1870 : vector<16xi32> to vector<16xi32>
      tpu.vector_store %arg6[%swap3A_1873], %swap3A_1876 {strides = array<i32>} : memref<3328xi32, #tpu.memory_space<vmem>>, vector<16xi32>,
      %add3A_1877 = arith.constant 96 : i32
      %add3A_1878 = arith.addi %multiple_of3A_1319, %add3A_1877 : i32
      %get3A_1879 = arith.index_cast %add3A_1878 : i32 to index
      %get3A_1880 = tpu.vector_load %arg5[%get3A_1879] {strides = array<i32>} : memref<3328xi32, #tpu.memory_space<vmem>>, vector<16xi32>,
      %get3A_1881 = vector.shape_cast %get3A_1880 : vector<16xi32> to vector<16xi32>
      %shift_right_logical3A_1882 = arith.constant 10 : i32
      %shift_right_logical3A_1883 = vector.broadcast %shift_right_logical3A_1882 : i32 to vector<16xi32>
      %shift_right_logical3A_1884 = arith.shrui %get3A_1881, %shift_right_logical3A_1883 : vector<16xi32>
      %and3A_1885 = arith.constant 1023 : i32
      %and3A_1886 = vector.broadcast %and3A_1885 : i32 to vector<16xi32>
      %and3A_1887 = arith.andi %get3A_1881, %and3A_1886 : vector<16xi32>
      %mul3A_1888 = arith.constant 219264 : i32
      %mul3A_1889 = vector.broadcast %mul3A_1888 : i32 to vector<16xi32>
      %mul3A_1890 = arith.muli %shift_right_logical3A_1884, %mul3A_1889 : vector<16xi32>
      %mul3A_1891 = arith.constant 435761 : i32
      %mul3A_1892 = vector.broadcast %mul3A_1891 : i32 to vector<16xi32>
      %mul3A_1893 = arith.muli %and3A_1887, %mul3A_1892 : vector<16xi32>
      %add3A_1894 = arith.addi %mul3A_1890, %mul3A_1893 : vector<16xi32>
      %ge3A_1895 = arith.constant 512000000 : i32
      %ge3A_1896 = vector.broadcast %ge3A_1895 : i32 to vector<16xi32>
      %ge3A_1897 = arith.cmpi sge, %add3A_1894, %ge3A_1896 : vector<16xi32>
      %sub3A_1898 = arith.constant 512000000 : i32
      %sub3A_1899 = vector.broadcast %sub3A_1898 : i32 to vector<16xi32>
      %sub3A_1900 = arith.subi %add3A_1894, %sub3A_1899 : vector<16xi32>
      %select_n3A_1901 = arith.select %ge3A_1897, %sub3A_1900, %add3A_1894 : vector<16xi1>, vector<16xi32>
      %ge3A_1902 = arith.constant 256000000 : i32
      %ge3A_1903 = vector.broadcast %ge3A_1902 : i32 to vector<16xi32>
      %ge3A_1904 = arith.cmpi sge, %select_n3A_1901, %ge3A_1903 : vector<16xi32>
      %sub3A_1905 = arith.constant 256000000 : i32
      %sub3A_1906 = vector.broadcast %sub3A_1905 : i32 to vector<16xi32>
      %sub3A_1907 = arith.subi %select_n3A_1901, %sub3A_1906 : vector<16xi32>
      %select_n3A_1908 = arith.select %ge3A_1904, %sub3A_1907, %select_n3A_1901 : vector<16xi1>, vector<16xi32>
      %ge3A_1909 = arith.constant 128000000 : i32
      %ge3A_1910 = vector.broadcast %ge3A_1909 : i32 to vector<16xi32>
      %ge3A_1911 = arith.cmpi sge, %select_n3A_1908, %ge3A_1910 : vector<16xi32>
      %sub3A_1912 = arith.constant 128000000 : i32
      %sub3A_1913 = vector.broadcast %sub3A_1912 : i32 to vector<16xi32>
      %sub3A_1914 = arith.subi %select_n3A_1908, %sub3A_1913 : vector<16xi32>
      %select_n3A_1915 = arith.select %ge3A_1911, %sub3A_1914, %select_n3A_1908 : vector<16xi1>, vector<16xi32>
      %ge3A_1916 = arith.constant 64000000 : i32
      %ge3A_1917 = vector.broadcast %ge3A_1916 : i32 to vector<16xi32>
      %ge3A_1918 = arith.cmpi sge, %select_n3A_1915, %ge3A_1917 : vector<16xi32>
      %sub3A_1919 = arith.constant 64000000 : i32
      %sub3A_1920 = vector.broadcast %sub3A_1919 : i32 to vector<16xi32>
      %sub3A_1921 = arith.subi %select_n3A_1915, %sub3A_1920 : vector<16xi32>
      %select_n3A_1922 = arith.select %ge3A_1918, %sub3A_1921, %select_n3A_1915 : vector<16xi1>, vector<16xi32>
      %ge3A_1923 = arith.constant 32000000 : i32
      %ge3A_1924 = vector.broadcast %ge3A_1923 : i32 to vector<16xi32>
      %ge3A_1925 = arith.cmpi sge, %select_n3A_1922, %ge3A_1924 : vector<16xi32>
      %sub3A_1926 = arith.constant 32000000 : i32
      %sub3A_1927 = vector.broadcast %sub3A_1926 : i32 to vector<16xi32>
      %sub3A_1928 = arith.subi %select_n3A_1922, %sub3A_1927 : vector<16xi32>
      %select_n3A_1929 = arith.select %ge3A_1925, %sub3A_1928, %select_n3A_1922 : vector<16xi1>, vector<16xi32>
      %ge3A_1930 = arith.constant 16000000 : i32
      %ge3A_1931 = vector.broadcast %ge3A_1930 : i32 to vector<16xi32>
      %ge3A_1932 = arith.cmpi sge, %select_n3A_1929, %ge3A_1931 : vector<16xi32>
      %sub3A_1933 = arith.constant 16000000 : i32
      %sub3A_1934 = vector.broadcast %sub3A_1933 : i32 to vector<16xi32>
      %sub3A_1935 = arith.subi %select_n3A_1929, %sub3A_1934 : vector<16xi32>
      %select_n3A_1936 = arith.select %ge3A_1932, %sub3A_1935, %select_n3A_1929 : vector<16xi1>, vector<16xi32>
      %ge3A_1937 = arith.constant 8000000 : i32
      %ge3A_1938 = vector.broadcast %ge3A_1937 : i32 to vector<16xi32>
      %ge3A_1939 = arith.cmpi sge, %select_n3A_1936, %ge3A_1938 : vector<16xi32>
      %sub3A_1940 = arith.constant 8000000 : i32
      %sub3A_1941 = vector.broadcast %sub3A_1940 : i32 to vector<16xi32>
      %sub3A_1942 = arith.subi %select_n3A_1936, %sub3A_1941 : vector<16xi32>
      %select_n3A_1943 = arith.select %ge3A_1939, %sub3A_1942, %select_n3A_1936 : vector<16xi1>, vector<16xi32>
      %ge3A_1944 = arith.constant 4000000 : i32
      %ge3A_1945 = vector.broadcast %ge3A_1944 : i32 to vector<16xi32>
      %ge3A_1946 = arith.cmpi sge, %select_n3A_1943, %ge3A_1945 : vector<16xi32>
      %sub3A_1947 = arith.constant 4000000 : i32
      %sub3A_1948 = vector.broadcast %sub3A_1947 : i32 to vector<16xi32>
      %sub3A_1949 = arith.subi %select_n3A_1943, %sub3A_1948 : vector<16xi32>
      %select_n3A_1950 = arith.select %ge3A_1946, %sub3A_1949, %select_n3A_1943 : vector<16xi1>, vector<16xi32>
      %ge3A_1951 = arith.constant 2000000 : i32
      %ge3A_1952 = vector.broadcast %ge3A_1951 : i32 to vector<16xi32>
      %ge3A_1953 = arith.cmpi sge, %select_n3A_1950, %ge3A_1952 : vector<16xi32>
      %sub3A_1954 = arith.constant 2000000 : i32
      %sub3A_1955 = vector.broadcast %sub3A_1954 : i32 to vector<16xi32>
      %sub3A_1956 = arith.subi %select_n3A_1950, %sub3A_1955 : vector<16xi32>
      %select_n3A_1957 = arith.select %ge3A_1953, %sub3A_1956, %select_n3A_1950 : vector<16xi1>, vector<16xi32>
      %ge3A_1958 = arith.constant 1000000 : i32
      %ge3A_1959 = vector.broadcast %ge3A_1958 : i32 to vector<16xi32>
      %ge3A_1960 = arith.cmpi sge, %select_n3A_1957, %ge3A_1959 : vector<16xi32>
      %sub3A_1961 = arith.constant 1000000 : i32
      %sub3A_1962 = vector.broadcast %sub3A_1961 : i32 to vector<16xi32>
      %sub3A_1963 = arith.subi %select_n3A_1957, %sub3A_1962 : vector<16xi32>
      %select_n3A_1964 = arith.select %ge3A_1960, %sub3A_1963, %select_n3A_1957 : vector<16xi1>, vector<16xi32>
      %add3A_1965 = arith.constant 96 : i32
      %add3A_1966 = arith.addi %multiple_of3A_1319, %add3A_1965 : i32
      %swap3A_1967 = arith.index_cast %add3A_1966 : i32 to index
      %swap3A_1968 = tpu.vector_load %arg6[%swap3A_1967] {strides = array<i32>} : memref<3328xi32, #tpu.memory_space<vmem>>, vector<16xi32>,
      %swap3A_1969 = vector.shape_cast %swap3A_1968 : vector<16xi32> to vector<16xi32>
      %swap3A_1970 = vector.shape_cast %select_n3A_1964 : vector<16xi32> to vector<16xi32>
      tpu.vector_store %arg6[%swap3A_1967], %swap3A_1970 {strides = array<i32>} : memref<3328xi32, #tpu.memory_space<vmem>>, vector<16xi32>,
      %add3A_1971 = arith.constant 112 : i32
      %add3A_1972 = arith.addi %multiple_of3A_1319, %add3A_1971 : i32
      %get3A_1973 = arith.index_cast %add3A_1972 : i32 to index
      %get3A_1974 = tpu.vector_load %arg5[%get3A_1973] {strides = array<i32>} : memref<3328xi32, #tpu.memory_space<vmem>>, vector<16xi32>,
      %get3A_1975 = vector.shape_cast %get3A_1974 : vector<16xi32> to vector<16xi32>
      %shift_right_logical3A_1976 = arith.constant 10 : i32
      %shift_right_logical3A_1977 = vector.broadcast %shift_right_logical3A_1976 : i32 to vector<16xi32>
      %shift_right_logical3A_1978 = arith.shrui %get3A_1975, %shift_right_logical3A_1977 : vector<16xi32>
      %and3A_1979 = arith.constant 1023 : i32
      %and3A_1980 = vector.broadcast %and3A_1979 : i32 to vector<16xi32>
      %and3A_1981 = arith.andi %get3A_1975, %and3A_1980 : vector<16xi32>
      %mul3A_1982 = arith.constant 219264 : i32
      %mul3A_1983 = vector.broadcast %mul3A_1982 : i32 to vector<16xi32>
      %mul3A_1984 = arith.muli %shift_right_logical3A_1978, %mul3A_1983 : vector<16xi32>
      %mul3A_1985 = arith.constant 435761 : i32
      %mul3A_1986 = vector.broadcast %mul3A_1985 : i32 to vector<16xi32>
      %mul3A_1987 = arith.muli %and3A_1981, %mul3A_1986 : vector<16xi32>
      %add3A_1988 = arith.addi %mul3A_1984, %mul3A_1987 : vector<16xi32>
      %ge3A_1989 = arith.constant 512000000 : i32
      %ge3A_1990 = vector.broadcast %ge3A_1989 : i32 to vector<16xi32>
      %ge3A_1991 = arith.cmpi sge, %add3A_1988, %ge3A_1990 : vector<16xi32>
      %sub3A_1992 = arith.constant 512000000 : i32
      %sub3A_1993 = vector.broadcast %sub3A_1992 : i32 to vector<16xi32>
      %sub3A_1994 = arith.subi %add3A_1988, %sub3A_1993 : vector<16xi32>
      %select_n3A_1995 = arith.select %ge3A_1991, %sub3A_1994, %add3A_1988 : vector<16xi1>, vector<16xi32>
      %ge3A_1996 = arith.constant 256000000 : i32
      %ge3A_1997 = vector.broadcast %ge3A_1996 : i32 to vector<16xi32>
      %ge3A_1998 = arith.cmpi sge, %select_n3A_1995, %ge3A_1997 : vector<16xi32>
      %sub3A_1999 = arith.constant 256000000 : i32
      %sub3A_2000 = vector.broadcast %sub3A_1999 : i32 to vector<16xi32>
      %sub3A_2001 = arith.subi %select_n3A_1995, %sub3A_2000 : vector<16xi32>
      %select_n3A_2002 = arith.select %ge3A_1998, %sub3A_2001, %select_n3A_1995 : vector<16xi1>, vector<16xi32>
      %ge3A_2003 = arith.constant 128000000 : i32
      %ge3A_2004 = vector.broadcast %ge3A_2003 : i32 to vector<16xi32>
      %ge3A_2005 = arith.cmpi sge, %select_n3A_2002, %ge3A_2004 : vector<16xi32>
      %sub3A_2006 = arith.constant 128000000 : i32
      %sub3A_2007 = vector.broadcast %sub3A_2006 : i32 to vector<16xi32>
      %sub3A_2008 = arith.subi %select_n3A_2002, %sub3A_2007 : vector<16xi32>
      %select_n3A_2009 = arith.select %ge3A_2005, %sub3A_2008, %select_n3A_2002 : vector<16xi1>, vector<16xi32>
      %ge3A_2010 = arith.constant 64000000 : i32
      %ge3A_2011 = vector.broadcast %ge3A_2010 : i32 to vector<16xi32>
      %ge3A_2012 = arith.cmpi sge, %select_n3A_2009, %ge3A_2011 : vector<16xi32>
      %sub3A_2013 = arith.constant 64000000 : i32
      %sub3A_2014 = vector.broadcast %sub3A_2013 : i32 to vector<16xi32>
      %sub3A_2015 = arith.subi %select_n3A_2009, %sub3A_2014 : vector<16xi32>
      %select_n3A_2016 = arith.select %ge3A_2012, %sub3A_2015, %select_n3A_2009 : vector<16xi1>, vector<16xi32>
      %ge3A_2017 = arith.constant 32000000 : i32
      %ge3A_2018 = vector.broadcast %ge3A_2017 : i32 to vector<16xi32>
      %ge3A_2019 = arith.cmpi sge, %select_n3A_2016, %ge3A_2018 : vector<16xi32>
      %sub3A_2020 = arith.constant 32000000 : i32
      %sub3A_2021 = vector.broadcast %sub3A_2020 : i32 to vector<16xi32>
      %sub3A_2022 = arith.subi %select_n3A_2016, %sub3A_2021 : vector<16xi32>
      %select_n3A_2023 = arith.select %ge3A_2019, %sub3A_2022, %select_n3A_2016 : vector<16xi1>, vector<16xi32>
      %ge3A_2024 = arith.constant 16000000 : i32
      %ge3A_2025 = vector.broadcast %ge3A_2024 : i32 to vector<16xi32>
      %ge3A_2026 = arith.cmpi sge, %select_n3A_2023, %ge3A_2025 : vector<16xi32>
      %sub3A_2027 = arith.constant 16000000 : i32
      %sub3A_2028 = vector.broadcast %sub3A_2027 : i32 to vector<16xi32>
      %sub3A_2029 = arith.subi %select_n3A_2023, %sub3A_2028 : vector<16xi32>
      %select_n3A_2030 = arith.select %ge3A_2026, %sub3A_2029, %select_n3A_2023 : vector<16xi1>, vector<16xi32>
      %ge3A_2031 = arith.constant 8000000 : i32
      %ge3A_2032 = vector.broadcast %ge3A_2031 : i32 to vector<16xi32>
      %ge3A_2033 = arith.cmpi sge, %select_n3A_2030, %ge3A_2032 : vector<16xi32>
      %sub3A_2034 = arith.constant 8000000 : i32
      %sub3A_2035 = vector.broadcast %sub3A_2034 : i32 to vector<16xi32>
      %sub3A_2036 = arith.subi %select_n3A_2030, %sub3A_2035 : vector<16xi32>
      %select_n3A_2037 = arith.select %ge3A_2033, %sub3A_2036, %select_n3A_2030 : vector<16xi1>, vector<16xi32>
      %ge3A_2038 = arith.constant 4000000 : i32
      %ge3A_2039 = vector.broadcast %ge3A_2038 : i32 to vector<16xi32>
      %ge3A_2040 = arith.cmpi sge, %select_n3A_2037, %ge3A_2039 : vector<16xi32>
      %sub3A_2041 = arith.constant 4000000 : i32
      %sub3A_2042 = vector.broadcast %sub3A_2041 : i32 to vector<16xi32>
      %sub3A_2043 = arith.subi %select_n3A_2037, %sub3A_2042 : vector<16xi32>
      %select_n3A_2044 = arith.select %ge3A_2040, %sub3A_2043, %select_n3A_2037 : vector<16xi1>, vector<16xi32>
      %ge3A_2045 = arith.constant 2000000 : i32
      %ge3A_2046 = vector.broadcast %ge3A_2045 : i32 to vector<16xi32>
      %ge3A_2047 = arith.cmpi sge, %select_n3A_2044, %ge3A_2046 : vector<16xi32>
      %sub3A_2048 = arith.constant 2000000 : i32
      %sub3A_2049 = vector.broadcast %sub3A_2048 : i32 to vector<16xi32>
      %sub3A_2050 = arith.subi %select_n3A_2044, %sub3A_2049 : vector<16xi32>
      %select_n3A_2051 = arith.select %ge3A_2047, %sub3A_2050, %select_n3A_2044 : vector<16xi1>, vector<16xi32>
      %ge3A_2052 = arith.constant 1000000 : i32
      %ge3A_2053 = vector.broadcast %ge3A_2052 : i32 to vector<16xi32>
      %ge3A_2054 = arith.cmpi sge, %select_n3A_2051, %ge3A_2053 : vector<16xi32>
      %sub3A_2055 = arith.constant 1000000 : i32
      %sub3A_2056 = vector.broadcast %sub3A_2055 : i32 to vector<16xi32>
      %sub3A_2057 = arith.subi %select_n3A_2051, %sub3A_2056 : vector<16xi32>
      %select_n3A_2058 = arith.select %ge3A_2054, %sub3A_2057, %select_n3A_2051 : vector<16xi1>, vector<16xi32>
      %add3A_2059 = arith.constant 112 : i32
      %add3A_2060 = arith.addi %multiple_of3A_1319, %add3A_2059 : i32
      %swap3A_2061 = arith.index_cast %add3A_2060 : i32 to index
      %swap3A_2062 = tpu.vector_load %arg6[%swap3A_2061] {strides = array<i32>} : memref<3328xi32, #tpu.memory_space<vmem>>, vector<16xi32>,
      %swap3A_2063 = vector.shape_cast %swap3A_2062 : vector<16xi32> to vector<16xi32>
      %swap3A_2064 = vector.shape_cast %select_n3A_2058 : vector<16xi32> to vector<16xi32>
      tpu.vector_store %arg6[%swap3A_2061], %swap3A_2064 {strides = array<i32>} : memref<3328xi32, #tpu.memory_space<vmem>>, vector<16xi32>,
    }
    %scan3A_53 = arith.constant 22 : i32
    %dma_wait3A_54 = arith.constant 0 : i32
    %dma_wait3A_55 = arith.constant 0 : i32
    %dma_wait3A_56 = arith.constant 0 : i32
    %dma_wait3A_57 = tpu.memref_slice %arg7[%dma_wait3A_54, %dma_wait3A_55, %dma_wait3A_56] : memref<6x128x128xf32, #tpu.memory_space<vmem>> -> memref<1x128x128xf32, #tpu.memory_space<vmem>>
    %dma_wait3A_58 = tpu.memref_squeeze %dma_wait3A_57 : memref<1x128x128xf32, #tpu.memory_space<vmem>> -> memref<128x128xf32, #tpu.memory_space<vmem>>
    %dma_wait3A_59 = arith.constant 0 : i32
    %dma_wait3A_60 = tpu.memref_slice %arg6[%dma_wait3A_59] : memref<3328xi32, #tpu.memory_space<vmem>> -> memref<128xi32, #tpu.memory_space<vmem>>
    %dma_wait3A_61 = arith.constant 0 : i32
    %dma_wait3A_62 = arith.constant 0 : i32
    %dma_wait3A_63 = tpu.memref_slice %arg3[%dma_wait3A_61, %dma_wait3A_62] : memref<1000000x128xf32, #tpu.memory_space<hbm>> -> memref<1000000x128xf32, #tpu.memory_space<hbm>>
    tpu.wait_indirect_dma semaphore(%arg9 : memref<!tpu.dma_semaphore, #tpu.memory_space<semaphore_mem>>) src(%dma_wait3A_63 : memref<1000000x128xf32, #tpu.memory_space<hbm>>) dst(%dma_wait3A_58 : memref<128x128xf32, #tpu.memory_space<vmem>>)
    %add3A_64 = arith.constant 0 : i32
    %add3A_65 = arith.addi %multiple_of3A, %add3A_64 : i32
    %dma_start3A_66 = arith.constant 0 : i32
    %dma_start3A_67 = arith.constant 0 : i32
    %dma_start3A_68 = arith.constant 0 : i32
    %dma_start3A_69 = tpu.memref_slice %arg7[%dma_start3A_66, %dma_start3A_67, %dma_start3A_68] : memref<6x128x128xf32, #tpu.memory_space<vmem>> -> memref<1x128x128xf32, #tpu.memory_space<vmem>>
    %dma_start3A_70 = tpu.memref_squeeze %dma_start3A_69 : memref<1x128x128xf32, #tpu.memory_space<vmem>> -> memref<128x128xf32, #tpu.memory_space<vmem>>
    %dma_start3A_71 = arith.constant 0 : i32
    %dma_start3A_72 = tpu.memref_slice %arg4[%add3A_65, %dma_start3A_71] : memref<106496x128xf32, #tpu.memory_space<hbm>> -> memref<128x128xf32, #tpu.memory_space<hbm>>
    %dma_start3A_73 = arith.constant 0 : i32
    %dma_start3A_74 = tpu.memref_slice %arg4[%add3A_65, %dma_start3A_73] : memref<106496x128xf32, #tpu.memory_space<hbm>> -> memref<128x128xf32, #tpu.memory_space<hbm>>
    %dma_start3A_75 = arith.constant 0 : i32
    %dma_start3A_76 = arith.constant 0 : i32
    %dma_start3A_77 = tpu.memref_slice %arg7[%dma_start3A_66, %dma_start3A_75, %dma_start3A_76] : memref<6x128x128xf32, #tpu.memory_space<vmem>> -> memref<1x128x128xf32, #tpu.memory_space<vmem>>
    %dma_start3A_78 = tpu.memref_squeeze %dma_start3A_77 : memref<1x128x128xf32, #tpu.memory_space<vmem>> -> memref<128x128xf32, #tpu.memory_space<vmem>>
    tpu.enqueue_dma source(%dma_start3A_78 : memref<128x128xf32, #tpu.memory_space<vmem>>) target(%dma_start3A_74 : memref<128x128xf32, #tpu.memory_space<hbm>>) target_semaphore(%arg15 : memref<!tpu.dma_semaphore, #tpu.memory_space<semaphore_mem>>)
    %dma_start3A_79 = arith.constant 4 : i32
    %dma_start3A_80 = arith.constant 0 : i32
    %dma_start3A_81 = arith.constant 0 : i32
    %dma_start3A_82 = tpu.memref_slice %arg7[%dma_start3A_79, %dma_start3A_80, %dma_start3A_81] : memref<6x128x128xf32, #tpu.memory_space<vmem>> -> memref<1x128x128xf32, #tpu.memory_space<vmem>>
    %dma_start3A_83 = tpu.memref_squeeze %dma_start3A_82 : memref<1x128x128xf32, #tpu.memory_space<vmem>> -> memref<128x128xf32, #tpu.memory_space<vmem>>
    %dma_start3A_84 = arith.constant 512 : i32
    %dma_start3A_85 = tpu.memref_slice %arg6[%dma_start3A_84] : memref<3328xi32, #tpu.memory_space<vmem>> -> memref<128xi32, #tpu.memory_space<vmem>>
    %dma_start3A_86 = arith.constant 0 : i32
    %dma_start3A_87 = arith.constant 0 : i32
    %dma_start3A_88 = tpu.memref_slice %arg3[%dma_start3A_86, %dma_start3A_87] : memref<1000000x128xf32, #tpu.memory_space<hbm>> -> memref<1000000x128xf32, #tpu.memory_space<hbm>>
    tpu.enqueue_indirect_dma source(%dma_start3A_88 : memref<1000000x128xf32, #tpu.memory_space<hbm>>) target(%dma_start3A_83 : memref<128x128xf32, #tpu.memory_space<vmem>>) offsets(%dma_start3A_85 : memref<128xi32, #tpu.memory_space<vmem>>) semaphore(%arg13 : memref<!tpu.dma_semaphore, #tpu.memory_space<semaphore_mem>>)
    %dma_wait3A_89 = arith.constant 1 : i32
    %dma_wait3A_90 = arith.constant 0 : i32
    %dma_wait3A_91 = arith.constant 0 : i32
    %dma_wait3A_92 = tpu.memref_slice %arg7[%dma_wait3A_89, %dma_wait3A_90, %dma_wait3A_91] : memref<6x128x128xf32, #tpu.memory_space<vmem>> -> memref<1x128x128xf32, #tpu.memory_space<vmem>>
    %dma_wait3A_93 = tpu.memref_squeeze %dma_wait3A_92 : memref<1x128x128xf32, #tpu.memory_space<vmem>> -> memref<128x128xf32, #tpu.memory_space<vmem>>
    %dma_wait3A_94 = arith.constant 128 : i32
    %dma_wait3A_95 = tpu.memref_slice %arg6[%dma_wait3A_94] : memref<3328xi32, #tpu.memory_space<vmem>> -> memref<128xi32, #tpu.memory_space<vmem>>
    %dma_wait3A_96 = arith.constant 0 : i32
    %dma_wait3A_97 = arith.constant 0 : i32
    %dma_wait3A_98 = tpu.memref_slice %arg3[%dma_wait3A_96, %dma_wait3A_97] : memref<1000000x128xf32, #tpu.memory_space<hbm>> -> memref<1000000x128xf32, #tpu.memory_space<hbm>>
    tpu.wait_indirect_dma semaphore(%arg10 : memref<!tpu.dma_semaphore, #tpu.memory_space<semaphore_mem>>) src(%dma_wait3A_98 : memref<1000000x128xf32, #tpu.memory_space<hbm>>) dst(%dma_wait3A_93 : memref<128x128xf32, #tpu.memory_space<vmem>>)
    %add3A_99 = arith.constant 128 : i32
    %add3A_100 = arith.addi %multiple_of3A, %add3A_99 : i32
    %dma_start3A_101 = arith.constant 1 : i32
    %dma_start3A_102 = arith.constant 0 : i32
    %dma_start3A_103 = arith.constant 0 : i32
    %dma_start3A_104 = tpu.memref_slice %arg7[%dma_start3A_101, %dma_start3A_102, %dma_start3A_103] : memref<6x128x128xf32, #tpu.memory_space<vmem>> -> memref<1x128x128xf32, #tpu.memory_space<vmem>>
    %dma_start3A_105 = tpu.memref_squeeze %dma_start3A_104 : memref<1x128x128xf32, #tpu.memory_space<vmem>> -> memref<128x128xf32, #tpu.memory_space<vmem>>
    %dma_start3A_106 = arith.constant 0 : i32
    %dma_start3A_107 = tpu.memref_slice %arg4[%add3A_100, %dma_start3A_106] : memref<106496x128xf32, #tpu.memory_space<hbm>> -> memref<128x128xf32, #tpu.memory_space<hbm>>
    %dma_start3A_108 = arith.constant 0 : i32
    %dma_start3A_109 = tpu.memref_slice %arg4[%add3A_100, %dma_start3A_108] : memref<106496x128xf32, #tpu.memory_space<hbm>> -> memref<128x128xf32, #tpu.memory_space<hbm>>
    %dma_start3A_110 = arith.constant 0 : i32
    %dma_start3A_111 = arith.constant 0 : i32
    %dma_start3A_112 = tpu.memref_slice %arg7[%dma_start3A_101, %dma_start3A_110, %dma_start3A_111] : memref<6x128x128xf32, #tpu.memory_space<vmem>> -> memref<1x128x128xf32, #tpu.memory_space<vmem>>
    %dma_start3A_113 = tpu.memref_squeeze %dma_start3A_112 : memref<1x128x128xf32, #tpu.memory_space<vmem>> -> memref<128x128xf32, #tpu.memory_space<vmem>>
    tpu.enqueue_dma source(%dma_start3A_113 : memref<128x128xf32, #tpu.memory_space<vmem>>) target(%dma_start3A_109 : memref<128x128xf32, #tpu.memory_space<hbm>>) target_semaphore(%arg16 : memref<!tpu.dma_semaphore, #tpu.memory_space<semaphore_mem>>)
    %dma_start3A_114 = arith.constant 5 : i32
    %dma_start3A_115 = arith.constant 0 : i32
    %dma_start3A_116 = arith.constant 0 : i32
    %dma_start3A_117 = tpu.memref_slice %arg7[%dma_start3A_114, %dma_start3A_115, %dma_start3A_116] : memref<6x128x128xf32, #tpu.memory_space<vmem>> -> memref<1x128x128xf32, #tpu.memory_space<vmem>>
    %dma_start3A_118 = tpu.memref_squeeze %dma_start3A_117 : memref<1x128x128xf32, #tpu.memory_space<vmem>> -> memref<128x128xf32, #tpu.memory_space<vmem>>
    %dma_start3A_119 = arith.constant 640 : i32
    %dma_start3A_120 = tpu.memref_slice %arg6[%dma_start3A_119] : memref<3328xi32, #tpu.memory_space<vmem>> -> memref<128xi32, #tpu.memory_space<vmem>>
    %dma_start3A_121 = arith.constant 0 : i32
    %dma_start3A_122 = arith.constant 0 : i32
    %dma_start3A_123 = tpu.memref_slice %arg3[%dma_start3A_121, %dma_start3A_122] : memref<1000000x128xf32, #tpu.memory_space<hbm>> -> memref<1000000x128xf32, #tpu.memory_space<hbm>>
    tpu.enqueue_indirect_dma source(%dma_start3A_123 : memref<1000000x128xf32, #tpu.memory_space<hbm>>) target(%dma_start3A_118 : memref<128x128xf32, #tpu.memory_space<vmem>>) offsets(%dma_start3A_120 : memref<128xi32, #tpu.memory_space<vmem>>) semaphore(%arg14 : memref<!tpu.dma_semaphore, #tpu.memory_space<semaphore_mem>>)
    %dma_wait3A_124 = arith.constant 2 : i32
    %dma_wait3A_125 = arith.constant 0 : i32
    %dma_wait3A_126 = arith.constant 0 : i32
    %dma_wait3A_127 = tpu.memref_slice %arg7[%dma_wait3A_124, %dma_wait3A_125, %dma_wait3A_126] : memref<6x128x128xf32, #tpu.memory_space<vmem>> -> memref<1x128x128xf32, #tpu.memory_space<vmem>>
    %dma_wait3A_128 = tpu.memref_squeeze %dma_wait3A_127 : memref<1x128x128xf32, #tpu.memory_space<vmem>> -> memref<128x128xf32, #tpu.memory_space<vmem>>
    %dma_wait3A_129 = arith.constant 256 : i32
    %dma_wait3A_130 = tpu.memref_slice %arg6[%dma_wait3A_129] : memref<3328xi32, #tpu.memory_space<vmem>> -> memref<128xi32, #tpu.memory_space<vmem>>
    %dma_wait3A_131 = arith.constant 0 : i32
    %dma_wait3A_132 = arith.constant 0 : i32
    %dma_wait3A_133 = tpu.memref_slice %arg3[%dma_wait3A_131, %dma_wait3A_132] : memref<1000000x128xf32, #tpu.memory_space<hbm>> -> memref<1000000x128xf32, #tpu.memory_space<hbm>>
    tpu.wait_indirect_dma semaphore(%arg11 : memref<!tpu.dma_semaphore, #tpu.memory_space<semaphore_mem>>) src(%dma_wait3A_133 : memref<1000000x128xf32, #tpu.memory_space<hbm>>) dst(%dma_wait3A_128 : memref<128x128xf32, #tpu.memory_space<vmem>>)
    %add3A_134 = arith.constant 256 : i32
    %add3A_135 = arith.addi %multiple_of3A, %add3A_134 : i32
    %dma_start3A_136 = arith.constant 2 : i32
    %dma_start3A_137 = arith.constant 0 : i32
    %dma_start3A_138 = arith.constant 0 : i32
    %dma_start3A_139 = tpu.memref_slice %arg7[%dma_start3A_136, %dma_start3A_137, %dma_start3A_138] : memref<6x128x128xf32, #tpu.memory_space<vmem>> -> memref<1x128x128xf32, #tpu.memory_space<vmem>>
    %dma_start3A_140 = tpu.memref_squeeze %dma_start3A_139 : memref<1x128x128xf32, #tpu.memory_space<vmem>> -> memref<128x128xf32, #tpu.memory_space<vmem>>
    %dma_start3A_141 = arith.constant 0 : i32
    %dma_start3A_142 = tpu.memref_slice %arg4[%add3A_135, %dma_start3A_141] : memref<106496x128xf32, #tpu.memory_space<hbm>> -> memref<128x128xf32, #tpu.memory_space<hbm>>
    %dma_start3A_143 = arith.constant 0 : i32
    %dma_start3A_144 = tpu.memref_slice %arg4[%add3A_135, %dma_start3A_143] : memref<106496x128xf32, #tpu.memory_space<hbm>> -> memref<128x128xf32, #tpu.memory_space<hbm>>
    %dma_start3A_145 = arith.constant 0 : i32
    %dma_start3A_146 = arith.constant 0 : i32
    %dma_start3A_147 = tpu.memref_slice %arg7[%dma_start3A_136, %dma_start3A_145, %dma_start3A_146] : memref<6x128x128xf32, #tpu.memory_space<vmem>> -> memref<1x128x128xf32, #tpu.memory_space<vmem>>
    %dma_start3A_148 = tpu.memref_squeeze %dma_start3A_147 : memref<1x128x128xf32, #tpu.memory_space<vmem>> -> memref<128x128xf32, #tpu.memory_space<vmem>>
    tpu.enqueue_dma source(%dma_start3A_148 : memref<128x128xf32, #tpu.memory_space<vmem>>) target(%dma_start3A_144 : memref<128x128xf32, #tpu.memory_space<hbm>>) target_semaphore(%arg17 : memref<!tpu.dma_semaphore, #tpu.memory_space<semaphore_mem>>)
    %add3A_149 = arith.constant 0 : i32
    %add3A_150 = arith.addi %multiple_of3A, %add3A_149 : i32
    %dma_wait3A_151 = arith.constant 0 : i32
    %dma_wait3A_152 = arith.constant 0 : i32
    %dma_wait3A_153 = arith.constant 0 : i32
    %dma_wait3A_154 = tpu.memref_slice %arg7[%dma_wait3A_151, %dma_wait3A_152, %dma_wait3A_153] : memref<6x128x128xf32, #tpu.memory_space<vmem>> -> memref<1x128x128xf32, #tpu.memory_space<vmem>>
    %dma_wait3A_155 = tpu.memref_squeeze %dma_wait3A_154 : memref<1x128x128xf32, #tpu.memory_space<vmem>> -> memref<128x128xf32, #tpu.memory_space<vmem>>
    %dma_wait3A_156 = arith.constant 0 : i32
    %dma_wait3A_157 = tpu.memref_slice %arg4[%add3A_150, %dma_wait3A_156] : memref<106496x128xf32, #tpu.memory_space<hbm>> -> memref<128x128xf32, #tpu.memory_space<hbm>>
    %dma_wait3A_158 = arith.constant 0 : i32
    %dma_wait3A_159 = tpu.memref_slice %arg4[%add3A_150, %dma_wait3A_158] : memref<106496x128xf32, #tpu.memory_space<hbm>> -> memref<128x128xf32, #tpu.memory_space<hbm>>
    %dma_wait3A_160 = arith.constant 0 : i32
    %dma_wait3A_161 = arith.constant 0 : i32
    %dma_wait3A_162 = tpu.memref_slice %arg7[%dma_wait3A_151, %dma_wait3A_160, %dma_wait3A_161] : memref<6x128x128xf32, #tpu.memory_space<vmem>> -> memref<1x128x128xf32, #tpu.memory_space<vmem>>
    %dma_wait3A_163 = tpu.memref_squeeze %dma_wait3A_162 : memref<1x128x128xf32, #tpu.memory_space<vmem>> -> memref<128x128xf32, #tpu.memory_space<vmem>>
    tpu.wait_dma2 semaphore(%arg15 : memref<!tpu.dma_semaphore, #tpu.memory_space<semaphore_mem>>) src(%dma_wait3A_163 : memref<128x128xf32, #tpu.memory_space<vmem>>) dst(%dma_wait3A_159 : memref<128x128xf32, #tpu.memory_space<hbm>>)
    %dma_start3A_164 = arith.constant 0 : i32
    %dma_start3A_165 = arith.constant 0 : i32
    %dma_start3A_166 = arith.constant 0 : i32
    %dma_start3A_167 = tpu.memref_slice %arg7[%dma_start3A_164, %dma_start3A_165, %dma_start3A_166] : memref<6x128x128xf32, #tpu.memory_space<vmem>> -> memref<1x128x128xf32, #tpu.memory_space<vmem>>
    %dma_start3A_168 = tpu.memref_squeeze %dma_start3A_167 : memref<1x128x128xf32, #tpu.memory_space<vmem>> -> memref<128x128xf32, #tpu.memory_space<vmem>>
    %dma_start3A_169 = arith.constant 768 : i32
    %dma_start3A_170 = tpu.memref_slice %arg6[%dma_start3A_169] : memref<3328xi32, #tpu.memory_space<vmem>> -> memref<128xi32, #tpu.memory_space<vmem>>
    %dma_start3A_171 = arith.constant 0 : i32
    %dma_start3A_172 = arith.constant 0 : i32
    %dma_start3A_173 = tpu.memref_slice %arg3[%dma_start3A_171, %dma_start3A_172] : memref<1000000x128xf32, #tpu.memory_space<hbm>> -> memref<1000000x128xf32, #tpu.memory_space<hbm>>
    tpu.enqueue_indirect_dma source(%dma_start3A_173 : memref<1000000x128xf32, #tpu.memory_space<hbm>>) target(%dma_start3A_168 : memref<128x128xf32, #tpu.memory_space<vmem>>) offsets(%dma_start3A_170 : memref<128xi32, #tpu.memory_space<vmem>>) semaphore(%arg9 : memref<!tpu.dma_semaphore, #tpu.memory_space<semaphore_mem>>)
    %dma_wait3A_174 = arith.constant 3 : i32
    %dma_wait3A_175 = arith.constant 0 : i32
    %dma_wait3A_176 = arith.constant 0 : i32
    %dma_wait3A_177 = tpu.memref_slice %arg7[%dma_wait3A_174, %dma_wait3A_175, %dma_wait3A_176] : memref<6x128x128xf32, #tpu.memory_space<vmem>> -> memref<1x128x128xf32, #tpu.memory_space<vmem>>
    %dma_wait3A_178 = tpu.memref_squeeze %dma_wait3A_177 : memref<1x128x128xf32, #tpu.memory_space<vmem>> -> memref<128x128xf32, #tpu.memory_space<vmem>>
    %dma_wait3A_179 = arith.constant 384 : i32
    %dma_wait3A_180 = tpu.memref_slice %arg6[%dma_wait3A_179] : memref<3328xi32, #tpu.memory_space<vmem>> -> memref<128xi32, #tpu.memory_space<vmem>>
    %dma_wait3A_181 = arith.constant 0 : i32
    %dma_wait3A_182 = arith.constant 0 : i32
    %dma_wait3A_183 = tpu.memref_slice %arg3[%dma_wait3A_181, %dma_wait3A_182] : memref<1000000x128xf32, #tpu.memory_space<hbm>> -> memref<1000000x128xf32, #tpu.memory_space<hbm>>
    tpu.wait_indirect_dma semaphore(%arg12 : memref<!tpu.dma_semaphore, #tpu.memory_space<semaphore_mem>>) src(%dma_wait3A_183 : memref<1000000x128xf32, #tpu.memory_space<hbm>>) dst(%dma_wait3A_178 : memref<128x128xf32, #tpu.memory_space<vmem>>)
    %add3A_184 = arith.constant 384 : i32
    %add3A_185 = arith.addi %multiple_of3A, %add3A_184 : i32
    %dma_start3A_186 = arith.constant 3 : i32
    %dma_start3A_187 = arith.constant 0 : i32
    %dma_start3A_188 = arith.constant 0 : i32
    %dma_start3A_189 = tpu.memref_slice %arg7[%dma_start3A_186, %dma_start3A_187, %dma_start3A_188] : memref<6x128x128xf32, #tpu.memory_space<vmem>> -> memref<1x128x128xf32, #tpu.memory_space<vmem>>
    %dma_start3A_190 = tpu.memref_squeeze %dma_start3A_189 : memref<1x128x128xf32, #tpu.memory_space<vmem>> -> memref<128x128xf32, #tpu.memory_space<vmem>>
    %dma_start3A_191 = arith.constant 0 : i32
    %dma_start3A_192 = tpu.memref_slice %arg4[%add3A_185, %dma_start3A_191] : memref<106496x128xf32, #tpu.memory_space<hbm>> -> memref<128x128xf32, #tpu.memory_space<hbm>>
    %dma_start3A_193 = arith.constant 0 : i32
    %dma_start3A_194 = tpu.memref_slice %arg4[%add3A_185, %dma_start3A_193] : memref<106496x128xf32, #tpu.memory_space<hbm>> -> memref<128x128xf32, #tpu.memory_space<hbm>>
    %dma_start3A_195 = arith.constant 0 : i32
    %dma_start3A_196 = arith.constant 0 : i32
    %dma_start3A_197 = tpu.memref_slice %arg7[%dma_start3A_186, %dma_start3A_195, %dma_start3A_196] : memref<6x128x128xf32, #tpu.memory_space<vmem>> -> memref<1x128x128xf32, #tpu.memory_space<vmem>>
    %dma_start3A_198 = tpu.memref_squeeze %dma_start3A_197 : memref<1x128x128xf32, #tpu.memory_space<vmem>> -> memref<128x128xf32, #tpu.memory_space<vmem>>
    tpu.enqueue_dma source(%dma_start3A_198 : memref<128x128xf32, #tpu.memory_space<vmem>>) target(%dma_start3A_194 : memref<128x128xf32, #tpu.memory_space<hbm>>) target_semaphore(%arg18 : memref<!tpu.dma_semaphore, #tpu.memory_space<semaphore_mem>>)
    %add3A_199 = arith.constant 128 : i32
    %add3A_200 = arith.addi %multiple_of3A, %add3A_199 : i32
    %dma_wait3A_201 = arith.constant 1 : i32
    %dma_wait3A_202 = arith.constant 0 : i32
    %dma_wait3A_203 = arith.constant 0 : i32
    %dma_wait3A_204 = tpu.memref_slice %arg7[%dma_wait3A_201, %dma_wait3A_202, %dma_wait3A_203] : memref<6x128x128xf32, #tpu.memory_space<vmem>> -> memref<1x128x128xf32, #tpu.memory_space<vmem>>
    %dma_wait3A_205 = tpu.memref_squeeze %dma_wait3A_204 : memref<1x128x128xf32, #tpu.memory_space<vmem>> -> memref<128x128xf32, #tpu.memory_space<vmem>>
    %dma_wait3A_206 = arith.constant 0 : i32
    %dma_wait3A_207 = tpu.memref_slice %arg4[%add3A_200, %dma_wait3A_206] : memref<106496x128xf32, #tpu.memory_space<hbm>> -> memref<128x128xf32, #tpu.memory_space<hbm>>
    %dma_wait3A_208 = arith.constant 0 : i32
    %dma_wait3A_209 = tpu.memref_slice %arg4[%add3A_200, %dma_wait3A_208] : memref<106496x128xf32, #tpu.memory_space<hbm>> -> memref<128x128xf32, #tpu.memory_space<hbm>>
    %dma_wait3A_210 = arith.constant 0 : i32
    %dma_wait3A_211 = arith.constant 0 : i32
    %dma_wait3A_212 = tpu.memref_slice %arg7[%dma_wait3A_201, %dma_wait3A_210, %dma_wait3A_211] : memref<6x128x128xf32, #tpu.memory_space<vmem>> -> memref<1x128x128xf32, #tpu.memory_space<vmem>>
    %dma_wait3A_213 = tpu.memref_squeeze %dma_wait3A_212 : memref<1x128x128xf32, #tpu.memory_space<vmem>> -> memref<128x128xf32, #tpu.memory_space<vmem>>
    tpu.wait_dma2 semaphore(%arg16 : memref<!tpu.dma_semaphore, #tpu.memory_space<semaphore_mem>>) src(%dma_wait3A_213 : memref<128x128xf32, #tpu.memory_space<vmem>>) dst(%dma_wait3A_209 : memref<128x128xf32, #tpu.memory_space<hbm>>)
    %dma_start3A_214 = arith.constant 1 : i32
    %dma_start3A_215 = arith.constant 0 : i32
    %dma_start3A_216 = arith.constant 0 : i32
    %dma_start3A_217 = tpu.memref_slice %arg7[%dma_start3A_214, %dma_start3A_215, %dma_start3A_216] : memref<6x128x128xf32, #tpu.memory_space<vmem>> -> memref<1x128x128xf32, #tpu.memory_space<vmem>>
    %dma_start3A_218 = tpu.memref_squeeze %dma_start3A_217 : memref<1x128x128xf32, #tpu.memory_space<vmem>> -> memref<128x128xf32, #tpu.memory_space<vmem>>
    %dma_start3A_219 = arith.constant 896 : i32
    %dma_start3A_220 = tpu.memref_slice %arg6[%dma_start3A_219] : memref<3328xi32, #tpu.memory_space<vmem>> -> memref<128xi32, #tpu.memory_space<vmem>>
    %dma_start3A_221 = arith.constant 0 : i32
    %dma_start3A_222 = arith.constant 0 : i32
    %dma_start3A_223 = tpu.memref_slice %arg3[%dma_start3A_221, %dma_start3A_222] : memref<1000000x128xf32, #tpu.memory_space<hbm>> -> memref<1000000x128xf32, #tpu.memory_space<hbm>>
    tpu.enqueue_indirect_dma source(%dma_start3A_223 : memref<1000000x128xf32, #tpu.memory_space<hbm>>) target(%dma_start3A_218 : memref<128x128xf32, #tpu.memory_space<vmem>>) offsets(%dma_start3A_220 : memref<128xi32, #tpu.memory_space<vmem>>) semaphore(%arg10 : memref<!tpu.dma_semaphore, #tpu.memory_space<semaphore_mem>>)
    %dma_wait3A_224 = arith.constant 4 : i32
    %dma_wait3A_225 = arith.constant 0 : i32
    %dma_wait3A_226 = arith.constant 0 : i32
    %dma_wait3A_227 = tpu.memref_slice %arg7[%dma_wait3A_224, %dma_wait3A_225, %dma_wait3A_226] : memref<6x128x128xf32, #tpu.memory_space<vmem>> -> memref<1x128x128xf32, #tpu.memory_space<vmem>>
    %dma_wait3A_228 = tpu.memref_squeeze %dma_wait3A_227 : memref<1x128x128xf32, #tpu.memory_space<vmem>> -> memref<128x128xf32, #tpu.memory_space<vmem>>
    %dma_wait3A_229 = arith.constant 512 : i32
    %dma_wait3A_230 = tpu.memref_slice %arg6[%dma_wait3A_229] : memref<3328xi32, #tpu.memory_space<vmem>> -> memref<128xi32, #tpu.memory_space<vmem>>
    %dma_wait3A_231 = arith.constant 0 : i32
    %dma_wait3A_232 = arith.constant 0 : i32
    %dma_wait3A_233 = tpu.memref_slice %arg3[%dma_wait3A_231, %dma_wait3A_232] : memref<1000000x128xf32, #tpu.memory_space<hbm>> -> memref<1000000x128xf32, #tpu.memory_space<hbm>>
    tpu.wait_indirect_dma semaphore(%arg13 : memref<!tpu.dma_semaphore, #tpu.memory_space<semaphore_mem>>) src(%dma_wait3A_233 : memref<1000000x128xf32, #tpu.memory_space<hbm>>) dst(%dma_wait3A_228 : memref<128x128xf32, #tpu.memory_space<vmem>>)
    %add3A_234 = arith.constant 512 : i32
    %add3A_235 = arith.addi %multiple_of3A, %add3A_234 : i32
    %dma_start3A_236 = arith.constant 4 : i32
    %dma_start3A_237 = arith.constant 0 : i32
    %dma_start3A_238 = arith.constant 0 : i32
    %dma_start3A_239 = tpu.memref_slice %arg7[%dma_start3A_236, %dma_start3A_237, %dma_start3A_238] : memref<6x128x128xf32, #tpu.memory_space<vmem>> -> memref<1x128x128xf32, #tpu.memory_space<vmem>>
    %dma_start3A_240 = tpu.memref_squeeze %dma_start3A_239 : memref<1x128x128xf32, #tpu.memory_space<vmem>> -> memref<128x128xf32, #tpu.memory_space<vmem>>
    %dma_start3A_241 = arith.constant 0 : i32
    %dma_start3A_242 = tpu.memref_slice %arg4[%add3A_235, %dma_start3A_241] : memref<106496x128xf32, #tpu.memory_space<hbm>> -> memref<128x128xf32, #tpu.memory_space<hbm>>
    %dma_start3A_243 = arith.constant 0 : i32
    %dma_start3A_244 = tpu.memref_slice %arg4[%add3A_235, %dma_start3A_243] : memref<106496x128xf32, #tpu.memory_space<hbm>> -> memref<128x128xf32, #tpu.memory_space<hbm>>
    %dma_start3A_245 = arith.constant 0 : i32
    %dma_start3A_246 = arith.constant 0 : i32
    %dma_start3A_247 = tpu.memref_slice %arg7[%dma_start3A_236, %dma_start3A_245, %dma_start3A_246] : memref<6x128x128xf32, #tpu.memory_space<vmem>> -> memref<1x128x128xf32, #tpu.memory_space<vmem>>
    %dma_start3A_248 = tpu.memref_squeeze %dma_start3A_247 : memref<1x128x128xf32, #tpu.memory_space<vmem>> -> memref<128x128xf32, #tpu.memory_space<vmem>>
    tpu.enqueue_dma source(%dma_start3A_248 : memref<128x128xf32, #tpu.memory_space<vmem>>) target(%dma_start3A_244 : memref<128x128xf32, #tpu.memory_space<hbm>>) target_semaphore(%arg19 : memref<!tpu.dma_semaphore, #tpu.memory_space<semaphore_mem>>)
    %add3A_249 = arith.constant 256 : i32
    %add3A_250 = arith.addi %multiple_of3A, %add3A_249 : i32
    %dma_wait3A_251 = arith.constant 2 : i32
    %dma_wait3A_252 = arith.constant 0 : i32
    %dma_wait3A_253 = arith.constant 0 : i32
    %dma_wait3A_254 = tpu.memref_slice %arg7[%dma_wait3A_251, %dma_wait3A_252, %dma_wait3A_253] : memref<6x128x128xf32, #tpu.memory_space<vmem>> -> memref<1x128x128xf32, #tpu.memory_space<vmem>>
    %dma_wait3A_255 = tpu.memref_squeeze %dma_wait3A_254 : memref<1x128x128xf32, #tpu.memory_space<vmem>> -> memref<128x128xf32, #tpu.memory_space<vmem>>
    %dma_wait3A_256 = arith.constant 0 : i32
    %dma_wait3A_257 = tpu.memref_slice %arg4[%add3A_250, %dma_wait3A_256] : memref<106496x128xf32, #tpu.memory_space<hbm>> -> memref<128x128xf32, #tpu.memory_space<hbm>>
    %dma_wait3A_258 = arith.constant 0 : i32
    %dma_wait3A_259 = tpu.memref_slice %arg4[%add3A_250, %dma_wait3A_258] : memref<106496x128xf32, #tpu.memory_space<hbm>> -> memref<128x128xf32, #tpu.memory_space<hbm>>
    %dma_wait3A_260 = arith.constant 0 : i32
    %dma_wait3A_261 = arith.constant 0 : i32
    %dma_wait3A_262 = tpu.memref_slice %arg7[%dma_wait3A_251, %dma_wait3A_260, %dma_wait3A_261] : memref<6x128x128xf32, #tpu.memory_space<vmem>> -> memref<1x128x128xf32, #tpu.memory_space<vmem>>
    %dma_wait3A_263 = tpu.memref_squeeze %dma_wait3A_262 : memref<1x128x128xf32, #tpu.memory_space<vmem>> -> memref<128x128xf32, #tpu.memory_space<vmem>>
    tpu.wait_dma2 semaphore(%arg17 : memref<!tpu.dma_semaphore, #tpu.memory_space<semaphore_mem>>) src(%dma_wait3A_263 : memref<128x128xf32, #tpu.memory_space<vmem>>) dst(%dma_wait3A_259 : memref<128x128xf32, #tpu.memory_space<hbm>>)
    %dma_start3A_264 = arith.constant 2 : i32
    %dma_start3A_265 = arith.constant 0 : i32
    %dma_start3A_266 = arith.constant 0 : i32
    %dma_start3A_267 = tpu.memref_slice %arg7[%dma_start3A_264, %dma_start3A_265, %dma_start3A_266] : memref<6x128x128xf32, #tpu.memory_space<vmem>> -> memref<1x128x128xf32, #tpu.memory_space<vmem>>
    %dma_start3A_268 = tpu.memref_squeeze %dma_start3A_267 : memref<1x128x128xf32, #tpu.memory_space<vmem>> -> memref<128x128xf32, #tpu.memory_space<vmem>>
    %dma_start3A_269 = arith.constant 1024 : i32
    %dma_start3A_270 = tpu.memref_slice %arg6[%dma_start3A_269] : memref<3328xi32, #tpu.memory_space<vmem>> -> memref<128xi32, #tpu.memory_space<vmem>>
    %dma_start3A_271 = arith.constant 0 : i32
    %dma_start3A_272 = arith.constant 0 : i32
    %dma_start3A_273 = tpu.memref_slice %arg3[%dma_start3A_271, %dma_start3A_272] : memref<1000000x128xf32, #tpu.memory_space<hbm>> -> memref<1000000x128xf32, #tpu.memory_space<hbm>>
    tpu.enqueue_indirect_dma source(%dma_start3A_273 : memref<1000000x128xf32, #tpu.memory_space<hbm>>) target(%dma_start3A_268 : memref<128x128xf32, #tpu.memory_space<vmem>>) offsets(%dma_start3A_270 : memref<128xi32, #tpu.memory_space<vmem>>) semaphore(%arg11 : memref<!tpu.dma_semaphore, #tpu.memory_space<semaphore_mem>>)
    %dma_wait3A_274 = arith.constant 5 : i32
    %dma_wait3A_275 = arith.constant 0 : i32
    %dma_wait3A_276 = arith.constant 0 : i32
    %dma_wait3A_277 = tpu.memref_slice %arg7[%dma_wait3A_274, %dma_wait3A_275, %dma_wait3A_276] : memref<6x128x128xf32, #tpu.memory_space<vmem>> -> memref<1x128x128xf32, #tpu.memory_space<vmem>>
    %dma_wait3A_278 = tpu.memref_squeeze %dma_wait3A_277 : memref<1x128x128xf32, #tpu.memory_space<vmem>> -> memref<128x128xf32, #tpu.memory_space<vmem>>
    %dma_wait3A_279 = arith.constant 640 : i32
    %dma_wait3A_280 = tpu.memref_slice %arg6[%dma_wait3A_279] : memref<3328xi32, #tpu.memory_space<vmem>> -> memref<128xi32, #tpu.memory_space<vmem>>
    %dma_wait3A_281 = arith.constant 0 : i32
    %dma_wait3A_282 = arith.constant 0 : i32
    %dma_wait3A_283 = tpu.memref_slice %arg3[%dma_wait3A_281, %dma_wait3A_282] : memref<1000000x128xf32, #tpu.memory_space<hbm>> -> memref<1000000x128xf32, #tpu.memory_space<hbm>>
    tpu.wait_indirect_dma semaphore(%arg14 : memref<!tpu.dma_semaphore, #tpu.memory_space<semaphore_mem>>) src(%dma_wait3A_283 : memref<1000000x128xf32, #tpu.memory_space<hbm>>) dst(%dma_wait3A_278 : memref<128x128xf32, #tpu.memory_space<vmem>>)
    %add3A_284 = arith.constant 640 : i32
    %add3A_285 = arith.addi %multiple_of3A, %add3A_284 : i32
    %dma_start3A_286 = arith.constant 5 : i32
    %dma_start3A_287 = arith.constant 0 : i32
    %dma_start3A_288 = arith.constant 0 : i32
    %dma_start3A_289 = tpu.memref_slice %arg7[%dma_start3A_286, %dma_start3A_287, %dma_start3A_288] : memref<6x128x128xf32, #tpu.memory_space<vmem>> -> memref<1x128x128xf32, #tpu.memory_space<vmem>>
    %dma_start3A_290 = tpu.memref_squeeze %dma_start3A_289 : memref<1x128x128xf32, #tpu.memory_space<vmem>> -> memref<128x128xf32, #tpu.memory_space<vmem>>
    %dma_start3A_291 = arith.constant 0 : i32
    %dma_start3A_292 = tpu.memref_slice %arg4[%add3A_285, %dma_start3A_291] : memref<106496x128xf32, #tpu.memory_space<hbm>> -> memref<128x128xf32, #tpu.memory_space<hbm>>
    %dma_start3A_293 = arith.constant 0 : i32
    %dma_start3A_294 = tpu.memref_slice %arg4[%add3A_285, %dma_start3A_293] : memref<106496x128xf32, #tpu.memory_space<hbm>> -> memref<128x128xf32, #tpu.memory_space<hbm>>
    %dma_start3A_295 = arith.constant 0 : i32
    %dma_start3A_296 = arith.constant 0 : i32
    %dma_start3A_297 = tpu.memref_slice %arg7[%dma_start3A_286, %dma_start3A_295, %dma_start3A_296] : memref<6x128x128xf32, #tpu.memory_space<vmem>> -> memref<1x128x128xf32, #tpu.memory_space<vmem>>
    %dma_start3A_298 = tpu.memref_squeeze %dma_start3A_297 : memref<1x128x128xf32, #tpu.memory_space<vmem>> -> memref<128x128xf32, #tpu.memory_space<vmem>>
    tpu.enqueue_dma source(%dma_start3A_298 : memref<128x128xf32, #tpu.memory_space<vmem>>) target(%dma_start3A_294 : memref<128x128xf32, #tpu.memory_space<hbm>>) target_semaphore(%arg20 : memref<!tpu.dma_semaphore, #tpu.memory_space<semaphore_mem>>)
    %add3A_299 = arith.constant 384 : i32
    %add3A_300 = arith.addi %multiple_of3A, %add3A_299 : i32
    %dma_wait3A_301 = arith.constant 3 : i32
    %dma_wait3A_302 = arith.constant 0 : i32
    %dma_wait3A_303 = arith.constant 0 : i32
    %dma_wait3A_304 = tpu.memref_slice %arg7[%dma_wait3A_301, %dma_wait3A_302, %dma_wait3A_303] : memref<6x128x128xf32, #tpu.memory_space<vmem>> -> memref<1x128x128xf32, #tpu.memory_space<vmem>>
    %dma_wait3A_305 = tpu.memref_squeeze %dma_wait3A_304 : memref<1x128x128xf32, #tpu.memory_space<vmem>> -> memref<128x128xf32, #tpu.memory_space<vmem>>
    %dma_wait3A_306 = arith.constant 0 : i32
    %dma_wait3A_307 = tpu.memref_slice %arg4[%add3A_300, %dma_wait3A_306] : memref<106496x128xf32, #tpu.memory_space<hbm>> -> memref<128x128xf32, #tpu.memory_space<hbm>>
    %dma_wait3A_308 = arith.constant 0 : i32
    %dma_wait3A_309 = tpu.memref_slice %arg4[%add3A_300, %dma_wait3A_308] : memref<106496x128xf32, #tpu.memory_space<hbm>> -> memref<128x128xf32, #tpu.memory_space<hbm>>
    %dma_wait3A_310 = arith.constant 0 : i32
    %dma_wait3A_311 = arith.constant 0 : i32
    %dma_wait3A_312 = tpu.memref_slice %arg7[%dma_wait3A_301, %dma_wait3A_310, %dma_wait3A_311] : memref<6x128x128xf32, #tpu.memory_space<vmem>> -> memref<1x128x128xf32, #tpu.memory_space<vmem>>
    %dma_wait3A_313 = tpu.memref_squeeze %dma_wait3A_312 : memref<1x128x128xf32, #tpu.memory_space<vmem>> -> memref<128x128xf32, #tpu.memory_space<vmem>>
    tpu.wait_dma2 semaphore(%arg18 : memref<!tpu.dma_semaphore, #tpu.memory_space<semaphore_mem>>) src(%dma_wait3A_313 : memref<128x128xf32, #tpu.memory_space<vmem>>) dst(%dma_wait3A_309 : memref<128x128xf32, #tpu.memory_space<hbm>>)
    %dma_start3A_314 = arith.constant 3 : i32
    %dma_start3A_315 = arith.constant 0 : i32
    %dma_start3A_316 = arith.constant 0 : i32
    %dma_start3A_317 = tpu.memref_slice %arg7[%dma_start3A_314, %dma_start3A_315, %dma_start3A_316] : memref<6x128x128xf32, #tpu.memory_space<vmem>> -> memref<1x128x128xf32, #tpu.memory_space<vmem>>
    %dma_start3A_318 = tpu.memref_squeeze %dma_start3A_317 : memref<1x128x128xf32, #tpu.memory_space<vmem>> -> memref<128x128xf32, #tpu.memory_space<vmem>>
    %dma_start3A_319 = arith.constant 1152 : i32
    %dma_start3A_320 = tpu.memref_slice %arg6[%dma_start3A_319] : memref<3328xi32, #tpu.memory_space<vmem>> -> memref<128xi32, #tpu.memory_space<vmem>>
    %dma_start3A_321 = arith.constant 0 : i32
    %dma_start3A_322 = arith.constant 0 : i32
    %dma_start3A_323 = tpu.memref_slice %arg3[%dma_start3A_321, %dma_start3A_322] : memref<1000000x128xf32, #tpu.memory_space<hbm>> -> memref<1000000x128xf32, #tpu.memory_space<hbm>>
    tpu.enqueue_indirect_dma source(%dma_start3A_323 : memref<1000000x128xf32, #tpu.memory_space<hbm>>) target(%dma_start3A_318 : memref<128x128xf32, #tpu.memory_space<vmem>>) offsets(%dma_start3A_320 : memref<128xi32, #tpu.memory_space<vmem>>) semaphore(%arg12 : memref<!tpu.dma_semaphore, #tpu.memory_space<semaphore_mem>>)
    %dma_wait3A_324 = arith.constant 0 : i32
    %dma_wait3A_325 = arith.constant 0 : i32
    %dma_wait3A_326 = arith.constant 0 : i32
    %dma_wait3A_327 = tpu.memref_slice %arg7[%dma_wait3A_324, %dma_wait3A_325, %dma_wait3A_326] : memref<6x128x128xf32, #tpu.memory_space<vmem>> -> memref<1x128x128xf32, #tpu.memory_space<vmem>>
    %dma_wait3A_328 = tpu.memref_squeeze %dma_wait3A_327 : memref<1x128x128xf32, #tpu.memory_space<vmem>> -> memref<128x128xf32, #tpu.memory_space<vmem>>
    %dma_wait3A_329 = arith.constant 768 : i32
    %dma_wait3A_330 = tpu.memref_slice %arg6[%dma_wait3A_329] : memref<3328xi32, #tpu.memory_space<vmem>> -> memref<128xi32, #tpu.memory_space<vmem>>
    %dma_wait3A_331 = arith.constant 0 : i32
    %dma_wait3A_332 = arith.constant 0 : i32
    %dma_wait3A_333 = tpu.memref_slice %arg3[%dma_wait3A_331, %dma_wait3A_332] : memref<1000000x128xf32, #tpu.memory_space<hbm>> -> memref<1000000x128xf32, #tpu.memory_space<hbm>>
    tpu.wait_indirect_dma semaphore(%arg9 : memref<!tpu.dma_semaphore, #tpu.memory_space<semaphore_mem>>) src(%dma_wait3A_333 : memref<1000000x128xf32, #tpu.memory_space<hbm>>) dst(%dma_wait3A_328 : memref<128x128xf32, #tpu.memory_space<vmem>>)
    %add3A_334 = arith.constant 768 : i32
    %add3A_335 = arith.addi %multiple_of3A, %add3A_334 : i32
    %dma_start3A_336 = arith.constant 0 : i32
    %dma_start3A_337 = arith.constant 0 : i32
    %dma_start3A_338 = arith.constant 0 : i32
    %dma_start3A_339 = tpu.memref_slice %arg7[%dma_start3A_336, %dma_start3A_337, %dma_start3A_338] : memref<6x128x128xf32, #tpu.memory_space<vmem>> -> memref<1x128x128xf32, #tpu.memory_space<vmem>>
    %dma_start3A_340 = tpu.memref_squeeze %dma_start3A_339 : memref<1x128x128xf32, #tpu.memory_space<vmem>> -> memref<128x128xf32, #tpu.memory_space<vmem>>
    %dma_start3A_341 = arith.constant 0 : i32
    %dma_start3A_342 = tpu.memref_slice %arg4[%add3A_335, %dma_start3A_341] : memref<106496x128xf32, #tpu.memory_space<hbm>> -> memref<128x128xf32, #tpu.memory_space<hbm>>
    %dma_start3A_343 = arith.constant 0 : i32
    %dma_start3A_344 = tpu.memref_slice %arg4[%add3A_335, %dma_start3A_343] : memref<106496x128xf32, #tpu.memory_space<hbm>> -> memref<128x128xf32, #tpu.memory_space<hbm>>
    %dma_start3A_345 = arith.constant 0 : i32
    %dma_start3A_346 = arith.constant 0 : i32
    %dma_start3A_347 = tpu.memref_slice %arg7[%dma_start3A_336, %dma_start3A_345, %dma_start3A_346] : memref<6x128x128xf32, #tpu.memory_space<vmem>> -> memref<1x128x128xf32, #tpu.memory_space<vmem>>
    %dma_start3A_348 = tpu.memref_squeeze %dma_start3A_347 : memref<1x128x128xf32, #tpu.memory_space<vmem>> -> memref<128x128xf32, #tpu.memory_space<vmem>>
    tpu.enqueue_dma source(%dma_start3A_348 : memref<128x128xf32, #tpu.memory_space<vmem>>) target(%dma_start3A_344 : memref<128x128xf32, #tpu.memory_space<hbm>>) target_semaphore(%arg15 : memref<!tpu.dma_semaphore, #tpu.memory_space<semaphore_mem>>)
    %add3A_349 = arith.constant 512 : i32
    %add3A_350 = arith.addi %multiple_of3A, %add3A_349 : i32
    %dma_wait3A_351 = arith.constant 4 : i32
    %dma_wait3A_352 = arith.constant 0 : i32
    %dma_wait3A_353 = arith.constant 0 : i32
    %dma_wait3A_354 = tpu.memref_slice %arg7[%dma_wait3A_351, %dma_wait3A_352, %dma_wait3A_353] : memref<6x128x128xf32, #tpu.memory_space<vmem>> -> memref<1x128x128xf32, #tpu.memory_space<vmem>>
    %dma_wait3A_355 = tpu.memref_squeeze %dma_wait3A_354 : memref<1x128x128xf32, #tpu.memory_space<vmem>> -> memref<128x128xf32, #tpu.memory_space<vmem>>
    %dma_wait3A_356 = arith.constant 0 : i32
    %dma_wait3A_357 = tpu.memref_slice %arg4[%add3A_350, %dma_wait3A_356] : memref<106496x128xf32, #tpu.memory_space<hbm>> -> memref<128x128xf32, #tpu.memory_space<hbm>>
    %dma_wait3A_358 = arith.constant 0 : i32
    %dma_wait3A_359 = tpu.memref_slice %arg4[%add3A_350, %dma_wait3A_358] : memref<106496x128xf32, #tpu.memory_space<hbm>> -> memref<128x128xf32, #tpu.memory_space<hbm>>
    %dma_wait3A_360 = arith.constant 0 : i32
    %dma_wait3A_361 = arith.constant 0 : i32
    %dma_wait3A_362 = tpu.memref_slice %arg7[%dma_wait3A_351, %dma_wait3A_360, %dma_wait3A_361] : memref<6x128x128xf32, #tpu.memory_space<vmem>> -> memref<1x128x128xf32, #tpu.memory_space<vmem>>
    %dma_wait3A_363 = tpu.memref_squeeze %dma_wait3A_362 : memref<1x128x128xf32, #tpu.memory_space<vmem>> -> memref<128x128xf32, #tpu.memory_space<vmem>>
    tpu.wait_dma2 semaphore(%arg19 : memref<!tpu.dma_semaphore, #tpu.memory_space<semaphore_mem>>) src(%dma_wait3A_363 : memref<128x128xf32, #tpu.memory_space<vmem>>) dst(%dma_wait3A_359 : memref<128x128xf32, #tpu.memory_space<hbm>>)
    %dma_start3A_364 = arith.constant 4 : i32
    %dma_start3A_365 = arith.constant 0 : i32
    %dma_start3A_366 = arith.constant 0 : i32
    %dma_start3A_367 = tpu.memref_slice %arg7[%dma_start3A_364, %dma_start3A_365, %dma_start3A_366] : memref<6x128x128xf32, #tpu.memory_space<vmem>> -> memref<1x128x128xf32, #tpu.memory_space<vmem>>
    %dma_start3A_368 = tpu.memref_squeeze %dma_start3A_367 : memref<1x128x128xf32, #tpu.memory_space<vmem>> -> memref<128x128xf32, #tpu.memory_space<vmem>>
    %dma_start3A_369 = arith.constant 1280 : i32
    %dma_start3A_370 = tpu.memref_slice %arg6[%dma_start3A_369] : memref<3328xi32, #tpu.memory_space<vmem>> -> memref<128xi32, #tpu.memory_space<vmem>>
    %dma_start3A_371 = arith.constant 0 : i32
    %dma_start3A_372 = arith.constant 0 : i32
    %dma_start3A_373 = tpu.memref_slice %arg3[%dma_start3A_371, %dma_start3A_372] : memref<1000000x128xf32, #tpu.memory_space<hbm>> -> memref<1000000x128xf32, #tpu.memory_space<hbm>>
    tpu.enqueue_indirect_dma source(%dma_start3A_373 : memref<1000000x128xf32, #tpu.memory_space<hbm>>) target(%dma_start3A_368 : memref<128x128xf32, #tpu.memory_space<vmem>>) offsets(%dma_start3A_370 : memref<128xi32, #tpu.memory_space<vmem>>) semaphore(%arg13 : memref<!tpu.dma_semaphore, #tpu.memory_space<semaphore_mem>>)
    %dma_wait3A_374 = arith.constant 1 : i32
    %dma_wait3A_375 = arith.constant 0 : i32
    %dma_wait3A_376 = arith.constant 0 : i32
    %dma_wait3A_377 = tpu.memref_slice %arg7[%dma_wait3A_374, %dma_wait3A_375, %dma_wait3A_376] : memref<6x128x128xf32, #tpu.memory_space<vmem>> -> memref<1x128x128xf32, #tpu.memory_space<vmem>>
    %dma_wait3A_378 = tpu.memref_squeeze %dma_wait3A_377 : memref<1x128x128xf32, #tpu.memory_space<vmem>> -> memref<128x128xf32, #tpu.memory_space<vmem>>
    %dma_wait3A_379 = arith.constant 896 : i32
    %dma_wait3A_380 = tpu.memref_slice %arg6[%dma_wait3A_379] : memref<3328xi32, #tpu.memory_space<vmem>> -> memref<128xi32, #tpu.memory_space<vmem>>
    %dma_wait3A_381 = arith.constant 0 : i32
    %dma_wait3A_382 = arith.constant 0 : i32
    %dma_wait3A_383 = tpu.memref_slice %arg3[%dma_wait3A_381, %dma_wait3A_382] : memref<1000000x128xf32, #tpu.memory_space<hbm>> -> memref<1000000x128xf32, #tpu.memory_space<hbm>>
    tpu.wait_indirect_dma semaphore(%arg10 : memref<!tpu.dma_semaphore, #tpu.memory_space<semaphore_mem>>) src(%dma_wait3A_383 : memref<1000000x128xf32, #tpu.memory_space<hbm>>) dst(%dma_wait3A_378 : memref<128x128xf32, #tpu.memory_space<vmem>>)
    %add3A_384 = arith.constant 896 : i32
    %add3A_385 = arith.addi %multiple_of3A, %add3A_384 : i32
    %dma_start3A_386 = arith.constant 1 : i32
    %dma_start3A_387 = arith.constant 0 : i32
    %dma_start3A_388 = arith.constant 0 : i32
    %dma_start3A_389 = tpu.memref_slice %arg7[%dma_start3A_386, %dma_start3A_387, %dma_start3A_388] : memref<6x128x128xf32, #tpu.memory_space<vmem>> -> memref<1x128x128xf32, #tpu.memory_space<vmem>>
    %dma_start3A_390 = tpu.memref_squeeze %dma_start3A_389 : memref<1x128x128xf32, #tpu.memory_space<vmem>> -> memref<128x128xf32, #tpu.memory_space<vmem>>
    %dma_start3A_391 = arith.constant 0 : i32
    %dma_start3A_392 = tpu.memref_slice %arg4[%add3A_385, %dma_start3A_391] : memref<106496x128xf32, #tpu.memory_space<hbm>> -> memref<128x128xf32, #tpu.memory_space<hbm>>
    %dma_start3A_393 = arith.constant 0 : i32
    %dma_start3A_394 = tpu.memref_slice %arg4[%add3A_385, %dma_start3A_393] : memref<106496x128xf32, #tpu.memory_space<hbm>> -> memref<128x128xf32, #tpu.memory_space<hbm>>
    %dma_start3A_395 = arith.constant 0 : i32
    %dma_start3A_396 = arith.constant 0 : i32
    %dma_start3A_397 = tpu.memref_slice %arg7[%dma_start3A_386, %dma_start3A_395, %dma_start3A_396] : memref<6x128x128xf32, #tpu.memory_space<vmem>> -> memref<1x128x128xf32, #tpu.memory_space<vmem>>
    %dma_start3A_398 = tpu.memref_squeeze %dma_start3A_397 : memref<1x128x128xf32, #tpu.memory_space<vmem>> -> memref<128x128xf32, #tpu.memory_space<vmem>>
    tpu.enqueue_dma source(%dma_start3A_398 : memref<128x128xf32, #tpu.memory_space<vmem>>) target(%dma_start3A_394 : memref<128x128xf32, #tpu.memory_space<hbm>>) target_semaphore(%arg16 : memref<!tpu.dma_semaphore, #tpu.memory_space<semaphore_mem>>)
    %add3A_399 = arith.constant 640 : i32
    %add3A_400 = arith.addi %multiple_of3A, %add3A_399 : i32
    %dma_wait3A_401 = arith.constant 5 : i32
    %dma_wait3A_402 = arith.constant 0 : i32
    %dma_wait3A_403 = arith.constant 0 : i32
    %dma_wait3A_404 = tpu.memref_slice %arg7[%dma_wait3A_401, %dma_wait3A_402, %dma_wait3A_403] : memref<6x128x128xf32, #tpu.memory_space<vmem>> -> memref<1x128x128xf32, #tpu.memory_space<vmem>>
    %dma_wait3A_405 = tpu.memref_squeeze %dma_wait3A_404 : memref<1x128x128xf32, #tpu.memory_space<vmem>> -> memref<128x128xf32, #tpu.memory_space<vmem>>
    %dma_wait3A_406 = arith.constant 0 : i32
    %dma_wait3A_407 = tpu.memref_slice %arg4[%add3A_400, %dma_wait3A_406] : memref<106496x128xf32, #tpu.memory_space<hbm>> -> memref<128x128xf32, #tpu.memory_space<hbm>>
    %dma_wait3A_408 = arith.constant 0 : i32
    %dma_wait3A_409 = tpu.memref_slice %arg4[%add3A_400, %dma_wait3A_408] : memref<106496x128xf32, #tpu.memory_space<hbm>> -> memref<128x128xf32, #tpu.memory_space<hbm>>
    %dma_wait3A_410 = arith.constant 0 : i32
    %dma_wait3A_411 = arith.constant 0 : i32
    %dma_wait3A_412 = tpu.memref_slice %arg7[%dma_wait3A_401, %dma_wait3A_410, %dma_wait3A_411] : memref<6x128x128xf32, #tpu.memory_space<vmem>> -> memref<1x128x128xf32, #tpu.memory_space<vmem>>
    %dma_wait3A_413 = tpu.memref_squeeze %dma_wait3A_412 : memref<1x128x128xf32, #tpu.memory_space<vmem>> -> memref<128x128xf32, #tpu.memory_space<vmem>>
    tpu.wait_dma2 semaphore(%arg20 : memref<!tpu.dma_semaphore, #tpu.memory_space<semaphore_mem>>) src(%dma_wait3A_413 : memref<128x128xf32, #tpu.memory_space<vmem>>) dst(%dma_wait3A_409 : memref<128x128xf32, #tpu.memory_space<hbm>>)
    %dma_start3A_414 = arith.constant 5 : i32
    %dma_start3A_415 = arith.constant 0 : i32
    %dma_start3A_416 = arith.constant 0 : i32
    %dma_start3A_417 = tpu.memref_slice %arg7[%dma_start3A_414, %dma_start3A_415, %dma_start3A_416] : memref<6x128x128xf32, #tpu.memory_space<vmem>> -> memref<1x128x128xf32, #tpu.memory_space<vmem>>
    %dma_start3A_418 = tpu.memref_squeeze %dma_start3A_417 : memref<1x128x128xf32, #tpu.memory_space<vmem>> -> memref<128x128xf32, #tpu.memory_space<vmem>>
    %dma_start3A_419 = arith.constant 1408 : i32
    %dma_start3A_420 = tpu.memref_slice %arg6[%dma_start3A_419] : memref<3328xi32, #tpu.memory_space<vmem>> -> memref<128xi32, #tpu.memory_space<vmem>>
    %dma_start3A_421 = arith.constant 0 : i32
    %dma_start3A_422 = arith.constant 0 : i32
    %dma_start3A_423 = tpu.memref_slice %arg3[%dma_start3A_421, %dma_start3A_422] : memref<1000000x128xf32, #tpu.memory_space<hbm>> -> memref<1000000x128xf32, #tpu.memory_space<hbm>>
    tpu.enqueue_indirect_dma source(%dma_start3A_423 : memref<1000000x128xf32, #tpu.memory_space<hbm>>) target(%dma_start3A_418 : memref<128x128xf32, #tpu.memory_space<vmem>>) offsets(%dma_start3A_420 : memref<128xi32, #tpu.memory_space<vmem>>) semaphore(%arg14 : memref<!tpu.dma_semaphore, #tpu.memory_space<semaphore_mem>>)
    %dma_wait3A_424 = arith.constant 2 : i32
    %dma_wait3A_425 = arith.constant 0 : i32
    %dma_wait3A_426 = arith.constant 0 : i32
    %dma_wait3A_427 = tpu.memref_slice %arg7[%dma_wait3A_424, %dma_wait3A_425, %dma_wait3A_426] : memref<6x128x128xf32, #tpu.memory_space<vmem>> -> memref<1x128x128xf32, #tpu.memory_space<vmem>>
    %dma_wait3A_428 = tpu.memref_squeeze %dma_wait3A_427 : memref<1x128x128xf32, #tpu.memory_space<vmem>> -> memref<128x128xf32, #tpu.memory_space<vmem>>
    %dma_wait3A_429 = arith.constant 1024 : i32
    %dma_wait3A_430 = tpu.memref_slice %arg6[%dma_wait3A_429] : memref<3328xi32, #tpu.memory_space<vmem>> -> memref<128xi32, #tpu.memory_space<vmem>>
    %dma_wait3A_431 = arith.constant 0 : i32
    %dma_wait3A_432 = arith.constant 0 : i32
    %dma_wait3A_433 = tpu.memref_slice %arg3[%dma_wait3A_431, %dma_wait3A_432] : memref<1000000x128xf32, #tpu.memory_space<hbm>> -> memref<1000000x128xf32, #tpu.memory_space<hbm>>
    tpu.wait_indirect_dma semaphore(%arg11 : memref<!tpu.dma_semaphore, #tpu.memory_space<semaphore_mem>>) src(%dma_wait3A_433 : memref<1000000x128xf32, #tpu.memory_space<hbm>>) dst(%dma_wait3A_428 : memref<128x128xf32, #tpu.memory_space<vmem>>)
    %add3A_434 = arith.constant 1024 : i32
    %add3A_435 = arith.addi %multiple_of3A, %add3A_434 : i32
    %dma_start3A_436 = arith.constant 2 : i32
    %dma_start3A_437 = arith.constant 0 : i32
    %dma_start3A_438 = arith.constant 0 : i32
    %dma_start3A_439 = tpu.memref_slice %arg7[%dma_start3A_436, %dma_start3A_437, %dma_start3A_438] : memref<6x128x128xf32, #tpu.memory_space<vmem>> -> memref<1x128x128xf32, #tpu.memory_space<vmem>>
    %dma_start3A_440 = tpu.memref_squeeze %dma_start3A_439 : memref<1x128x128xf32, #tpu.memory_space<vmem>> -> memref<128x128xf32, #tpu.memory_space<vmem>>
    %dma_start3A_441 = arith.constant 0 : i32
    %dma_start3A_442 = tpu.memref_slice %arg4[%add3A_435, %dma_start3A_441] : memref<106496x128xf32, #tpu.memory_space<hbm>> -> memref<128x128xf32, #tpu.memory_space<hbm>>
    %dma_start3A_443 = arith.constant 0 : i32
    %dma_start3A_444 = tpu.memref_slice %arg4[%add3A_435, %dma_start3A_443] : memref<106496x128xf32, #tpu.memory_space<hbm>> -> memref<128x128xf32, #tpu.memory_space<hbm>>
    %dma_start3A_445 = arith.constant 0 : i32
    %dma_start3A_446 = arith.constant 0 : i32
    %dma_start3A_447 = tpu.memref_slice %arg7[%dma_start3A_436, %dma_start3A_445, %dma_start3A_446] : memref<6x128x128xf32, #tpu.memory_space<vmem>> -> memref<1x128x128xf32, #tpu.memory_space<vmem>>
    %dma_start3A_448 = tpu.memref_squeeze %dma_start3A_447 : memref<1x128x128xf32, #tpu.memory_space<vmem>> -> memref<128x128xf32, #tpu.memory_space<vmem>>
    tpu.enqueue_dma source(%dma_start3A_448 : memref<128x128xf32, #tpu.memory_space<vmem>>) target(%dma_start3A_444 : memref<128x128xf32, #tpu.memory_space<hbm>>) target_semaphore(%arg17 : memref<!tpu.dma_semaphore, #tpu.memory_space<semaphore_mem>>)
    %add3A_449 = arith.constant 768 : i32
    %add3A_450 = arith.addi %multiple_of3A, %add3A_449 : i32
    %dma_wait3A_451 = arith.constant 0 : i32
    %dma_wait3A_452 = arith.constant 0 : i32
    %dma_wait3A_453 = arith.constant 0 : i32
    %dma_wait3A_454 = tpu.memref_slice %arg7[%dma_wait3A_451, %dma_wait3A_452, %dma_wait3A_453] : memref<6x128x128xf32, #tpu.memory_space<vmem>> -> memref<1x128x128xf32, #tpu.memory_space<vmem>>
    %dma_wait3A_455 = tpu.memref_squeeze %dma_wait3A_454 : memref<1x128x128xf32, #tpu.memory_space<vmem>> -> memref<128x128xf32, #tpu.memory_space<vmem>>
    %dma_wait3A_456 = arith.constant 0 : i32
    %dma_wait3A_457 = tpu.memref_slice %arg4[%add3A_450, %dma_wait3A_456] : memref<106496x128xf32, #tpu.memory_space<hbm>> -> memref<128x128xf32, #tpu.memory_space<hbm>>
    %dma_wait3A_458 = arith.constant 0 : i32
    %dma_wait3A_459 = tpu.memref_slice %arg4[%add3A_450, %dma_wait3A_458] : memref<106496x128xf32, #tpu.memory_space<hbm>> -> memref<128x128xf32, #tpu.memory_space<hbm>>
    %dma_wait3A_460 = arith.constant 0 : i32
    %dma_wait3A_461 = arith.constant 0 : i32
    %dma_wait3A_462 = tpu.memref_slice %arg7[%dma_wait3A_451, %dma_wait3A_460, %dma_wait3A_461] : memref<6x128x128xf32, #tpu.memory_space<vmem>> -> memref<1x128x128xf32, #tpu.memory_space<vmem>>
    %dma_wait3A_463 = tpu.memref_squeeze %dma_wait3A_462 : memref<1x128x128xf32, #tpu.memory_space<vmem>> -> memref<128x128xf32, #tpu.memory_space<vmem>>
    tpu.wait_dma2 semaphore(%arg15 : memref<!tpu.dma_semaphore, #tpu.memory_space<semaphore_mem>>) src(%dma_wait3A_463 : memref<128x128xf32, #tpu.memory_space<vmem>>) dst(%dma_wait3A_459 : memref<128x128xf32, #tpu.memory_space<hbm>>)
    %dma_start3A_464 = arith.constant 0 : i32
    %dma_start3A_465 = arith.constant 0 : i32
    %dma_start3A_466 = arith.constant 0 : i32
    %dma_start3A_467 = tpu.memref_slice %arg7[%dma_start3A_464, %dma_start3A_465, %dma_start3A_466] : memref<6x128x128xf32, #tpu.memory_space<vmem>> -> memref<1x128x128xf32, #tpu.memory_space<vmem>>
    %dma_start3A_468 = tpu.memref_squeeze %dma_start3A_467 : memref<1x128x128xf32, #tpu.memory_space<vmem>> -> memref<128x128xf32, #tpu.memory_space<vmem>>
    %dma_start3A_469 = arith.constant 1536 : i32
    %dma_start3A_470 = tpu.memref_slice %arg6[%dma_start3A_469] : memref<3328xi32, #tpu.memory_space<vmem>> -> memref<128xi32, #tpu.memory_space<vmem>>
    %dma_start3A_471 = arith.constant 0 : i32
    %dma_start3A_472 = arith.constant 0 : i32
    %dma_start3A_473 = tpu.memref_slice %arg3[%dma_start3A_471, %dma_start3A_472] : memref<1000000x128xf32, #tpu.memory_space<hbm>> -> memref<1000000x128xf32, #tpu.memory_space<hbm>>
    tpu.enqueue_indirect_dma source(%dma_start3A_473 : memref<1000000x128xf32, #tpu.memory_space<hbm>>) target(%dma_start3A_468 : memref<128x128xf32, #tpu.memory_space<vmem>>) offsets(%dma_start3A_470 : memref<128xi32, #tpu.memory_space<vmem>>) semaphore(%arg9 : memref<!tpu.dma_semaphore, #tpu.memory_space<semaphore_mem>>)
    %dma_wait3A_474 = arith.constant 3 : i32
    %dma_wait3A_475 = arith.constant 0 : i32
    %dma_wait3A_476 = arith.constant 0 : i32
    %dma_wait3A_477 = tpu.memref_slice %arg7[%dma_wait3A_474, %dma_wait3A_475, %dma_wait3A_476] : memref<6x128x128xf32, #tpu.memory_space<vmem>> -> memref<1x128x128xf32, #tpu.memory_space<vmem>>
    %dma_wait3A_478 = tpu.memref_squeeze %dma_wait3A_477 : memref<1x128x128xf32, #tpu.memory_space<vmem>> -> memref<128x128xf32, #tpu.memory_space<vmem>>
    %dma_wait3A_479 = arith.constant 1152 : i32
    %dma_wait3A_480 = tpu.memref_slice %arg6[%dma_wait3A_479] : memref<3328xi32, #tpu.memory_space<vmem>> -> memref<128xi32, #tpu.memory_space<vmem>>
    %dma_wait3A_481 = arith.constant 0 : i32
    %dma_wait3A_482 = arith.constant 0 : i32
    %dma_wait3A_483 = tpu.memref_slice %arg3[%dma_wait3A_481, %dma_wait3A_482] : memref<1000000x128xf32, #tpu.memory_space<hbm>> -> memref<1000000x128xf32, #tpu.memory_space<hbm>>
    tpu.wait_indirect_dma semaphore(%arg12 : memref<!tpu.dma_semaphore, #tpu.memory_space<semaphore_mem>>) src(%dma_wait3A_483 : memref<1000000x128xf32, #tpu.memory_space<hbm>>) dst(%dma_wait3A_478 : memref<128x128xf32, #tpu.memory_space<vmem>>)
    %add3A_484 = arith.constant 1152 : i32
    %add3A_485 = arith.addi %multiple_of3A, %add3A_484 : i32
    %dma_start3A_486 = arith.constant 3 : i32
    %dma_start3A_487 = arith.constant 0 : i32
    %dma_start3A_488 = arith.constant 0 : i32
    %dma_start3A_489 = tpu.memref_slice %arg7[%dma_start3A_486, %dma_start3A_487, %dma_start3A_488] : memref<6x128x128xf32, #tpu.memory_space<vmem>> -> memref<1x128x128xf32, #tpu.memory_space<vmem>>
    %dma_start3A_490 = tpu.memref_squeeze %dma_start3A_489 : memref<1x128x128xf32, #tpu.memory_space<vmem>> -> memref<128x128xf32, #tpu.memory_space<vmem>>
    %dma_start3A_491 = arith.constant 0 : i32
    %dma_start3A_492 = tpu.memref_slice %arg4[%add3A_485, %dma_start3A_491] : memref<106496x128xf32, #tpu.memory_space<hbm>> -> memref<128x128xf32, #tpu.memory_space<hbm>>
    %dma_start3A_493 = arith.constant 0 : i32
    %dma_start3A_494 = tpu.memref_slice %arg4[%add3A_485, %dma_start3A_493] : memref<106496x128xf32, #tpu.memory_space<hbm>> -> memref<128x128xf32, #tpu.memory_space<hbm>>
    %dma_start3A_495 = arith.constant 0 : i32
    %dma_start3A_496 = arith.constant 0 : i32
    %dma_start3A_497 = tpu.memref_slice %arg7[%dma_start3A_486, %dma_start3A_495, %dma_start3A_496] : memref<6x128x128xf32, #tpu.memory_space<vmem>> -> memref<1x128x128xf32, #tpu.memory_space<vmem>>
    %dma_start3A_498 = tpu.memref_squeeze %dma_start3A_497 : memref<1x128x128xf32, #tpu.memory_space<vmem>> -> memref<128x128xf32, #tpu.memory_space<vmem>>
    tpu.enqueue_dma source(%dma_start3A_498 : memref<128x128xf32, #tpu.memory_space<vmem>>) target(%dma_start3A_494 : memref<128x128xf32, #tpu.memory_space<hbm>>) target_semaphore(%arg18 : memref<!tpu.dma_semaphore, #tpu.memory_space<semaphore_mem>>)
    %add3A_499 = arith.constant 896 : i32
    %add3A_500 = arith.addi %multiple_of3A, %add3A_499 : i32
    %dma_wait3A_501 = arith.constant 1 : i32
    %dma_wait3A_502 = arith.constant 0 : i32
    %dma_wait3A_503 = arith.constant 0 : i32
    %dma_wait3A_504 = tpu.memref_slice %arg7[%dma_wait3A_501, %dma_wait3A_502, %dma_wait3A_503] : memref<6x128x128xf32, #tpu.memory_space<vmem>> -> memref<1x128x128xf32, #tpu.memory_space<vmem>>
    %dma_wait3A_505 = tpu.memref_squeeze %dma_wait3A_504 : memref<1x128x128xf32, #tpu.memory_space<vmem>> -> memref<128x128xf32, #tpu.memory_space<vmem>>
    %dma_wait3A_506 = arith.constant 0 : i32
    %dma_wait3A_507 = tpu.memref_slice %arg4[%add3A_500, %dma_wait3A_506] : memref<106496x128xf32, #tpu.memory_space<hbm>> -> memref<128x128xf32, #tpu.memory_space<hbm>>
    %dma_wait3A_508 = arith.constant 0 : i32
    %dma_wait3A_509 = tpu.memref_slice %arg4[%add3A_500, %dma_wait3A_508] : memref<106496x128xf32, #tpu.memory_space<hbm>> -> memref<128x128xf32, #tpu.memory_space<hbm>>
    %dma_wait3A_510 = arith.constant 0 : i32
    %dma_wait3A_511 = arith.constant 0 : i32
    %dma_wait3A_512 = tpu.memref_slice %arg7[%dma_wait3A_501, %dma_wait3A_510, %dma_wait3A_511] : memref<6x128x128xf32, #tpu.memory_space<vmem>> -> memref<1x128x128xf32, #tpu.memory_space<vmem>>
    %dma_wait3A_513 = tpu.memref_squeeze %dma_wait3A_512 : memref<1x128x128xf32, #tpu.memory_space<vmem>> -> memref<128x128xf32, #tpu.memory_space<vmem>>
    tpu.wait_dma2 semaphore(%arg16 : memref<!tpu.dma_semaphore, #tpu.memory_space<semaphore_mem>>) src(%dma_wait3A_513 : memref<128x128xf32, #tpu.memory_space<vmem>>) dst(%dma_wait3A_509 : memref<128x128xf32, #tpu.memory_space<hbm>>)
    %dma_start3A_514 = arith.constant 1 : i32
    %dma_start3A_515 = arith.constant 0 : i32
    %dma_start3A_516 = arith.constant 0 : i32
    %dma_start3A_517 = tpu.memref_slice %arg7[%dma_start3A_514, %dma_start3A_515, %dma_start3A_516] : memref<6x128x128xf32, #tpu.memory_space<vmem>> -> memref<1x128x128xf32, #tpu.memory_space<vmem>>
    %dma_start3A_518 = tpu.memref_squeeze %dma_start3A_517 : memref<1x128x128xf32, #tpu.memory_space<vmem>> -> memref<128x128xf32, #tpu.memory_space<vmem>>
    %dma_start3A_519 = arith.constant 1664 : i32
    %dma_start3A_520 = tpu.memref_slice %arg6[%dma_start3A_519] : memref<3328xi32, #tpu.memory_space<vmem>> -> memref<128xi32, #tpu.memory_space<vmem>>
    %dma_start3A_521 = arith.constant 0 : i32
    %dma_start3A_522 = arith.constant 0 : i32
    %dma_start3A_523 = tpu.memref_slice %arg3[%dma_start3A_521, %dma_start3A_522] : memref<1000000x128xf32, #tpu.memory_space<hbm>> -> memref<1000000x128xf32, #tpu.memory_space<hbm>>
    tpu.enqueue_indirect_dma source(%dma_start3A_523 : memref<1000000x128xf32, #tpu.memory_space<hbm>>) target(%dma_start3A_518 : memref<128x128xf32, #tpu.memory_space<vmem>>) offsets(%dma_start3A_520 : memref<128xi32, #tpu.memory_space<vmem>>) semaphore(%arg10 : memref<!tpu.dma_semaphore, #tpu.memory_space<semaphore_mem>>)
    %dma_wait3A_524 = arith.constant 4 : i32
    %dma_wait3A_525 = arith.constant 0 : i32
    %dma_wait3A_526 = arith.constant 0 : i32
    %dma_wait3A_527 = tpu.memref_slice %arg7[%dma_wait3A_524, %dma_wait3A_525, %dma_wait3A_526] : memref<6x128x128xf32, #tpu.memory_space<vmem>> -> memref<1x128x128xf32, #tpu.memory_space<vmem>>
    %dma_wait3A_528 = tpu.memref_squeeze %dma_wait3A_527 : memref<1x128x128xf32, #tpu.memory_space<vmem>> -> memref<128x128xf32, #tpu.memory_space<vmem>>
    %dma_wait3A_529 = arith.constant 1280 : i32
    %dma_wait3A_530 = tpu.memref_slice %arg6[%dma_wait3A_529] : memref<3328xi32, #tpu.memory_space<vmem>> -> memref<128xi32, #tpu.memory_space<vmem>>
    %dma_wait3A_531 = arith.constant 0 : i32
    %dma_wait3A_532 = arith.constant 0 : i32
    %dma_wait3A_533 = tpu.memref_slice %arg3[%dma_wait3A_531, %dma_wait3A_532] : memref<1000000x128xf32, #tpu.memory_space<hbm>> -> memref<1000000x128xf32, #tpu.memory_space<hbm>>
    tpu.wait_indirect_dma semaphore(%arg13 : memref<!tpu.dma_semaphore, #tpu.memory_space<semaphore_mem>>) src(%dma_wait3A_533 : memref<1000000x128xf32, #tpu.memory_space<hbm>>) dst(%dma_wait3A_528 : memref<128x128xf32, #tpu.memory_space<vmem>>)
    %add3A_534 = arith.constant 1280 : i32
    %add3A_535 = arith.addi %multiple_of3A, %add3A_534 : i32
    %dma_start3A_536 = arith.constant 4 : i32
    %dma_start3A_537 = arith.constant 0 : i32
    %dma_start3A_538 = arith.constant 0 : i32
    %dma_start3A_539 = tpu.memref_slice %arg7[%dma_start3A_536, %dma_start3A_537, %dma_start3A_538] : memref<6x128x128xf32, #tpu.memory_space<vmem>> -> memref<1x128x128xf32, #tpu.memory_space<vmem>>
    %dma_start3A_540 = tpu.memref_squeeze %dma_start3A_539 : memref<1x128x128xf32, #tpu.memory_space<vmem>> -> memref<128x128xf32, #tpu.memory_space<vmem>>
    %dma_start3A_541 = arith.constant 0 : i32
    %dma_start3A_542 = tpu.memref_slice %arg4[%add3A_535, %dma_start3A_541] : memref<106496x128xf32, #tpu.memory_space<hbm>> -> memref<128x128xf32, #tpu.memory_space<hbm>>
    %dma_start3A_543 = arith.constant 0 : i32
    %dma_start3A_544 = tpu.memref_slice %arg4[%add3A_535, %dma_start3A_543] : memref<106496x128xf32, #tpu.memory_space<hbm>> -> memref<128x128xf32, #tpu.memory_space<hbm>>
    %dma_start3A_545 = arith.constant 0 : i32
    %dma_start3A_546 = arith.constant 0 : i32
    %dma_start3A_547 = tpu.memref_slice %arg7[%dma_start3A_536, %dma_start3A_545, %dma_start3A_546] : memref<6x128x128xf32, #tpu.memory_space<vmem>> -> memref<1x128x128xf32, #tpu.memory_space<vmem>>
    %dma_start3A_548 = tpu.memref_squeeze %dma_start3A_547 : memref<1x128x128xf32, #tpu.memory_space<vmem>> -> memref<128x128xf32, #tpu.memory_space<vmem>>
    tpu.enqueue_dma source(%dma_start3A_548 : memref<128x128xf32, #tpu.memory_space<vmem>>) target(%dma_start3A_544 : memref<128x128xf32, #tpu.memory_space<hbm>>) target_semaphore(%arg19 : memref<!tpu.dma_semaphore, #tpu.memory_space<semaphore_mem>>)
    %add3A_549 = arith.constant 1024 : i32
    %add3A_550 = arith.addi %multiple_of3A, %add3A_549 : i32
    %dma_wait3A_551 = arith.constant 2 : i32
    %dma_wait3A_552 = arith.constant 0 : i32
    %dma_wait3A_553 = arith.constant 0 : i32
    %dma_wait3A_554 = tpu.memref_slice %arg7[%dma_wait3A_551, %dma_wait3A_552, %dma_wait3A_553] : memref<6x128x128xf32, #tpu.memory_space<vmem>> -> memref<1x128x128xf32, #tpu.memory_space<vmem>>
    %dma_wait3A_555 = tpu.memref_squeeze %dma_wait3A_554 : memref<1x128x128xf32, #tpu.memory_space<vmem>> -> memref<128x128xf32, #tpu.memory_space<vmem>>
    %dma_wait3A_556 = arith.constant 0 : i32
    %dma_wait3A_557 = tpu.memref_slice %arg4[%add3A_550, %dma_wait3A_556] : memref<106496x128xf32, #tpu.memory_space<hbm>> -> memref<128x128xf32, #tpu.memory_space<hbm>>
    %dma_wait3A_558 = arith.constant 0 : i32
    %dma_wait3A_559 = tpu.memref_slice %arg4[%add3A_550, %dma_wait3A_558] : memref<106496x128xf32, #tpu.memory_space<hbm>> -> memref<128x128xf32, #tpu.memory_space<hbm>>
    %dma_wait3A_560 = arith.constant 0 : i32
    %dma_wait3A_561 = arith.constant 0 : i32
    %dma_wait3A_562 = tpu.memref_slice %arg7[%dma_wait3A_551, %dma_wait3A_560, %dma_wait3A_561] : memref<6x128x128xf32, #tpu.memory_space<vmem>> -> memref<1x128x128xf32, #tpu.memory_space<vmem>>
    %dma_wait3A_563 = tpu.memref_squeeze %dma_wait3A_562 : memref<1x128x128xf32, #tpu.memory_space<vmem>> -> memref<128x128xf32, #tpu.memory_space<vmem>>
    tpu.wait_dma2 semaphore(%arg17 : memref<!tpu.dma_semaphore, #tpu.memory_space<semaphore_mem>>) src(%dma_wait3A_563 : memref<128x128xf32, #tpu.memory_space<vmem>>) dst(%dma_wait3A_559 : memref<128x128xf32, #tpu.memory_space<hbm>>)
    %dma_start3A_564 = arith.constant 2 : i32
    %dma_start3A_565 = arith.constant 0 : i32
    %dma_start3A_566 = arith.constant 0 : i32
    %dma_start3A_567 = tpu.memref_slice %arg7[%dma_start3A_564, %dma_start3A_565, %dma_start3A_566] : memref<6x128x128xf32, #tpu.memory_space<vmem>> -> memref<1x128x128xf32, #tpu.memory_space<vmem>>
    %dma_start3A_568 = tpu.memref_squeeze %dma_start3A_567 : memref<1x128x128xf32, #tpu.memory_space<vmem>> -> memref<128x128xf32, #tpu.memory_space<vmem>>
    %dma_start3A_569 = arith.constant 1792 : i32
    %dma_start3A_570 = tpu.memref_slice %arg6[%dma_start3A_569] : memref<3328xi32, #tpu.memory_space<vmem>> -> memref<128xi32, #tpu.memory_space<vmem>>
    %dma_start3A_571 = arith.constant 0 : i32
    %dma_start3A_572 = arith.constant 0 : i32
    %dma_start3A_573 = tpu.memref_slice %arg3[%dma_start3A_571, %dma_start3A_572] : memref<1000000x128xf32, #tpu.memory_space<hbm>> -> memref<1000000x128xf32, #tpu.memory_space<hbm>>
    tpu.enqueue_indirect_dma source(%dma_start3A_573 : memref<1000000x128xf32, #tpu.memory_space<hbm>>) target(%dma_start3A_568 : memref<128x128xf32, #tpu.memory_space<vmem>>) offsets(%dma_start3A_570 : memref<128xi32, #tpu.memory_space<vmem>>) semaphore(%arg11 : memref<!tpu.dma_semaphore, #tpu.memory_space<semaphore_mem>>)
    %dma_wait3A_574 = arith.constant 5 : i32
    %dma_wait3A_575 = arith.constant 0 : i32
    %dma_wait3A_576 = arith.constant 0 : i32
    %dma_wait3A_577 = tpu.memref_slice %arg7[%dma_wait3A_574, %dma_wait3A_575, %dma_wait3A_576] : memref<6x128x128xf32, #tpu.memory_space<vmem>> -> memref<1x128x128xf32, #tpu.memory_space<vmem>>
    %dma_wait3A_578 = tpu.memref_squeeze %dma_wait3A_577 : memref<1x128x128xf32, #tpu.memory_space<vmem>> -> memref<128x128xf32, #tpu.memory_space<vmem>>
    %dma_wait3A_579 = arith.constant 1408 : i32
    %dma_wait3A_580 = tpu.memref_slice %arg6[%dma_wait3A_579] : memref<3328xi32, #tpu.memory_space<vmem>> -> memref<128xi32, #tpu.memory_space<vmem>>
    %dma_wait3A_581 = arith.constant 0 : i32
    %dma_wait3A_582 = arith.constant 0 : i32
    %dma_wait3A_583 = tpu.memref_slice %arg3[%dma_wait3A_581, %dma_wait3A_582] : memref<1000000x128xf32, #tpu.memory_space<hbm>> -> memref<1000000x128xf32, #tpu.memory_space<hbm>>
    tpu.wait_indirect_dma semaphore(%arg14 : memref<!tpu.dma_semaphore, #tpu.memory_space<semaphore_mem>>) src(%dma_wait3A_583 : memref<1000000x128xf32, #tpu.memory_space<hbm>>) dst(%dma_wait3A_578 : memref<128x128xf32, #tpu.memory_space<vmem>>)
    %add3A_584 = arith.constant 1408 : i32
    %add3A_585 = arith.addi %multiple_of3A, %add3A_584 : i32
    %dma_start3A_586 = arith.constant 5 : i32
    %dma_start3A_587 = arith.constant 0 : i32
    %dma_start3A_588 = arith.constant 0 : i32
    %dma_start3A_589 = tpu.memref_slice %arg7[%dma_start3A_586, %dma_start3A_587, %dma_start3A_588] : memref<6x128x128xf32, #tpu.memory_space<vmem>> -> memref<1x128x128xf32, #tpu.memory_space<vmem>>
    %dma_start3A_590 = tpu.memref_squeeze %dma_start3A_589 : memref<1x128x128xf32, #tpu.memory_space<vmem>> -> memref<128x128xf32, #tpu.memory_space<vmem>>
    %dma_start3A_591 = arith.constant 0 : i32
    %dma_start3A_592 = tpu.memref_slice %arg4[%add3A_585, %dma_start3A_591] : memref<106496x128xf32, #tpu.memory_space<hbm>> -> memref<128x128xf32, #tpu.memory_space<hbm>>
    %dma_start3A_593 = arith.constant 0 : i32
    %dma_start3A_594 = tpu.memref_slice %arg4[%add3A_585, %dma_start3A_593] : memref<106496x128xf32, #tpu.memory_space<hbm>> -> memref<128x128xf32, #tpu.memory_space<hbm>>
    %dma_start3A_595 = arith.constant 0 : i32
    %dma_start3A_596 = arith.constant 0 : i32
    %dma_start3A_597 = tpu.memref_slice %arg7[%dma_start3A_586, %dma_start3A_595, %dma_start3A_596] : memref<6x128x128xf32, #tpu.memory_space<vmem>> -> memref<1x128x128xf32, #tpu.memory_space<vmem>>
    %dma_start3A_598 = tpu.memref_squeeze %dma_start3A_597 : memref<1x128x128xf32, #tpu.memory_space<vmem>> -> memref<128x128xf32, #tpu.memory_space<vmem>>
    tpu.enqueue_dma source(%dma_start3A_598 : memref<128x128xf32, #tpu.memory_space<vmem>>) target(%dma_start3A_594 : memref<128x128xf32, #tpu.memory_space<hbm>>) target_semaphore(%arg20 : memref<!tpu.dma_semaphore, #tpu.memory_space<semaphore_mem>>)
    %add3A_599 = arith.constant 1152 : i32
    %add3A_600 = arith.addi %multiple_of3A, %add3A_599 : i32
    %dma_wait3A_601 = arith.constant 3 : i32
    %dma_wait3A_602 = arith.constant 0 : i32
    %dma_wait3A_603 = arith.constant 0 : i32
    %dma_wait3A_604 = tpu.memref_slice %arg7[%dma_wait3A_601, %dma_wait3A_602, %dma_wait3A_603] : memref<6x128x128xf32, #tpu.memory_space<vmem>> -> memref<1x128x128xf32, #tpu.memory_space<vmem>>
    %dma_wait3A_605 = tpu.memref_squeeze %dma_wait3A_604 : memref<1x128x128xf32, #tpu.memory_space<vmem>> -> memref<128x128xf32, #tpu.memory_space<vmem>>
    %dma_wait3A_606 = arith.constant 0 : i32
    %dma_wait3A_607 = tpu.memref_slice %arg4[%add3A_600, %dma_wait3A_606] : memref<106496x128xf32, #tpu.memory_space<hbm>> -> memref<128x128xf32, #tpu.memory_space<hbm>>
    %dma_wait3A_608 = arith.constant 0 : i32
    %dma_wait3A_609 = tpu.memref_slice %arg4[%add3A_600, %dma_wait3A_608] : memref<106496x128xf32, #tpu.memory_space<hbm>> -> memref<128x128xf32, #tpu.memory_space<hbm>>
    %dma_wait3A_610 = arith.constant 0 : i32
    %dma_wait3A_611 = arith.constant 0 : i32
    %dma_wait3A_612 = tpu.memref_slice %arg7[%dma_wait3A_601, %dma_wait3A_610, %dma_wait3A_611] : memref<6x128x128xf32, #tpu.memory_space<vmem>> -> memref<1x128x128xf32, #tpu.memory_space<vmem>>
    %dma_wait3A_613 = tpu.memref_squeeze %dma_wait3A_612 : memref<1x128x128xf32, #tpu.memory_space<vmem>> -> memref<128x128xf32, #tpu.memory_space<vmem>>
    tpu.wait_dma2 semaphore(%arg18 : memref<!tpu.dma_semaphore, #tpu.memory_space<semaphore_mem>>) src(%dma_wait3A_613 : memref<128x128xf32, #tpu.memory_space<vmem>>) dst(%dma_wait3A_609 : memref<128x128xf32, #tpu.memory_space<hbm>>)
    %dma_start3A_614 = arith.constant 3 : i32
    %dma_start3A_615 = arith.constant 0 : i32
    %dma_start3A_616 = arith.constant 0 : i32
    %dma_start3A_617 = tpu.memref_slice %arg7[%dma_start3A_614, %dma_start3A_615, %dma_start3A_616] : memref<6x128x128xf32, #tpu.memory_space<vmem>> -> memref<1x128x128xf32, #tpu.memory_space<vmem>>
    %dma_start3A_618 = tpu.memref_squeeze %dma_start3A_617 : memref<1x128x128xf32, #tpu.memory_space<vmem>> -> memref<128x128xf32, #tpu.memory_space<vmem>>
    %dma_start3A_619 = arith.constant 1920 : i32
    %dma_start3A_620 = tpu.memref_slice %arg6[%dma_start3A_619] : memref<3328xi32, #tpu.memory_space<vmem>> -> memref<128xi32, #tpu.memory_space<vmem>>
    %dma_start3A_621 = arith.constant 0 : i32
    %dma_start3A_622 = arith.constant 0 : i32
    %dma_start3A_623 = tpu.memref_slice %arg3[%dma_start3A_621, %dma_start3A_622] : memref<1000000x128xf32, #tpu.memory_space<hbm>> -> memref<1000000x128xf32, #tpu.memory_space<hbm>>
    tpu.enqueue_indirect_dma source(%dma_start3A_623 : memref<1000000x128xf32, #tpu.memory_space<hbm>>) target(%dma_start3A_618 : memref<128x128xf32, #tpu.memory_space<vmem>>) offsets(%dma_start3A_620 : memref<128xi32, #tpu.memory_space<vmem>>) semaphore(%arg12 : memref<!tpu.dma_semaphore, #tpu.memory_space<semaphore_mem>>)
    %dma_wait3A_624 = arith.constant 0 : i32
    %dma_wait3A_625 = arith.constant 0 : i32
    %dma_wait3A_626 = arith.constant 0 : i32
    %dma_wait3A_627 = tpu.memref_slice %arg7[%dma_wait3A_624, %dma_wait3A_625, %dma_wait3A_626] : memref<6x128x128xf32, #tpu.memory_space<vmem>> -> memref<1x128x128xf32, #tpu.memory_space<vmem>>
    %dma_wait3A_628 = tpu.memref_squeeze %dma_wait3A_627 : memref<1x128x128xf32, #tpu.memory_space<vmem>> -> memref<128x128xf32, #tpu.memory_space<vmem>>
    %dma_wait3A_629 = arith.constant 1536 : i32
    %dma_wait3A_630 = tpu.memref_slice %arg6[%dma_wait3A_629] : memref<3328xi32, #tpu.memory_space<vmem>> -> memref<128xi32, #tpu.memory_space<vmem>>
    %dma_wait3A_631 = arith.constant 0 : i32
    %dma_wait3A_632 = arith.constant 0 : i32
    %dma_wait3A_633 = tpu.memref_slice %arg3[%dma_wait3A_631, %dma_wait3A_632] : memref<1000000x128xf32, #tpu.memory_space<hbm>> -> memref<1000000x128xf32, #tpu.memory_space<hbm>>
    tpu.wait_indirect_dma semaphore(%arg9 : memref<!tpu.dma_semaphore, #tpu.memory_space<semaphore_mem>>) src(%dma_wait3A_633 : memref<1000000x128xf32, #tpu.memory_space<hbm>>) dst(%dma_wait3A_628 : memref<128x128xf32, #tpu.memory_space<vmem>>)
    %add3A_634 = arith.constant 1536 : i32
    %add3A_635 = arith.addi %multiple_of3A, %add3A_634 : i32
    %dma_start3A_636 = arith.constant 0 : i32
    %dma_start3A_637 = arith.constant 0 : i32
    %dma_start3A_638 = arith.constant 0 : i32
    %dma_start3A_639 = tpu.memref_slice %arg7[%dma_start3A_636, %dma_start3A_637, %dma_start3A_638] : memref<6x128x128xf32, #tpu.memory_space<vmem>> -> memref<1x128x128xf32, #tpu.memory_space<vmem>>
    %dma_start3A_640 = tpu.memref_squeeze %dma_start3A_639 : memref<1x128x128xf32, #tpu.memory_space<vmem>> -> memref<128x128xf32, #tpu.memory_space<vmem>>
    %dma_start3A_641 = arith.constant 0 : i32
    %dma_start3A_642 = tpu.memref_slice %arg4[%add3A_635, %dma_start3A_641] : memref<106496x128xf32, #tpu.memory_space<hbm>> -> memref<128x128xf32, #tpu.memory_space<hbm>>
    %dma_start3A_643 = arith.constant 0 : i32
    %dma_start3A_644 = tpu.memref_slice %arg4[%add3A_635, %dma_start3A_643] : memref<106496x128xf32, #tpu.memory_space<hbm>> -> memref<128x128xf32, #tpu.memory_space<hbm>>
    %dma_start3A_645 = arith.constant 0 : i32
    %dma_start3A_646 = arith.constant 0 : i32
    %dma_start3A_647 = tpu.memref_slice %arg7[%dma_start3A_636, %dma_start3A_645, %dma_start3A_646] : memref<6x128x128xf32, #tpu.memory_space<vmem>> -> memref<1x128x128xf32, #tpu.memory_space<vmem>>
    %dma_start3A_648 = tpu.memref_squeeze %dma_start3A_647 : memref<1x128x128xf32, #tpu.memory_space<vmem>> -> memref<128x128xf32, #tpu.memory_space<vmem>>
    tpu.enqueue_dma source(%dma_start3A_648 : memref<128x128xf32, #tpu.memory_space<vmem>>) target(%dma_start3A_644 : memref<128x128xf32, #tpu.memory_space<hbm>>) target_semaphore(%arg15 : memref<!tpu.dma_semaphore, #tpu.memory_space<semaphore_mem>>)
    %add3A_649 = arith.constant 1280 : i32
    %add3A_650 = arith.addi %multiple_of3A, %add3A_649 : i32
    %dma_wait3A_651 = arith.constant 4 : i32
    %dma_wait3A_652 = arith.constant 0 : i32
    %dma_wait3A_653 = arith.constant 0 : i32
    %dma_wait3A_654 = tpu.memref_slice %arg7[%dma_wait3A_651, %dma_wait3A_652, %dma_wait3A_653] : memref<6x128x128xf32, #tpu.memory_space<vmem>> -> memref<1x128x128xf32, #tpu.memory_space<vmem>>
    %dma_wait3A_655 = tpu.memref_squeeze %dma_wait3A_654 : memref<1x128x128xf32, #tpu.memory_space<vmem>> -> memref<128x128xf32, #tpu.memory_space<vmem>>
    %dma_wait3A_656 = arith.constant 0 : i32
    %dma_wait3A_657 = tpu.memref_slice %arg4[%add3A_650, %dma_wait3A_656] : memref<106496x128xf32, #tpu.memory_space<hbm>> -> memref<128x128xf32, #tpu.memory_space<hbm>>
    %dma_wait3A_658 = arith.constant 0 : i32
    %dma_wait3A_659 = tpu.memref_slice %arg4[%add3A_650, %dma_wait3A_658] : memref<106496x128xf32, #tpu.memory_space<hbm>> -> memref<128x128xf32, #tpu.memory_space<hbm>>
    %dma_wait3A_660 = arith.constant 0 : i32
    %dma_wait3A_661 = arith.constant 0 : i32
    %dma_wait3A_662 = tpu.memref_slice %arg7[%dma_wait3A_651, %dma_wait3A_660, %dma_wait3A_661] : memref<6x128x128xf32, #tpu.memory_space<vmem>> -> memref<1x128x128xf32, #tpu.memory_space<vmem>>
    %dma_wait3A_663 = tpu.memref_squeeze %dma_wait3A_662 : memref<1x128x128xf32, #tpu.memory_space<vmem>> -> memref<128x128xf32, #tpu.memory_space<vmem>>
    tpu.wait_dma2 semaphore(%arg19 : memref<!tpu.dma_semaphore, #tpu.memory_space<semaphore_mem>>) src(%dma_wait3A_663 : memref<128x128xf32, #tpu.memory_space<vmem>>) dst(%dma_wait3A_659 : memref<128x128xf32, #tpu.memory_space<hbm>>)
    %dma_start3A_664 = arith.constant 4 : i32
    %dma_start3A_665 = arith.constant 0 : i32
    %dma_start3A_666 = arith.constant 0 : i32
    %dma_start3A_667 = tpu.memref_slice %arg7[%dma_start3A_664, %dma_start3A_665, %dma_start3A_666] : memref<6x128x128xf32, #tpu.memory_space<vmem>> -> memref<1x128x128xf32, #tpu.memory_space<vmem>>
    %dma_start3A_668 = tpu.memref_squeeze %dma_start3A_667 : memref<1x128x128xf32, #tpu.memory_space<vmem>> -> memref<128x128xf32, #tpu.memory_space<vmem>>
    %dma_start3A_669 = arith.constant 2048 : i32
    %dma_start3A_670 = tpu.memref_slice %arg6[%dma_start3A_669] : memref<3328xi32, #tpu.memory_space<vmem>> -> memref<128xi32, #tpu.memory_space<vmem>>
    %dma_start3A_671 = arith.constant 0 : i32
    %dma_start3A_672 = arith.constant 0 : i32
    %dma_start3A_673 = tpu.memref_slice %arg3[%dma_start3A_671, %dma_start3A_672] : memref<1000000x128xf32, #tpu.memory_space<hbm>> -> memref<1000000x128xf32, #tpu.memory_space<hbm>>
    tpu.enqueue_indirect_dma source(%dma_start3A_673 : memref<1000000x128xf32, #tpu.memory_space<hbm>>) target(%dma_start3A_668 : memref<128x128xf32, #tpu.memory_space<vmem>>) offsets(%dma_start3A_670 : memref<128xi32, #tpu.memory_space<vmem>>) semaphore(%arg13 : memref<!tpu.dma_semaphore, #tpu.memory_space<semaphore_mem>>)
    %dma_wait3A_674 = arith.constant 1 : i32
    %dma_wait3A_675 = arith.constant 0 : i32
    %dma_wait3A_676 = arith.constant 0 : i32
    %dma_wait3A_677 = tpu.memref_slice %arg7[%dma_wait3A_674, %dma_wait3A_675, %dma_wait3A_676] : memref<6x128x128xf32, #tpu.memory_space<vmem>> -> memref<1x128x128xf32, #tpu.memory_space<vmem>>
    %dma_wait3A_678 = tpu.memref_squeeze %dma_wait3A_677 : memref<1x128x128xf32, #tpu.memory_space<vmem>> -> memref<128x128xf32, #tpu.memory_space<vmem>>
    %dma_wait3A_679 = arith.constant 1664 : i32
    %dma_wait3A_680 = tpu.memref_slice %arg6[%dma_wait3A_679] : memref<3328xi32, #tpu.memory_space<vmem>> -> memref<128xi32, #tpu.memory_space<vmem>>
    %dma_wait3A_681 = arith.constant 0 : i32
    %dma_wait3A_682 = arith.constant 0 : i32
    %dma_wait3A_683 = tpu.memref_slice %arg3[%dma_wait3A_681, %dma_wait3A_682] : memref<1000000x128xf32, #tpu.memory_space<hbm>> -> memref<1000000x128xf32, #tpu.memory_space<hbm>>
    tpu.wait_indirect_dma semaphore(%arg10 : memref<!tpu.dma_semaphore, #tpu.memory_space<semaphore_mem>>) src(%dma_wait3A_683 : memref<1000000x128xf32, #tpu.memory_space<hbm>>) dst(%dma_wait3A_678 : memref<128x128xf32, #tpu.memory_space<vmem>>)
    %add3A_684 = arith.constant 1664 : i32
    %add3A_685 = arith.addi %multiple_of3A, %add3A_684 : i32
    %dma_start3A_686 = arith.constant 1 : i32
    %dma_start3A_687 = arith.constant 0 : i32
    %dma_start3A_688 = arith.constant 0 : i32
    %dma_start3A_689 = tpu.memref_slice %arg7[%dma_start3A_686, %dma_start3A_687, %dma_start3A_688] : memref<6x128x128xf32, #tpu.memory_space<vmem>> -> memref<1x128x128xf32, #tpu.memory_space<vmem>>
    %dma_start3A_690 = tpu.memref_squeeze %dma_start3A_689 : memref<1x128x128xf32, #tpu.memory_space<vmem>> -> memref<128x128xf32, #tpu.memory_space<vmem>>
    %dma_start3A_691 = arith.constant 0 : i32
    %dma_start3A_692 = tpu.memref_slice %arg4[%add3A_685, %dma_start3A_691] : memref<106496x128xf32, #tpu.memory_space<hbm>> -> memref<128x128xf32, #tpu.memory_space<hbm>>
    %dma_start3A_693 = arith.constant 0 : i32
    %dma_start3A_694 = tpu.memref_slice %arg4[%add3A_685, %dma_start3A_693] : memref<106496x128xf32, #tpu.memory_space<hbm>> -> memref<128x128xf32, #tpu.memory_space<hbm>>
    %dma_start3A_695 = arith.constant 0 : i32
    %dma_start3A_696 = arith.constant 0 : i32
    %dma_start3A_697 = tpu.memref_slice %arg7[%dma_start3A_686, %dma_start3A_695, %dma_start3A_696] : memref<6x128x128xf32, #tpu.memory_space<vmem>> -> memref<1x128x128xf32, #tpu.memory_space<vmem>>
    %dma_start3A_698 = tpu.memref_squeeze %dma_start3A_697 : memref<1x128x128xf32, #tpu.memory_space<vmem>> -> memref<128x128xf32, #tpu.memory_space<vmem>>
    tpu.enqueue_dma source(%dma_start3A_698 : memref<128x128xf32, #tpu.memory_space<vmem>>) target(%dma_start3A_694 : memref<128x128xf32, #tpu.memory_space<hbm>>) target_semaphore(%arg16 : memref<!tpu.dma_semaphore, #tpu.memory_space<semaphore_mem>>)
    %add3A_699 = arith.constant 1408 : i32
    %add3A_700 = arith.addi %multiple_of3A, %add3A_699 : i32
    %dma_wait3A_701 = arith.constant 5 : i32
    %dma_wait3A_702 = arith.constant 0 : i32
    %dma_wait3A_703 = arith.constant 0 : i32
    %dma_wait3A_704 = tpu.memref_slice %arg7[%dma_wait3A_701, %dma_wait3A_702, %dma_wait3A_703] : memref<6x128x128xf32, #tpu.memory_space<vmem>> -> memref<1x128x128xf32, #tpu.memory_space<vmem>>
    %dma_wait3A_705 = tpu.memref_squeeze %dma_wait3A_704 : memref<1x128x128xf32, #tpu.memory_space<vmem>> -> memref<128x128xf32, #tpu.memory_space<vmem>>
    %dma_wait3A_706 = arith.constant 0 : i32
    %dma_wait3A_707 = tpu.memref_slice %arg4[%add3A_700, %dma_wait3A_706] : memref<106496x128xf32, #tpu.memory_space<hbm>> -> memref<128x128xf32, #tpu.memory_space<hbm>>
    %dma_wait3A_708 = arith.constant 0 : i32
    %dma_wait3A_709 = tpu.memref_slice %arg4[%add3A_700, %dma_wait3A_708] : memref<106496x128xf32, #tpu.memory_space<hbm>> -> memref<128x128xf32, #tpu.memory_space<hbm>>
    %dma_wait3A_710 = arith.constant 0 : i32
    %dma_wait3A_711 = arith.constant 0 : i32
    %dma_wait3A_712 = tpu.memref_slice %arg7[%dma_wait3A_701, %dma_wait3A_710, %dma_wait3A_711] : memref<6x128x128xf32, #tpu.memory_space<vmem>> -> memref<1x128x128xf32, #tpu.memory_space<vmem>>
    %dma_wait3A_713 = tpu.memref_squeeze %dma_wait3A_712 : memref<1x128x128xf32, #tpu.memory_space<vmem>> -> memref<128x128xf32, #tpu.memory_space<vmem>>
    tpu.wait_dma2 semaphore(%arg20 : memref<!tpu.dma_semaphore, #tpu.memory_space<semaphore_mem>>) src(%dma_wait3A_713 : memref<128x128xf32, #tpu.memory_space<vmem>>) dst(%dma_wait3A_709 : memref<128x128xf32, #tpu.memory_space<hbm>>)
    %dma_start3A_714 = arith.constant 5 : i32
    %dma_start3A_715 = arith.constant 0 : i32
    %dma_start3A_716 = arith.constant 0 : i32
    %dma_start3A_717 = tpu.memref_slice %arg7[%dma_start3A_714, %dma_start3A_715, %dma_start3A_716] : memref<6x128x128xf32, #tpu.memory_space<vmem>> -> memref<1x128x128xf32, #tpu.memory_space<vmem>>
    %dma_start3A_718 = tpu.memref_squeeze %dma_start3A_717 : memref<1x128x128xf32, #tpu.memory_space<vmem>> -> memref<128x128xf32, #tpu.memory_space<vmem>>
    %dma_start3A_719 = arith.constant 2176 : i32
    %dma_start3A_720 = tpu.memref_slice %arg6[%dma_start3A_719] : memref<3328xi32, #tpu.memory_space<vmem>> -> memref<128xi32, #tpu.memory_space<vmem>>
    %dma_start3A_721 = arith.constant 0 : i32
    %dma_start3A_722 = arith.constant 0 : i32
    %dma_start3A_723 = tpu.memref_slice %arg3[%dma_start3A_721, %dma_start3A_722] : memref<1000000x128xf32, #tpu.memory_space<hbm>> -> memref<1000000x128xf32, #tpu.memory_space<hbm>>
    tpu.enqueue_indirect_dma source(%dma_start3A_723 : memref<1000000x128xf32, #tpu.memory_space<hbm>>) target(%dma_start3A_718 : memref<128x128xf32, #tpu.memory_space<vmem>>) offsets(%dma_start3A_720 : memref<128xi32, #tpu.memory_space<vmem>>) semaphore(%arg14 : memref<!tpu.dma_semaphore, #tpu.memory_space<semaphore_mem>>)
    %dma_wait3A_724 = arith.constant 2 : i32
    %dma_wait3A_725 = arith.constant 0 : i32
    %dma_wait3A_726 = arith.constant 0 : i32
    %dma_wait3A_727 = tpu.memref_slice %arg7[%dma_wait3A_724, %dma_wait3A_725, %dma_wait3A_726] : memref<6x128x128xf32, #tpu.memory_space<vmem>> -> memref<1x128x128xf32, #tpu.memory_space<vmem>>
    %dma_wait3A_728 = tpu.memref_squeeze %dma_wait3A_727 : memref<1x128x128xf32, #tpu.memory_space<vmem>> -> memref<128x128xf32, #tpu.memory_space<vmem>>
    %dma_wait3A_729 = arith.constant 1792 : i32
    %dma_wait3A_730 = tpu.memref_slice %arg6[%dma_wait3A_729] : memref<3328xi32, #tpu.memory_space<vmem>> -> memref<128xi32, #tpu.memory_space<vmem>>
    %dma_wait3A_731 = arith.constant 0 : i32
    %dma_wait3A_732 = arith.constant 0 : i32
    %dma_wait3A_733 = tpu.memref_slice %arg3[%dma_wait3A_731, %dma_wait3A_732] : memref<1000000x128xf32, #tpu.memory_space<hbm>> -> memref<1000000x128xf32, #tpu.memory_space<hbm>>
    tpu.wait_indirect_dma semaphore(%arg11 : memref<!tpu.dma_semaphore, #tpu.memory_space<semaphore_mem>>) src(%dma_wait3A_733 : memref<1000000x128xf32, #tpu.memory_space<hbm>>) dst(%dma_wait3A_728 : memref<128x128xf32, #tpu.memory_space<vmem>>)
    %add3A_734 = arith.constant 1792 : i32
    %add3A_735 = arith.addi %multiple_of3A, %add3A_734 : i32
    %dma_start3A_736 = arith.constant 2 : i32
    %dma_start3A_737 = arith.constant 0 : i32
    %dma_start3A_738 = arith.constant 0 : i32
    %dma_start3A_739 = tpu.memref_slice %arg7[%dma_start3A_736, %dma_start3A_737, %dma_start3A_738] : memref<6x128x128xf32, #tpu.memory_space<vmem>> -> memref<1x128x128xf32, #tpu.memory_space<vmem>>
    %dma_start3A_740 = tpu.memref_squeeze %dma_start3A_739 : memref<1x128x128xf32, #tpu.memory_space<vmem>> -> memref<128x128xf32, #tpu.memory_space<vmem>>
    %dma_start3A_741 = arith.constant 0 : i32
    %dma_start3A_742 = tpu.memref_slice %arg4[%add3A_735, %dma_start3A_741] : memref<106496x128xf32, #tpu.memory_space<hbm>> -> memref<128x128xf32, #tpu.memory_space<hbm>>
    %dma_start3A_743 = arith.constant 0 : i32
    %dma_start3A_744 = tpu.memref_slice %arg4[%add3A_735, %dma_start3A_743] : memref<106496x128xf32, #tpu.memory_space<hbm>> -> memref<128x128xf32, #tpu.memory_space<hbm>>
    %dma_start3A_745 = arith.constant 0 : i32
    %dma_start3A_746 = arith.constant 0 : i32
    %dma_start3A_747 = tpu.memref_slice %arg7[%dma_start3A_736, %dma_start3A_745, %dma_start3A_746] : memref<6x128x128xf32, #tpu.memory_space<vmem>> -> memref<1x128x128xf32, #tpu.memory_space<vmem>>
    %dma_start3A_748 = tpu.memref_squeeze %dma_start3A_747 : memref<1x128x128xf32, #tpu.memory_space<vmem>> -> memref<128x128xf32, #tpu.memory_space<vmem>>
    tpu.enqueue_dma source(%dma_start3A_748 : memref<128x128xf32, #tpu.memory_space<vmem>>) target(%dma_start3A_744 : memref<128x128xf32, #tpu.memory_space<hbm>>) target_semaphore(%arg17 : memref<!tpu.dma_semaphore, #tpu.memory_space<semaphore_mem>>)
    %add3A_749 = arith.constant 1536 : i32
    %add3A_750 = arith.addi %multiple_of3A, %add3A_749 : i32
    %dma_wait3A_751 = arith.constant 0 : i32
    %dma_wait3A_752 = arith.constant 0 : i32
    %dma_wait3A_753 = arith.constant 0 : i32
    %dma_wait3A_754 = tpu.memref_slice %arg7[%dma_wait3A_751, %dma_wait3A_752, %dma_wait3A_753] : memref<6x128x128xf32, #tpu.memory_space<vmem>> -> memref<1x128x128xf32, #tpu.memory_space<vmem>>
    %dma_wait3A_755 = tpu.memref_squeeze %dma_wait3A_754 : memref<1x128x128xf32, #tpu.memory_space<vmem>> -> memref<128x128xf32, #tpu.memory_space<vmem>>
    %dma_wait3A_756 = arith.constant 0 : i32
    %dma_wait3A_757 = tpu.memref_slice %arg4[%add3A_750, %dma_wait3A_756] : memref<106496x128xf32, #tpu.memory_space<hbm>> -> memref<128x128xf32, #tpu.memory_space<hbm>>
    %dma_wait3A_758 = arith.constant 0 : i32
    %dma_wait3A_759 = tpu.memref_slice %arg4[%add3A_750, %dma_wait3A_758] : memref<106496x128xf32, #tpu.memory_space<hbm>> -> memref<128x128xf32, #tpu.memory_space<hbm>>
    %dma_wait3A_760 = arith.constant 0 : i32
    %dma_wait3A_761 = arith.constant 0 : i32
    %dma_wait3A_762 = tpu.memref_slice %arg7[%dma_wait3A_751, %dma_wait3A_760, %dma_wait3A_761] : memref<6x128x128xf32, #tpu.memory_space<vmem>> -> memref<1x128x128xf32, #tpu.memory_space<vmem>>
    %dma_wait3A_763 = tpu.memref_squeeze %dma_wait3A_762 : memref<1x128x128xf32, #tpu.memory_space<vmem>> -> memref<128x128xf32, #tpu.memory_space<vmem>>
    tpu.wait_dma2 semaphore(%arg15 : memref<!tpu.dma_semaphore, #tpu.memory_space<semaphore_mem>>) src(%dma_wait3A_763 : memref<128x128xf32, #tpu.memory_space<vmem>>) dst(%dma_wait3A_759 : memref<128x128xf32, #tpu.memory_space<hbm>>)
    %dma_start3A_764 = arith.constant 0 : i32
    %dma_start3A_765 = arith.constant 0 : i32
    %dma_start3A_766 = arith.constant 0 : i32
    %dma_start3A_767 = tpu.memref_slice %arg7[%dma_start3A_764, %dma_start3A_765, %dma_start3A_766] : memref<6x128x128xf32, #tpu.memory_space<vmem>> -> memref<1x128x128xf32, #tpu.memory_space<vmem>>
    %dma_start3A_768 = tpu.memref_squeeze %dma_start3A_767 : memref<1x128x128xf32, #tpu.memory_space<vmem>> -> memref<128x128xf32, #tpu.memory_space<vmem>>
    %dma_start3A_769 = arith.constant 2304 : i32
    %dma_start3A_770 = tpu.memref_slice %arg6[%dma_start3A_769] : memref<3328xi32, #tpu.memory_space<vmem>> -> memref<128xi32, #tpu.memory_space<vmem>>
    %dma_start3A_771 = arith.constant 0 : i32
    %dma_start3A_772 = arith.constant 0 : i32
    %dma_start3A_773 = tpu.memref_slice %arg3[%dma_start3A_771, %dma_start3A_772] : memref<1000000x128xf32, #tpu.memory_space<hbm>> -> memref<1000000x128xf32, #tpu.memory_space<hbm>>
    tpu.enqueue_indirect_dma source(%dma_start3A_773 : memref<1000000x128xf32, #tpu.memory_space<hbm>>) target(%dma_start3A_768 : memref<128x128xf32, #tpu.memory_space<vmem>>) offsets(%dma_start3A_770 : memref<128xi32, #tpu.memory_space<vmem>>) semaphore(%arg9 : memref<!tpu.dma_semaphore, #tpu.memory_space<semaphore_mem>>)
    %dma_wait3A_774 = arith.constant 3 : i32
    %dma_wait3A_775 = arith.constant 0 : i32
    %dma_wait3A_776 = arith.constant 0 : i32
    %dma_wait3A_777 = tpu.memref_slice %arg7[%dma_wait3A_774, %dma_wait3A_775, %dma_wait3A_776] : memref<6x128x128xf32, #tpu.memory_space<vmem>> -> memref<1x128x128xf32, #tpu.memory_space<vmem>>
    %dma_wait3A_778 = tpu.memref_squeeze %dma_wait3A_777 : memref<1x128x128xf32, #tpu.memory_space<vmem>> -> memref<128x128xf32, #tpu.memory_space<vmem>>
    %dma_wait3A_779 = arith.constant 1920 : i32
    %dma_wait3A_780 = tpu.memref_slice %arg6[%dma_wait3A_779] : memref<3328xi32, #tpu.memory_space<vmem>> -> memref<128xi32, #tpu.memory_space<vmem>>
    %dma_wait3A_781 = arith.constant 0 : i32
    %dma_wait3A_782 = arith.constant 0 : i32
    %dma_wait3A_783 = tpu.memref_slice %arg3[%dma_wait3A_781, %dma_wait3A_782] : memref<1000000x128xf32, #tpu.memory_space<hbm>> -> memref<1000000x128xf32, #tpu.memory_space<hbm>>
    tpu.wait_indirect_dma semaphore(%arg12 : memref<!tpu.dma_semaphore, #tpu.memory_space<semaphore_mem>>) src(%dma_wait3A_783 : memref<1000000x128xf32, #tpu.memory_space<hbm>>) dst(%dma_wait3A_778 : memref<128x128xf32, #tpu.memory_space<vmem>>)
    %add3A_784 = arith.constant 1920 : i32
    %add3A_785 = arith.addi %multiple_of3A, %add3A_784 : i32
    %dma_start3A_786 = arith.constant 3 : i32
    %dma_start3A_787 = arith.constant 0 : i32
    %dma_start3A_788 = arith.constant 0 : i32
    %dma_start3A_789 = tpu.memref_slice %arg7[%dma_start3A_786, %dma_start3A_787, %dma_start3A_788] : memref<6x128x128xf32, #tpu.memory_space<vmem>> -> memref<1x128x128xf32, #tpu.memory_space<vmem>>
    %dma_start3A_790 = tpu.memref_squeeze %dma_start3A_789 : memref<1x128x128xf32, #tpu.memory_space<vmem>> -> memref<128x128xf32, #tpu.memory_space<vmem>>
    %dma_start3A_791 = arith.constant 0 : i32
    %dma_start3A_792 = tpu.memref_slice %arg4[%add3A_785, %dma_start3A_791] : memref<106496x128xf32, #tpu.memory_space<hbm>> -> memref<128x128xf32, #tpu.memory_space<hbm>>
    %dma_start3A_793 = arith.constant 0 : i32
    %dma_start3A_794 = tpu.memref_slice %arg4[%add3A_785, %dma_start3A_793] : memref<106496x128xf32, #tpu.memory_space<hbm>> -> memref<128x128xf32, #tpu.memory_space<hbm>>
    %dma_start3A_795 = arith.constant 0 : i32
    %dma_start3A_796 = arith.constant 0 : i32
    %dma_start3A_797 = tpu.memref_slice %arg7[%dma_start3A_786, %dma_start3A_795, %dma_start3A_796] : memref<6x128x128xf32, #tpu.memory_space<vmem>> -> memref<1x128x128xf32, #tpu.memory_space<vmem>>
    %dma_start3A_798 = tpu.memref_squeeze %dma_start3A_797 : memref<1x128x128xf32, #tpu.memory_space<vmem>> -> memref<128x128xf32, #tpu.memory_space<vmem>>
    tpu.enqueue_dma source(%dma_start3A_798 : memref<128x128xf32, #tpu.memory_space<vmem>>) target(%dma_start3A_794 : memref<128x128xf32, #tpu.memory_space<hbm>>) target_semaphore(%arg18 : memref<!tpu.dma_semaphore, #tpu.memory_space<semaphore_mem>>)
    %add3A_799 = arith.constant 1664 : i32
    %add3A_800 = arith.addi %multiple_of3A, %add3A_799 : i32
    %dma_wait3A_801 = arith.constant 1 : i32
    %dma_wait3A_802 = arith.constant 0 : i32
    %dma_wait3A_803 = arith.constant 0 : i32
    %dma_wait3A_804 = tpu.memref_slice %arg7[%dma_wait3A_801, %dma_wait3A_802, %dma_wait3A_803] : memref<6x128x128xf32, #tpu.memory_space<vmem>> -> memref<1x128x128xf32, #tpu.memory_space<vmem>>
    %dma_wait3A_805 = tpu.memref_squeeze %dma_wait3A_804 : memref<1x128x128xf32, #tpu.memory_space<vmem>> -> memref<128x128xf32, #tpu.memory_space<vmem>>
    %dma_wait3A_806 = arith.constant 0 : i32
    %dma_wait3A_807 = tpu.memref_slice %arg4[%add3A_800, %dma_wait3A_806] : memref<106496x128xf32, #tpu.memory_space<hbm>> -> memref<128x128xf32, #tpu.memory_space<hbm>>
    %dma_wait3A_808 = arith.constant 0 : i32
    %dma_wait3A_809 = tpu.memref_slice %arg4[%add3A_800, %dma_wait3A_808] : memref<106496x128xf32, #tpu.memory_space<hbm>> -> memref<128x128xf32, #tpu.memory_space<hbm>>
    %dma_wait3A_810 = arith.constant 0 : i32
    %dma_wait3A_811 = arith.constant 0 : i32
    %dma_wait3A_812 = tpu.memref_slice %arg7[%dma_wait3A_801, %dma_wait3A_810, %dma_wait3A_811] : memref<6x128x128xf32, #tpu.memory_space<vmem>> -> memref<1x128x128xf32, #tpu.memory_space<vmem>>
    %dma_wait3A_813 = tpu.memref_squeeze %dma_wait3A_812 : memref<1x128x128xf32, #tpu.memory_space<vmem>> -> memref<128x128xf32, #tpu.memory_space<vmem>>
    tpu.wait_dma2 semaphore(%arg16 : memref<!tpu.dma_semaphore, #tpu.memory_space<semaphore_mem>>) src(%dma_wait3A_813 : memref<128x128xf32, #tpu.memory_space<vmem>>) dst(%dma_wait3A_809 : memref<128x128xf32, #tpu.memory_space<hbm>>)
    %dma_start3A_814 = arith.constant 1 : i32
    %dma_start3A_815 = arith.constant 0 : i32
    %dma_start3A_816 = arith.constant 0 : i32
    %dma_start3A_817 = tpu.memref_slice %arg7[%dma_start3A_814, %dma_start3A_815, %dma_start3A_816] : memref<6x128x128xf32, #tpu.memory_space<vmem>> -> memref<1x128x128xf32, #tpu.memory_space<vmem>>
    %dma_start3A_818 = tpu.memref_squeeze %dma_start3A_817 : memref<1x128x128xf32, #tpu.memory_space<vmem>> -> memref<128x128xf32, #tpu.memory_space<vmem>>
    %dma_start3A_819 = arith.constant 2432 : i32
    %dma_start3A_820 = tpu.memref_slice %arg6[%dma_start3A_819] : memref<3328xi32, #tpu.memory_space<vmem>> -> memref<128xi32, #tpu.memory_space<vmem>>
    %dma_start3A_821 = arith.constant 0 : i32
    %dma_start3A_822 = arith.constant 0 : i32
    %dma_start3A_823 = tpu.memref_slice %arg3[%dma_start3A_821, %dma_start3A_822] : memref<1000000x128xf32, #tpu.memory_space<hbm>> -> memref<1000000x128xf32, #tpu.memory_space<hbm>>
    tpu.enqueue_indirect_dma source(%dma_start3A_823 : memref<1000000x128xf32, #tpu.memory_space<hbm>>) target(%dma_start3A_818 : memref<128x128xf32, #tpu.memory_space<vmem>>) offsets(%dma_start3A_820 : memref<128xi32, #tpu.memory_space<vmem>>) semaphore(%arg10 : memref<!tpu.dma_semaphore, #tpu.memory_space<semaphore_mem>>)
    %dma_wait3A_824 = arith.constant 4 : i32
    %dma_wait3A_825 = arith.constant 0 : i32
    %dma_wait3A_826 = arith.constant 0 : i32
    %dma_wait3A_827 = tpu.memref_slice %arg7[%dma_wait3A_824, %dma_wait3A_825, %dma_wait3A_826] : memref<6x128x128xf32, #tpu.memory_space<vmem>> -> memref<1x128x128xf32, #tpu.memory_space<vmem>>
    %dma_wait3A_828 = tpu.memref_squeeze %dma_wait3A_827 : memref<1x128x128xf32, #tpu.memory_space<vmem>> -> memref<128x128xf32, #tpu.memory_space<vmem>>
    %dma_wait3A_829 = arith.constant 2048 : i32
    %dma_wait3A_830 = tpu.memref_slice %arg6[%dma_wait3A_829] : memref<3328xi32, #tpu.memory_space<vmem>> -> memref<128xi32, #tpu.memory_space<vmem>>
    %dma_wait3A_831 = arith.constant 0 : i32
    %dma_wait3A_832 = arith.constant 0 : i32
    %dma_wait3A_833 = tpu.memref_slice %arg3[%dma_wait3A_831, %dma_wait3A_832] : memref<1000000x128xf32, #tpu.memory_space<hbm>> -> memref<1000000x128xf32, #tpu.memory_space<hbm>>
    tpu.wait_indirect_dma semaphore(%arg13 : memref<!tpu.dma_semaphore, #tpu.memory_space<semaphore_mem>>) src(%dma_wait3A_833 : memref<1000000x128xf32, #tpu.memory_space<hbm>>) dst(%dma_wait3A_828 : memref<128x128xf32, #tpu.memory_space<vmem>>)
    %add3A_834 = arith.constant 2048 : i32
    %add3A_835 = arith.addi %multiple_of3A, %add3A_834 : i32
    %dma_start3A_836 = arith.constant 4 : i32
    %dma_start3A_837 = arith.constant 0 : i32
    %dma_start3A_838 = arith.constant 0 : i32
    %dma_start3A_839 = tpu.memref_slice %arg7[%dma_start3A_836, %dma_start3A_837, %dma_start3A_838] : memref<6x128x128xf32, #tpu.memory_space<vmem>> -> memref<1x128x128xf32, #tpu.memory_space<vmem>>
    %dma_start3A_840 = tpu.memref_squeeze %dma_start3A_839 : memref<1x128x128xf32, #tpu.memory_space<vmem>> -> memref<128x128xf32, #tpu.memory_space<vmem>>
    %dma_start3A_841 = arith.constant 0 : i32
    %dma_start3A_842 = tpu.memref_slice %arg4[%add3A_835, %dma_start3A_841] : memref<106496x128xf32, #tpu.memory_space<hbm>> -> memref<128x128xf32, #tpu.memory_space<hbm>>
    %dma_start3A_843 = arith.constant 0 : i32
    %dma_start3A_844 = tpu.memref_slice %arg4[%add3A_835, %dma_start3A_843] : memref<106496x128xf32, #tpu.memory_space<hbm>> -> memref<128x128xf32, #tpu.memory_space<hbm>>
    %dma_start3A_845 = arith.constant 0 : i32
    %dma_start3A_846 = arith.constant 0 : i32
    %dma_start3A_847 = tpu.memref_slice %arg7[%dma_start3A_836, %dma_start3A_845, %dma_start3A_846] : memref<6x128x128xf32, #tpu.memory_space<vmem>> -> memref<1x128x128xf32, #tpu.memory_space<vmem>>
    %dma_start3A_848 = tpu.memref_squeeze %dma_start3A_847 : memref<1x128x128xf32, #tpu.memory_space<vmem>> -> memref<128x128xf32, #tpu.memory_space<vmem>>
    tpu.enqueue_dma source(%dma_start3A_848 : memref<128x128xf32, #tpu.memory_space<vmem>>) target(%dma_start3A_844 : memref<128x128xf32, #tpu.memory_space<hbm>>) target_semaphore(%arg19 : memref<!tpu.dma_semaphore, #tpu.memory_space<semaphore_mem>>)
    %add3A_849 = arith.constant 1792 : i32
    %add3A_850 = arith.addi %multiple_of3A, %add3A_849 : i32
    %dma_wait3A_851 = arith.constant 2 : i32
    %dma_wait3A_852 = arith.constant 0 : i32
    %dma_wait3A_853 = arith.constant 0 : i32
    %dma_wait3A_854 = tpu.memref_slice %arg7[%dma_wait3A_851, %dma_wait3A_852, %dma_wait3A_853] : memref<6x128x128xf32, #tpu.memory_space<vmem>> -> memref<1x128x128xf32, #tpu.memory_space<vmem>>
    %dma_wait3A_855 = tpu.memref_squeeze %dma_wait3A_854 : memref<1x128x128xf32, #tpu.memory_space<vmem>> -> memref<128x128xf32, #tpu.memory_space<vmem>>
    %dma_wait3A_856 = arith.constant 0 : i32
    %dma_wait3A_857 = tpu.memref_slice %arg4[%add3A_850, %dma_wait3A_856] : memref<106496x128xf32, #tpu.memory_space<hbm>> -> memref<128x128xf32, #tpu.memory_space<hbm>>
    %dma_wait3A_858 = arith.constant 0 : i32
    %dma_wait3A_859 = tpu.memref_slice %arg4[%add3A_850, %dma_wait3A_858] : memref<106496x128xf32, #tpu.memory_space<hbm>> -> memref<128x128xf32, #tpu.memory_space<hbm>>
    %dma_wait3A_860 = arith.constant 0 : i32
    %dma_wait3A_861 = arith.constant 0 : i32
    %dma_wait3A_862 = tpu.memref_slice %arg7[%dma_wait3A_851, %dma_wait3A_860, %dma_wait3A_861] : memref<6x128x128xf32, #tpu.memory_space<vmem>> -> memref<1x128x128xf32, #tpu.memory_space<vmem>>
    %dma_wait3A_863 = tpu.memref_squeeze %dma_wait3A_862 : memref<1x128x128xf32, #tpu.memory_space<vmem>> -> memref<128x128xf32, #tpu.memory_space<vmem>>
    tpu.wait_dma2 semaphore(%arg17 : memref<!tpu.dma_semaphore, #tpu.memory_space<semaphore_mem>>) src(%dma_wait3A_863 : memref<128x128xf32, #tpu.memory_space<vmem>>) dst(%dma_wait3A_859 : memref<128x128xf32, #tpu.memory_space<hbm>>)
    %dma_start3A_864 = arith.constant 2 : i32
    %dma_start3A_865 = arith.constant 0 : i32
    %dma_start3A_866 = arith.constant 0 : i32
    %dma_start3A_867 = tpu.memref_slice %arg7[%dma_start3A_864, %dma_start3A_865, %dma_start3A_866] : memref<6x128x128xf32, #tpu.memory_space<vmem>> -> memref<1x128x128xf32, #tpu.memory_space<vmem>>
    %dma_start3A_868 = tpu.memref_squeeze %dma_start3A_867 : memref<1x128x128xf32, #tpu.memory_space<vmem>> -> memref<128x128xf32, #tpu.memory_space<vmem>>
    %dma_start3A_869 = arith.constant 2560 : i32
    %dma_start3A_870 = tpu.memref_slice %arg6[%dma_start3A_869] : memref<3328xi32, #tpu.memory_space<vmem>> -> memref<128xi32, #tpu.memory_space<vmem>>
    %dma_start3A_871 = arith.constant 0 : i32
    %dma_start3A_872 = arith.constant 0 : i32
    %dma_start3A_873 = tpu.memref_slice %arg3[%dma_start3A_871, %dma_start3A_872] : memref<1000000x128xf32, #tpu.memory_space<hbm>> -> memref<1000000x128xf32, #tpu.memory_space<hbm>>
    tpu.enqueue_indirect_dma source(%dma_start3A_873 : memref<1000000x128xf32, #tpu.memory_space<hbm>>) target(%dma_start3A_868 : memref<128x128xf32, #tpu.memory_space<vmem>>) offsets(%dma_start3A_870 : memref<128xi32, #tpu.memory_space<vmem>>) semaphore(%arg11 : memref<!tpu.dma_semaphore, #tpu.memory_space<semaphore_mem>>)
    %dma_wait3A_874 = arith.constant 5 : i32
    %dma_wait3A_875 = arith.constant 0 : i32
    %dma_wait3A_876 = arith.constant 0 : i32
    %dma_wait3A_877 = tpu.memref_slice %arg7[%dma_wait3A_874, %dma_wait3A_875, %dma_wait3A_876] : memref<6x128x128xf32, #tpu.memory_space<vmem>> -> memref<1x128x128xf32, #tpu.memory_space<vmem>>
    %dma_wait3A_878 = tpu.memref_squeeze %dma_wait3A_877 : memref<1x128x128xf32, #tpu.memory_space<vmem>> -> memref<128x128xf32, #tpu.memory_space<vmem>>
    %dma_wait3A_879 = arith.constant 2176 : i32
    %dma_wait3A_880 = tpu.memref_slice %arg6[%dma_wait3A_879] : memref<3328xi32, #tpu.memory_space<vmem>> -> memref<128xi32, #tpu.memory_space<vmem>>
    %dma_wait3A_881 = arith.constant 0 : i32
    %dma_wait3A_882 = arith.constant 0 : i32
    %dma_wait3A_883 = tpu.memref_slice %arg3[%dma_wait3A_881, %dma_wait3A_882] : memref<1000000x128xf32, #tpu.memory_space<hbm>> -> memref<1000000x128xf32, #tpu.memory_space<hbm>>
    tpu.wait_indirect_dma semaphore(%arg14 : memref<!tpu.dma_semaphore, #tpu.memory_space<semaphore_mem>>) src(%dma_wait3A_883 : memref<1000000x128xf32, #tpu.memory_space<hbm>>) dst(%dma_wait3A_878 : memref<128x128xf32, #tpu.memory_space<vmem>>)
    %add3A_884 = arith.constant 2176 : i32
    %add3A_885 = arith.addi %multiple_of3A, %add3A_884 : i32
    %dma_start3A_886 = arith.constant 5 : i32
    %dma_start3A_887 = arith.constant 0 : i32
    %dma_start3A_888 = arith.constant 0 : i32
    %dma_start3A_889 = tpu.memref_slice %arg7[%dma_start3A_886, %dma_start3A_887, %dma_start3A_888] : memref<6x128x128xf32, #tpu.memory_space<vmem>> -> memref<1x128x128xf32, #tpu.memory_space<vmem>>
    %dma_start3A_890 = tpu.memref_squeeze %dma_start3A_889 : memref<1x128x128xf32, #tpu.memory_space<vmem>> -> memref<128x128xf32, #tpu.memory_space<vmem>>
    %dma_start3A_891 = arith.constant 0 : i32
    %dma_start3A_892 = tpu.memref_slice %arg4[%add3A_885, %dma_start3A_891] : memref<106496x128xf32, #tpu.memory_space<hbm>> -> memref<128x128xf32, #tpu.memory_space<hbm>>
    %dma_start3A_893 = arith.constant 0 : i32
    %dma_start3A_894 = tpu.memref_slice %arg4[%add3A_885, %dma_start3A_893] : memref<106496x128xf32, #tpu.memory_space<hbm>> -> memref<128x128xf32, #tpu.memory_space<hbm>>
    %dma_start3A_895 = arith.constant 0 : i32
    %dma_start3A_896 = arith.constant 0 : i32
    %dma_start3A_897 = tpu.memref_slice %arg7[%dma_start3A_886, %dma_start3A_895, %dma_start3A_896] : memref<6x128x128xf32, #tpu.memory_space<vmem>> -> memref<1x128x128xf32, #tpu.memory_space<vmem>>
    %dma_start3A_898 = tpu.memref_squeeze %dma_start3A_897 : memref<1x128x128xf32, #tpu.memory_space<vmem>> -> memref<128x128xf32, #tpu.memory_space<vmem>>
    tpu.enqueue_dma source(%dma_start3A_898 : memref<128x128xf32, #tpu.memory_space<vmem>>) target(%dma_start3A_894 : memref<128x128xf32, #tpu.memory_space<hbm>>) target_semaphore(%arg20 : memref<!tpu.dma_semaphore, #tpu.memory_space<semaphore_mem>>)
    %add3A_899 = arith.constant 1920 : i32
    %add3A_900 = arith.addi %multiple_of3A, %add3A_899 : i32
    %dma_wait3A_901 = arith.constant 3 : i32
    %dma_wait3A_902 = arith.constant 0 : i32
    %dma_wait3A_903 = arith.constant 0 : i32
    %dma_wait3A_904 = tpu.memref_slice %arg7[%dma_wait3A_901, %dma_wait3A_902, %dma_wait3A_903] : memref<6x128x128xf32, #tpu.memory_space<vmem>> -> memref<1x128x128xf32, #tpu.memory_space<vmem>>
    %dma_wait3A_905 = tpu.memref_squeeze %dma_wait3A_904 : memref<1x128x128xf32, #tpu.memory_space<vmem>> -> memref<128x128xf32, #tpu.memory_space<vmem>>
    %dma_wait3A_906 = arith.constant 0 : i32
    %dma_wait3A_907 = tpu.memref_slice %arg4[%add3A_900, %dma_wait3A_906] : memref<106496x128xf32, #tpu.memory_space<hbm>> -> memref<128x128xf32, #tpu.memory_space<hbm>>
    %dma_wait3A_908 = arith.constant 0 : i32
    %dma_wait3A_909 = tpu.memref_slice %arg4[%add3A_900, %dma_wait3A_908] : memref<106496x128xf32, #tpu.memory_space<hbm>> -> memref<128x128xf32, #tpu.memory_space<hbm>>
    %dma_wait3A_910 = arith.constant 0 : i32
    %dma_wait3A_911 = arith.constant 0 : i32
    %dma_wait3A_912 = tpu.memref_slice %arg7[%dma_wait3A_901, %dma_wait3A_910, %dma_wait3A_911] : memref<6x128x128xf32, #tpu.memory_space<vmem>> -> memref<1x128x128xf32, #tpu.memory_space<vmem>>
    %dma_wait3A_913 = tpu.memref_squeeze %dma_wait3A_912 : memref<1x128x128xf32, #tpu.memory_space<vmem>> -> memref<128x128xf32, #tpu.memory_space<vmem>>
    tpu.wait_dma2 semaphore(%arg18 : memref<!tpu.dma_semaphore, #tpu.memory_space<semaphore_mem>>) src(%dma_wait3A_913 : memref<128x128xf32, #tpu.memory_space<vmem>>) dst(%dma_wait3A_909 : memref<128x128xf32, #tpu.memory_space<hbm>>)
    %dma_start3A_914 = arith.constant 3 : i32
    %dma_start3A_915 = arith.constant 0 : i32
    %dma_start3A_916 = arith.constant 0 : i32
    %dma_start3A_917 = tpu.memref_slice %arg7[%dma_start3A_914, %dma_start3A_915, %dma_start3A_916] : memref<6x128x128xf32, #tpu.memory_space<vmem>> -> memref<1x128x128xf32, #tpu.memory_space<vmem>>
    %dma_start3A_918 = tpu.memref_squeeze %dma_start3A_917 : memref<1x128x128xf32, #tpu.memory_space<vmem>> -> memref<128x128xf32, #tpu.memory_space<vmem>>
    %dma_start3A_919 = arith.constant 2688 : i32
    %dma_start3A_920 = tpu.memref_slice %arg6[%dma_start3A_919] : memref<3328xi32, #tpu.memory_space<vmem>> -> memref<128xi32, #tpu.memory_space<vmem>>
    %dma_start3A_921 = arith.constant 0 : i32
    %dma_start3A_922 = arith.constant 0 : i32
    %dma_start3A_923 = tpu.memref_slice %arg3[%dma_start3A_921, %dma_start3A_922] : memref<1000000x128xf32, #tpu.memory_space<hbm>> -> memref<1000000x128xf32, #tpu.memory_space<hbm>>
    tpu.enqueue_indirect_dma source(%dma_start3A_923 : memref<1000000x128xf32, #tpu.memory_space<hbm>>) target(%dma_start3A_918 : memref<128x128xf32, #tpu.memory_space<vmem>>) offsets(%dma_start3A_920 : memref<128xi32, #tpu.memory_space<vmem>>) semaphore(%arg12 : memref<!tpu.dma_semaphore, #tpu.memory_space<semaphore_mem>>)
    %dma_wait3A_924 = arith.constant 0 : i32
    %dma_wait3A_925 = arith.constant 0 : i32
    %dma_wait3A_926 = arith.constant 0 : i32
    %dma_wait3A_927 = tpu.memref_slice %arg7[%dma_wait3A_924, %dma_wait3A_925, %dma_wait3A_926] : memref<6x128x128xf32, #tpu.memory_space<vmem>> -> memref<1x128x128xf32, #tpu.memory_space<vmem>>
    %dma_wait3A_928 = tpu.memref_squeeze %dma_wait3A_927 : memref<1x128x128xf32, #tpu.memory_space<vmem>> -> memref<128x128xf32, #tpu.memory_space<vmem>>
    %dma_wait3A_929 = arith.constant 2304 : i32
    %dma_wait3A_930 = tpu.memref_slice %arg6[%dma_wait3A_929] : memref<3328xi32, #tpu.memory_space<vmem>> -> memref<128xi32, #tpu.memory_space<vmem>>
    %dma_wait3A_931 = arith.constant 0 : i32
    %dma_wait3A_932 = arith.constant 0 : i32
    %dma_wait3A_933 = tpu.memref_slice %arg3[%dma_wait3A_931, %dma_wait3A_932] : memref<1000000x128xf32, #tpu.memory_space<hbm>> -> memref<1000000x128xf32, #tpu.memory_space<hbm>>
    tpu.wait_indirect_dma semaphore(%arg9 : memref<!tpu.dma_semaphore, #tpu.memory_space<semaphore_mem>>) src(%dma_wait3A_933 : memref<1000000x128xf32, #tpu.memory_space<hbm>>) dst(%dma_wait3A_928 : memref<128x128xf32, #tpu.memory_space<vmem>>)
    %add3A_934 = arith.constant 2304 : i32
    %add3A_935 = arith.addi %multiple_of3A, %add3A_934 : i32
    %dma_start3A_936 = arith.constant 0 : i32
    %dma_start3A_937 = arith.constant 0 : i32
    %dma_start3A_938 = arith.constant 0 : i32
    %dma_start3A_939 = tpu.memref_slice %arg7[%dma_start3A_936, %dma_start3A_937, %dma_start3A_938] : memref<6x128x128xf32, #tpu.memory_space<vmem>> -> memref<1x128x128xf32, #tpu.memory_space<vmem>>
    %dma_start3A_940 = tpu.memref_squeeze %dma_start3A_939 : memref<1x128x128xf32, #tpu.memory_space<vmem>> -> memref<128x128xf32, #tpu.memory_space<vmem>>
    %dma_start3A_941 = arith.constant 0 : i32
    %dma_start3A_942 = tpu.memref_slice %arg4[%add3A_935, %dma_start3A_941] : memref<106496x128xf32, #tpu.memory_space<hbm>> -> memref<128x128xf32, #tpu.memory_space<hbm>>
    %dma_start3A_943 = arith.constant 0 : i32
    %dma_start3A_944 = tpu.memref_slice %arg4[%add3A_935, %dma_start3A_943] : memref<106496x128xf32, #tpu.memory_space<hbm>> -> memref<128x128xf32, #tpu.memory_space<hbm>>
    %dma_start3A_945 = arith.constant 0 : i32
    %dma_start3A_946 = arith.constant 0 : i32
    %dma_start3A_947 = tpu.memref_slice %arg7[%dma_start3A_936, %dma_start3A_945, %dma_start3A_946] : memref<6x128x128xf32, #tpu.memory_space<vmem>> -> memref<1x128x128xf32, #tpu.memory_space<vmem>>
    %dma_start3A_948 = tpu.memref_squeeze %dma_start3A_947 : memref<1x128x128xf32, #tpu.memory_space<vmem>> -> memref<128x128xf32, #tpu.memory_space<vmem>>
    tpu.enqueue_dma source(%dma_start3A_948 : memref<128x128xf32, #tpu.memory_space<vmem>>) target(%dma_start3A_944 : memref<128x128xf32, #tpu.memory_space<hbm>>) target_semaphore(%arg15 : memref<!tpu.dma_semaphore, #tpu.memory_space<semaphore_mem>>)
    %add3A_949 = arith.constant 2048 : i32
    %add3A_950 = arith.addi %multiple_of3A, %add3A_949 : i32
    %dma_wait3A_951 = arith.constant 4 : i32
    %dma_wait3A_952 = arith.constant 0 : i32
    %dma_wait3A_953 = arith.constant 0 : i32
    %dma_wait3A_954 = tpu.memref_slice %arg7[%dma_wait3A_951, %dma_wait3A_952, %dma_wait3A_953] : memref<6x128x128xf32, #tpu.memory_space<vmem>> -> memref<1x128x128xf32, #tpu.memory_space<vmem>>
    %dma_wait3A_955 = tpu.memref_squeeze %dma_wait3A_954 : memref<1x128x128xf32, #tpu.memory_space<vmem>> -> memref<128x128xf32, #tpu.memory_space<vmem>>
    %dma_wait3A_956 = arith.constant 0 : i32
    %dma_wait3A_957 = tpu.memref_slice %arg4[%add3A_950, %dma_wait3A_956] : memref<106496x128xf32, #tpu.memory_space<hbm>> -> memref<128x128xf32, #tpu.memory_space<hbm>>
    %dma_wait3A_958 = arith.constant 0 : i32
    %dma_wait3A_959 = tpu.memref_slice %arg4[%add3A_950, %dma_wait3A_958] : memref<106496x128xf32, #tpu.memory_space<hbm>> -> memref<128x128xf32, #tpu.memory_space<hbm>>
    %dma_wait3A_960 = arith.constant 0 : i32
    %dma_wait3A_961 = arith.constant 0 : i32
    %dma_wait3A_962 = tpu.memref_slice %arg7[%dma_wait3A_951, %dma_wait3A_960, %dma_wait3A_961] : memref<6x128x128xf32, #tpu.memory_space<vmem>> -> memref<1x128x128xf32, #tpu.memory_space<vmem>>
    %dma_wait3A_963 = tpu.memref_squeeze %dma_wait3A_962 : memref<1x128x128xf32, #tpu.memory_space<vmem>> -> memref<128x128xf32, #tpu.memory_space<vmem>>
    tpu.wait_dma2 semaphore(%arg19 : memref<!tpu.dma_semaphore, #tpu.memory_space<semaphore_mem>>) src(%dma_wait3A_963 : memref<128x128xf32, #tpu.memory_space<vmem>>) dst(%dma_wait3A_959 : memref<128x128xf32, #tpu.memory_space<hbm>>)
    %dma_start3A_964 = arith.constant 4 : i32
    %dma_start3A_965 = arith.constant 0 : i32
    %dma_start3A_966 = arith.constant 0 : i32
    %dma_start3A_967 = tpu.memref_slice %arg7[%dma_start3A_964, %dma_start3A_965, %dma_start3A_966] : memref<6x128x128xf32, #tpu.memory_space<vmem>> -> memref<1x128x128xf32, #tpu.memory_space<vmem>>
    %dma_start3A_968 = tpu.memref_squeeze %dma_start3A_967 : memref<1x128x128xf32, #tpu.memory_space<vmem>> -> memref<128x128xf32, #tpu.memory_space<vmem>>
    %dma_start3A_969 = arith.constant 2816 : i32
    %dma_start3A_970 = tpu.memref_slice %arg6[%dma_start3A_969] : memref<3328xi32, #tpu.memory_space<vmem>> -> memref<128xi32, #tpu.memory_space<vmem>>
    %dma_start3A_971 = arith.constant 0 : i32
    %dma_start3A_972 = arith.constant 0 : i32
    %dma_start3A_973 = tpu.memref_slice %arg3[%dma_start3A_971, %dma_start3A_972] : memref<1000000x128xf32, #tpu.memory_space<hbm>> -> memref<1000000x128xf32, #tpu.memory_space<hbm>>
    tpu.enqueue_indirect_dma source(%dma_start3A_973 : memref<1000000x128xf32, #tpu.memory_space<hbm>>) target(%dma_start3A_968 : memref<128x128xf32, #tpu.memory_space<vmem>>) offsets(%dma_start3A_970 : memref<128xi32, #tpu.memory_space<vmem>>) semaphore(%arg13 : memref<!tpu.dma_semaphore, #tpu.memory_space<semaphore_mem>>)
    %dma_wait3A_974 = arith.constant 1 : i32
    %dma_wait3A_975 = arith.constant 0 : i32
    %dma_wait3A_976 = arith.constant 0 : i32
    %dma_wait3A_977 = tpu.memref_slice %arg7[%dma_wait3A_974, %dma_wait3A_975, %dma_wait3A_976] : memref<6x128x128xf32, #tpu.memory_space<vmem>> -> memref<1x128x128xf32, #tpu.memory_space<vmem>>
    %dma_wait3A_978 = tpu.memref_squeeze %dma_wait3A_977 : memref<1x128x128xf32, #tpu.memory_space<vmem>> -> memref<128x128xf32, #tpu.memory_space<vmem>>
    %dma_wait3A_979 = arith.constant 2432 : i32
    %dma_wait3A_980 = tpu.memref_slice %arg6[%dma_wait3A_979] : memref<3328xi32, #tpu.memory_space<vmem>> -> memref<128xi32, #tpu.memory_space<vmem>>
    %dma_wait3A_981 = arith.constant 0 : i32
    %dma_wait3A_982 = arith.constant 0 : i32
    %dma_wait3A_983 = tpu.memref_slice %arg3[%dma_wait3A_981, %dma_wait3A_982] : memref<1000000x128xf32, #tpu.memory_space<hbm>> -> memref<1000000x128xf32, #tpu.memory_space<hbm>>
    tpu.wait_indirect_dma semaphore(%arg10 : memref<!tpu.dma_semaphore, #tpu.memory_space<semaphore_mem>>) src(%dma_wait3A_983 : memref<1000000x128xf32, #tpu.memory_space<hbm>>) dst(%dma_wait3A_978 : memref<128x128xf32, #tpu.memory_space<vmem>>)
    %add3A_984 = arith.constant 2432 : i32
    %add3A_985 = arith.addi %multiple_of3A, %add3A_984 : i32
    %dma_start3A_986 = arith.constant 1 : i32
    %dma_start3A_987 = arith.constant 0 : i32
    %dma_start3A_988 = arith.constant 0 : i32
    %dma_start3A_989 = tpu.memref_slice %arg7[%dma_start3A_986, %dma_start3A_987, %dma_start3A_988] : memref<6x128x128xf32, #tpu.memory_space<vmem>> -> memref<1x128x128xf32, #tpu.memory_space<vmem>>
    %dma_start3A_990 = tpu.memref_squeeze %dma_start3A_989 : memref<1x128x128xf32, #tpu.memory_space<vmem>> -> memref<128x128xf32, #tpu.memory_space<vmem>>
    %dma_start3A_991 = arith.constant 0 : i32
    %dma_start3A_992 = tpu.memref_slice %arg4[%add3A_985, %dma_start3A_991] : memref<106496x128xf32, #tpu.memory_space<hbm>> -> memref<128x128xf32, #tpu.memory_space<hbm>>
    %dma_start3A_993 = arith.constant 0 : i32
    %dma_start3A_994 = tpu.memref_slice %arg4[%add3A_985, %dma_start3A_993] : memref<106496x128xf32, #tpu.memory_space<hbm>> -> memref<128x128xf32, #tpu.memory_space<hbm>>
    %dma_start3A_995 = arith.constant 0 : i32
    %dma_start3A_996 = arith.constant 0 : i32
    %dma_start3A_997 = tpu.memref_slice %arg7[%dma_start3A_986, %dma_start3A_995, %dma_start3A_996] : memref<6x128x128xf32, #tpu.memory_space<vmem>> -> memref<1x128x128xf32, #tpu.memory_space<vmem>>
    %dma_start3A_998 = tpu.memref_squeeze %dma_start3A_997 : memref<1x128x128xf32, #tpu.memory_space<vmem>> -> memref<128x128xf32, #tpu.memory_space<vmem>>
    tpu.enqueue_dma source(%dma_start3A_998 : memref<128x128xf32, #tpu.memory_space<vmem>>) target(%dma_start3A_994 : memref<128x128xf32, #tpu.memory_space<hbm>>) target_semaphore(%arg16 : memref<!tpu.dma_semaphore, #tpu.memory_space<semaphore_mem>>)
    %add3A_999 = arith.constant 2176 : i32
    %add3A_1000 = arith.addi %multiple_of3A, %add3A_999 : i32
    %dma_wait3A_1001 = arith.constant 5 : i32
    %dma_wait3A_1002 = arith.constant 0 : i32
    %dma_wait3A_1003 = arith.constant 0 : i32
    %dma_wait3A_1004 = tpu.memref_slice %arg7[%dma_wait3A_1001, %dma_wait3A_1002, %dma_wait3A_1003] : memref<6x128x128xf32, #tpu.memory_space<vmem>> -> memref<1x128x128xf32, #tpu.memory_space<vmem>>
    %dma_wait3A_1005 = tpu.memref_squeeze %dma_wait3A_1004 : memref<1x128x128xf32, #tpu.memory_space<vmem>> -> memref<128x128xf32, #tpu.memory_space<vmem>>
    %dma_wait3A_1006 = arith.constant 0 : i32
    %dma_wait3A_1007 = tpu.memref_slice %arg4[%add3A_1000, %dma_wait3A_1006] : memref<106496x128xf32, #tpu.memory_space<hbm>> -> memref<128x128xf32, #tpu.memory_space<hbm>>
    %dma_wait3A_1008 = arith.constant 0 : i32
    %dma_wait3A_1009 = tpu.memref_slice %arg4[%add3A_1000, %dma_wait3A_1008] : memref<106496x128xf32, #tpu.memory_space<hbm>> -> memref<128x128xf32, #tpu.memory_space<hbm>>
    %dma_wait3A_1010 = arith.constant 0 : i32
    %dma_wait3A_1011 = arith.constant 0 : i32
    %dma_wait3A_1012 = tpu.memref_slice %arg7[%dma_wait3A_1001, %dma_wait3A_1010, %dma_wait3A_1011] : memref<6x128x128xf32, #tpu.memory_space<vmem>> -> memref<1x128x128xf32, #tpu.memory_space<vmem>>
    %dma_wait3A_1013 = tpu.memref_squeeze %dma_wait3A_1012 : memref<1x128x128xf32, #tpu.memory_space<vmem>> -> memref<128x128xf32, #tpu.memory_space<vmem>>
    tpu.wait_dma2 semaphore(%arg20 : memref<!tpu.dma_semaphore, #tpu.memory_space<semaphore_mem>>) src(%dma_wait3A_1013 : memref<128x128xf32, #tpu.memory_space<vmem>>) dst(%dma_wait3A_1009 : memref<128x128xf32, #tpu.memory_space<hbm>>)
    %dma_start3A_1014 = arith.constant 5 : i32
    %dma_start3A_1015 = arith.constant 0 : i32
    %dma_start3A_1016 = arith.constant 0 : i32
    %dma_start3A_1017 = tpu.memref_slice %arg7[%dma_start3A_1014, %dma_start3A_1015, %dma_start3A_1016] : memref<6x128x128xf32, #tpu.memory_space<vmem>> -> memref<1x128x128xf32, #tpu.memory_space<vmem>>
    %dma_start3A_1018 = tpu.memref_squeeze %dma_start3A_1017 : memref<1x128x128xf32, #tpu.memory_space<vmem>> -> memref<128x128xf32, #tpu.memory_space<vmem>>
    %dma_start3A_1019 = arith.constant 2944 : i32
    %dma_start3A_1020 = tpu.memref_slice %arg6[%dma_start3A_1019] : memref<3328xi32, #tpu.memory_space<vmem>> -> memref<128xi32, #tpu.memory_space<vmem>>
    %dma_start3A_1021 = arith.constant 0 : i32
    %dma_start3A_1022 = arith.constant 0 : i32
    %dma_start3A_1023 = tpu.memref_slice %arg3[%dma_start3A_1021, %dma_start3A_1022] : memref<1000000x128xf32, #tpu.memory_space<hbm>> -> memref<1000000x128xf32, #tpu.memory_space<hbm>>
    tpu.enqueue_indirect_dma source(%dma_start3A_1023 : memref<1000000x128xf32, #tpu.memory_space<hbm>>) target(%dma_start3A_1018 : memref<128x128xf32, #tpu.memory_space<vmem>>) offsets(%dma_start3A_1020 : memref<128xi32, #tpu.memory_space<vmem>>) semaphore(%arg14 : memref<!tpu.dma_semaphore, #tpu.memory_space<semaphore_mem>>)
    %dma_wait3A_1024 = arith.constant 2 : i32
    %dma_wait3A_1025 = arith.constant 0 : i32
    %dma_wait3A_1026 = arith.constant 0 : i32
    %dma_wait3A_1027 = tpu.memref_slice %arg7[%dma_wait3A_1024, %dma_wait3A_1025, %dma_wait3A_1026] : memref<6x128x128xf32, #tpu.memory_space<vmem>> -> memref<1x128x128xf32, #tpu.memory_space<vmem>>
    %dma_wait3A_1028 = tpu.memref_squeeze %dma_wait3A_1027 : memref<1x128x128xf32, #tpu.memory_space<vmem>> -> memref<128x128xf32, #tpu.memory_space<vmem>>
    %dma_wait3A_1029 = arith.constant 2560 : i32
    %dma_wait3A_1030 = tpu.memref_slice %arg6[%dma_wait3A_1029] : memref<3328xi32, #tpu.memory_space<vmem>> -> memref<128xi32, #tpu.memory_space<vmem>>
    %dma_wait3A_1031 = arith.constant 0 : i32
    %dma_wait3A_1032 = arith.constant 0 : i32
    %dma_wait3A_1033 = tpu.memref_slice %arg3[%dma_wait3A_1031, %dma_wait3A_1032] : memref<1000000x128xf32, #tpu.memory_space<hbm>> -> memref<1000000x128xf32, #tpu.memory_space<hbm>>
    tpu.wait_indirect_dma semaphore(%arg11 : memref<!tpu.dma_semaphore, #tpu.memory_space<semaphore_mem>>) src(%dma_wait3A_1033 : memref<1000000x128xf32, #tpu.memory_space<hbm>>) dst(%dma_wait3A_1028 : memref<128x128xf32, #tpu.memory_space<vmem>>)
    %add3A_1034 = arith.constant 2560 : i32
    %add3A_1035 = arith.addi %multiple_of3A, %add3A_1034 : i32
    %dma_start3A_1036 = arith.constant 2 : i32
    %dma_start3A_1037 = arith.constant 0 : i32
    %dma_start3A_1038 = arith.constant 0 : i32
    %dma_start3A_1039 = tpu.memref_slice %arg7[%dma_start3A_1036, %dma_start3A_1037, %dma_start3A_1038] : memref<6x128x128xf32, #tpu.memory_space<vmem>> -> memref<1x128x128xf32, #tpu.memory_space<vmem>>
    %dma_start3A_1040 = tpu.memref_squeeze %dma_start3A_1039 : memref<1x128x128xf32, #tpu.memory_space<vmem>> -> memref<128x128xf32, #tpu.memory_space<vmem>>
    %dma_start3A_1041 = arith.constant 0 : i32
    %dma_start3A_1042 = tpu.memref_slice %arg4[%add3A_1035, %dma_start3A_1041] : memref<106496x128xf32, #tpu.memory_space<hbm>> -> memref<128x128xf32, #tpu.memory_space<hbm>>
    %dma_start3A_1043 = arith.constant 0 : i32
    %dma_start3A_1044 = tpu.memref_slice %arg4[%add3A_1035, %dma_start3A_1043] : memref<106496x128xf32, #tpu.memory_space<hbm>> -> memref<128x128xf32, #tpu.memory_space<hbm>>
    %dma_start3A_1045 = arith.constant 0 : i32
    %dma_start3A_1046 = arith.constant 0 : i32
    %dma_start3A_1047 = tpu.memref_slice %arg7[%dma_start3A_1036, %dma_start3A_1045, %dma_start3A_1046] : memref<6x128x128xf32, #tpu.memory_space<vmem>> -> memref<1x128x128xf32, #tpu.memory_space<vmem>>
    %dma_start3A_1048 = tpu.memref_squeeze %dma_start3A_1047 : memref<1x128x128xf32, #tpu.memory_space<vmem>> -> memref<128x128xf32, #tpu.memory_space<vmem>>
    tpu.enqueue_dma source(%dma_start3A_1048 : memref<128x128xf32, #tpu.memory_space<vmem>>) target(%dma_start3A_1044 : memref<128x128xf32, #tpu.memory_space<hbm>>) target_semaphore(%arg17 : memref<!tpu.dma_semaphore, #tpu.memory_space<semaphore_mem>>)
    %add3A_1049 = arith.constant 2304 : i32
    %add3A_1050 = arith.addi %multiple_of3A, %add3A_1049 : i32
    %dma_wait3A_1051 = arith.constant 0 : i32
    %dma_wait3A_1052 = arith.constant 0 : i32
    %dma_wait3A_1053 = arith.constant 0 : i32
    %dma_wait3A_1054 = tpu.memref_slice %arg7[%dma_wait3A_1051, %dma_wait3A_1052, %dma_wait3A_1053] : memref<6x128x128xf32, #tpu.memory_space<vmem>> -> memref<1x128x128xf32, #tpu.memory_space<vmem>>
    %dma_wait3A_1055 = tpu.memref_squeeze %dma_wait3A_1054 : memref<1x128x128xf32, #tpu.memory_space<vmem>> -> memref<128x128xf32, #tpu.memory_space<vmem>>
    %dma_wait3A_1056 = arith.constant 0 : i32
    %dma_wait3A_1057 = tpu.memref_slice %arg4[%add3A_1050, %dma_wait3A_1056] : memref<106496x128xf32, #tpu.memory_space<hbm>> -> memref<128x128xf32, #tpu.memory_space<hbm>>
    %dma_wait3A_1058 = arith.constant 0 : i32
    %dma_wait3A_1059 = tpu.memref_slice %arg4[%add3A_1050, %dma_wait3A_1058] : memref<106496x128xf32, #tpu.memory_space<hbm>> -> memref<128x128xf32, #tpu.memory_space<hbm>>
    %dma_wait3A_1060 = arith.constant 0 : i32
    %dma_wait3A_1061 = arith.constant 0 : i32
    %dma_wait3A_1062 = tpu.memref_slice %arg7[%dma_wait3A_1051, %dma_wait3A_1060, %dma_wait3A_1061] : memref<6x128x128xf32, #tpu.memory_space<vmem>> -> memref<1x128x128xf32, #tpu.memory_space<vmem>>
    %dma_wait3A_1063 = tpu.memref_squeeze %dma_wait3A_1062 : memref<1x128x128xf32, #tpu.memory_space<vmem>> -> memref<128x128xf32, #tpu.memory_space<vmem>>
    tpu.wait_dma2 semaphore(%arg15 : memref<!tpu.dma_semaphore, #tpu.memory_space<semaphore_mem>>) src(%dma_wait3A_1063 : memref<128x128xf32, #tpu.memory_space<vmem>>) dst(%dma_wait3A_1059 : memref<128x128xf32, #tpu.memory_space<hbm>>)
    %dma_start3A_1064 = arith.constant 0 : i32
    %dma_start3A_1065 = arith.constant 0 : i32
    %dma_start3A_1066 = arith.constant 0 : i32
    %dma_start3A_1067 = tpu.memref_slice %arg7[%dma_start3A_1064, %dma_start3A_1065, %dma_start3A_1066] : memref<6x128x128xf32, #tpu.memory_space<vmem>> -> memref<1x128x128xf32, #tpu.memory_space<vmem>>
    %dma_start3A_1068 = tpu.memref_squeeze %dma_start3A_1067 : memref<1x128x128xf32, #tpu.memory_space<vmem>> -> memref<128x128xf32, #tpu.memory_space<vmem>>
    %dma_start3A_1069 = arith.constant 3072 : i32
    %dma_start3A_1070 = tpu.memref_slice %arg6[%dma_start3A_1069] : memref<3328xi32, #tpu.memory_space<vmem>> -> memref<128xi32, #tpu.memory_space<vmem>>
    %dma_start3A_1071 = arith.constant 0 : i32
    %dma_start3A_1072 = arith.constant 0 : i32
    %dma_start3A_1073 = tpu.memref_slice %arg3[%dma_start3A_1071, %dma_start3A_1072] : memref<1000000x128xf32, #tpu.memory_space<hbm>> -> memref<1000000x128xf32, #tpu.memory_space<hbm>>
    tpu.enqueue_indirect_dma source(%dma_start3A_1073 : memref<1000000x128xf32, #tpu.memory_space<hbm>>) target(%dma_start3A_1068 : memref<128x128xf32, #tpu.memory_space<vmem>>) offsets(%dma_start3A_1070 : memref<128xi32, #tpu.memory_space<vmem>>) semaphore(%arg9 : memref<!tpu.dma_semaphore, #tpu.memory_space<semaphore_mem>>)
    %dma_wait3A_1074 = arith.constant 3 : i32
    %dma_wait3A_1075 = arith.constant 0 : i32
    %dma_wait3A_1076 = arith.constant 0 : i32
    %dma_wait3A_1077 = tpu.memref_slice %arg7[%dma_wait3A_1074, %dma_wait3A_1075, %dma_wait3A_1076] : memref<6x128x128xf32, #tpu.memory_space<vmem>> -> memref<1x128x128xf32, #tpu.memory_space<vmem>>
    %dma_wait3A_1078 = tpu.memref_squeeze %dma_wait3A_1077 : memref<1x128x128xf32, #tpu.memory_space<vmem>> -> memref<128x128xf32, #tpu.memory_space<vmem>>
    %dma_wait3A_1079 = arith.constant 2688 : i32
    %dma_wait3A_1080 = tpu.memref_slice %arg6[%dma_wait3A_1079] : memref<3328xi32, #tpu.memory_space<vmem>> -> memref<128xi32, #tpu.memory_space<vmem>>
    %dma_wait3A_1081 = arith.constant 0 : i32
    %dma_wait3A_1082 = arith.constant 0 : i32
    %dma_wait3A_1083 = tpu.memref_slice %arg3[%dma_wait3A_1081, %dma_wait3A_1082] : memref<1000000x128xf32, #tpu.memory_space<hbm>> -> memref<1000000x128xf32, #tpu.memory_space<hbm>>
    tpu.wait_indirect_dma semaphore(%arg12 : memref<!tpu.dma_semaphore, #tpu.memory_space<semaphore_mem>>) src(%dma_wait3A_1083 : memref<1000000x128xf32, #tpu.memory_space<hbm>>) dst(%dma_wait3A_1078 : memref<128x128xf32, #tpu.memory_space<vmem>>)
    %add3A_1084 = arith.constant 2688 : i32
    %add3A_1085 = arith.addi %multiple_of3A, %add3A_1084 : i32
    %dma_start3A_1086 = arith.constant 3 : i32
    %dma_start3A_1087 = arith.constant 0 : i32
    %dma_start3A_1088 = arith.constant 0 : i32
    %dma_start3A_1089 = tpu.memref_slice %arg7[%dma_start3A_1086, %dma_start3A_1087, %dma_start3A_1088] : memref<6x128x128xf32, #tpu.memory_space<vmem>> -> memref<1x128x128xf32, #tpu.memory_space<vmem>>
    %dma_start3A_1090 = tpu.memref_squeeze %dma_start3A_1089 : memref<1x128x128xf32, #tpu.memory_space<vmem>> -> memref<128x128xf32, #tpu.memory_space<vmem>>
    %dma_start3A_1091 = arith.constant 0 : i32
    %dma_start3A_1092 = tpu.memref_slice %arg4[%add3A_1085, %dma_start3A_1091] : memref<106496x128xf32, #tpu.memory_space<hbm>> -> memref<128x128xf32, #tpu.memory_space<hbm>>
    %dma_start3A_1093 = arith.constant 0 : i32
    %dma_start3A_1094 = tpu.memref_slice %arg4[%add3A_1085, %dma_start3A_1093] : memref<106496x128xf32, #tpu.memory_space<hbm>> -> memref<128x128xf32, #tpu.memory_space<hbm>>
    %dma_start3A_1095 = arith.constant 0 : i32
    %dma_start3A_1096 = arith.constant 0 : i32
    %dma_start3A_1097 = tpu.memref_slice %arg7[%dma_start3A_1086, %dma_start3A_1095, %dma_start3A_1096] : memref<6x128x128xf32, #tpu.memory_space<vmem>> -> memref<1x128x128xf32, #tpu.memory_space<vmem>>
    %dma_start3A_1098 = tpu.memref_squeeze %dma_start3A_1097 : memref<1x128x128xf32, #tpu.memory_space<vmem>> -> memref<128x128xf32, #tpu.memory_space<vmem>>
    tpu.enqueue_dma source(%dma_start3A_1098 : memref<128x128xf32, #tpu.memory_space<vmem>>) target(%dma_start3A_1094 : memref<128x128xf32, #tpu.memory_space<hbm>>) target_semaphore(%arg18 : memref<!tpu.dma_semaphore, #tpu.memory_space<semaphore_mem>>)
    %add3A_1099 = arith.constant 2432 : i32
    %add3A_1100 = arith.addi %multiple_of3A, %add3A_1099 : i32
    %dma_wait3A_1101 = arith.constant 1 : i32
    %dma_wait3A_1102 = arith.constant 0 : i32
    %dma_wait3A_1103 = arith.constant 0 : i32
    %dma_wait3A_1104 = tpu.memref_slice %arg7[%dma_wait3A_1101, %dma_wait3A_1102, %dma_wait3A_1103] : memref<6x128x128xf32, #tpu.memory_space<vmem>> -> memref<1x128x128xf32, #tpu.memory_space<vmem>>
    %dma_wait3A_1105 = tpu.memref_squeeze %dma_wait3A_1104 : memref<1x128x128xf32, #tpu.memory_space<vmem>> -> memref<128x128xf32, #tpu.memory_space<vmem>>
    %dma_wait3A_1106 = arith.constant 0 : i32
    %dma_wait3A_1107 = tpu.memref_slice %arg4[%add3A_1100, %dma_wait3A_1106] : memref<106496x128xf32, #tpu.memory_space<hbm>> -> memref<128x128xf32, #tpu.memory_space<hbm>>
    %dma_wait3A_1108 = arith.constant 0 : i32
    %dma_wait3A_1109 = tpu.memref_slice %arg4[%add3A_1100, %dma_wait3A_1108] : memref<106496x128xf32, #tpu.memory_space<hbm>> -> memref<128x128xf32, #tpu.memory_space<hbm>>
    %dma_wait3A_1110 = arith.constant 0 : i32
    %dma_wait3A_1111 = arith.constant 0 : i32
    %dma_wait3A_1112 = tpu.memref_slice %arg7[%dma_wait3A_1101, %dma_wait3A_1110, %dma_wait3A_1111] : memref<6x128x128xf32, #tpu.memory_space<vmem>> -> memref<1x128x128xf32, #tpu.memory_space<vmem>>
    %dma_wait3A_1113 = tpu.memref_squeeze %dma_wait3A_1112 : memref<1x128x128xf32, #tpu.memory_space<vmem>> -> memref<128x128xf32, #tpu.memory_space<vmem>>
    tpu.wait_dma2 semaphore(%arg16 : memref<!tpu.dma_semaphore, #tpu.memory_space<semaphore_mem>>) src(%dma_wait3A_1113 : memref<128x128xf32, #tpu.memory_space<vmem>>) dst(%dma_wait3A_1109 : memref<128x128xf32, #tpu.memory_space<hbm>>)
    %dma_start3A_1114 = arith.constant 1 : i32
    %dma_start3A_1115 = arith.constant 0 : i32
    %dma_start3A_1116 = arith.constant 0 : i32
    %dma_start3A_1117 = tpu.memref_slice %arg7[%dma_start3A_1114, %dma_start3A_1115, %dma_start3A_1116] : memref<6x128x128xf32, #tpu.memory_space<vmem>> -> memref<1x128x128xf32, #tpu.memory_space<vmem>>
    %dma_start3A_1118 = tpu.memref_squeeze %dma_start3A_1117 : memref<1x128x128xf32, #tpu.memory_space<vmem>> -> memref<128x128xf32, #tpu.memory_space<vmem>>
    %dma_start3A_1119 = arith.constant 3200 : i32
    %dma_start3A_1120 = tpu.memref_slice %arg6[%dma_start3A_1119] : memref<3328xi32, #tpu.memory_space<vmem>> -> memref<128xi32, #tpu.memory_space<vmem>>
    %dma_start3A_1121 = arith.constant 0 : i32
    %dma_start3A_1122 = arith.constant 0 : i32
    %dma_start3A_1123 = tpu.memref_slice %arg3[%dma_start3A_1121, %dma_start3A_1122] : memref<1000000x128xf32, #tpu.memory_space<hbm>> -> memref<1000000x128xf32, #tpu.memory_space<hbm>>
    tpu.enqueue_indirect_dma source(%dma_start3A_1123 : memref<1000000x128xf32, #tpu.memory_space<hbm>>) target(%dma_start3A_1118 : memref<128x128xf32, #tpu.memory_space<vmem>>) offsets(%dma_start3A_1120 : memref<128xi32, #tpu.memory_space<vmem>>) semaphore(%arg10 : memref<!tpu.dma_semaphore, #tpu.memory_space<semaphore_mem>>)
    %dma_wait3A_1124 = arith.constant 4 : i32
    %dma_wait3A_1125 = arith.constant 0 : i32
    %dma_wait3A_1126 = arith.constant 0 : i32
    %dma_wait3A_1127 = tpu.memref_slice %arg7[%dma_wait3A_1124, %dma_wait3A_1125, %dma_wait3A_1126] : memref<6x128x128xf32, #tpu.memory_space<vmem>> -> memref<1x128x128xf32, #tpu.memory_space<vmem>>
    %dma_wait3A_1128 = tpu.memref_squeeze %dma_wait3A_1127 : memref<1x128x128xf32, #tpu.memory_space<vmem>> -> memref<128x128xf32, #tpu.memory_space<vmem>>
    %dma_wait3A_1129 = arith.constant 2816 : i32
    %dma_wait3A_1130 = tpu.memref_slice %arg6[%dma_wait3A_1129] : memref<3328xi32, #tpu.memory_space<vmem>> -> memref<128xi32, #tpu.memory_space<vmem>>
    %dma_wait3A_1131 = arith.constant 0 : i32
    %dma_wait3A_1132 = arith.constant 0 : i32
    %dma_wait3A_1133 = tpu.memref_slice %arg3[%dma_wait3A_1131, %dma_wait3A_1132] : memref<1000000x128xf32, #tpu.memory_space<hbm>> -> memref<1000000x128xf32, #tpu.memory_space<hbm>>
    tpu.wait_indirect_dma semaphore(%arg13 : memref<!tpu.dma_semaphore, #tpu.memory_space<semaphore_mem>>) src(%dma_wait3A_1133 : memref<1000000x128xf32, #tpu.memory_space<hbm>>) dst(%dma_wait3A_1128 : memref<128x128xf32, #tpu.memory_space<vmem>>)
    %add3A_1134 = arith.constant 2816 : i32
    %add3A_1135 = arith.addi %multiple_of3A, %add3A_1134 : i32
    %dma_start3A_1136 = arith.constant 4 : i32
    %dma_start3A_1137 = arith.constant 0 : i32
    %dma_start3A_1138 = arith.constant 0 : i32
    %dma_start3A_1139 = tpu.memref_slice %arg7[%dma_start3A_1136, %dma_start3A_1137, %dma_start3A_1138] : memref<6x128x128xf32, #tpu.memory_space<vmem>> -> memref<1x128x128xf32, #tpu.memory_space<vmem>>
    %dma_start3A_1140 = tpu.memref_squeeze %dma_start3A_1139 : memref<1x128x128xf32, #tpu.memory_space<vmem>> -> memref<128x128xf32, #tpu.memory_space<vmem>>
    %dma_start3A_1141 = arith.constant 0 : i32
    %dma_start3A_1142 = tpu.memref_slice %arg4[%add3A_1135, %dma_start3A_1141] : memref<106496x128xf32, #tpu.memory_space<hbm>> -> memref<128x128xf32, #tpu.memory_space<hbm>>
    %dma_start3A_1143 = arith.constant 0 : i32
    %dma_start3A_1144 = tpu.memref_slice %arg4[%add3A_1135, %dma_start3A_1143] : memref<106496x128xf32, #tpu.memory_space<hbm>> -> memref<128x128xf32, #tpu.memory_space<hbm>>
    %dma_start3A_1145 = arith.constant 0 : i32
    %dma_start3A_1146 = arith.constant 0 : i32
    %dma_start3A_1147 = tpu.memref_slice %arg7[%dma_start3A_1136, %dma_start3A_1145, %dma_start3A_1146] : memref<6x128x128xf32, #tpu.memory_space<vmem>> -> memref<1x128x128xf32, #tpu.memory_space<vmem>>
    %dma_start3A_1148 = tpu.memref_squeeze %dma_start3A_1147 : memref<1x128x128xf32, #tpu.memory_space<vmem>> -> memref<128x128xf32, #tpu.memory_space<vmem>>
    tpu.enqueue_dma source(%dma_start3A_1148 : memref<128x128xf32, #tpu.memory_space<vmem>>) target(%dma_start3A_1144 : memref<128x128xf32, #tpu.memory_space<hbm>>) target_semaphore(%arg19 : memref<!tpu.dma_semaphore, #tpu.memory_space<semaphore_mem>>)
    %dma_wait3A_1149 = arith.constant 5 : i32
    %dma_wait3A_1150 = arith.constant 0 : i32
    %dma_wait3A_1151 = arith.constant 0 : i32
    %dma_wait3A_1152 = tpu.memref_slice %arg7[%dma_wait3A_1149, %dma_wait3A_1150, %dma_wait3A_1151] : memref<6x128x128xf32, #tpu.memory_space<vmem>> -> memref<1x128x128xf32, #tpu.memory_space<vmem>>
    %dma_wait3A_1153 = tpu.memref_squeeze %dma_wait3A_1152 : memref<1x128x128xf32, #tpu.memory_space<vmem>> -> memref<128x128xf32, #tpu.memory_space<vmem>>
    %dma_wait3A_1154 = arith.constant 2944 : i32
    %dma_wait3A_1155 = tpu.memref_slice %arg6[%dma_wait3A_1154] : memref<3328xi32, #tpu.memory_space<vmem>> -> memref<128xi32, #tpu.memory_space<vmem>>
    %dma_wait3A_1156 = arith.constant 0 : i32
    %dma_wait3A_1157 = arith.constant 0 : i32
    %dma_wait3A_1158 = tpu.memref_slice %arg3[%dma_wait3A_1156, %dma_wait3A_1157] : memref<1000000x128xf32, #tpu.memory_space<hbm>> -> memref<1000000x128xf32, #tpu.memory_space<hbm>>
    tpu.wait_indirect_dma semaphore(%arg14 : memref<!tpu.dma_semaphore, #tpu.memory_space<semaphore_mem>>) src(%dma_wait3A_1158 : memref<1000000x128xf32, #tpu.memory_space<hbm>>) dst(%dma_wait3A_1153 : memref<128x128xf32, #tpu.memory_space<vmem>>)
    %add3A_1159 = arith.constant 2944 : i32
    %add3A_1160 = arith.addi %multiple_of3A, %add3A_1159 : i32
    %dma_start3A_1161 = arith.constant 5 : i32
    %dma_start3A_1162 = arith.constant 0 : i32
    %dma_start3A_1163 = arith.constant 0 : i32
    %dma_start3A_1164 = tpu.memref_slice %arg7[%dma_start3A_1161, %dma_start3A_1162, %dma_start3A_1163] : memref<6x128x128xf32, #tpu.memory_space<vmem>> -> memref<1x128x128xf32, #tpu.memory_space<vmem>>
    %dma_start3A_1165 = tpu.memref_squeeze %dma_start3A_1164 : memref<1x128x128xf32, #tpu.memory_space<vmem>> -> memref<128x128xf32, #tpu.memory_space<vmem>>
    %dma_start3A_1166 = arith.constant 0 : i32
    %dma_start3A_1167 = tpu.memref_slice %arg4[%add3A_1160, %dma_start3A_1166] : memref<106496x128xf32, #tpu.memory_space<hbm>> -> memref<128x128xf32, #tpu.memory_space<hbm>>
    %dma_start3A_1168 = arith.constant 0 : i32
    %dma_start3A_1169 = tpu.memref_slice %arg4[%add3A_1160, %dma_start3A_1168] : memref<106496x128xf32, #tpu.memory_space<hbm>> -> memref<128x128xf32, #tpu.memory_space<hbm>>
    %dma_start3A_1170 = arith.constant 0 : i32
    %dma_start3A_1171 = arith.constant 0 : i32
    %dma_start3A_1172 = tpu.memref_slice %arg7[%dma_start3A_1161, %dma_start3A_1170, %dma_start3A_1171] : memref<6x128x128xf32, #tpu.memory_space<vmem>> -> memref<1x128x128xf32, #tpu.memory_space<vmem>>
    %dma_start3A_1173 = tpu.memref_squeeze %dma_start3A_1172 : memref<1x128x128xf32, #tpu.memory_space<vmem>> -> memref<128x128xf32, #tpu.memory_space<vmem>>
    tpu.enqueue_dma source(%dma_start3A_1173 : memref<128x128xf32, #tpu.memory_space<vmem>>) target(%dma_start3A_1169 : memref<128x128xf32, #tpu.memory_space<hbm>>) target_semaphore(%arg20 : memref<!tpu.dma_semaphore, #tpu.memory_space<semaphore_mem>>)
    %dma_wait3A_1174 = arith.constant 0 : i32
    %dma_wait3A_1175 = arith.constant 0 : i32
    %dma_wait3A_1176 = arith.constant 0 : i32
    %dma_wait3A_1177 = tpu.memref_slice %arg7[%dma_wait3A_1174, %dma_wait3A_1175, %dma_wait3A_1176] : memref<6x128x128xf32, #tpu.memory_space<vmem>> -> memref<1x128x128xf32, #tpu.memory_space<vmem>>
    %dma_wait3A_1178 = tpu.memref_squeeze %dma_wait3A_1177 : memref<1x128x128xf32, #tpu.memory_space<vmem>> -> memref<128x128xf32, #tpu.memory_space<vmem>>
    %dma_wait3A_1179 = arith.constant 3072 : i32
    %dma_wait3A_1180 = tpu.memref_slice %arg6[%dma_wait3A_1179] : memref<3328xi32, #tpu.memory_space<vmem>> -> memref<128xi32, #tpu.memory_space<vmem>>
    %dma_wait3A_1181 = arith.constant 0 : i32
    %dma_wait3A_1182 = arith.constant 0 : i32
    %dma_wait3A_1183 = tpu.memref_slice %arg3[%dma_wait3A_1181, %dma_wait3A_1182] : memref<1000000x128xf32, #tpu.memory_space<hbm>> -> memref<1000000x128xf32, #tpu.memory_space<hbm>>
    tpu.wait_indirect_dma semaphore(%arg9 : memref<!tpu.dma_semaphore, #tpu.memory_space<semaphore_mem>>) src(%dma_wait3A_1183 : memref<1000000x128xf32, #tpu.memory_space<hbm>>) dst(%dma_wait3A_1178 : memref<128x128xf32, #tpu.memory_space<vmem>>)
    %add3A_1184 = arith.constant 3072 : i32
    %add3A_1185 = arith.addi %multiple_of3A, %add3A_1184 : i32
    %dma_start3A_1186 = arith.constant 0 : i32
    %dma_start3A_1187 = arith.constant 0 : i32
    %dma_start3A_1188 = arith.constant 0 : i32
    %dma_start3A_1189 = tpu.memref_slice %arg7[%dma_start3A_1186, %dma_start3A_1187, %dma_start3A_1188] : memref<6x128x128xf32, #tpu.memory_space<vmem>> -> memref<1x128x128xf32, #tpu.memory_space<vmem>>
    %dma_start3A_1190 = tpu.memref_squeeze %dma_start3A_1189 : memref<1x128x128xf32, #tpu.memory_space<vmem>> -> memref<128x128xf32, #tpu.memory_space<vmem>>
    %dma_start3A_1191 = arith.constant 0 : i32
    %dma_start3A_1192 = tpu.memref_slice %arg4[%add3A_1185, %dma_start3A_1191] : memref<106496x128xf32, #tpu.memory_space<hbm>> -> memref<128x128xf32, #tpu.memory_space<hbm>>
    %dma_start3A_1193 = arith.constant 0 : i32
    %dma_start3A_1194 = tpu.memref_slice %arg4[%add3A_1185, %dma_start3A_1193] : memref<106496x128xf32, #tpu.memory_space<hbm>> -> memref<128x128xf32, #tpu.memory_space<hbm>>
    %dma_start3A_1195 = arith.constant 0 : i32
    %dma_start3A_1196 = arith.constant 0 : i32
    %dma_start3A_1197 = tpu.memref_slice %arg7[%dma_start3A_1186, %dma_start3A_1195, %dma_start3A_1196] : memref<6x128x128xf32, #tpu.memory_space<vmem>> -> memref<1x128x128xf32, #tpu.memory_space<vmem>>
    %dma_start3A_1198 = tpu.memref_squeeze %dma_start3A_1197 : memref<1x128x128xf32, #tpu.memory_space<vmem>> -> memref<128x128xf32, #tpu.memory_space<vmem>>
    tpu.enqueue_dma source(%dma_start3A_1198 : memref<128x128xf32, #tpu.memory_space<vmem>>) target(%dma_start3A_1194 : memref<128x128xf32, #tpu.memory_space<hbm>>) target_semaphore(%arg15 : memref<!tpu.dma_semaphore, #tpu.memory_space<semaphore_mem>>)
    %dma_wait3A_1199 = arith.constant 1 : i32
    %dma_wait3A_1200 = arith.constant 0 : i32
    %dma_wait3A_1201 = arith.constant 0 : i32
    %dma_wait3A_1202 = tpu.memref_slice %arg7[%dma_wait3A_1199, %dma_wait3A_1200, %dma_wait3A_1201] : memref<6x128x128xf32, #tpu.memory_space<vmem>> -> memref<1x128x128xf32, #tpu.memory_space<vmem>>
    %dma_wait3A_1203 = tpu.memref_squeeze %dma_wait3A_1202 : memref<1x128x128xf32, #tpu.memory_space<vmem>> -> memref<128x128xf32, #tpu.memory_space<vmem>>
    %dma_wait3A_1204 = arith.constant 3200 : i32
    %dma_wait3A_1205 = tpu.memref_slice %arg6[%dma_wait3A_1204] : memref<3328xi32, #tpu.memory_space<vmem>> -> memref<128xi32, #tpu.memory_space<vmem>>
    %dma_wait3A_1206 = arith.constant 0 : i32
    %dma_wait3A_1207 = arith.constant 0 : i32
    %dma_wait3A_1208 = tpu.memref_slice %arg3[%dma_wait3A_1206, %dma_wait3A_1207] : memref<1000000x128xf32, #tpu.memory_space<hbm>> -> memref<1000000x128xf32, #tpu.memory_space<hbm>>
    tpu.wait_indirect_dma semaphore(%arg10 : memref<!tpu.dma_semaphore, #tpu.memory_space<semaphore_mem>>) src(%dma_wait3A_1208 : memref<1000000x128xf32, #tpu.memory_space<hbm>>) dst(%dma_wait3A_1203 : memref<128x128xf32, #tpu.memory_space<vmem>>)
    %add3A_1209 = arith.constant 3200 : i32
    %add3A_1210 = arith.addi %multiple_of3A, %add3A_1209 : i32
    %dma_start3A_1211 = arith.constant 1 : i32
    %dma_start3A_1212 = arith.constant 0 : i32
    %dma_start3A_1213 = arith.constant 0 : i32
    %dma_start3A_1214 = tpu.memref_slice %arg7[%dma_start3A_1211, %dma_start3A_1212, %dma_start3A_1213] : memref<6x128x128xf32, #tpu.memory_space<vmem>> -> memref<1x128x128xf32, #tpu.memory_space<vmem>>
    %dma_start3A_1215 = tpu.memref_squeeze %dma_start3A_1214 : memref<1x128x128xf32, #tpu.memory_space<vmem>> -> memref<128x128xf32, #tpu.memory_space<vmem>>
    %dma_start3A_1216 = arith.constant 0 : i32
    %dma_start3A_1217 = tpu.memref_slice %arg4[%add3A_1210, %dma_start3A_1216] : memref<106496x128xf32, #tpu.memory_space<hbm>> -> memref<128x128xf32, #tpu.memory_space<hbm>>
    %dma_start3A_1218 = arith.constant 0 : i32
    %dma_start3A_1219 = tpu.memref_slice %arg4[%add3A_1210, %dma_start3A_1218] : memref<106496x128xf32, #tpu.memory_space<hbm>> -> memref<128x128xf32, #tpu.memory_space<hbm>>
    %dma_start3A_1220 = arith.constant 0 : i32
    %dma_start3A_1221 = arith.constant 0 : i32
    %dma_start3A_1222 = tpu.memref_slice %arg7[%dma_start3A_1211, %dma_start3A_1220, %dma_start3A_1221] : memref<6x128x128xf32, #tpu.memory_space<vmem>> -> memref<1x128x128xf32, #tpu.memory_space<vmem>>
    %dma_start3A_1223 = tpu.memref_squeeze %dma_start3A_1222 : memref<1x128x128xf32, #tpu.memory_space<vmem>> -> memref<128x128xf32, #tpu.memory_space<vmem>>
    tpu.enqueue_dma source(%dma_start3A_1223 : memref<128x128xf32, #tpu.memory_space<vmem>>) target(%dma_start3A_1219 : memref<128x128xf32, #tpu.memory_space<hbm>>) target_semaphore(%arg16 : memref<!tpu.dma_semaphore, #tpu.memory_space<semaphore_mem>>)
    %add3A_1224 = arith.constant 2560 : i32
    %add3A_1225 = arith.addi %multiple_of3A, %add3A_1224 : i32
    %dma_wait3A_1226 = arith.constant 2 : i32
    %dma_wait3A_1227 = arith.constant 0 : i32
    %dma_wait3A_1228 = arith.constant 0 : i32
    %dma_wait3A_1229 = tpu.memref_slice %arg7[%dma_wait3A_1226, %dma_wait3A_1227, %dma_wait3A_1228] : memref<6x128x128xf32, #tpu.memory_space<vmem>> -> memref<1x128x128xf32, #tpu.memory_space<vmem>>
    %dma_wait3A_1230 = tpu.memref_squeeze %dma_wait3A_1229 : memref<1x128x128xf32, #tpu.memory_space<vmem>> -> memref<128x128xf32, #tpu.memory_space<vmem>>
    %dma_wait3A_1231 = arith.constant 0 : i32
    %dma_wait3A_1232 = tpu.memref_slice %arg4[%add3A_1225, %dma_wait3A_1231] : memref<106496x128xf32, #tpu.memory_space<hbm>> -> memref<128x128xf32, #tpu.memory_space<hbm>>
    %dma_wait3A_1233 = arith.constant 0 : i32
    %dma_wait3A_1234 = tpu.memref_slice %arg4[%add3A_1225, %dma_wait3A_1233] : memref<106496x128xf32, #tpu.memory_space<hbm>> -> memref<128x128xf32, #tpu.memory_space<hbm>>
    %dma_wait3A_1235 = arith.constant 0 : i32
    %dma_wait3A_1236 = arith.constant 0 : i32
    %dma_wait3A_1237 = tpu.memref_slice %arg7[%dma_wait3A_1226, %dma_wait3A_1235, %dma_wait3A_1236] : memref<6x128x128xf32, #tpu.memory_space<vmem>> -> memref<1x128x128xf32, #tpu.memory_space<vmem>>
    %dma_wait3A_1238 = tpu.memref_squeeze %dma_wait3A_1237 : memref<1x128x128xf32, #tpu.memory_space<vmem>> -> memref<128x128xf32, #tpu.memory_space<vmem>>
    tpu.wait_dma2 semaphore(%arg17 : memref<!tpu.dma_semaphore, #tpu.memory_space<semaphore_mem>>) src(%dma_wait3A_1238 : memref<128x128xf32, #tpu.memory_space<vmem>>) dst(%dma_wait3A_1234 : memref<128x128xf32, #tpu.memory_space<hbm>>)
    %add3A_1239 = arith.constant 2688 : i32
    %add3A_1240 = arith.addi %multiple_of3A, %add3A_1239 : i32
    %dma_wait3A_1241 = arith.constant 3 : i32
    %dma_wait3A_1242 = arith.constant 0 : i32
    %dma_wait3A_1243 = arith.constant 0 : i32
    %dma_wait3A_1244 = tpu.memref_slice %arg7[%dma_wait3A_1241, %dma_wait3A_1242, %dma_wait3A_1243] : memref<6x128x128xf32, #tpu.memory_space<vmem>> -> memref<1x128x128xf32, #tpu.memory_space<vmem>>
    %dma_wait3A_1245 = tpu.memref_squeeze %dma_wait3A_1244 : memref<1x128x128xf32, #tpu.memory_space<vmem>> -> memref<128x128xf32, #tpu.memory_space<vmem>>
    %dma_wait3A_1246 = arith.constant 0 : i32
    %dma_wait3A_1247 = tpu.memref_slice %arg4[%add3A_1240, %dma_wait3A_1246] : memref<106496x128xf32, #tpu.memory_space<hbm>> -> memref<128x128xf32, #tpu.memory_space<hbm>>
    %dma_wait3A_1248 = arith.constant 0 : i32
    %dma_wait3A_1249 = tpu.memref_slice %arg4[%add3A_1240, %dma_wait3A_1248] : memref<106496x128xf32, #tpu.memory_space<hbm>> -> memref<128x128xf32, #tpu.memory_space<hbm>>
    %dma_wait3A_1250 = arith.constant 0 : i32
    %dma_wait3A_1251 = arith.constant 0 : i32
    %dma_wait3A_1252 = tpu.memref_slice %arg7[%dma_wait3A_1241, %dma_wait3A_1250, %dma_wait3A_1251] : memref<6x128x128xf32, #tpu.memory_space<vmem>> -> memref<1x128x128xf32, #tpu.memory_space<vmem>>
    %dma_wait3A_1253 = tpu.memref_squeeze %dma_wait3A_1252 : memref<1x128x128xf32, #tpu.memory_space<vmem>> -> memref<128x128xf32, #tpu.memory_space<vmem>>
    tpu.wait_dma2 semaphore(%arg18 : memref<!tpu.dma_semaphore, #tpu.memory_space<semaphore_mem>>) src(%dma_wait3A_1253 : memref<128x128xf32, #tpu.memory_space<vmem>>) dst(%dma_wait3A_1249 : memref<128x128xf32, #tpu.memory_space<hbm>>)
    %add3A_1254 = arith.constant 2816 : i32
    %add3A_1255 = arith.addi %multiple_of3A, %add3A_1254 : i32
    %dma_wait3A_1256 = arith.constant 4 : i32
    %dma_wait3A_1257 = arith.constant 0 : i32
    %dma_wait3A_1258 = arith.constant 0 : i32
    %dma_wait3A_1259 = tpu.memref_slice %arg7[%dma_wait3A_1256, %dma_wait3A_1257, %dma_wait3A_1258] : memref<6x128x128xf32, #tpu.memory_space<vmem>> -> memref<1x128x128xf32, #tpu.memory_space<vmem>>
    %dma_wait3A_1260 = tpu.memref_squeeze %dma_wait3A_1259 : memref<1x128x128xf32, #tpu.memory_space<vmem>> -> memref<128x128xf32, #tpu.memory_space<vmem>>
    %dma_wait3A_1261 = arith.constant 0 : i32
    %dma_wait3A_1262 = tpu.memref_slice %arg4[%add3A_1255, %dma_wait3A_1261] : memref<106496x128xf32, #tpu.memory_space<hbm>> -> memref<128x128xf32, #tpu.memory_space<hbm>>
    %dma_wait3A_1263 = arith.constant 0 : i32
    %dma_wait3A_1264 = tpu.memref_slice %arg4[%add3A_1255, %dma_wait3A_1263] : memref<106496x128xf32, #tpu.memory_space<hbm>> -> memref<128x128xf32, #tpu.memory_space<hbm>>
    %dma_wait3A_1265 = arith.constant 0 : i32
    %dma_wait3A_1266 = arith.constant 0 : i32
    %dma_wait3A_1267 = tpu.memref_slice %arg7[%dma_wait3A_1256, %dma_wait3A_1265, %dma_wait3A_1266] : memref<6x128x128xf32, #tpu.memory_space<vmem>> -> memref<1x128x128xf32, #tpu.memory_space<vmem>>
    %dma_wait3A_1268 = tpu.memref_squeeze %dma_wait3A_1267 : memref<1x128x128xf32, #tpu.memory_space<vmem>> -> memref<128x128xf32, #tpu.memory_space<vmem>>
    tpu.wait_dma2 semaphore(%arg19 : memref<!tpu.dma_semaphore, #tpu.memory_space<semaphore_mem>>) src(%dma_wait3A_1268 : memref<128x128xf32, #tpu.memory_space<vmem>>) dst(%dma_wait3A_1264 : memref<128x128xf32, #tpu.memory_space<hbm>>)
    %add3A_1269 = arith.constant 2944 : i32
    %add3A_1270 = arith.addi %multiple_of3A, %add3A_1269 : i32
    %dma_wait3A_1271 = arith.constant 5 : i32
    %dma_wait3A_1272 = arith.constant 0 : i32
    %dma_wait3A_1273 = arith.constant 0 : i32
    %dma_wait3A_1274 = tpu.memref_slice %arg7[%dma_wait3A_1271, %dma_wait3A_1272, %dma_wait3A_1273] : memref<6x128x128xf32, #tpu.memory_space<vmem>> -> memref<1x128x128xf32, #tpu.memory_space<vmem>>
    %dma_wait3A_1275 = tpu.memref_squeeze %dma_wait3A_1274 : memref<1x128x128xf32, #tpu.memory_space<vmem>> -> memref<128x128xf32, #tpu.memory_space<vmem>>
    %dma_wait3A_1276 = arith.constant 0 : i32
    %dma_wait3A_1277 = tpu.memref_slice %arg4[%add3A_1270, %dma_wait3A_1276] : memref<106496x128xf32, #tpu.memory_space<hbm>> -> memref<128x128xf32, #tpu.memory_space<hbm>>
    %dma_wait3A_1278 = arith.constant 0 : i32
    %dma_wait3A_1279 = tpu.memref_slice %arg4[%add3A_1270, %dma_wait3A_1278] : memref<106496x128xf32, #tpu.memory_space<hbm>> -> memref<128x128xf32, #tpu.memory_space<hbm>>
    %dma_wait3A_1280 = arith.constant 0 : i32
    %dma_wait3A_1281 = arith.constant 0 : i32
    %dma_wait3A_1282 = tpu.memref_slice %arg7[%dma_wait3A_1271, %dma_wait3A_1280, %dma_wait3A_1281] : memref<6x128x128xf32, #tpu.memory_space<vmem>> -> memref<1x128x128xf32, #tpu.memory_space<vmem>>
    %dma_wait3A_1283 = tpu.memref_squeeze %dma_wait3A_1282 : memref<1x128x128xf32, #tpu.memory_space<vmem>> -> memref<128x128xf32, #tpu.memory_space<vmem>>
    tpu.wait_dma2 semaphore(%arg20 : memref<!tpu.dma_semaphore, #tpu.memory_space<semaphore_mem>>) src(%dma_wait3A_1283 : memref<128x128xf32, #tpu.memory_space<vmem>>) dst(%dma_wait3A_1279 : memref<128x128xf32, #tpu.memory_space<hbm>>)
    %add3A_1284 = arith.constant 3072 : i32
    %add3A_1285 = arith.addi %multiple_of3A, %add3A_1284 : i32
    %dma_wait3A_1286 = arith.constant 0 : i32
    %dma_wait3A_1287 = arith.constant 0 : i32
    %dma_wait3A_1288 = arith.constant 0 : i32
    %dma_wait3A_1289 = tpu.memref_slice %arg7[%dma_wait3A_1286, %dma_wait3A_1287, %dma_wait3A_1288] : memref<6x128x128xf32, #tpu.memory_space<vmem>> -> memref<1x128x128xf32, #tpu.memory_space<vmem>>
    %dma_wait3A_1290 = tpu.memref_squeeze %dma_wait3A_1289 : memref<1x128x128xf32, #tpu.memory_space<vmem>> -> memref<128x128xf32, #tpu.memory_space<vmem>>
    %dma_wait3A_1291 = arith.constant 0 : i32
    %dma_wait3A_1292 = tpu.memref_slice %arg4[%add3A_1285, %dma_wait3A_1291] : memref<106496x128xf32, #tpu.memory_space<hbm>> -> memref<128x128xf32, #tpu.memory_space<hbm>>
    %dma_wait3A_1293 = arith.constant 0 : i32
    %dma_wait3A_1294 = tpu.memref_slice %arg4[%add3A_1285, %dma_wait3A_1293] : memref<106496x128xf32, #tpu.memory_space<hbm>> -> memref<128x128xf32, #tpu.memory_space<hbm>>
    %dma_wait3A_1295 = arith.constant 0 : i32
    %dma_wait3A_1296 = arith.constant 0 : i32
    %dma_wait3A_1297 = tpu.memref_slice %arg7[%dma_wait3A_1286, %dma_wait3A_1295, %dma_wait3A_1296] : memref<6x128x128xf32, #tpu.memory_space<vmem>> -> memref<1x128x128xf32, #tpu.memory_space<vmem>>
    %dma_wait3A_1298 = tpu.memref_squeeze %dma_wait3A_1297 : memref<1x128x128xf32, #tpu.memory_space<vmem>> -> memref<128x128xf32, #tpu.memory_space<vmem>>
    tpu.wait_dma2 semaphore(%arg15 : memref<!tpu.dma_semaphore, #tpu.memory_space<semaphore_mem>>) src(%dma_wait3A_1298 : memref<128x128xf32, #tpu.memory_space<vmem>>) dst(%dma_wait3A_1294 : memref<128x128xf32, #tpu.memory_space<hbm>>)
    %add3A_1299 = arith.constant 3200 : i32
    %add3A_1300 = arith.addi %multiple_of3A, %add3A_1299 : i32
    %dma_wait3A_1301 = arith.constant 1 : i32
    %dma_wait3A_1302 = arith.constant 0 : i32
    %dma_wait3A_1303 = arith.constant 0 : i32
    %dma_wait3A_1304 = tpu.memref_slice %arg7[%dma_wait3A_1301, %dma_wait3A_1302, %dma_wait3A_1303] : memref<6x128x128xf32, #tpu.memory_space<vmem>> -> memref<1x128x128xf32, #tpu.memory_space<vmem>>
    %dma_wait3A_1305 = tpu.memref_squeeze %dma_wait3A_1304 : memref<1x128x128xf32, #tpu.memory_space<vmem>> -> memref<128x128xf32, #tpu.memory_space<vmem>>
    %dma_wait3A_1306 = arith.constant 0 : i32
    %dma_wait3A_1307 = tpu.memref_slice %arg4[%add3A_1300, %dma_wait3A_1306] : memref<106496x128xf32, #tpu.memory_space<hbm>> -> memref<128x128xf32, #tpu.memory_space<hbm>>
    %dma_wait3A_1308 = arith.constant 0 : i32
    %dma_wait3A_1309 = tpu.memref_slice %arg4[%add3A_1300, %dma_wait3A_1308] : memref<106496x128xf32, #tpu.memory_space<hbm>> -> memref<128x128xf32, #tpu.memory_space<hbm>>
    %dma_wait3A_1310 = arith.constant 0 : i32
    %dma_wait3A_1311 = arith.constant 0 : i32
    %dma_wait3A_1312 = tpu.memref_slice %arg7[%dma_wait3A_1301, %dma_wait3A_1310, %dma_wait3A_1311] : memref<6x128x128xf32, #tpu.memory_space<vmem>> -> memref<1x128x128xf32, #tpu.memory_space<vmem>>
    %dma_wait3A_1313 = tpu.memref_squeeze %dma_wait3A_1312 : memref<1x128x128xf32, #tpu.memory_space<vmem>> -> memref<128x128xf32, #tpu.memory_space<vmem>>
    tpu.wait_dma2 semaphore(%arg16 : memref<!tpu.dma_semaphore, #tpu.memory_space<semaphore_mem>>) src(%dma_wait3A_1313 : memref<128x128xf32, #tpu.memory_space<vmem>>) dst(%dma_wait3A_1309 : memref<128x128xf32, #tpu.memory_space<hbm>>)
    return
  }
}

module attributes {stable_mosaic.version = 14 : i64} {
  func.func @body(%arg0: i32, %arg1: memref<26x1024x128xf32, #tpu.memory_space<vmem>>, %arg2: memref<3328x256xbf16, #tpu.memory_space<vmem>>, %arg3: memref<1x256xf32, #tpu.memory_space<vmem>>, %arg4: memref<256x256xbf16, #tpu.memory_space<vmem>>, %arg5: memref<1x256xf32, #tpu.memory_space<vmem>>, %arg6: memref<1024x256xf32, #tpu.memory_space<vmem>>) attributes {dimension_semantics = [#tpu.dimension_semantics<arbitrary>], iteration_bounds = array<i64: 4>, scalar_prefetch = 0 : i64, scratch_operands = 0 : i64, tpu.core_type = #tpu.core_type<tc>, window_params = [{transform_indices = @transform_0, window_bounds = array<i64: 26, 1024, 128>}, {pipeline_mode = #tpu.pipeline_mode<synchronous>, transform_indices = @transform_1, window_bounds = array<i64: 3328, 256>}, {pipeline_mode = #tpu.pipeline_mode<synchronous>, transform_indices = @transform_2, window_bounds = array<i64: 1, 256>}, {pipeline_mode = #tpu.pipeline_mode<synchronous>, transform_indices = @transform_3, window_bounds = array<i64: 256, 256>}, {pipeline_mode = #tpu.pipeline_mode<synchronous>, transform_indices = @transform_4, window_bounds = array<i64: 1, 256>}, {transform_indices = @transform_5, window_bounds = array<i64: 1024, 256>}]} {
    %get3A = arith.constant 0 : index
    %get3A_0 = arith.constant 0 : index
    %get3A_1 = arith.constant 0 : index
    %get3A_2 = vector.load %arg1[%get3A, %get3A_0, %get3A_1] : memref<26x1024x128xf32, #tpu.memory_space<vmem>>, vector<1x1024x128xf32>
    %get3A_3 = vector.shape_cast %get3A_2 : vector<1x1024x128xf32> to vector<1024x128xf32>
    %convert_element_type3A = arith.truncf %get3A_3 : vector<1024x128xf32> to vector<1024x128xbf16>
    %get3A_4 = arith.constant 1 : index
    %get3A_5 = arith.constant 0 : index
    %get3A_6 = arith.constant 0 : index
    %get3A_7 = vector.load %arg1[%get3A_4, %get3A_5, %get3A_6] : memref<26x1024x128xf32, #tpu.memory_space<vmem>>, vector<1x1024x128xf32>
    %get3A_8 = vector.shape_cast %get3A_7 : vector<1x1024x128xf32> to vector<1024x128xf32>
    %convert_element_type3A_9 = arith.truncf %get3A_8 : vector<1024x128xf32> to vector<1024x128xbf16>
    %get3A_10 = arith.constant 2 : index
    %get3A_11 = arith.constant 0 : index
    %get3A_12 = arith.constant 0 : index
    %get3A_13 = vector.load %arg1[%get3A_10, %get3A_11, %get3A_12] : memref<26x1024x128xf32, #tpu.memory_space<vmem>>, vector<1x1024x128xf32>
    %get3A_14 = vector.shape_cast %get3A_13 : vector<1x1024x128xf32> to vector<1024x128xf32>
    %convert_element_type3A_15 = arith.truncf %get3A_14 : vector<1024x128xf32> to vector<1024x128xbf16>
    %get3A_16 = arith.constant 3 : index
    %get3A_17 = arith.constant 0 : index
    %get3A_18 = arith.constant 0 : index
    %get3A_19 = vector.load %arg1[%get3A_16, %get3A_17, %get3A_18] : memref<26x1024x128xf32, #tpu.memory_space<vmem>>, vector<1x1024x128xf32>
    %get3A_20 = vector.shape_cast %get3A_19 : vector<1x1024x128xf32> to vector<1024x128xf32>
    %convert_element_type3A_21 = arith.truncf %get3A_20 : vector<1024x128xf32> to vector<1024x128xbf16>
    %get3A_22 = arith.constant 4 : index
    %get3A_23 = arith.constant 0 : index
    %get3A_24 = arith.constant 0 : index
    %get3A_25 = vector.load %arg1[%get3A_22, %get3A_23, %get3A_24] : memref<26x1024x128xf32, #tpu.memory_space<vmem>>, vector<1x1024x128xf32>
    %get3A_26 = vector.shape_cast %get3A_25 : vector<1x1024x128xf32> to vector<1024x128xf32>
    %convert_element_type3A_27 = arith.truncf %get3A_26 : vector<1024x128xf32> to vector<1024x128xbf16>
    %get3A_28 = arith.constant 5 : index
    %get3A_29 = arith.constant 0 : index
    %get3A_30 = arith.constant 0 : index
    %get3A_31 = vector.load %arg1[%get3A_28, %get3A_29, %get3A_30] : memref<26x1024x128xf32, #tpu.memory_space<vmem>>, vector<1x1024x128xf32>
    %get3A_32 = vector.shape_cast %get3A_31 : vector<1x1024x128xf32> to vector<1024x128xf32>
    %convert_element_type3A_33 = arith.truncf %get3A_32 : vector<1024x128xf32> to vector<1024x128xbf16>
    %get3A_34 = arith.constant 6 : index
    %get3A_35 = arith.constant 0 : index
    %get3A_36 = arith.constant 0 : index
    %get3A_37 = vector.load %arg1[%get3A_34, %get3A_35, %get3A_36] : memref<26x1024x128xf32, #tpu.memory_space<vmem>>, vector<1x1024x128xf32>
    %get3A_38 = vector.shape_cast %get3A_37 : vector<1x1024x128xf32> to vector<1024x128xf32>
    %convert_element_type3A_39 = arith.truncf %get3A_38 : vector<1024x128xf32> to vector<1024x128xbf16>
    %get3A_40 = arith.constant 7 : index
    %get3A_41 = arith.constant 0 : index
    %get3A_42 = arith.constant 0 : index
    %get3A_43 = vector.load %arg1[%get3A_40, %get3A_41, %get3A_42] : memref<26x1024x128xf32, #tpu.memory_space<vmem>>, vector<1x1024x128xf32>
    %get3A_44 = vector.shape_cast %get3A_43 : vector<1x1024x128xf32> to vector<1024x128xf32>
    %convert_element_type3A_45 = arith.truncf %get3A_44 : vector<1024x128xf32> to vector<1024x128xbf16>
    %get3A_46 = arith.constant 8 : index
    %get3A_47 = arith.constant 0 : index
    %get3A_48 = arith.constant 0 : index
    %get3A_49 = vector.load %arg1[%get3A_46, %get3A_47, %get3A_48] : memref<26x1024x128xf32, #tpu.memory_space<vmem>>, vector<1x1024x128xf32>
    %get3A_50 = vector.shape_cast %get3A_49 : vector<1x1024x128xf32> to vector<1024x128xf32>
    %convert_element_type3A_51 = arith.truncf %get3A_50 : vector<1024x128xf32> to vector<1024x128xbf16>
    %get3A_52 = arith.constant 9 : index
    %get3A_53 = arith.constant 0 : index
    %get3A_54 = arith.constant 0 : index
    %get3A_55 = vector.load %arg1[%get3A_52, %get3A_53, %get3A_54] : memref<26x1024x128xf32, #tpu.memory_space<vmem>>, vector<1x1024x128xf32>
    %get3A_56 = vector.shape_cast %get3A_55 : vector<1x1024x128xf32> to vector<1024x128xf32>
    %convert_element_type3A_57 = arith.truncf %get3A_56 : vector<1024x128xf32> to vector<1024x128xbf16>
    %get3A_58 = arith.constant 10 : index
    %get3A_59 = arith.constant 0 : index
    %get3A_60 = arith.constant 0 : index
    %get3A_61 = vector.load %arg1[%get3A_58, %get3A_59, %get3A_60] : memref<26x1024x128xf32, #tpu.memory_space<vmem>>, vector<1x1024x128xf32>
    %get3A_62 = vector.shape_cast %get3A_61 : vector<1x1024x128xf32> to vector<1024x128xf32>
    %convert_element_type3A_63 = arith.truncf %get3A_62 : vector<1024x128xf32> to vector<1024x128xbf16>
    %get3A_64 = arith.constant 11 : index
    %get3A_65 = arith.constant 0 : index
    %get3A_66 = arith.constant 0 : index
    %get3A_67 = vector.load %arg1[%get3A_64, %get3A_65, %get3A_66] : memref<26x1024x128xf32, #tpu.memory_space<vmem>>, vector<1x1024x128xf32>
    %get3A_68 = vector.shape_cast %get3A_67 : vector<1x1024x128xf32> to vector<1024x128xf32>
    %convert_element_type3A_69 = arith.truncf %get3A_68 : vector<1024x128xf32> to vector<1024x128xbf16>
    %get3A_70 = arith.constant 12 : index
    %get3A_71 = arith.constant 0 : index
    %get3A_72 = arith.constant 0 : index
    %get3A_73 = vector.load %arg1[%get3A_70, %get3A_71, %get3A_72] : memref<26x1024x128xf32, #tpu.memory_space<vmem>>, vector<1x1024x128xf32>
    %get3A_74 = vector.shape_cast %get3A_73 : vector<1x1024x128xf32> to vector<1024x128xf32>
    %convert_element_type3A_75 = arith.truncf %get3A_74 : vector<1024x128xf32> to vector<1024x128xbf16>
    %get3A_76 = arith.constant 13 : index
    %get3A_77 = arith.constant 0 : index
    %get3A_78 = arith.constant 0 : index
    %get3A_79 = vector.load %arg1[%get3A_76, %get3A_77, %get3A_78] : memref<26x1024x128xf32, #tpu.memory_space<vmem>>, vector<1x1024x128xf32>
    %get3A_80 = vector.shape_cast %get3A_79 : vector<1x1024x128xf32> to vector<1024x128xf32>
    %convert_element_type3A_81 = arith.truncf %get3A_80 : vector<1024x128xf32> to vector<1024x128xbf16>
    %get3A_82 = arith.constant 14 : index
    %get3A_83 = arith.constant 0 : index
    %get3A_84 = arith.constant 0 : index
    %get3A_85 = vector.load %arg1[%get3A_82, %get3A_83, %get3A_84] : memref<26x1024x128xf32, #tpu.memory_space<vmem>>, vector<1x1024x128xf32>
    %get3A_86 = vector.shape_cast %get3A_85 : vector<1x1024x128xf32> to vector<1024x128xf32>
    %convert_element_type3A_87 = arith.truncf %get3A_86 : vector<1024x128xf32> to vector<1024x128xbf16>
    %get3A_88 = arith.constant 15 : index
    %get3A_89 = arith.constant 0 : index
    %get3A_90 = arith.constant 0 : index
    %get3A_91 = vector.load %arg1[%get3A_88, %get3A_89, %get3A_90] : memref<26x1024x128xf32, #tpu.memory_space<vmem>>, vector<1x1024x128xf32>
    %get3A_92 = vector.shape_cast %get3A_91 : vector<1x1024x128xf32> to vector<1024x128xf32>
    %convert_element_type3A_93 = arith.truncf %get3A_92 : vector<1024x128xf32> to vector<1024x128xbf16>
    %get3A_94 = arith.constant 16 : index
    %get3A_95 = arith.constant 0 : index
    %get3A_96 = arith.constant 0 : index
    %get3A_97 = vector.load %arg1[%get3A_94, %get3A_95, %get3A_96] : memref<26x1024x128xf32, #tpu.memory_space<vmem>>, vector<1x1024x128xf32>
    %get3A_98 = vector.shape_cast %get3A_97 : vector<1x1024x128xf32> to vector<1024x128xf32>
    %convert_element_type3A_99 = arith.truncf %get3A_98 : vector<1024x128xf32> to vector<1024x128xbf16>
    %get3A_100 = arith.constant 17 : index
    %get3A_101 = arith.constant 0 : index
    %get3A_102 = arith.constant 0 : index
    %get3A_103 = vector.load %arg1[%get3A_100, %get3A_101, %get3A_102] : memref<26x1024x128xf32, #tpu.memory_space<vmem>>, vector<1x1024x128xf32>
    %get3A_104 = vector.shape_cast %get3A_103 : vector<1x1024x128xf32> to vector<1024x128xf32>
    %convert_element_type3A_105 = arith.truncf %get3A_104 : vector<1024x128xf32> to vector<1024x128xbf16>
    %get3A_106 = arith.constant 18 : index
    %get3A_107 = arith.constant 0 : index
    %get3A_108 = arith.constant 0 : index
    %get3A_109 = vector.load %arg1[%get3A_106, %get3A_107, %get3A_108] : memref<26x1024x128xf32, #tpu.memory_space<vmem>>, vector<1x1024x128xf32>
    %get3A_110 = vector.shape_cast %get3A_109 : vector<1x1024x128xf32> to vector<1024x128xf32>
    %convert_element_type3A_111 = arith.truncf %get3A_110 : vector<1024x128xf32> to vector<1024x128xbf16>
    %get3A_112 = arith.constant 19 : index
    %get3A_113 = arith.constant 0 : index
    %get3A_114 = arith.constant 0 : index
    %get3A_115 = vector.load %arg1[%get3A_112, %get3A_113, %get3A_114] : memref<26x1024x128xf32, #tpu.memory_space<vmem>>, vector<1x1024x128xf32>
    %get3A_116 = vector.shape_cast %get3A_115 : vector<1x1024x128xf32> to vector<1024x128xf32>
    %convert_element_type3A_117 = arith.truncf %get3A_116 : vector<1024x128xf32> to vector<1024x128xbf16>
    %get3A_118 = arith.constant 20 : index
    %get3A_119 = arith.constant 0 : index
    %get3A_120 = arith.constant 0 : index
    %get3A_121 = vector.load %arg1[%get3A_118, %get3A_119, %get3A_120] : memref<26x1024x128xf32, #tpu.memory_space<vmem>>, vector<1x1024x128xf32>
    %get3A_122 = vector.shape_cast %get3A_121 : vector<1x1024x128xf32> to vector<1024x128xf32>
    %convert_element_type3A_123 = arith.truncf %get3A_122 : vector<1024x128xf32> to vector<1024x128xbf16>
    %get3A_124 = arith.constant 21 : index
    %get3A_125 = arith.constant 0 : index
    %get3A_126 = arith.constant 0 : index
    %get3A_127 = vector.load %arg1[%get3A_124, %get3A_125, %get3A_126] : memref<26x1024x128xf32, #tpu.memory_space<vmem>>, vector<1x1024x128xf32>
    %get3A_128 = vector.shape_cast %get3A_127 : vector<1x1024x128xf32> to vector<1024x128xf32>
    %convert_element_type3A_129 = arith.truncf %get3A_128 : vector<1024x128xf32> to vector<1024x128xbf16>
    %get3A_130 = arith.constant 22 : index
    %get3A_131 = arith.constant 0 : index
    %get3A_132 = arith.constant 0 : index
    %get3A_133 = vector.load %arg1[%get3A_130, %get3A_131, %get3A_132] : memref<26x1024x128xf32, #tpu.memory_space<vmem>>, vector<1x1024x128xf32>
    %get3A_134 = vector.shape_cast %get3A_133 : vector<1x1024x128xf32> to vector<1024x128xf32>
    %convert_element_type3A_135 = arith.truncf %get3A_134 : vector<1024x128xf32> to vector<1024x128xbf16>
    %get3A_136 = arith.constant 23 : index
    %get3A_137 = arith.constant 0 : index
    %get3A_138 = arith.constant 0 : index
    %get3A_139 = vector.load %arg1[%get3A_136, %get3A_137, %get3A_138] : memref<26x1024x128xf32, #tpu.memory_space<vmem>>, vector<1x1024x128xf32>
    %get3A_140 = vector.shape_cast %get3A_139 : vector<1x1024x128xf32> to vector<1024x128xf32>
    %convert_element_type3A_141 = arith.truncf %get3A_140 : vector<1024x128xf32> to vector<1024x128xbf16>
    %get3A_142 = arith.constant 24 : index
    %get3A_143 = arith.constant 0 : index
    %get3A_144 = arith.constant 0 : index
    %get3A_145 = vector.load %arg1[%get3A_142, %get3A_143, %get3A_144] : memref<26x1024x128xf32, #tpu.memory_space<vmem>>, vector<1x1024x128xf32>
    %get3A_146 = vector.shape_cast %get3A_145 : vector<1x1024x128xf32> to vector<1024x128xf32>
    %convert_element_type3A_147 = arith.truncf %get3A_146 : vector<1024x128xf32> to vector<1024x128xbf16>
    %get3A_148 = arith.constant 25 : index
    %get3A_149 = arith.constant 0 : index
    %get3A_150 = arith.constant 0 : index
    %get3A_151 = vector.load %arg1[%get3A_148, %get3A_149, %get3A_150] : memref<26x1024x128xf32, #tpu.memory_space<vmem>>, vector<1x1024x128xf32>
    %get3A_152 = vector.shape_cast %get3A_151 : vector<1x1024x128xf32> to vector<1024x128xf32>
    %convert_element_type3A_153 = arith.truncf %get3A_152 : vector<1024x128xf32> to vector<1024x128xbf16>
    %concatenate3A = tpu.concatenate %convert_element_type3A, %convert_element_type3A_9, %convert_element_type3A_15, %convert_element_type3A_21, %convert_element_type3A_27, %convert_element_type3A_33, %convert_element_type3A_39, %convert_element_type3A_45, %convert_element_type3A_51, %convert_element_type3A_57, %convert_element_type3A_63, %convert_element_type3A_69, %convert_element_type3A_75, %convert_element_type3A_81, %convert_element_type3A_87, %convert_element_type3A_93, %convert_element_type3A_99, %convert_element_type3A_105, %convert_element_type3A_111, %convert_element_type3A_117, %convert_element_type3A_123, %convert_element_type3A_129, %convert_element_type3A_135, %convert_element_type3A_141, %convert_element_type3A_147, %convert_element_type3A_153 in 1 : vector<1024x128xbf16>, vector<1024x128xbf16>, vector<1024x128xbf16>, vector<1024x128xbf16>, vector<1024x128xbf16>, vector<1024x128xbf16>, vector<1024x128xbf16>, vector<1024x128xbf16>, vector<1024x128xbf16>, vector<1024x128xbf16>, vector<1024x128xbf16>, vector<1024x128xbf16>, vector<1024x128xbf16>, vector<1024x128xbf16>, vector<1024x128xbf16>, vector<1024x128xbf16>, vector<1024x128xbf16>, vector<1024x128xbf16>, vector<1024x128xbf16>, vector<1024x128xbf16>, vector<1024x128xbf16>, vector<1024x128xbf16>, vector<1024x128xbf16>, vector<1024x128xbf16>, vector<1024x128xbf16>, vector<1024x128xbf16> -> vector<1024x3328xbf16>
    %get3A_154 = arith.constant 0 : index
    %get3A_155 = arith.constant 0 : index
    %get3A_156 = vector.load %arg2[%get3A_154, %get3A_155] : memref<3328x256xbf16, #tpu.memory_space<vmem>>, vector<3328x256xbf16>
    %dot_general3A = arith.constant dense<0.000000e+00> : vector<1024x256xf32>
    %dot_general3A_157 = tpu.matmul %concatenate3A, %get3A_156, %dot_general3A {dimension_numbers = #tpu.dot_dimension_numbers<[1], [0], [0], [1], [0, 0, 1, 1], [], []>, transpose_lhs_hint = false} : vector<1024x3328xbf16>, vector<3328x256xbf16>, vector<1024x256xf32> -> vector<1024x256xf32>
    %get3A_158 = arith.constant 0 : index
    %get3A_159 = arith.constant 0 : index
    %get3A_160 = vector.load %arg3[%get3A_158, %get3A_159] : memref<1x256xf32, #tpu.memory_space<vmem>>, vector<1x256xf32>
    %add3A = vector.broadcast %get3A_160 : vector<1x256xf32> to vector<1024x256xf32>
    %add3A_161 = arith.addf %dot_general3A_157, %add3A : vector<1024x256xf32>
    %max3A = arith.constant 0.000000e+00 : f32
    %max3A_162 = vector.broadcast %max3A : f32 to vector<1024x256xf32>
    %max3A_163 = arith.maximumf %add3A_161, %max3A_162 : vector<1024x256xf32>
    %convert_element_type3A_164 = arith.truncf %max3A_163 : vector<1024x256xf32> to vector<1024x256xbf16>
    %get3A_165 = arith.constant 0 : index
    %get3A_166 = arith.constant 0 : index
    %get3A_167 = vector.load %arg4[%get3A_165, %get3A_166] : memref<256x256xbf16, #tpu.memory_space<vmem>>, vector<256x256xbf16>
    %dot_general3A_168 = arith.constant dense<0.000000e+00> : vector<1024x256xf32>
    %dot_general3A_169 = tpu.matmul %convert_element_type3A_164, %get3A_167, %dot_general3A_168 {dimension_numbers = #tpu.dot_dimension_numbers<[1], [0], [0], [1], [0, 0, 1, 1], [], []>, transpose_lhs_hint = false} : vector<1024x256xbf16>, vector<256x256xbf16>, vector<1024x256xf32> -> vector<1024x256xf32>
    %get3A_170 = arith.constant 0 : index
    %get3A_171 = arith.constant 0 : index
    %get3A_172 = vector.load %arg5[%get3A_170, %get3A_171] : memref<1x256xf32, #tpu.memory_space<vmem>>, vector<1x256xf32>
    %add3A_173 = vector.broadcast %get3A_172 : vector<1x256xf32> to vector<1024x256xf32>
    %add3A_174 = arith.addf %dot_general3A_169, %add3A_173 : vector<1024x256xf32>
    %swap3A = arith.constant 0 : index
    %swap3A_175 = arith.constant 0 : index
    %swap3A_176 = vector.load %arg6[%swap3A, %swap3A_175] : memref<1024x256xf32, #tpu.memory_space<vmem>>, vector<1024x256xf32>
    tpu.vector_store %arg6[%swap3A, %swap3A_175], %add3A_174 {strides = array<i32>} : memref<1024x256xf32, #tpu.memory_space<vmem>>, vector<1024x256xf32>,
    return
  }
  func.func @transform_0(%arg0: i32) -> (i32, i32, i32) {
    %c0_i32 = arith.constant 0 : i32
    %c0_i32_0 = arith.constant 0 : i32
    %c0_i32_1 = arith.constant 0 : i32
    return %c0_i32, %arg0, %c0_i32_0 : i32, i32, i32
  }
  func.func @transform_1(%arg0: i32) -> (i32, i32) {
    %c0_i32 = arith.constant 0 : i32
    %c0_i32_0 = arith.constant 0 : i32
    %c0_i32_1 = arith.constant 0 : i32
    return %c0_i32, %c0_i32_0 : i32, i32
  }
  func.func @transform_2(%arg0: i32) -> (i32, i32) {
    %c0_i32 = arith.constant 0 : i32
    %c0_i32_0 = arith.constant 0 : i32
    %c0_i32_1 = arith.constant 0 : i32
    return %c0_i32, %c0_i32_0 : i32, i32
  }
  func.func @transform_3(%arg0: i32) -> (i32, i32) {
    %c0_i32 = arith.constant 0 : i32
    %c0_i32_0 = arith.constant 0 : i32
    %c0_i32_1 = arith.constant 0 : i32
    return %c0_i32, %c0_i32_0 : i32, i32
  }
  func.func @transform_4(%arg0: i32) -> (i32, i32) {
    %c0_i32 = arith.constant 0 : i32
    %c0_i32_0 = arith.constant 0 : i32
    %c0_i32_1 = arith.constant 0 : i32
    return %c0_i32, %c0_i32_0 : i32, i32
  }
  func.func @transform_5(%arg0: i32) -> (i32, i32) {
    %c0_i32 = arith.constant 0 : i32
    %c0_i32_0 = arith.constant 0 : i32
    return %arg0, %c0_i32 : i32, i32
  }
}

</mosaic_0001>

<sc_bundles>
// kernel: kernel.4.cloned.1.call-start
scs
__scs_entry_jumppad:
0x0: {  	(pc) =	sbr.rel $0x88, $3  }
0x1: {  	(tag) =	ssettag $0x0;
	lr =	simm.s32 $0x1  }
0x2: {  	[smem:$0x3F9B] =	sst lr;
	_ =	strace $0xD0000000  }
0x3: {  	_ = 	snop  }
0x4: {  	_ = 	snop  }
0x5: {  	_ = 	snop  }
0x6: {  	_ = 	snop  }
0x7: {  	_ = 	snop  }
__scs_overlays_trampoline_lowered:
0x8: {  	[smem:$0x3FAA] =	sst s0  }
0x9: {  	[smem:$0x3FAB] =	sst s1  }
0xa: {  	[smem:$0x3FAC] =	sst s2  }
0xb: {  	[smem:$0x3FAD] =	sst s3  }
0xc: {  	[smem:$0x3FAE] =	sst s4  }
0xd: {  	[smem:$0x3FAF] =	sst s5  }
0xe: {  	[smem:$0x3FB0] =	sst s6  }
0xf: {  	[smem:$0x3FB1] =	sst s7  }
0x10: {  	[smem:$0x3FB2] =	sst s8  }
0x11: {  	[smem:$0x3FB3] =	sst s9;
	s0 =	simm.s32 @!p0 $0x0  }
0x12: {  	s1 =	sld [smem:$0x3F99];
	s0 =	simm.s32 @p0 $0x1  }
0x13: {  	[smem:$0x3FB4] =	sst s0;
	s0 =	simm.s32 @!p1 $0x0  }
0x14: {  	s2 =	sld [smem:$0x3F98];
	s0 =	simm.s32 @p1 $0x1  }
0x15: {  	[smem:$0x3FB5] =	sst s0;
	s0 =	simm.s32 @!p2 $0x0  }
0x16: {  	s3 =	sld [smem:$0x3FDB];
	s0 =	simm.s32 @p2 $0x1  }
0x17: {  	s4 =	simm.s32 $0x1BF5;
	[smem:$0x3FB7] =	sst s0  }
0x18: {  	s0 =	sld [smem:$0x3F9A];
	_ =	swait.ge [sflag:s4], $0x0  }
0x19: {  	s7 =	sld [smem:$0x3F9B]  }
0x1a: {  	s8 =	sadd.s32 $0xFFFFE003, lr  }
0x1b: {  	s9 =	sadd.s32 $0xFFFFFEF7, lr;
	s5 =	simm.s32 $0xFFFFFFFF;
	p2 =	slt.u32 s8, $0xFFFFF086  }
0x1c: {  	p1 =	slt.u32 s9, $0xF7A;
	s5 =	simm.s32 @!p2 $0x0  }
0x1d: {  	s5 =	simm.s32 @p1 $0x1;
	p0 =	seq.s32 s7, s2  }
0x1e: {  	s7 =	smul.u32 @!p0 $0xF7A, s2;
	p2 =	seq.s32 @!p0 s5, $0x0  }
0x1f: {  	s9 =	smul.u32 $0xF7A, s1;
	s8 =	simm.s32 @!p0 $0x1BF5;
	p2 =	por !p2, p0  }
0x20: {  	[sflag:s8] =	ssyncset.s32 @!p0 $0xFFFFF086;
	s6 =	sadd.s32 @!p0 s3, s7;
	s7 =	simm.s32 @!p0 $0x108  }
0x21: {  	s3 =	sadd.s32 s3, s9;
	s6 =	sadd.s32 @!p0 $0x88, s6;
	s7 =	simm.s32 @p2 $0x1082  }
0x22: {  	[simem:s7], [sflag:s8] =	dma.local @!p0 [hbm:s6], $0xF7A  }
0x23: {  	s9 =	sor.u32 $0xD0000000, s2;
	s6 =	simm.s32 $0x108;
	_ =	swait.ge @!p0 [sflag:s8], $0x0  }
0x24: {  	s3 =	sadd.s32 $0x88, s3;
	s6 =	simm.s32 @!p1 $0x1082;
	[sflag:s4] =	ssyncset.s32 $0xFFFFF086  }
0x25: {  	[simem:s6], [sflag:s4] =	dma.local [hbm:s3], $0xF7A  }
0x26: {  	[smem:$0x3F9B] =	sst s1;
	(tag) =	ssettag s2;
	_ =	strace s9  }
0x27: {  	s1 =	sld [smem:$0x3FAB]  }
0x28: {  	s2 =	sld [smem:$0x3FAC]  }
0x29: {  	s4 =	sld [smem:$0x3FAE]  }
0x2a: {  	p0 =	seq.s32 s5, $0x0;
	s5 =	sld [smem:$0x3FAF]  }
0x2b: {  	s6 =	sld [smem:$0x3FB0]  }
0x2c: {  	s7 =	sld [smem:$0x3FB1]  }
0x2d: {  	s3 =	simm.s32 $0x108;
	s8 =	sld [smem:$0x3FB2]  }
0x2e: {  	s3 =	simm.s32 @!p0 $0x1082;
	s9 =	sld [smem:$0x3FB3]  }
0x2f: {  	lr =	sadd.s32 s0, s3;
	s0 =	sld [smem:$0x3FAA]  }
0x30: {  	s3 =	sld [smem:$0x3FAD]  }
0x31: {  	[smem:$0x3FB6] =	sst s10  }
0x32: {  	s10 =	sld [smem:$0x3FB4];
	_ =	sdelay $0x3  }
0x33: {  	p0 =	seq.s32 s10, $0x1;
	s10 =	sld [smem:$0x3FB6];
	_ =	sdelay $0x3  }
0x34: {  	[smem:$0x3FB6] =	sst s10  }
0x35: {  	s10 =	sld [smem:$0x3FB5];
	_ =	sdelay $0x3  }
0x36: {  	p1 =	seq.s32 s10, $0x1;
	s10 =	sld [smem:$0x3FB6];
	_ =	sdelay $0x3  }
0x37: {  	[smem:$0x3FB6] =	sst s10  }
0x38: {  	s10 =	sld [smem:$0x3FB7]  }
0x39: {  	_ = 	snop;
	(pc) =	sbr.ind lr, $3  }
0x3a: {  	_ = 	snop  }
0x3b: {  	_ = 	snop  }
0x3c: {  	p2 =	seq.s32 s10, $0x1;
	s10 =	sld [smem:$0x3FB6]  }
0x3d: {  	_ =	shalt  }
0x3e: {  	_ =	shalt  }
0x3f: {  	_ =	shalt  }
0x40: {  	_ =	shalt  }
0x41: {  	_ =	shalt  }
0x42: {  	_ =	shalt  }
0x43: {  	_ =	shalt  }
0x44: {  	_ =	shalt  }
0x45: {  	_ =	shalt  }
0x46: {  	_ =	shalt  }
0x47: {  	_ =	shalt  }
0x48: {  	_ =	shalt  }
0x49: {  	_ =	shalt  }
0x4a: {  	_ =	shalt  }
0x4b: {  	_ =	shalt  }
0x4c: {  	_ =	shalt  }
0x4d: {  	_ =	shalt  }
0x4e: {  	_ =	shalt  }
0x4f: {  	_ =	shalt  }
0x50: {  	_ =	shalt  }
0x51: {  	_ =	shalt  }
0x52: {  	_ =	shalt  }
0x53: {  	_ =	shalt  }
0x54: {  	_ =	shalt  }
0x55: {  	_ =	shalt  }
0x56: {  	_ =	shalt  }
0x57: {  	_ =	shalt  }
0x58: {  	_ =	shalt  }
0x59: {  	_ =	shalt  }
0x5a: {  	_ =	shalt  }
0x5b: {  	_ =	shalt  }
0x5c: {  	_ =	shalt  }
0x5d: {  	_ =	shalt  }
0x5e: {  	_ =	shalt  }
0x5f: {  	_ =	shalt  }
0x60: {  	_ =	shalt  }
0x61: {  	_ =	shalt  }
0x62: {  	_ =	shalt  }
0x63: {  	_ =	shalt  }
0x64: {  	_ =	shalt  }
0x65: {  	_ =	shalt  }
0x66: {  	_ =	shalt  }
0x67: {  	_ =	shalt  }
0x68: {  	_ =	shalt  }
0x69: {  	_ =	shalt  }
0x6a: {  	_ =	shalt  }
0x6b: {  	_ =	shalt  }
0x6c: {  	_ =	shalt  }
0x6d: {  	_ =	shalt  }
0x6e: {  	_ =	shalt  }
0x6f: {  	_ =	shalt  }
0x70: {  	_ =	shalt  }
0x71: {  	_ =	shalt  }
0x72: {  	_ =	shalt  }
0x73: {  	_ =	shalt  }
0x74: {  	_ =	shalt  }
0x75: {  	_ =	shalt  }
0x76: {  	_ =	shalt  }
0x77: {  	_ =	shalt  }
0x78: {  	_ =	shalt  }
0x79: {  	_ =	shalt  }
0x7a: {  	_ =	shalt  }
0x7b: {  	_ =	shalt  }
0x7c: {  	_ =	shalt  }
0x7d: {  	_ =	shalt  }
0x7e: {  	_ =	shalt  }
0x7f: {  	_ =	shalt  }
0x80: {  	_ =	shalt  }
0x81: {  	_ =	shalt  }
0x82: {  	_ =	shalt  }
0x83: {  	_ =	shalt  }
0x84: {  	_ =	shalt  }
0x85: {  	_ =	shalt  }
0x86: {  	_ =	shalt  }
0x87: {  	_ =	shalt  }
.Lfunc_end0:
.L_simem_size_0:
called_computation_lowered:
.L_overlay_start_0:
0x88: {  	s2 =	sld [smem:$0x3FD9]  }
0x89: {  	s3 =	sld [smem:$0x3FFE];
	_ =	sdelay $0x1  }
0x8a: {  	s1 =	srdreg.scid  }
0x8b: {  	s0 =	sand.u32 $0x1, s1  }
0x8c: {  	s17 =	sshll.u32 s0, $0xA;
	s2 =	sadd.s32 s3, s2  }
0x8d: {  	s2 =	sadd.s32 s2, s17  }
0x8e: {  	[smem:$0x3FC2] =	sst s2  }
0x8f: {  	_ = 	snop  }
0x90: {  	s2 =	sld [smem:$0x3FC8]  }
0x91: {  	s18 =	sld [smem:$0x3FD0];
	(tm) =	ssettm $0x1  }
0x92: {  	s4 =	sld [smem:$0x3FFB];
	_ =	sdelay $0x3  }
0x93: {  	_ =	strace s4  }
0x94: {  	s4 =	sld [smem:$0x3FFC];
	_ =	sdelay $0x3  }
0x95: {  	_ =	strace s4  }
0x96: {  	s4 =	sld [smem:$0x3FFD];
	_ =	sdelay $0x3  }
0x97: {  	_ =	strace s4  }
0x98: {  	_ =	strace $0x8FFFFFFF  }
0x99: {  	s19 =	sld [smem:$0x3FDB];
	_ =	sdelay $0x1  }
0x9a: {  	s5 =	simm.s32 $_scs_section_size  }
0x9b: {  	s6 =	simm.s32 $_size__tile_overlayer_lowered;
	s7 =	simm.s32 $_tile_overlayer_lowered  }
0x9c: {  	s22 =	simm.s32 $0x1BFF;
	s21 =	sshll.u32 s7, $0x1;
	s4 =	sadd.s32 s5, s19  }
0x9d: {  	s8 =	simm.s32 $0x0;
	s20 =	sshll.u32 s6, $0x1;
	s6 =	sadd.s32 s21, s4  }
0x9e: {  	[timem:s8], [sflag:s22] =	dma.local [hbm:s6], s20  }
0x9f: {  	_ =	swait.ge [sflag:s22], s20  }
0xa0: {  	s5 =	ssub.s32 $0x0, s20;
	[sflag:s22] =	ssyncset.done $0x0  }
0xa1: {  	[sflag:s22] =	ssyncadd.s32 s5;
	_ =	sdelay $0x1  }
0xa2: {  	s23 =	simm.s32 $0x1B8B  }
0xa3: {  	_ =	swait.ge [sflag:s23], $0x1  }
0xa4: {  	[sflag:s23] =	ssyncset.done $0x0  }
0xa5: {  	s25 =	simm.s32 $0x1B8E;
	s24 =	sld [smem:$0x3FFE];
	[sflag:s23] =	ssyncadd.s32 $0xFFFFFFFF  }
0xa6: {  	s26 =	simm.s32 $execute0_lowered;
	[smem:$0x3FD2] =	sst s25  }
0xa7: {  	s6 =	sshll.u32 s26, $0x1;
	_ =	strace $0x80000046;
	[dreg:$0x1] =	wrdreg $0xFFFFFFFF  }
0xa8: {  	s28 =	simm.s32 $_size_execute0_lowered;
	s4 =	sadd.s32 s4, s6;
	[dreg:$0x0] =	wrdreg $0x0  }
0xa9: {  	s6 =	sshll.u32 s28, $0x1;
	[dreg:$0x2] =	wrdreg s4  }
0xaa: {  	[dreg:$0x3] =	wrdreg s6  }
0xab: {  	[dreg:$0x4] =	wrdreg $0xC0  }
0xac: {  	_ =	task [dreg:s8], $0x5FFFF  }
0xad: {  	[dreg:$0x1] =	wrdreg $0xFFFFFFFF  }
0xae: {  	[dreg:$0x0] =	wrdreg $0x60  }
0xaf: {  	[dreg:$0x2] =	wrdreg s18  }
0xb0: {  	[dreg:$0x3] =	wrdreg s2  }
0xb1: {  	[dreg:$0x4] =	wrdreg s24  }
0xb2: {  	[dreg:$0x5] =	wrdreg $0x9  }
0xb3: {  	_ =	task.clear_ibuf [dreg:s8], $0x6FFFF;
	_ =	strace $0x90000046  }
0xb4: {  	s29 =	simm.s32 $0x9;
	_ =	strace $0x80000048  }
0xb5: {  	_ =	swait.ge [sflag:s29], $0x1  }
0xb6: {  	[sflag:s29] =	ssyncadd.s32 $0xFFFFFFFF  }
0xb7: {  	_ =	strace $0x90000048  }
0xb8: {  	_ =	sfence  }
0xb9: {  	s30 =	sld [smem:$0x0];
	_ =	sdelay $0x2  }
0xba: {  	s31 =	sshll.u32 s1, $0xD;
	s1 =	sshrl.u32 s1, $0x2  }
0xbb: {  	s3 =	sand.u32 $0x4000, s31;
	s1 =	sadd.s32 s1, s30  }
0xbc: {  	s0 =	sor.u32 s3, s0;
	s1 =	sshll.u32 s1, $0x11  }
0xbd: {  	s0 =	sor.u32 s1, s0  }
0xbe: {  	s0 =	sadd.s32 $0x8F2B, s0  }
0xbf: {  	[sflag:s0] =	ssyncadd.remote.s32 $0x1  }
0xc0: {  	_ =	sfence.sel $0xFFFF  }
0xc1: {  	[dreg:$0x0] =	wrdreg $0xFFFFFFFF;
	(pc) =	sbr.abs _section_cstart, $3  }
0xc2: {  	[dreg:$0x1] =	wrdreg $0xFFFFFFFF  }
0xc3: {  	_ =	task.clear_ibuf [dreg:s8], $0x2FFFF;
	_ =	strace $0x9FFFFFFF  }
0xc4: {  	(tm) =	ssettm $0x7FFFFFFF  }
0xc5: {  	_ =	shalt  }
tec
execute0_lowered:
.L_overlay_start_1:
0x0: {  	(tag) =	ssettag $0x1  }
0x1: {  	s1 =	srdreg.scid;
	s3 =	stileid.u32  }
0x2: {  	s0 =	rddreg [dreg:$0x0];
	s1 =	sand.u32 $0x1, s1;
	s5 =	sshll.u32 s3, $0x1  }
0x3: {  	s2 =	rddreg [dreg:$0x1];
	s5 =	sor.u32 s1, s5  }
0x4: {  	s4 =	rddreg [dreg:$0x2];
	s3 =	simm.s32 $0x0;
	s6 =	smul.u32 $0x68000, s5  }
0x5: {  	s4 =	sadd.s32 $0xC00, s4;
	[smem:$0x7FF] =	sst s3;
	s7 =	smul.u32 $0x1A0, s5  }
0x6: {  	s1 =	ssub.s32 $0x2, s1;
	s5 =	smul.u32 $0xD000, s5;
	s6 =	sshrl.u32 s6, $0x3  }
0x7: {  	_ =	strace $0x80000047;
	s0 =	sadd.s32 s0, s7;
	s6 =	sadd.s32 s4, s6  }
0x8: {  	s5 =	sadd.s32 s4, s5;
	[dreg:$0x4] =	wrdreg s0;
	s4 =	sadd.s32 $0x1000, s6  }
0x9: {  	s8 =	sshrl.u32 s1, $0x1;
	s7 =	sadd.s32 $0x1800, s6;
	[dreg:$0x5] =	wrdreg s4  }
0xa: {  	s1 =	ssub.s32 s1, s8;
	s8 =	sadd.s32 $0x2000, s6;
	[dreg:$0x6] =	wrdreg s7  }
0xb: {  	s9 =	sadd.s32 $0x2800, s6;
	[dreg:$0x7] =	wrdreg s8  }
0xc: {  	s10 =	sadd.s32 $0x3000, s6;
	[dreg:$0x8] =	wrdreg s9  }
0xd: {  	s11 =	sadd.s32 $0x3800, s6;
	[dreg:$0x9] =	wrdreg s10  }
0xe: {  	s12 =	sadd.s32 $0x4000, s6;
	[dreg:$0xa] =	wrdreg s11  }
0xf: {  	s13 =	sadd.s32 $0x4800, s6;
	[dreg:$0xb] =	wrdreg s12  }
0x10: {  	s14 =	sadd.s32 $0x5000, s6;
	[dreg:$0xc] =	wrdreg s13  }
0x11: {  	s15 =	sadd.s32 $0x5800, s6;
	[dreg:$0xd] =	wrdreg s14  }
0x12: {  	s16 =	sadd.s32 $0x6000, s6;
	[dreg:$0xe] =	wrdreg s15  }
0x13: {  	s17 =	sadd.s32 $0x6800, s6;
	[dreg:$0xf] =	wrdreg s16  }
0x14: {  	s18 =	sadd.s32 $0x7000, s6;
	[dreg:$0x10] =	wrdreg s17  }
0x15: {  	s19 =	sadd.s32 $0x7800, s6;
	[dreg:$0x11] =	wrdreg s18  }
0x16: {  	s20 =	sadd.s32 $0x8000, s6;
	[dreg:$0x12] =	wrdreg s19  }
0x17: {  	s21 =	sadd.s32 $0x8800, s6;
	[dreg:$0x13] =	wrdreg s20  }
0x18: {  	s22 =	sadd.s32 $0x9000, s6;
	[dreg:$0x14] =	wrdreg s21  }
0x19: {  	s31 =	smax.u32 s1, $0x1;
	s23 =	sadd.s32 $0x9800, s6;
	[dreg:$0x15] =	wrdreg s22  }
0x1a: {  	s1 =	sadd.s32 $0x800, s5;
	s24 =	sadd.s32 $0xA000, s6;
	[dreg:$0x16] =	wrdreg s23  }
0x1b: {  	s0 =	simm.s32 $0x1;
	s25 =	sadd.s32 $0xA800, s6;
	[dreg:$0x17] =	wrdreg s24  }
0x1c: {  	s26 =	sadd.s32 $0xB000, s6;
	s28 =	sadd.s32 $0xB800, s6;
	[dreg:$0x18] =	wrdreg s25  }
0x1d: {  	s29 =	sadd.s32 $0xC000, s6;
	s30 =	sadd.s32 $0xC800, s6;
	[dreg:$0x19] =	wrdreg s26  }
0x1e: {  	s6 =	simm.s32 $0x1A00;
	[dreg:$0x1a] =	wrdreg s28;
	s4 =	simm.s32 $0x80  }
0x1f: {  	s7 =	simm.s32 $0x5A00;
	s8 =	simm.s32 $0x9A00;
	s9 =	simm.s32 $0xDA00  }
0x20: {  	s10 =	simm.s32 $0x2;
	s11 =	simm.s32 $0x11A00;
	s12 =	simm.s32 $0x3  }
0x21: {  	s13 =	simm.s32 $0x15A00;
	s14 =	simm.s32 $0x4;
	s15 =	simm.s32 $0x8  }
0x22: {  	s16 =	simm.s32 $0x5;
	s17 =	simm.s32 $0x9;
	s18 =	simm.s32 $0x6  }
0x23: {  	s19 =	simm.s32 $0xA;
	s20 =	simm.s32 $0x7;
	s21 =	simm.s32 $0xB  }
0x24: {  	s22 =	simm.s32 $0xC;
	s23 =	simm.s32 $0xD;
	s24 =	simm.s32 $0x0  }
.LBB2_1:
0x25: {  	s25 =	rddreg [dreg:$0x4]  }
0x26: {  	[tilespmem:s3], [sflag:$0x1] =	stream.linear.gather [hbm4b:s25+s3], $0xD00, $0x38;
	[tilespmem:$0x19A00] =	vst v63  }
0x27: {  	_ =	swait.ge [sflag:s0], $0xD00  }
0x28: {  	[sflag:s0] =	ssyncset.done $0x0  }
0x29: {  	s25 =	simm.s32 $0x0;
	[sflag:s0] =	ssyncadd.s32 $0xFFFFF300  }
0x2a: {  	v0 =	vld [tilespmem:s25+$0x70]  }
0x2b: {  	v1 =	vld [tilespmem:s25+$0x0]  }
0x2c: {  	v2 =	vld [tilespmem:s25+$0x10]  }
0x2d: {  	v3 =	vld [tilespmem:s25+$0x20]  }
0x2e: {  	v5 =	vld [tilespmem:s25+$0x40]  }
0x2f: {  	v8 =	vld [tilespmem:s25+$0x50]  }
0x30: {  	v10 =	vld [tilespmem:s25+$0x60]  }
0x31: {  	v6 =	vshrl.u32 v0, $0xA;
	v0 =	vand.u32 $0x3FF, v0  }
0x32: {  	v7 =	vshrl.u32 v1, $0xA;
	v1 =	vand.u32 $0x3FF, v1;
	v9 =	vshrl.u32 v2, $0xA  }
0x33: {  	v2 =	vand.u32 $0x3FF, v2;
	v11 =	vshrl.u32 v3, $0xA;
	v3 =	vand.u32 $0x3FF, v3  }
0x34: {  	v13 =	vshrl.u32 v5, $0xA;
	v5 =	vand.u32 $0x3FF, v5;
	v14 =	vshrl.u32 v8, $0xA  }
0x35: {  	v4 =	vld [tilespmem:s25+$0x30];
	v8 =	vand.u32 $0x3FF, v8;
	v58 =	vshrl.u32 v10, $0xA;
	v10 =	vand.u32 $0x3FF, v10  }
0x36: {  	v6 =	vmul.u32 $0x35880, v6;
	v0 =	vmul.u32 $0x6A631, v0;
	v7 =	vmul.u32 $0x35880, v7  }
0x37: {  	v1 =	vmul.u32 $0x6A631, v1;
	v9 =	vmul.u32 $0x35880, v9;
	v2 =	vmul.u32 $0x6A631, v2  }
0x38: {  	v11 =	vmul.u32 $0x35880, v11;
	v3 =	vmul.u32 $0x6A631, v3;
	v13 =	vmul.u32 $0x35880, v13  }
0x39: {  	v5 =	vmul.u32 $0x6A631, v5;
	v14 =	vmul.u32 $0x35880, v14;
	v8 =	vmul.u32 $0x6A631, v8  }
0x3a: {  	v10 =	vmul.u32 $0x6A631, v10;
	v0 =	vadd.s32 v0, v6;
	v6 =	vshrl.u32 v4, $0xA  }
0x3b: {  	v4 =	vand.u32 $0x3FF, v4;
	v1 =	vadd.s32 v1, v7;
	v2 =	vadd.s32 v2, v9  }
0x3c: {  	v3 =	vadd.s32 v3, v11;
	v5 =	vadd.s32 v5, v13;
	vm0 =	vgt.s32 v0, $0x1E847FFF  }
0x3d: {  	v12 =	vadd.s32 $0xE17B8000, v0;
	v6 =	vmul.u32 $0x35880, v6;
	v4 =	vmul.u32 $0x6A631, v4  }
0x3e: {  	vm1 =	vgt.s32 v1, $0x1E847FFF;
	v9 =	vadd.s32 $0xE17B8000, v2;
	vm2 =	vgt.s32 v3, $0x1E847FFF  }
0x3f: {  	vm4 =	vgt.s32 v5, $0x1E847FFF;
	v59 =	vadd.s32 $0xE17B8000, v5;
	v0 =	vsel vm0, v12, v0  }
0x40: {  	v5 =	vsel vm4, v59, v5;
	vm0 =	vgt.s32 v0, $0xF423FFF;
	v12 =	vadd.s32 $0xF0BDC000, v0  }
0x41: {  	v4 =	vadd.s32 v4, v6;
	v6 =	vadd.s32 v8, v14;
	vm4 =	vgt.s32 v5, $0xF423FFF  }
0x42: {  	v0 =	vsel vm0, v12, v0;
	v12 =	vmul.u32 $0x35880, v58;
	vm3 =	vgt.s32 v4, $0x1E847FFF  }
0x43: {  	v11 =	vadd.s32 $0xE17B8000, v4;
	vm5 =	vgt.s32 v6, $0x1E847FFF;
	v60 =	vadd.s32 $0xE17B8000, v6  }
0x44: {  	vm0 =	vgt.s32 v0, $0x7A11FFF;
	v15 =	vadd.s32 $0xF85EE000, v0;
	v4 =	vsel vm3, v11, v4  }
0x45: {  	v6 =	vsel vm5, v60, v6;
	v0 =	vsel vm0, v15, v0;
	v8 =	vadd.s32 v10, v12  }
0x46: {  	v10 =	vadd.s32 $0xE17B8000, v3;
	vm3 =	vgt.s32 v4, $0xF423FFF;
	v11 =	vadd.s32 $0xF0BDC000, v4  }
0x47: {  	v12 =	vadd.s32 $0xF0BDC000, v5;
	vm5 =	vgt.s32 v6, $0xF423FFF;
	v13 =	vadd.s32 $0xF0BDC000, v6  }
0x48: {  	vm0 =	vgt.s32 v0, $0x3D08FFF;
	v15 =	vadd.s32 $0xFC2F7000, v0;
	v3 =	vsel vm2, v10, v3  }
0x49: {  	v4 =	vsel vm3, v11, v4;
	v5 =	vsel vm4, v12, v5;
	v6 =	vsel vm5, v13, v6  }
0x4a: {  	v0 =	vsel vm0, v15, v0;
	vm2 =	vgt.s32 v3, $0xF423FFF;
	v10 =	vadd.s32 $0xF0BDC000, v3  }
0x4b: {  	vm3 =	vgt.s32 v4, $0x7A11FFF;
	v11 =	vadd.s32 $0xF85EE000, v4;
	vm4 =	vgt.s32 v5, $0x7A11FFF  }
0x4c: {  	v12 =	vadd.s32 $0xF85EE000, v5;
	vm5 =	vgt.s32 v6, $0x7A11FFF;
	v13 =	vadd.s32 $0xF85EE000, v6  }
0x4d: {  	vm0 =	vgt.s32 v0, $0x1E847FF;
	v15 =	vadd.s32 $0xFE17B800, v0;
	v3 =	vsel vm2, v10, v3  }
0x4e: {  	v4 =	vsel vm3, v11, v4;
	v5 =	vsel vm4, v12, v5;
	v6 =	vsel vm5, v13, v6  }
0x4f: {  	v0 =	vsel vm0, v15, v0;
	vm2 =	vgt.s32 v3, $0x7A11FFF;
	v10 =	vadd.s32 $0xF85EE000, v3  }
0x50: {  	vm3 =	vgt.s32 v4, $0x3D08FFF;
	v11 =	vadd.s32 $0xFC2F7000, v4;
	vm4 =	vgt.s32 v5, $0x3D08FFF  }
0x51: {  	v12 =	vadd.s32 $0xFC2F7000, v5;
	vm5 =	vgt.s32 v6, $0x3D08FFF;
	v13 =	vadd.s32 $0xFC2F7000, v6  }
0x52: {  	vm0 =	vgt.s32 v0, $0xF423FF;
	v15 =	vadd.s32 $0xFF0BDC00, v0;
	v3 =	vsel vm2, v10, v3  }
0x53: {  	v4 =	vsel vm3, v11, v4;
	v5 =	vsel vm4, v12, v5;
	v6 =	vsel vm5, v13, v6  }
0x54: {  	v0 =	vsel vm0, v15, v0;
	vm2 =	vgt.s32 v3, $0x3D08FFF;
	v10 =	vadd.s32 $0xFC2F7000, v3  }
0x55: {  	vm3 =	vgt.s32 v4, $0x1E847FF;
	v11 =	vadd.s32 $0xFE17B800, v4;
	vm4 =	vgt.s32 v5, $0x1E847FF  }
0x56: {  	v12 =	vadd.s32 $0xFE17B800, v5;
	vm5 =	vgt.s32 v6, $0x1E847FF;
	v13 =	vadd.s32 $0xFE17B800, v6  }
0x57: {  	vm0 =	vgt.s32 v0, $0x7A11FF;
	v15 =	vadd.s32 $0xFF85EE00, v0;
	v3 =	vsel vm2, v10, v3  }
0x58: {  	v4 =	vsel vm3, v11, v4;
	v5 =	vsel vm4, v12, v5;
	v6 =	vsel vm5, v13, v6  }
0x59: {  	v0 =	vsel vm0, v15, v0;
	vm2 =	vgt.s32 v3, $0x1E847FF;
	v10 =	vadd.s32 $0xFE17B800, v3  }
0x5a: {  	vm3 =	vgt.s32 v4, $0xF423FF;
	v11 =	vadd.s32 $0xFF0BDC00, v4;
	vm4 =	vgt.s32 v5, $0xF423FF  }
0x5b: {  	v12 =	vadd.s32 $0xFF0BDC00, v5;
	vm5 =	vgt.s32 v6, $0xF423FF;
	v13 =	vadd.s32 $0xFF0BDC00, v6  }
0x5c: {  	vm0 =	vgt.s32 v0, $0x3D08FF;
	v15 =	vadd.s32 $0xFFC2F700, v0;
	v3 =	vsel vm2, v10, v3  }
0x5d: {  	v4 =	vsel vm3, v11, v4;
	v5 =	vsel vm4, v12, v5;
	v6 =	vsel vm5, v13, v6  }
0x5e: {  	v0 =	vsel vm0, v15, v0;
	vm2 =	vgt.s32 v3, $0xF423FF;
	v10 =	vadd.s32 $0xFF0BDC00, v3  }
0x5f: {  	vm3 =	vgt.s32 v4, $0x7A11FF;
	v11 =	vadd.s32 $0xFF85EE00, v4;
	vm4 =	vgt.s32 v5, $0x7A11FF  }
0x60: {  	v12 =	vadd.s32 $0xFF85EE00, v5;
	vm5 =	vgt.s32 v6, $0x7A11FF;
	v13 =	vadd.s32 $0xFF85EE00, v6  }
0x61: {  	vm0 =	vgt.s32 v0, $0x1E847F;
	v7 =	vadd.s32 $0xFFE17B80, v0;
	v3 =	vsel vm2, v10, v3  }
0x62: {  	v4 =	vsel vm3, v11, v4;
	v5 =	vsel vm4, v12, v5;
	v6 =	vsel vm5, v13, v6  }
0x63: {  	v0 =	vsel vm0, v7, v0;
	vm2 =	vgt.s32 v3, $0x7A11FF;
	v10 =	vadd.s32 $0xFF85EE00, v3  }
0x64: {  	vm3 =	vgt.s32 v4, $0x3D08FF;
	v11 =	vadd.s32 $0xFFC2F700, v4;
	vm4 =	vgt.s32 v5, $0x3D08FF  }
0x65: {  	v12 =	vadd.s32 $0xFFC2F700, v5;
	vm5 =	vgt.s32 v6, $0x3D08FF;
	v13 =	vadd.s32 $0xFFC2F700, v6  }
0x66: {  	vm0 =	vgt.s32 v0, $0xF423F;
	v7 =	vadd.s32 $0xFFF0BDC0, v0;
	v3 =	vsel vm2, v10, v3  }
0x67: {  	v4 =	vsel vm3, v11, v4;
	v0 =	vsel vm0, v7, v0;
	v7 =	vadd.s32 $0xE17B8000, v1  }
0x68: {  	vm0 =	vgt.s32 v2, $0x1E847FFF;
	vm2 =	vgt.s32 v3, $0x3D08FF;
	v10 =	vadd.s32 $0xFFC2F700, v3  }
0x69: {  	vm3 =	vgt.s32 v4, $0x1E847F;
	v61 =	vadd.s32 $0xFFE17B80, v4;
	v1 =	vsel vm1, v7, v1  }
0x6a: {  	vm1 =	vgt.s32 v8, $0x1E847FFF;
	v2 =	vsel vm0, v9, v2;
	v7 =	vadd.s32 $0xE17B8000, v8  }
0x6b: {  	v3 =	vsel vm2, v10, v3;
	v10 =	vsel vm5, v13, v6;
	vm0 =	vgt.s32 v1, $0xF423FFF  }
0x6c: {  	v7 =	vsel vm1, v7, v8;
	v8 =	vadd.s32 $0xF0BDC000, v1;
	vm1 =	vgt.s32 v2, $0xF423FFF  }
0x6d: {  	v9 =	vadd.s32 $0xF0BDC000, v2;
	vm2 =	vgt.s32 v3, $0x1E847F;
	v11 =	vadd.s32 $0xFFE17B80, v3  }
0x6e: {  	vm5 =	vgt.s32 v10, $0x1E847F;
	v63 =	vadd.s32 $0xFFE17B80, v10;
	v1 =	vsel vm0, v8, v1  }
0x6f: {  	vm0 =	vgt.s32 v7, $0xF423FFF;
	v2 =	vsel vm1, v9, v2;
	v8 =	vadd.s32 $0xF0BDC000, v7  }
0x70: {  	vm1 =	vgt.s32 v1, $0x7A11FFF;
	v7 =	vsel vm0, v8, v7;
	v8 =	vadd.s32 $0xF85EE000, v1  }
0x71: {  	vm0 =	vgt.s32 v2, $0x7A11FFF;
	v9 =	vadd.s32 $0xF85EE000, v2;
	v1 =	vsel vm1, v8, v1  }
0x72: {  	vm1 =	vgt.s32 v7, $0x7A11FFF;
	v2 =	vsel vm0, v9, v2;
	v8 =	vadd.s32 $0xF85EE000, v7  }
0x73: {  	vm0 =	vgt.s32 v1, $0x3D08FFF;
	v7 =	vsel vm1, v8, v7;
	v8 =	vadd.s32 $0xFC2F7000, v1  }
0x74: {  	vm1 =	vgt.s32 v2, $0x3D08FFF;
	v9 =	vadd.s32 $0xFC2F7000, v2;
	v1 =	vsel vm0, v8, v1  }
0x75: {  	vm0 =	vgt.s32 v7, $0x3D08FFF;
	v2 =	vsel vm1, v9, v2;
	v8 =	vadd.s32 $0xFC2F7000, v7  }
0x76: {  	vm1 =	vgt.s32 v1, $0x1E847FF;
	v7 =	vsel vm0, v8, v7;
	v8 =	vadd.s32 $0xFE17B800, v1  }
0x77: {  	vm0 =	vgt.s32 v2, $0x1E847FF;
	v9 =	vadd.s32 $0xFE17B800, v2;
	v1 =	vsel vm1, v8, v1  }
0x78: {  	vm1 =	vgt.s32 v7, $0x1E847FF;
	v2 =	vsel vm0, v9, v2;
	v8 =	vadd.s32 $0xFE17B800, v7  }
0x79: {  	vm0 =	vgt.s32 v1, $0xF423FF;
	v7 =	vsel vm1, v8, v7;
	v8 =	vadd.s32 $0xFF0BDC00, v1  }
0x7a: {  	vm1 =	vgt.s32 v2, $0xF423FF;
	v9 =	vadd.s32 $0xFF0BDC00, v2;
	v1 =	vsel vm0, v8, v1  }
0x7b: {  	vm0 =	vgt.s32 v7, $0xF423FF;
	v2 =	vsel vm1, v9, v2;
	v8 =	vadd.s32 $0xFF0BDC00, v7  }
0x7c: {  	vm1 =	vgt.s32 v1, $0x7A11FF;
	v7 =	vsel vm0, v8, v7;
	v8 =	vadd.s32 $0xFF85EE00, v1  }
0x7d: {  	vm0 =	vgt.s32 v2, $0x7A11FF;
	v9 =	vadd.s32 $0xFF85EE00, v2;
	v1 =	vsel vm1, v8, v1  }
0x7e: {  	vm1 =	vgt.s32 v7, $0x7A11FF;
	v2 =	vsel vm0, v9, v2;
	v8 =	vadd.s32 $0xFF85EE00, v7  }
0x7f: {  	vm0 =	vgt.s32 v1, $0x3D08FF;
	v7 =	vsel vm1, v8, v7;
	v8 =	vadd.s32 $0xFFC2F700, v1  }
0x80: {  	vm1 =	vgt.s32 v2, $0x3D08FF;
	v9 =	vadd.s32 $0xFFC2F700, v2;
	v1 =	vsel vm0, v8, v1  }
0x81: {  	vm0 =	vgt.s32 v7, $0x3D08FF;
	v2 =	vsel vm1, v9, v2;
	v8 =	vadd.s32 $0xFFC2F700, v7  }
0x82: {  	v9 =	vsel vm4, v12, v5;
	vm1 =	vgt.s32 v1, $0x1E847F;
	v8 =	vsel vm0, v8, v7  }
0x83: {  	v5 =	vadd.s32 $0xFFE17B80, v1;
	vm0 =	vgt.s32 v2, $0x1E847F;
	v6 =	vadd.s32 $0xFFE17B80, v2  }
0x84: {  	vm4 =	vgt.s32 v9, $0x1E847F;
	v62 =	vadd.s32 $0xFFE17B80, v9;
	v7 =	vsel vm1, v5, v1  }
0x85: {  	vm1 =	vgt.s32 v8, $0x1E847F;
	v6 =	vsel vm0, v6, v2;
	v1 =	vadd.s32 $0xFFE17B80, v8  }
0x86: {  	v5 =	vsel vm2, v11, v3;
	v2 =	vsel vm3, v61, v4;
	v4 =	vsel vm4, v62, v9  }
0x87: {  	v3 =	vsel vm5, v63, v10;
	vm0 =	vgt.s32 v7, $0xF423F;
	v1 =	vsel vm1, v1, v8  }
0x88: {  	v9 =	vadd.s32 $0xFFF0BDC0, v7;
	vm1 =	vgt.s32 v6, $0xF423F;
	v8 =	vadd.s32 $0xFFF0BDC0, v6  }
0x89: {  	s28 =	simm.s32 $0x80;
	s26 =	simm.s32 $0x400;
	[tilespmem:s25+$0xD70] =	vst v0;
	vm3 =	vgt.s32 v5, $0xF423F;
	v0 =	vadd.s32 $0xFFF0BDC0, v5;
	vm2 =	vgt.s32 v2, $0xF423F  }
.LBB2_2:
0x8a: {  	p0 =	sne.s32 s26, $0x600;
	v10 =	vld [tilespmem:s28+$0x70];
	v11 =	vadd.s32 $0xFFF0BDC0, v2;
	vm4 =	vgt.s32 v4, $0xF423F;
	v12 =	vadd.s32 $0xFFF0BDC0, v4  }
0x8b: {  	vm5 =	vgt.s32 v3, $0xF423F;
	v14 =	vadd.s32 $0xFFF0BDC0, v3;
	vm6 =	vgt.s32 v1, $0xF423F;
	v13 =	vld [tilespmem:s28+$0x0]  }
0x8c: {  	v7 =	vsel vm0, v9, v7;
	v6 =	vsel vm1, v8, v6;
	v8 =	vadd.s32 $0xFFF0BDC0, v1;
	v15 =	vld [tilespmem:s28+$0x10]  }
0x8d: {  	v0 =	vsel vm3, v0, v5;
	v2 =	vsel vm2, v11, v2;
	v4 =	vsel vm4, v12, v4;
	v9 =	vld [tilespmem:s28+$0x20];
	[tilespmem:s25+$0xD00] =	vst v7  }
0x8e: {  	v3 =	vsel vm5, v14, v3;
	v1 =	vsel vm6, v8, v1;
	v5 =	vld [tilespmem:s28+$0x30];
	[tilespmem:s25+$0xD10] =	vst v6  }
0x8f: {  	v6 =	vld [tilespmem:s28+$0x40];
	v7 =	vshrl.u32 v10, $0xA;
	v8 =	vand.u32 $0x3FF, v10;
	[tilespmem:s25+$0xD20] =	vst v0  }
0x90: {  	v0 =	vshrl.u32 v13, $0xA;
	v10 =	vld [tilespmem:s28+$0x50];
	v7 =	vmul.u32 $0x35880, v7;
	v8 =	vmul.u32 $0x6A631, v8;
	[tilespmem:s25+$0xD30] =	vst v2  }
0x91: {  	v2 =	vand.u32 $0x3FF, v13;
	v11 =	vshrl.u32 v15, $0xA;
	v12 =	vand.u32 $0x3FF, v15;
	v13 =	vld [tilespmem:s28+$0x60];
	[tilespmem:s25+$0xD40] =	vst v4  }
0x92: {  	v4 =	vshrl.u32 v9, $0xA;
	v9 =	vand.u32 $0x3FF, v9;
	v7 =	vadd.s32 v8, v7;
	[tilespmem:s25+$0xD50] =	vst v3  }
0x93: {  	v3 =	vshrl.u32 v5, $0xA;
	vm0 =	vgt.s32 v7, $0x1E847FFF;
	v8 =	vadd.s32 $0xE17B8000, v7;
	[tilespmem:s25+$0xD60] =	vst v1;
	s25 =	smov.u32 s28  }
0x94: {  	v1 =	vand.u32 $0x3FF, v5;
	v5 =	vshrl.u32 v6, $0xA;
	v7 =	vsel vm0, v8, v7  }
0x95: {  	v6 =	vand.u32 $0x3FF, v6;
	vm0 =	vgt.s32 v7, $0xF423FFF;
	v8 =	vadd.s32 $0xF0BDC000, v7  }
0x96: {  	v14 =	vshrl.u32 v10, $0xA;
	v10 =	vand.u32 $0x3FF, v10;
	v7 =	vsel vm0, v8, v7  }
0x97: {  	v8 =	vshrl.u32 v13, $0xA;
	vm0 =	vgt.s32 v7, $0x7A11FFF;
	v15 =	vadd.s32 $0xF85EE000, v7  }
0x98: {  	v0 =	vmul.u32 $0x35880, v0;
	v13 =	vand.u32 $0x3FF, v13;
	v7 =	vsel vm0, v15, v7  }
0x99: {  	v2 =	vmul.u32 $0x6A631, v2;
	vm0 =	vgt.s32 v7, $0x3D08FFF;
	v15 =	vadd.s32 $0xFC2F7000, v7  }
0x9a: {  	v11 =	vmul.u32 $0x35880, v11;
	v12 =	vmul.u32 $0x6A631, v12;
	v7 =	vsel vm0, v15, v7  }
0x9b: {  	v4 =	vmul.u32 $0x35880, v4;
	vm0 =	vgt.s32 v7, $0x1E847FF;
	v15 =	vadd.s32 $0xFE17B800, v7  }
0x9c: {  	v9 =	vmul.u32 $0x6A631, v9;
	v3 =	vmul.u32 $0x35880, v3;
	v7 =	vsel vm0, v15, v7  }
0x9d: {  	v1 =	vmul.u32 $0x6A631, v1;
	vm0 =	vgt.s32 v7, $0xF423FF;
	v15 =	vadd.s32 $0xFF0BDC00, v7  }
0x9e: {  	v5 =	vmul.u32 $0x35880, v5;
	v6 =	vmul.u32 $0x6A631, v6;
	v7 =	vsel vm0, v15, v7  }
0x9f: {  	v14 =	vmul.u32 $0x35880, v14;
	vm0 =	vgt.s32 v7, $0x7A11FF;
	v15 =	vadd.s32 $0xFF85EE00, v7  }
0xa0: {  	v10 =	vmul.u32 $0x6A631, v10;
	v8 =	vmul.u32 $0x35880, v8;
	v7 =	vsel vm0, v15, v7  }
0xa1: {  	v13 =	vmul.u32 $0x6A631, v13;
	vm0 =	vgt.s32 v7, $0x3D08FF;
	v15 =	vadd.s32 $0xFFC2F700, v7  }
0xa2: {  	v0 =	vadd.s32 v2, v0;
	v2 =	vadd.s32 v12, v11;
	v7 =	vsel vm0, v15, v7  }
0xa3: {  	v4 =	vadd.s32 v9, v4;
	vm0 =	vgt.s32 v7, $0x1E847F;
	v9 =	vadd.s32 $0xFFE17B80, v7  }
0xa4: {  	v1 =	vadd.s32 v1, v3;
	v3 =	vadd.s32 v6, v5;
	v5 =	vsel vm0, v9, v7  }
0xa5: {  	v6 =	vadd.s32 v10, v14;
	vm0 =	vgt.s32 v5, $0xF423F;
	v7 =	vadd.s32 $0xFFF0BDC0, v5  }
0xa6: {  	vm1 =	vgt.s32 v0, $0x1E847FFF;
	v8 =	vadd.s32 v13, v8;
	v5 =	vsel vm0, v7, v5  }
0xa7: {  	v9 =	vadd.s32 $0xE17B8000, v2;
	v7 =	vadd.s32 $0xE17B8000, v0;
	vm0 =	vgt.s32 v2, $0x1E847FFF;
	[tilespmem:s25+$0xD70] =	vst v5  }
0xa8: {  	vm2 =	vgt.s32 v4, $0x1E847FFF;
	vm3 =	vgt.s32 v1, $0x1E847FFF;
	v5 =	vadd.s32 $0xE17B8000, v4  }
0xa9: {  	v10 =	vadd.s32 $0xE17B8000, v1;
	vm4 =	vgt.s32 v3, $0x1E847FFF;
	v11 =	vadd.s32 $0xE17B8000, v3  }
0xaa: {  	vm5 =	vgt.s32 v6, $0x1E847FFF;
	v12 =	vadd.s32 $0xE17B8000, v6;
	vm6 =	vgt.s32 v8, $0x1E847FFF  }
0xab: {  	v0 =	vsel vm1, v7, v0;
	v2 =	vsel vm0, v9, v2;
	v7 =	vadd.s32 $0xE17B8000, v8  }
0xac: {  	v1 =	vsel vm3, v10, v1;
	v3 =	vsel vm4, v11, v3;
	v4 =	vsel vm2, v5, v4  }
0xad: {  	vm0 =	vgt.s32 v0, $0xF423FFF;
	v5 =	vsel vm5, v12, v6;
	v6 =	vsel vm6, v7, v8  }
0xae: {  	v7 =	vadd.s32 $0xF0BDC000, v0;
	vm1 =	vgt.s32 v2, $0xF423FFF;
	v8 =	vadd.s32 $0xF0BDC000, v2  }
0xaf: {  	vm3 =	vgt.s32 v1, $0xF423FFF;
	vm2 =	vgt.s32 v4, $0xF423FFF;
	v9 =	vadd.s32 $0xF0BDC000, v4  }
0xb0: {  	v10 =	vadd.s32 $0xF0BDC000, v1;
	vm4 =	vgt.s32 v3, $0xF423FFF;
	v11 =	vadd.s32 $0xF0BDC000, v3  }
0xb1: {  	vm5 =	vgt.s32 v5, $0xF423FFF;
	v12 =	vadd.s32 $0xF0BDC000, v5;
	vm6 =	vgt.s32 v6, $0xF423FFF  }
0xb2: {  	v0 =	vsel vm0, v7, v0;
	v2 =	vsel vm1, v8, v2;
	v7 =	vadd.s32 $0xF0BDC000, v6  }
0xb3: {  	v1 =	vsel vm3, v10, v1;
	v3 =	vsel vm4, v11, v3;
	v4 =	vsel vm2, v9, v4  }
0xb4: {  	vm0 =	vgt.s32 v0, $0x7A11FFF;
	v5 =	vsel vm5, v12, v5;
	v6 =	vsel vm6, v7, v6  }
0xb5: {  	v7 =	vadd.s32 $0xF85EE000, v0;
	vm1 =	vgt.s32 v2, $0x7A11FFF;
	v8 =	vadd.s32 $0xF85EE000, v2  }
0xb6: {  	vm3 =	vgt.s32 v1, $0x7A11FFF;
	vm2 =	vgt.s32 v4, $0x7A11FFF;
	v9 =	vadd.s32 $0xF85EE000, v4  }
0xb7: {  	v10 =	vadd.s32 $0xF85EE000, v1;
	vm4 =	vgt.s32 v3, $0x7A11FFF;
	v11 =	vadd.s32 $0xF85EE000, v3  }
0xb8: {  	vm5 =	vgt.s32 v5, $0x7A11FFF;
	v12 =	vadd.s32 $0xF85EE000, v5;
	vm6 =	vgt.s32 v6, $0x7A11FFF  }
0xb9: {  	v0 =	vsel vm0, v7, v0;
	v2 =	vsel vm1, v8, v2;
	v7 =	vadd.s32 $0xF85EE000, v6  }
0xba: {  	v1 =	vsel vm3, v10, v1;
	v3 =	vsel vm4, v11, v3;
	v4 =	vsel vm2, v9, v4  }
0xbb: {  	vm0 =	vgt.s32 v0, $0x3D08FFF;
	v5 =	vsel vm5, v12, v5;
	v6 =	vsel vm6, v7, v6  }
0xbc: {  	v7 =	vadd.s32 $0xFC2F7000, v0;
	vm1 =	vgt.s32 v2, $0x3D08FFF;
	v8 =	vadd.s32 $0xFC2F7000, v2  }
0xbd: {  	vm3 =	vgt.s32 v1, $0x3D08FFF;
	vm2 =	vgt.s32 v4, $0x3D08FFF;
	v9 =	vadd.s32 $0xFC2F7000, v4  }
0xbe: {  	v10 =	vadd.s32 $0xFC2F7000, v1;
	vm4 =	vgt.s32 v3, $0x3D08FFF;
	v11 =	vadd.s32 $0xFC2F7000, v3  }
0xbf: {  	vm5 =	vgt.s32 v5, $0x3D08FFF;
	v12 =	vadd.s32 $0xFC2F7000, v5;
	vm6 =	vgt.s32 v6, $0x3D08FFF  }
0xc0: {  	v0 =	vsel vm0, v7, v0;
	v2 =	vsel vm1, v8, v2;
	v7 =	vadd.s32 $0xFC2F7000, v6  }
0xc1: {  	v1 =	vsel vm3, v10, v1;
	v3 =	vsel vm4, v11, v3;
	v4 =	vsel vm2, v9, v4  }
0xc2: {  	vm0 =	vgt.s32 v0, $0x1E847FF;
	v5 =	vsel vm5, v12, v5;
	v6 =	vsel vm6, v7, v6  }
0xc3: {  	v7 =	vadd.s32 $0xFE17B800, v0;
	vm1 =	vgt.s32 v2, $0x1E847FF;
	v8 =	vadd.s32 $0xFE17B800, v2  }
0xc4: {  	vm3 =	vgt.s32 v1, $0x1E847FF;
	vm2 =	vgt.s32 v4, $0x1E847FF;
	v9 =	vadd.s32 $0xFE17B800, v4  }
0xc5: {  	v10 =	vadd.s32 $0xFE17B800, v1;
	vm4 =	vgt.s32 v3, $0x1E847FF;
	v11 =	vadd.s32 $0xFE17B800, v3  }
0xc6: {  	vm5 =	vgt.s32 v5, $0x1E847FF;
	v12 =	vadd.s32 $0xFE17B800, v5;
	vm6 =	vgt.s32 v6, $0x1E847FF  }
0xc7: {  	v0 =	vsel vm0, v7, v0;
	v2 =	vsel vm1, v8, v2;
	v7 =	vadd.s32 $0xFE17B800, v6  }
0xc8: {  	v1 =	vsel vm3, v10, v1;
	v3 =	vsel vm4, v11, v3;
	v4 =	vsel vm2, v9, v4  }
0xc9: {  	vm0 =	vgt.s32 v0, $0xF423FF;
	v5 =	vsel vm5, v12, v5;
	v6 =	vsel vm6, v7, v6  }
0xca: {  	v7 =	vadd.s32 $0xFF0BDC00, v0;
	vm1 =	vgt.s32 v2, $0xF423FF;
	v8 =	vadd.s32 $0xFF0BDC00, v2  }
0xcb: {  	vm3 =	vgt.s32 v1, $0xF423FF;
	vm2 =	vgt.s32 v4, $0xF423FF;
	v9 =	vadd.s32 $0xFF0BDC00, v4  }
0xcc: {  	v10 =	vadd.s32 $0xFF0BDC00, v1;
	vm4 =	vgt.s32 v3, $0xF423FF;
	v11 =	vadd.s32 $0xFF0BDC00, v3  }
0xcd: {  	vm5 =	vgt.s32 v5, $0xF423FF;
	v12 =	vadd.s32 $0xFF0BDC00, v5;
	vm6 =	vgt.s32 v6, $0xF423FF  }
0xce: {  	v0 =	vsel vm0, v7, v0;
	v2 =	vsel vm1, v8, v2;
	v7 =	vadd.s32 $0xFF0BDC00, v6  }
0xcf: {  	v1 =	vsel vm3, v10, v1;
	v3 =	vsel vm4, v11, v3;
	v4 =	vsel vm2, v9, v4  }
0xd0: {  	vm0 =	vgt.s32 v0, $0x7A11FF;
	v5 =	vsel vm5, v12, v5;
	v6 =	vsel vm6, v7, v6  }
0xd1: {  	v7 =	vadd.s32 $0xFF85EE00, v0;
	vm1 =	vgt.s32 v2, $0x7A11FF;
	v8 =	vadd.s32 $0xFF85EE00, v2  }
0xd2: {  	vm3 =	vgt.s32 v1, $0x7A11FF;
	vm2 =	vgt.s32 v4, $0x7A11FF;
	v9 =	vadd.s32 $0xFF85EE00, v4  }
0xd3: {  	v10 =	vadd.s32 $0xFF85EE00, v1;
	vm4 =	vgt.s32 v3, $0x7A11FF;
	v11 =	vadd.s32 $0xFF85EE00, v3  }
0xd4: {  	vm5 =	vgt.s32 v5, $0x7A11FF;
	v12 =	vadd.s32 $0xFF85EE00, v5;
	vm6 =	vgt.s32 v6, $0x7A11FF  }
0xd5: {  	v0 =	vsel vm0, v7, v0;
	v2 =	vsel vm1, v8, v2;
	v7 =	vadd.s32 $0xFF85EE00, v6  }
0xd6: {  	v1 =	vsel vm3, v10, v1;
	v3 =	vsel vm4, v11, v3;
	v4 =	vsel vm2, v9, v4  }
0xd7: {  	vm0 =	vgt.s32 v0, $0x3D08FF;
	v5 =	vsel vm5, v12, v5;
	v6 =	vsel vm6, v7, v6  }
0xd8: {  	v7 =	vadd.s32 $0xFFC2F700, v0;
	vm1 =	vgt.s32 v2, $0x3D08FF;
	v8 =	vadd.s32 $0xFFC2F700, v2  }
0xd9: {  	vm3 =	vgt.s32 v1, $0x3D08FF;
	vm2 =	vgt.s32 v4, $0x3D08FF;
	v9 =	vadd.s32 $0xFFC2F700, v4  }
0xda: {  	v10 =	vadd.s32 $0xFFC2F700, v1;
	vm4 =	vgt.s32 v3, $0x3D08FF;
	v11 =	vadd.s32 $0xFFC2F700, v3  }
0xdb: {  	vm5 =	vgt.s32 v5, $0x3D08FF;
	v12 =	vadd.s32 $0xFFC2F700, v5;
	vm6 =	vgt.s32 v6, $0x3D08FF  }
0xdc: {  	v0 =	vsel vm0, v7, v0;
	v2 =	vsel vm1, v8, v2;
	v7 =	vadd.s32 $0xFFC2F700, v6  }
0xdd: {  	v1 =	vsel vm3, v10, v1;
	v3 =	vsel vm4, v11, v3;
	v4 =	vsel vm2, v9, v4  }
0xde: {  	vm0 =	vgt.s32 v0, $0x1E847F;
	v8 =	vsel vm5, v12, v5;
	v9 =	vsel vm6, v7, v6  }
0xdf: {  	v5 =	vadd.s32 $0xFFE17B80, v0;
	vm1 =	vgt.s32 v2, $0x1E847F;
	v6 =	vadd.s32 $0xFFE17B80, v2  }
0xe0: {  	vm3 =	vgt.s32 v1, $0x1E847F;
	vm2 =	vgt.s32 v4, $0x1E847F;
	v10 =	vadd.s32 $0xFFE17B80, v4  }
0xe1: {  	v11 =	vadd.s32 $0xFFE17B80, v1;
	vm4 =	vgt.s32 v3, $0x1E847F;
	v12 =	vadd.s32 $0xFFE17B80, v3  }
0xe2: {  	vm5 =	vgt.s32 v8, $0x1E847F;
	v13 =	vadd.s32 $0xFFE17B80, v8;
	vm6 =	vgt.s32 v9, $0x1E847F  }
.Ltmp0:
0xe3: {  	v7 =	vsel vm0, v5, v0;
	v6 =	vsel vm1, v6, v2;
	v0 =	vadd.s32 $0xFFE17B80, v9;
	(pc) =	sbr.rel @p0 .LBB2_2-.Ltmp0, $4  }
0xe4: {  	v2 =	vsel vm3, v11, v1;
	v5 =	vsel vm2, v10, v4;
	v4 =	vsel vm4, v12, v3  }
0xe5: {  	vm0 =	vgt.s32 v7, $0xF423F;
	v3 =	vsel vm5, v13, v8;
	v1 =	vsel vm6, v0, v9  }
0xe6: {  	v9 =	vadd.s32 $0xFFF0BDC0, v7;
	vm1 =	vgt.s32 v6, $0xF423F;
	v8 =	vadd.s32 $0xFFF0BDC0, v6  }
0xe7: {  	s28 =	sshra.s32 s26, $0x2;
	s26 =	sadd.s32 $0x200, s26;
	vm2 =	vgt.s32 v2, $0xF423F;
	vm3 =	vgt.s32 v5, $0xF423F;
	v0 =	vadd.s32 $0xFFF0BDC0, v5  }
0xe8: {  	v10 =	vld [tilespmem:s28+$0x70];
	_ =	sdelay $0x4  }
0xe9: {  	v11 =	vshrl.u32 v10, $0xA;
	v10 =	vand.u32 $0x3FF, v10  }
0xea: {  	v12 =	vadd.s32 $0xFFF0BDC0, v2;
	v11 =	vmul.u32 $0x35880, v11;
	v10 =	vmul.u32 $0x6A631, v10  }
0xeb: {  	vm4 =	vgt.s32 v4, $0xF423F;
	v13 =	vadd.s32 $0xFFF0BDC0, v4;
	vm5 =	vgt.s32 v3, $0xF423F;
	v15 =	vld [tilespmem:s28+$0x10]  }
0xec: {  	v14 =	vadd.s32 $0xFFF0BDC0, v3;
	vm14 =	vgt.s32 v1, $0xF423F;
	v10 =	vadd.s32 v10, v11  }
0xed: {  	v7 =	vsel vm0, v9, v7;
	vm6 =	vgt.s32 v10, $0x1E847FFF;
	v11 =	vadd.s32 $0xE17B8000, v10  }
0xee: {  	v6 =	vsel vm1, v8, v6;
	v8 =	vadd.s32 $0xFFF0BDC0, v1;
	v10 =	vsel vm6, v11, v10  }
0xef: {  	v5 =	vsel vm3, v0, v5;
	v11 =	vld [tilespmem:s28+$0x0];
	vm0 =	vgt.s32 v10, $0xF423FFF;
	v9 =	vadd.s32 $0xF0BDC000, v10  }
0xf0: {  	v1 =	vsel vm14, v8, v1;
	v26 =	vand.u32 $0x3FF, v15;
	v9 =	vsel vm0, v9, v10  }
0xf1: {  	v10 =	vld [tilespmem:s28+$0x20];
	[tilespmem:s25+$0xD00] =	vst v7;
	v7 =	vsel vm2, v12, v2;
	vm0 =	vgt.s32 v9, $0x7A11FFF;
	v0 =	vadd.s32 $0xF85EE000, v9  }
0xf2: {  	v2 =	vsel vm4, v13, v4;
	v12 =	vmul.u32 $0x6A631, v26;
	v4 =	vsel vm0, v0, v9  }
0xf3: {  	v0 =	vsel vm5, v14, v3;
	vm0 =	vgt.s32 v4, $0x3D08FFF;
	v3 =	vadd.s32 $0xFC2F7000, v4  }
0xf4: {  	v9 =	vld [tilespmem:s28+$0x30];
	[tilespmem:s25+$0xD10] =	vst v6;
	v6 =	vshrl.u32 v11, $0xA;
	v8 =	vand.u32 $0x3FF, v11;
	v3 =	vsel vm0, v3, v4  }
0xf5: {  	v4 =	vld [tilespmem:s28+$0x40];
	[tilespmem:s25+$0xD20] =	vst v5;
	v5 =	vshrl.u32 v15, $0xA;
	v6 =	vmul.u32 $0x35880, v6;
	v8 =	vmul.u32 $0x6A631, v8  }
0xf6: {  	vm0 =	vgt.s32 v3, $0x1E847FF;
	v11 =	vadd.s32 $0xFE17B800, v3;
	v27 =	vshrl.u32 v10, $0xA  }
0xf7: {  	v5 =	vmul.u32 $0x35880, v5;
	v3 =	vsel vm0, v11, v3;
	v11 =	vld [tilespmem:s28+$0x50];
	[tilespmem:s25+$0xD30] =	vst v7;
	v7 =	vand.u32 $0x3FF, v10  }
0xf8: {  	v6 =	vadd.s32 v8, v6;
	v13 =	vmul.u32 $0x35880, v27;
	vm0 =	vgt.s32 v3, $0xF423FF  }
0xf9: {  	v28 =	vadd.s32 $0xFF0BDC00, v3;
	v10 =	vshrl.u32 v9, $0xA;
	v9 =	vand.u32 $0x3FF, v9  }
0xfa: {  	v5 =	vadd.s32 v12, v5;
	v7 =	vmul.u32 $0x6A631, v7;
	vm1 =	vgt.s32 v6, $0x1E847FFF  }
0xfb: {  	v3 =	vsel vm0, v28, v3;
	v10 =	vmul.u32 $0x35880, v10;
	v9 =	vmul.u32 $0x6A631, v9  }
0xfc: {  	v35 =	vadd.s32 $0xE17B8000, v5;
	vm0 =	vgt.s32 v3, $0x7A11FF;
	v30 =	vadd.s32 $0xFF85EE00, v3  }
0xfd: {  	v29 =	vld [tilespmem:s28+$0x60];
	v31 =	vshrl.u32 v4, $0xA;
	v4 =	vand.u32 $0x3FF, v4;
	v7 =	vadd.s32 v7, v13  }
0xfe: {  	v3 =	vsel vm0, v30, v3;
	v15 =	vmul.u32 $0x35880, v31;
	v4 =	vmul.u32 $0x6A631, v4  }
0xff: {  	v9 =	vadd.s32 v9, v10;
	vm2 =	vgt.s32 v7, $0x1E847FFF;
	v36 =	vadd.s32 $0xE17B8000, v7  }
0x100: {  	v8 =	vshrl.u32 v11, $0xA;
	vm0 =	vgt.s32 v3, $0x3D08FF;
	v32 =	vadd.s32 $0xFFC2F700, v3  }
0x101: {  	v11 =	vand.u32 $0x3FF, v11;
	vm3 =	vgt.s32 v9, $0x1E847FFF;
	v37 =	vadd.s32 $0xE17B8000, v9  }
0x102: {  	v7 =	vsel vm2, v36, v7;
	v3 =	vsel vm0, v32, v3;
	v33 =	vshrl.u32 v29, $0xA  }
0x103: {  	v14 =	vand.u32 $0x3FF, v29;
	v8 =	vmul.u32 $0x35880, v8;
	v11 =	vmul.u32 $0x6A631, v11  }
0x104: {  	v4 =	vadd.s32 v4, v15;
	v9 =	vsel vm3, v37, v9;
	vm2 =	vgt.s32 v7, $0xF423FFF  }
0x105: {  	v13 =	vadd.s32 $0xF0BDC000, v7;
	v12 =	vmul.u32 $0x35880, v33;
	v14 =	vmul.u32 $0x6A631, v14  }
0x106: {  	vm0 =	vgt.s32 v3, $0x1E847F;
	v34 =	vadd.s32 $0xFFE17B80, v3;
	vm4 =	vgt.s32 v4, $0x1E847FFF  }
0x107: {  	v15 =	vadd.s32 $0xE17B8000, v4;
	vm3 =	vgt.s32 v9, $0xF423FFF;
	v7 =	vsel vm2, v13, v7  }
0x108: {  	v3 =	vsel vm0, v34, v3;
	v8 =	vadd.s32 v11, v8;
	v4 =	vsel vm4, v15, v4  }
0x109: {  	vm2 =	vgt.s32 v7, $0x7A11FFF;
	v13 =	vadd.s32 $0xF85EE000, v7;
	vm0 =	vgt.s32 v3, $0xF423F  }
0x10a: {  	v10 =	vadd.s32 $0xFFF0BDC0, v3;
	v11 =	vadd.s32 v14, v12;
	vm5 =	vgt.s32 v8, $0x1E847FFF  }
0x10b: {  	v14 =	vadd.s32 $0xF0BDC000, v9;
	vm4 =	vgt.s32 v4, $0xF423FFF;
	v15 =	vadd.s32 $0xF0BDC000, v4  }
0x10c: {  	v7 =	vsel vm2, v13, v7;
	v3 =	vsel vm0, v10, v3;
	v10 =	vadd.s32 $0xE17B8000, v6  }
0x10d: {  	vm0 =	vgt.s32 v5, $0x1E847FFF;
	v38 =	vadd.s32 $0xE17B8000, v11;
	v9 =	vsel vm3, v14, v9  }
0x10e: {  	v4 =	vsel vm4, v15, v4;
	vm2 =	vgt.s32 v7, $0x3D08FFF;
	v13 =	vadd.s32 $0xFC2F7000, v7  }
0x10f: {  	v6 =	vsel vm1, v10, v6;
	v10 =	vadd.s32 $0xE17B8000, v8;
	vm1 =	vgt.s32 v11, $0x1E847FFF  }
0x110: {  	v5 =	vsel vm0, v35, v5;
	vm3 =	vgt.s32 v9, $0x7A11FFF;
	v14 =	vadd.s32 $0xF85EE000, v9  }
0x111: {  	vm4 =	vgt.s32 v4, $0x7A11FFF;
	v15 =	vadd.s32 $0xF85EE000, v4;
	v7 =	vsel vm2, v13, v7  }
0x112: {  	vm0 =	vgt.s32 v6, $0xF423FFF;
	v8 =	vsel vm5, v10, v8;
	v10 =	vsel vm1, v38, v11  }
0x113: {  	v11 =	vadd.s32 $0xF0BDC000, v6;
	vm1 =	vgt.s32 v5, $0xF423FFF;
	v39 =	vadd.s32 $0xF0BDC000, v5  }
0x114: {  	v9 =	vsel vm3, v14, v9;
	v4 =	vsel vm4, v15, v4;
	vm2 =	vgt.s32 v7, $0x1E847FF  }
0x115: {  	v13 =	vadd.s32 $0xFE17B800, v7;
	vm5 =	vgt.s32 v8, $0xF423FFF;
	v6 =	vsel vm0, v11, v6  }
0x116: {  	v11 =	vadd.s32 $0xF0BDC000, v8;
	vm0 =	vgt.s32 v10, $0xF423FFF;
	v5 =	vsel vm1, v39, v5  }
0x117: {  	v40 =	vadd.s32 $0xF0BDC000, v10;
	vm3 =	vgt.s32 v9, $0x3D08FFF;
	v14 =	vadd.s32 $0xFC2F7000, v9  }
0x118: {  	vm4 =	vgt.s32 v4, $0x3D08FFF;
	v15 =	vadd.s32 $0xFC2F7000, v4;
	v7 =	vsel vm2, v13, v7  }
0x119: {  	vm1 =	vgt.s32 v6, $0x7A11FFF;
	v8 =	vsel vm5, v11, v8;
	v10 =	vsel vm0, v40, v10  }
0x11a: {  	v11 =	vadd.s32 $0xF85EE000, v6;
	vm0 =	vgt.s32 v5, $0x7A11FFF;
	v41 =	vadd.s32 $0xF85EE000, v5  }
0x11b: {  	v9 =	vsel vm3, v14, v9;
	v4 =	vsel vm4, v15, v4;
	vm2 =	vgt.s32 v7, $0xF423FF  }
0x11c: {  	v13 =	vadd.s32 $0xFF0BDC00, v7;
	vm5 =	vgt.s32 v8, $0x7A11FFF;
	v6 =	vsel vm1, v11, v6  }
0x11d: {  	v11 =	vadd.s32 $0xF85EE000, v8;
	vm1 =	vgt.s32 v10, $0x7A11FFF;
	v5 =	vsel vm0, v41, v5  }
0x11e: {  	v42 =	vadd.s32 $0xF85EE000, v10;
	vm3 =	vgt.s32 v9, $0x1E847FF;
	v14 =	vadd.s32 $0xFE17B800, v9  }
0x11f: {  	vm4 =	vgt.s32 v4, $0x1E847FF;
	v15 =	vadd.s32 $0xFE17B800, v4;
	v7 =	vsel vm2, v13, v7  }
0x120: {  	vm0 =	vgt.s32 v6, $0x3D08FFF;
	v8 =	vsel vm5, v11, v8;
	v10 =	vsel vm1, v42, v10  }
0x121: {  	v11 =	vadd.s32 $0xFC2F7000, v6;
	vm1 =	vgt.s32 v5, $0x3D08FFF;
	v43 =	vadd.s32 $0xFC2F7000, v5  }
0x122: {  	v9 =	vsel vm3, v14, v9;
	v4 =	vsel vm4, v15, v4;
	vm2 =	vgt.s32 v7, $0x7A11FF  }
0x123: {  	v13 =	vadd.s32 $0xFF85EE00, v7;
	vm5 =	vgt.s32 v8, $0x3D08FFF;
	v6 =	vsel vm0, v11, v6  }
0x124: {  	v11 =	vadd.s32 $0xFC2F7000, v8;
	vm0 =	vgt.s32 v10, $0x3D08FFF;
	v5 =	vsel vm1, v43, v5  }
0x125: {  	v44 =	vadd.s32 $0xFC2F7000, v10;
	vm3 =	vgt.s32 v9, $0xF423FF;
	v14 =	vadd.s32 $0xFF0BDC00, v9  }
0x126: {  	vm4 =	vgt.s32 v4, $0xF423FF;
	v15 =	vadd.s32 $0xFF0BDC00, v4;
	v7 =	vsel vm2, v13, v7  }
0x127: {  	vm1 =	vgt.s32 v6, $0x1E847FF;
	v8 =	vsel vm5, v11, v8;
	v10 =	vsel vm0, v44, v10  }
0x128: {  	v11 =	vadd.s32 $0xFE17B800, v6;
	vm0 =	vgt.s32 v5, $0x1E847FF;
	v45 =	vadd.s32 $0xFE17B800, v5  }
0x129: {  	v9 =	vsel vm3, v14, v9;
	v4 =	vsel vm4, v15, v4;
	vm2 =	vgt.s32 v7, $0x3D08FF  }
0x12a: {  	v13 =	vadd.s32 $0xFFC2F700, v7;
	vm5 =	vgt.s32 v8, $0x1E847FF;
	v6 =	vsel vm1, v11, v6  }
0x12b: {  	v11 =	vadd.s32 $0xFE17B800, v8;
	vm1 =	vgt.s32 v10, $0x1E847FF;
	v5 =	vsel vm0, v45, v5  }
0x12c: {  	v46 =	vadd.s32 $0xFE17B800, v10;
	vm3 =	vgt.s32 v9, $0x7A11FF;
	v14 =	vadd.s32 $0xFF85EE00, v9  }
0x12d: {  	vm4 =	vgt.s32 v4, $0x7A11FF;
	v15 =	vadd.s32 $0xFF85EE00, v4;
	v7 =	vsel vm2, v13, v7  }
0x12e: {  	vm0 =	vgt.s32 v6, $0xF423FF;
	v8 =	vsel vm5, v11, v8;
	v10 =	vsel vm1, v46, v10  }
0x12f: {  	v11 =	vadd.s32 $0xFF0BDC00, v6;
	vm1 =	vgt.s32 v5, $0xF423FF;
	v47 =	vadd.s32 $0xFF0BDC00, v5  }
0x130: {  	v9 =	vsel vm3, v14, v9;
	v4 =	vsel vm4, v15, v4;
	vm2 =	vgt.s32 v7, $0x1E847F  }
0x131: {  	v13 =	vadd.s32 $0xFFE17B80, v7;
	vm5 =	vgt.s32 v8, $0xF423FF;
	v6 =	vsel vm0, v11, v6  }
0x132: {  	v11 =	vadd.s32 $0xFF0BDC00, v8;
	vm0 =	vgt.s32 v10, $0xF423FF;
	v5 =	vsel vm1, v47, v5  }
0x133: {  	v48 =	vadd.s32 $0xFF0BDC00, v10;
	vm3 =	vgt.s32 v9, $0x3D08FF;
	v14 =	vadd.s32 $0xFFC2F700, v9  }
0x134: {  	vm4 =	vgt.s32 v4, $0x3D08FF;
	v15 =	vadd.s32 $0xFFC2F700, v4;
	v7 =	vsel vm2, v13, v7  }
0x135: {  	vm1 =	vgt.s32 v6, $0x7A11FF;
	v8 =	vsel vm5, v11, v8;
	v10 =	vsel vm0, v48, v10  }
0x136: {  	v11 =	vadd.s32 $0xFF85EE00, v6;
	vm0 =	vgt.s32 v5, $0x7A11FF;
	v49 =	vadd.s32 $0xFF85EE00, v5  }
0x137: {  	v9 =	vsel vm3, v14, v9;
	v4 =	vsel vm4, v15, v4;
	vm5 =	vgt.s32 v8, $0x7A11FF  }
0x138: {  	v6 =	vsel vm1, v11, v6;
	v11 =	vadd.s32 $0xFF85EE00, v8;
	vm1 =	vgt.s32 v10, $0x7A11FF  }
0x139: {  	v5 =	vsel vm0, v49, v5;
	v50 =	vadd.s32 $0xFF85EE00, v10;
	vm3 =	vgt.s32 v9, $0x1E847F  }
0x13a: {  	v14 =	vadd.s32 $0xFFE17B80, v9;
	vm4 =	vgt.s32 v4, $0x1E847F;
	v15 =	vadd.s32 $0xFFE17B80, v4  }
0x13b: {  	vm0 =	vgt.s32 v6, $0x3D08FF;
	v8 =	vsel vm5, v11, v8;
	v10 =	vsel vm1, v50, v10  }
0x13c: {  	v11 =	vadd.s32 $0xFFC2F700, v6;
	vm1 =	vgt.s32 v5, $0x3D08FF;
	v51 =	vadd.s32 $0xFFC2F700, v5  }
0x13d: {  	[tilespmem:s25+$0xD50] =	vst v0;
	v0 =	vsel vm3, v14, v9;
	v4 =	vsel vm4, v15, v4;
	vm5 =	vgt.s32 v8, $0x3D08FF  }
0x13e: {  	v6 =	vsel vm0, v11, v6;
	v11 =	vadd.s32 $0xFFC2F700, v8;
	vm0 =	vgt.s32 v10, $0x3D08FF  }
0x13f: {  	v5 =	vsel vm1, v51, v5;
	v52 =	vadd.s32 $0xFFC2F700, v10;
	vm1 =	vgt.s32 v6, $0x1E847F  }
0x140: {  	v8 =	vsel vm5, v11, v8;
	v10 =	vsel vm0, v52, v10;
	v11 =	vadd.s32 $0xFFE17B80, v6  }
0x141: {  	vm0 =	vgt.s32 v5, $0x1E847F;
	v53 =	vadd.s32 $0xFFE17B80, v5;
	vm5 =	vgt.s32 v8, $0x1E847F  }
0x142: {  	v6 =	vsel vm1, v11, v6;
	v11 =	vadd.s32 $0xFFE17B80, v8;
	vm1 =	vgt.s32 v10, $0x1E847F  }
0x143: {  	[tilespmem:s25+$0xD40] =	vst v2;
	v2 =	vsel vm0, v53, v5;
	v5 =	vadd.s32 $0xFFE17B80, v10;
	vm0 =	vgt.s32 v6, $0xF423F  }
0x144: {  	[tilespmem:s25+$0xD60] =	vst v1;
	v1 =	vsel vm5, v11, v8;
	v5 =	vsel vm1, v5, v10;
	v8 =	vadd.s32 $0xFFF0BDC0, v6  }
0x145: {  	[tilespmem:s28+$0xD70] =	vst v3;
	vm1 =	vgt.s32 v2, $0xF423F;
	v3 =	vadd.s32 $0xFFF0BDC0, v2;
	v6 =	vsel vm0, v8, v6  }
0x146: {  	vm0 =	vgt.s32 v7, $0xF423F;
	v8 =	vadd.s32 $0xFFF0BDC0, v7;
	v2 =	vsel vm1, v3, v2;
	[tilespmem:s28+$0xD00] =	vst v6  }
0x147: {  	vm1 =	vgt.s32 v0, $0xF423F;
	v3 =	vadd.s32 $0xFFF0BDC0, v0;
	v6 =	vsel vm0, v8, v7;
	[tilespmem:s28+$0xD10] =	vst v2  }
0x148: {  	vm0 =	vgt.s32 v4, $0xF423F;
	v2 =	vadd.s32 $0xFFF0BDC0, v4;
	v0 =	vsel vm1, v3, v0;
	[tilespmem:s28+$0xD20] =	vst v6  }
0x149: {  	vm1 =	vgt.s32 v1, $0xF423F;
	v3 =	vadd.s32 $0xFFF0BDC0, v1;
	v2 =	vsel vm0, v2, v4;
	[tilespmem:s28+$0xD30] =	vst v0  }
0x14a: {  	vm0 =	vgt.s32 v5, $0xF423F;
	v0 =	vadd.s32 $0xFFF0BDC0, v5;
	v1 =	vsel vm1, v3, v1;
	[tilespmem:s28+$0xD40] =	vst v2  }
0x14b: {  	v0 =	vsel vm0, v0, v5;
	[tilespmem:s28+$0xD50] =	vst v1  }
0x14c: {  	s26 =	simm.s32 $0xD00;
	[tilespmem:s28+$0xD60] =	vst v0  }
0x14d: {  	[tilespmem:s6], [sflag:$0x2] =	stream.indirect.gather [hbm4b:s2+s4], $0x80, s26, s4, $0xb8;
	[tilespmem:$0x19A00] =	vst v63  }
0x14e: {  	s26 =	simm.s32 $0xD80  }
0x14f: {  	[tilespmem:s7], [sflag:$0x3] =	stream.indirect.gather [hbm4b:s2+s4], $0x80, s26, s4, $0xb8;
	[tilespmem:$0x19A00] =	vst v63  }
0x150: {  	s26 =	simm.s32 $0xE00  }
0x151: {  	[tilespmem:s8], [sflag:$0x4] =	stream.indirect.gather [hbm4b:s2+s4], $0x80, s26, s4, $0xb8;
	[tilespmem:$0x19A00] =	vst v63  }
0x152: {  	s25 =	simm.s32 $0x0;
	s26 =	simm.s32 $0xE80  }
0x153: {  	[tilespmem:s9], [sflag:$0x5] =	stream.indirect.gather [hbm4b:s2+s4], $0x80, s26, s4, $0xb8;
	[tilespmem:$0x19A00] =	vst v63  }
0x154: {  	v0 =	vld [tilespmem:s25+$0x270]  }
0x155: {  	v1 =	vld [tilespmem:s25+$0x200]  }
0x156: {  	v2 =	vld [tilespmem:s25+$0x210]  }
0x157: {  	v3 =	vld [tilespmem:s25+$0x220]  }
0x158: {  	v5 =	vld [tilespmem:s25+$0x240]  }
0x159: {  	v8 =	vld [tilespmem:s25+$0x250]  }
0x15a: {  	v10 =	vld [tilespmem:s25+$0x260]  }
0x15b: {  	v6 =	vshrl.u32 v0, $0xA;
	v0 =	vand.u32 $0x3FF, v0  }
0x15c: {  	v7 =	vshrl.u32 v1, $0xA;
	v1 =	vand.u32 $0x3FF, v1;
	v9 =	vshrl.u32 v2, $0xA  }
0x15d: {  	v2 =	vand.u32 $0x3FF, v2;
	v11 =	vshrl.u32 v3, $0xA;
	v3 =	vand.u32 $0x3FF, v3  }
0x15e: {  	v55 =	vshrl.u32 v5, $0xA;
	v5 =	vand.u32 $0x3FF, v5;
	v56 =	vshrl.u32 v8, $0xA  }
0x15f: {  	v4 =	vld [tilespmem:s25+$0x230];
	v8 =	vand.u32 $0x3FF, v8;
	v57 =	vshrl.u32 v10, $0xA;
	v10 =	vand.u32 $0x3FF, v10  }
0x160: {  	v6 =	vmul.u32 $0x35880, v6;
	v0 =	vmul.u32 $0x6A631, v0;
	v7 =	vmul.u32 $0x35880, v7  }
0x161: {  	v1 =	vmul.u32 $0x6A631, v1;
	v9 =	vmul.u32 $0x35880, v9;
	v2 =	vmul.u32 $0x6A631, v2  }
0x162: {  	v11 =	vmul.u32 $0x35880, v11;
	v3 =	vmul.u32 $0x6A631, v3;
	v13 =	vmul.u32 $0x35880, v55  }
0x163: {  	v5 =	vmul.u32 $0x6A631, v5;
	v14 =	vmul.u32 $0x35880, v56;
	v8 =	vmul.u32 $0x6A631, v8  }
0x164: {  	v10 =	vmul.u32 $0x6A631, v10;
	v0 =	vadd.s32 v0, v6;
	v6 =	vshrl.u32 v4, $0xA  }
0x165: {  	v4 =	vand.u32 $0x3FF, v4;
	v1 =	vadd.s32 v1, v7;
	v2 =	vadd.s32 v2, v9  }
0x166: {  	v3 =	vadd.s32 v3, v11;
	v5 =	vadd.s32 v5, v13;
	vm0 =	vgt.s32 v0, $0x1E847FFF  }
0x167: {  	v54 =	vadd.s32 $0xE17B8000, v0;
	v6 =	vmul.u32 $0x35880, v6;
	v4 =	vmul.u32 $0x6A631, v4  }
0x168: {  	vm1 =	vgt.s32 v1, $0x1E847FFF;
	v9 =	vadd.s32 $0xE17B8000, v2;
	vm2 =	vgt.s32 v3, $0x1E847FFF  }
0x169: {  	vm4 =	vgt.s32 v5, $0x1E847FFF;
	v59 =	vadd.s32 $0xE17B8000, v5;
	v0 =	vsel vm0, v54, v0  }
0x16a: {  	v5 =	vsel vm4, v59, v5;
	vm0 =	vgt.s32 v0, $0xF423FFF;
	v12 =	vadd.s32 $0xF0BDC000, v0  }
0x16b: {  	v4 =	vadd.s32 v4, v6;
	v6 =	vadd.s32 v8, v14;
	vm4 =	vgt.s32 v5, $0xF423FFF  }
0x16c: {  	v0 =	vsel vm0, v12, v0;
	v12 =	vmul.u32 $0x35880, v57;
	vm3 =	vgt.s32 v4, $0x1E847FFF  }
0x16d: {  	v11 =	vadd.s32 $0xE17B8000, v4;
	vm5 =	vgt.s32 v6, $0x1E847FFF;
	v60 =	vadd.s32 $0xE17B8000, v6  }
0x16e: {  	vm0 =	vgt.s32 v0, $0x7A11FFF;
	v58 =	vadd.s32 $0xF85EE000, v0;
	v4 =	vsel vm3, v11, v4  }
0x16f: {  	v6 =	vsel vm5, v60, v6;
	v0 =	vsel vm0, v58, v0;
	v8 =	vadd.s32 v10, v12  }
0x170: {  	v10 =	vadd.s32 $0xE17B8000, v3;
	vm3 =	vgt.s32 v4, $0xF423FFF;
	v11 =	vadd.s32 $0xF0BDC000, v4  }
0x171: {  	v12 =	vadd.s32 $0xF0BDC000, v5;
	vm5 =	vgt.s32 v6, $0xF423FFF;
	v13 =	vadd.s32 $0xF0BDC000, v6  }
0x172: {  	vm0 =	vgt.s32 v0, $0x3D08FFF;
	v15 =	vadd.s32 $0xFC2F7000, v0;
	vm15 =	vgt.s32 v8, $0x1E847FFF  }
0x173: {  	v3 =	vsel vm2, v10, v3;
	v4 =	vsel vm3, v11, v4;
	v5 =	vsel vm4, v12, v5  }
0x174: {  	v6 =	vsel vm5, v13, v6;
	v0 =	vsel vm0, v15, v0;
	vm2 =	vgt.s32 v3, $0xF423FFF  }
0x175: {  	v10 =	vadd.s32 $0xF0BDC000, v3;
	vm3 =	vgt.s32 v4, $0x7A11FFF;
	v11 =	vadd.s32 $0xF85EE000, v4  }
0x176: {  	vm4 =	vgt.s32 v5, $0x7A11FFF;
	v12 =	vadd.s32 $0xF85EE000, v5;
	vm5 =	vgt.s32 v6, $0x7A11FFF  }
0x177: {  	v13 =	vadd.s32 $0xF85EE000, v6;
	vm0 =	vgt.s32 v0, $0x1E847FF;
	v15 =	vadd.s32 $0xFE17B800, v0  }
0x178: {  	v3 =	vsel vm2, v10, v3;
	v4 =	vsel vm3, v11, v4;
	v5 =	vsel vm4, v12, v5  }
0x179: {  	v6 =	vsel vm5, v13, v6;
	v0 =	vsel vm0, v15, v0;
	vm2 =	vgt.s32 v3, $0x7A11FFF  }
0x17a: {  	v10 =	vadd.s32 $0xF85EE000, v3;
	vm3 =	vgt.s32 v4, $0x3D08FFF;
	v11 =	vadd.s32 $0xFC2F7000, v4  }
0x17b: {  	vm4 =	vgt.s32 v5, $0x3D08FFF;
	v12 =	vadd.s32 $0xFC2F7000, v5;
	vm5 =	vgt.s32 v6, $0x3D08FFF  }
0x17c: {  	v13 =	vadd.s32 $0xFC2F7000, v6;
	vm0 =	vgt.s32 v0, $0xF423FF;
	v15 =	vadd.s32 $0xFF0BDC00, v0  }
0x17d: {  	v3 =	vsel vm2, v10, v3;
	v4 =	vsel vm3, v11, v4;
	v5 =	vsel vm4, v12, v5  }
0x17e: {  	v6 =	vsel vm5, v13, v6;
	v0 =	vsel vm0, v15, v0;
	vm2 =	vgt.s32 v3, $0x3D08FFF  }
0x17f: {  	v10 =	vadd.s32 $0xFC2F7000, v3;
	vm3 =	vgt.s32 v4, $0x1E847FF;
	v11 =	vadd.s32 $0xFE17B800, v4  }
0x180: {  	vm4 =	vgt.s32 v5, $0x1E847FF;
	v12 =	vadd.s32 $0xFE17B800, v5;
	vm5 =	vgt.s32 v6, $0x1E847FF  }
0x181: {  	v13 =	vadd.s32 $0xFE17B800, v6;
	vm0 =	vgt.s32 v0, $0x7A11FF;
	v15 =	vadd.s32 $0xFF85EE00, v0  }
0x182: {  	v3 =	vsel vm2, v10, v3;
	v4 =	vsel vm3, v11, v4;
	v5 =	vsel vm4, v12, v5  }
0x183: {  	v6 =	vsel vm5, v13, v6;
	v0 =	vsel vm0, v15, v0;
	vm2 =	vgt.s32 v3, $0x1E847FF  }
0x184: {  	v10 =	vadd.s32 $0xFE17B800, v3;
	vm3 =	vgt.s32 v4, $0xF423FF;
	v11 =	vadd.s32 $0xFF0BDC00, v4  }
0x185: {  	vm4 =	vgt.s32 v5, $0xF423FF;
	v12 =	vadd.s32 $0xFF0BDC00, v5;
	vm5 =	vgt.s32 v6, $0xF423FF  }
0x186: {  	v13 =	vadd.s32 $0xFF0BDC00, v6;
	vm0 =	vgt.s32 v0, $0x3D08FF;
	v15 =	vadd.s32 $0xFFC2F700, v0  }
0x187: {  	v3 =	vsel vm2, v10, v3;
	v4 =	vsel vm3, v11, v4;
	v5 =	vsel vm4, v12, v5  }
0x188: {  	v6 =	vsel vm5, v13, v6;
	v0 =	vsel vm0, v15, v0;
	vm2 =	vgt.s32 v3, $0xF423FF  }
0x189: {  	v10 =	vadd.s32 $0xFF0BDC00, v3;
	vm3 =	vgt.s32 v4, $0x7A11FF;
	v11 =	vadd.s32 $0xFF85EE00, v4  }
0x18a: {  	vm4 =	vgt.s32 v5, $0x7A11FF;
	v12 =	vadd.s32 $0xFF85EE00, v5;
	vm5 =	vgt.s32 v6, $0x7A11FF  }
0x18b: {  	v13 =	vadd.s32 $0xFF85EE00, v6;
	vm0 =	vgt.s32 v0, $0x1E847F;
	v7 =	vadd.s32 $0xFFE17B80, v0  }
0x18c: {  	v3 =	vsel vm2, v10, v3;
	v4 =	vsel vm3, v11, v4;
	v5 =	vsel vm4, v12, v5  }
0x18d: {  	v6 =	vsel vm5, v13, v6;
	v0 =	vsel vm0, v7, v0;
	vm2 =	vgt.s32 v3, $0x7A11FF  }
0x18e: {  	v10 =	vadd.s32 $0xFF85EE00, v3;
	vm3 =	vgt.s32 v4, $0x3D08FF;
	v11 =	vadd.s32 $0xFFC2F700, v4  }
0x18f: {  	vm4 =	vgt.s32 v5, $0x3D08FF;
	v12 =	vadd.s32 $0xFFC2F700, v5;
	vm5 =	vgt.s32 v6, $0x3D08FF  }
0x190: {  	v13 =	vadd.s32 $0xFFC2F700, v6;
	vm0 =	vgt.s32 v0, $0xF423F;
	v7 =	vadd.s32 $0xFFF0BDC0, v0  }
0x191: {  	v3 =	vsel vm2, v10, v3;
	v4 =	vsel vm3, v11, v4;
	v0 =	vsel vm0, v7, v0  }
0x192: {  	v7 =	vadd.s32 $0xE17B8000, v1;
	vm0 =	vgt.s32 v2, $0x1E847FFF;
	vm2 =	vgt.s32 v3, $0x3D08FF  }
0x193: {  	v10 =	vadd.s32 $0xFFC2F700, v3;
	vm3 =	vgt.s32 v4, $0x1E847F;
	v61 =	vadd.s32 $0xFFE17B80, v4  }
0x194: {  	v1 =	vsel vm1, v7, v1;
	v2 =	vsel vm0, v9, v2;
	v7 =	vadd.s32 $0xE17B8000, v8  }
0x195: {  	v3 =	vsel vm2, v10, v3;
	v10 =	vsel vm5, v13, v6;
	vm0 =	vgt.s32 v1, $0xF423FFF  }
0x196: {  	v7 =	vsel vm15, v7, v8;
	v8 =	vadd.s32 $0xF0BDC000, v1;
	vm1 =	vgt.s32 v2, $0xF423FFF  }
0x197: {  	v9 =	vadd.s32 $0xF0BDC000, v2;
	vm2 =	vgt.s32 v3, $0x1E847F;
	v11 =	vadd.s32 $0xFFE17B80, v3  }
0x198: {  	vm5 =	vgt.s32 v10, $0x1E847F;
	v63 =	vadd.s32 $0xFFE17B80, v10;
	vm6 =	vgt.s32 v7, $0xF423FFF  }
0x199: {  	v1 =	vsel vm0, v8, v1;
	v2 =	vsel vm1, v9, v2;
	v8 =	vadd.s32 $0xF0BDC000, v7  }
0x19a: {  	vm0 =	vgt.s32 v1, $0x7A11FFF;
	v7 =	vsel vm6, v8, v7;
	v8 =	vadd.s32 $0xF85EE000, v1  }
0x19b: {  	vm1 =	vgt.s32 v2, $0x7A11FFF;
	v9 =	vadd.s32 $0xF85EE000, v2;
	vm6 =	vgt.s32 v7, $0x7A11FFF  }
0x19c: {  	v1 =	vsel vm0, v8, v1;
	v2 =	vsel vm1, v9, v2;
	v8 =	vadd.s32 $0xF85EE000, v7  }
0x19d: {  	vm0 =	vgt.s32 v1, $0x3D08FFF;
	v7 =	vsel vm6, v8, v7;
	v8 =	vadd.s32 $0xFC2F7000, v1  }
0x19e: {  	vm1 =	vgt.s32 v2, $0x3D08FFF;
	v9 =	vadd.s32 $0xFC2F7000, v2;
	vm6 =	vgt.s32 v7, $0x3D08FFF  }
0x19f: {  	v1 =	vsel vm0, v8, v1;
	v2 =	vsel vm1, v9, v2;
	v8 =	vadd.s32 $0xFC2F7000, v7  }
0x1a0: {  	vm0 =	vgt.s32 v1, $0x1E847FF;
	v7 =	vsel vm6, v8, v7;
	v8 =	vadd.s32 $0xFE17B800, v1  }
0x1a1: {  	vm1 =	vgt.s32 v2, $0x1E847FF;
	v9 =	vadd.s32 $0xFE17B800, v2;
	vm6 =	vgt.s32 v7, $0x1E847FF  }
0x1a2: {  	v1 =	vsel vm0, v8, v1;
	v2 =	vsel vm1, v9, v2;
	v8 =	vadd.s32 $0xFE17B800, v7  }
0x1a3: {  	vm0 =	vgt.s32 v1, $0xF423FF;
	v7 =	vsel vm6, v8, v7;
	v8 =	vadd.s32 $0xFF0BDC00, v1  }
0x1a4: {  	vm1 =	vgt.s32 v2, $0xF423FF;
	v9 =	vadd.s32 $0xFF0BDC00, v2;
	vm6 =	vgt.s32 v7, $0xF423FF  }
0x1a5: {  	v1 =	vsel vm0, v8, v1;
	v2 =	vsel vm1, v9, v2;
	v8 =	vadd.s32 $0xFF0BDC00, v7  }
0x1a6: {  	vm0 =	vgt.s32 v1, $0x7A11FF;
	v7 =	vsel vm6, v8, v7;
	v8 =	vadd.s32 $0xFF85EE00, v1  }
0x1a7: {  	vm1 =	vgt.s32 v2, $0x7A11FF;
	v9 =	vadd.s32 $0xFF85EE00, v2;
	vm6 =	vgt.s32 v7, $0x7A11FF  }
0x1a8: {  	v1 =	vsel vm0, v8, v1;
	v2 =	vsel vm1, v9, v2;
	v8 =	vadd.s32 $0xFF85EE00, v7  }
0x1a9: {  	vm0 =	vgt.s32 v1, $0x3D08FF;
	v7 =	vsel vm6, v8, v7;
	v8 =	vadd.s32 $0xFFC2F700, v1  }
0x1aa: {  	vm1 =	vgt.s32 v2, $0x3D08FF;
	v9 =	vadd.s32 $0xFFC2F700, v2;
	vm6 =	vgt.s32 v7, $0x3D08FF  }
0x1ab: {  	v1 =	vsel vm0, v8, v1;
	v2 =	vsel vm1, v9, v2;
	v8 =	vadd.s32 $0xFFC2F700, v7  }
0x1ac: {  	v9 =	vsel vm4, v12, v5;
	vm0 =	vgt.s32 v1, $0x1E847F;
	v8 =	vsel vm6, v8, v7  }
0x1ad: {  	v5 =	vadd.s32 $0xFFE17B80, v1;
	vm1 =	vgt.s32 v2, $0x1E847F;
	v6 =	vadd.s32 $0xFFE17B80, v2  }
0x1ae: {  	vm4 =	vgt.s32 v9, $0x1E847F;
	v62 =	vadd.s32 $0xFFE17B80, v9;
	vm6 =	vgt.s32 v8, $0x1E847F  }
0x1af: {  	v7 =	vsel vm0, v5, v1;
	v6 =	vsel vm1, v6, v2;
	v1 =	vadd.s32 $0xFFE17B80, v8  }
0x1b0: {  	v5 =	vsel vm2, v11, v3;
	v2 =	vsel vm3, v61, v4;
	v4 =	vsel vm4, v62, v9  }
0x1b1: {  	v3 =	vsel vm5, v63, v10;
	vm0 =	vgt.s32 v7, $0xF423F;
	v1 =	vsel vm6, v1, v8  }
0x1b2: {  	v9 =	vadd.s32 $0xFFF0BDC0, v7;
	vm1 =	vgt.s32 v6, $0xF423F;
	v8 =	vadd.s32 $0xFFF0BDC0, v6  }
0x1b3: {  	s28 =	simm.s32 $0x80;
	s26 =	simm.s32 $0x400;
	[tilespmem:s25+$0xF70] =	vst v0;
	vm3 =	vgt.s32 v5, $0xF423F;
	v0 =	vadd.s32 $0xFFF0BDC0, v5;
	vm2 =	vgt.s32 v2, $0xF423F  }
.LBB2_4:
0x1b4: {  	p0 =	sne.s32 s26, $0x2A00;
	v10 =	vld [tilespmem:s28+$0x270];
	v11 =	vadd.s32 $0xFFF0BDC0, v2;
	vm4 =	vgt.s32 v4, $0xF423F;
	v12 =	vadd.s32 $0xFFF0BDC0, v4  }
0x1b5: {  	vm5 =	vgt.s32 v3, $0xF423F;
	v14 =	vadd.s32 $0xFFF0BDC0, v3;
	vm6 =	vgt.s32 v1, $0xF423F;
	v13 =	vld [tilespmem:s28+$0x200]  }
0x1b6: {  	v7 =	vsel vm0, v9, v7;
	v6 =	vsel vm1, v8, v6;
	v8 =	vadd.s32 $0xFFF0BDC0, v1;
	v15 =	vld [tilespmem:s28+$0x210]  }
0x1b7: {  	v0 =	vsel vm3, v0, v5;
	v2 =	vsel vm2, v11, v2;
	v4 =	vsel vm4, v12, v4;
	v9 =	vld [tilespmem:s28+$0x220];
	[tilespmem:s25+$0xF00] =	vst v7  }
0x1b8: {  	v3 =	vsel vm5, v14, v3;
	v1 =	vsel vm6, v8, v1;
	v5 =	vld [tilespmem:s28+$0x230];
	[tilespmem:s25+$0xF10] =	vst v6  }
0x1b9: {  	v6 =	vld [tilespmem:s28+$0x240];
	v7 =	vshrl.u32 v10, $0xA;
	v8 =	vand.u32 $0x3FF, v10;
	[tilespmem:s25+$0xF20] =	vst v0  }
0x1ba: {  	v0 =	vshrl.u32 v13, $0xA;
	v10 =	vld [tilespmem:s28+$0x250];
	v7 =	vmul.u32 $0x35880, v7;
	v8 =	vmul.u32 $0x6A631, v8;
	[tilespmem:s25+$0xF30] =	vst v2  }
0x1bb: {  	v2 =	vand.u32 $0x3FF, v13;
	v11 =	vshrl.u32 v15, $0xA;
	v12 =	vand.u32 $0x3FF, v15;
	v13 =	vld [tilespmem:s28+$0x260];
	[tilespmem:s25+$0xF40] =	vst v4  }
0x1bc: {  	v4 =	vshrl.u32 v9, $0xA;
	v9 =	vand.u32 $0x3FF, v9;
	v7 =	vadd.s32 v8, v7;
	[tilespmem:s25+$0xF50] =	vst v3  }
0x1bd: {  	v3 =	vshrl.u32 v5, $0xA;
	vm0 =	vgt.s32 v7, $0x1E847FFF;
	v8 =	vadd.s32 $0xE17B8000, v7;
	[tilespmem:s25+$0xF60] =	vst v1;
	s25 =	smov.u32 s28  }
0x1be: {  	v1 =	vand.u32 $0x3FF, v5;
	v5 =	vshrl.u32 v6, $0xA;
	v7 =	vsel vm0, v8, v7  }
0x1bf: {  	v6 =	vand.u32 $0x3FF, v6;
	vm0 =	vgt.s32 v7, $0xF423FFF;
	v8 =	vadd.s32 $0xF0BDC000, v7  }
0x1c0: {  	v14 =	vshrl.u32 v10, $0xA;
	v10 =	vand.u32 $0x3FF, v10;
	v7 =	vsel vm0, v8, v7  }
0x1c1: {  	v8 =	vshrl.u32 v13, $0xA;
	vm0 =	vgt.s32 v7, $0x7A11FFF;
	v15 =	vadd.s32 $0xF85EE000, v7  }
0x1c2: {  	v0 =	vmul.u32 $0x35880, v0;
	v13 =	vand.u32 $0x3FF, v13;
	v7 =	vsel vm0, v15, v7  }
0x1c3: {  	v2 =	vmul.u32 $0x6A631, v2;
	vm0 =	vgt.s32 v7, $0x3D08FFF;
	v15 =	vadd.s32 $0xFC2F7000, v7  }
0x1c4: {  	v11 =	vmul.u32 $0x35880, v11;
	v12 =	vmul.u32 $0x6A631, v12;
	v7 =	vsel vm0, v15, v7  }
0x1c5: {  	v4 =	vmul.u32 $0x35880, v4;
	vm0 =	vgt.s32 v7, $0x1E847FF;
	v15 =	vadd.s32 $0xFE17B800, v7  }
0x1c6: {  	v9 =	vmul.u32 $0x6A631, v9;
	v3 =	vmul.u32 $0x35880, v3;
	v7 =	vsel vm0, v15, v7  }
0x1c7: {  	v1 =	vmul.u32 $0x6A631, v1;
	vm0 =	vgt.s32 v7, $0xF423FF;
	v15 =	vadd.s32 $0xFF0BDC00, v7  }
0x1c8: {  	v5 =	vmul.u32 $0x35880, v5;
	v6 =	vmul.u32 $0x6A631, v6;
	v7 =	vsel vm0, v15, v7  }
0x1c9: {  	v14 =	vmul.u32 $0x35880, v14;
	vm0 =	vgt.s32 v7, $0x7A11FF;
	v15 =	vadd.s32 $0xFF85EE00, v7  }
0x1ca: {  	v10 =	vmul.u32 $0x6A631, v10;
	v8 =	vmul.u32 $0x35880, v8;
	v7 =	vsel vm0, v15, v7  }
0x1cb: {  	v13 =	vmul.u32 $0x6A631, v13;
	vm0 =	vgt.s32 v7, $0x3D08FF;
	v15 =	vadd.s32 $0xFFC2F700, v7  }
0x1cc: {  	v0 =	vadd.s32 v2, v0;
	v2 =	vadd.s32 v12, v11;
	v7 =	vsel vm0, v15, v7  }
0x1cd: {  	v4 =	vadd.s32 v9, v4;
	vm0 =	vgt.s32 v7, $0x1E847F;
	v9 =	vadd.s32 $0xFFE17B80, v7  }
0x1ce: {  	v1 =	vadd.s32 v1, v3;
	v3 =	vadd.s32 v6, v5;
	v5 =	vsel vm0, v9, v7  }
0x1cf: {  	v6 =	vadd.s32 v10, v14;
	vm0 =	vgt.s32 v5, $0xF423F;
	v7 =	vadd.s32 $0xFFF0BDC0, v5  }
0x1d0: {  	vm1 =	vgt.s32 v0, $0x1E847FFF;
	v8 =	vadd.s32 v13, v8;
	v5 =	vsel vm0, v7, v5  }
0x1d1: {  	v9 =	vadd.s32 $0xE17B8000, v2;
	v7 =	vadd.s32 $0xE17B8000, v0;
	vm0 =	vgt.s32 v2, $0x1E847FFF;
	[tilespmem:s25+$0xF70] =	vst v5  }
0x1d2: {  	vm2 =	vgt.s32 v4, $0x1E847FFF;
	vm3 =	vgt.s32 v1, $0x1E847FFF;
	v5 =	vadd.s32 $0xE17B8000, v4  }
0x1d3: {  	v10 =	vadd.s32 $0xE17B8000, v1;
	vm4 =	vgt.s32 v3, $0x1E847FFF;
	v11 =	vadd.s32 $0xE17B8000, v3  }
0x1d4: {  	vm5 =	vgt.s32 v6, $0x1E847FFF;
	v12 =	vadd.s32 $0xE17B8000, v6;
	vm6 =	vgt.s32 v8, $0x1E847FFF  }
0x1d5: {  	v0 =	vsel vm1, v7, v0;
	v2 =	vsel vm0, v9, v2;
	v7 =	vadd.s32 $0xE17B8000, v8  }
0x1d6: {  	v1 =	vsel vm3, v10, v1;
	v3 =	vsel vm4, v11, v3;
	v4 =	vsel vm2, v5, v4  }
0x1d7: {  	vm0 =	vgt.s32 v0, $0xF423FFF;
	v5 =	vsel vm5, v12, v6;
	v6 =	vsel vm6, v7, v8  }
0x1d8: {  	v7 =	vadd.s32 $0xF0BDC000, v0;
	vm1 =	vgt.s32 v2, $0xF423FFF;
	v8 =	vadd.s32 $0xF0BDC000, v2  }
0x1d9: {  	vm3 =	vgt.s32 v1, $0xF423FFF;
	vm2 =	vgt.s32 v4, $0xF423FFF;
	v9 =	vadd.s32 $0xF0BDC000, v4  }
0x1da: {  	v10 =	vadd.s32 $0xF0BDC000, v1;
	vm4 =	vgt.s32 v3, $0xF423FFF;
	v11 =	vadd.s32 $0xF0BDC000, v3  }
0x1db: {  	vm5 =	vgt.s32 v5, $0xF423FFF;
	v12 =	vadd.s32 $0xF0BDC000, v5;
	vm6 =	vgt.s32 v6, $0xF423FFF  }
0x1dc: {  	v0 =	vsel vm0, v7, v0;
	v2 =	vsel vm1, v8, v2;
	v7 =	vadd.s32 $0xF0BDC000, v6  }
0x1dd: {  	v1 =	vsel vm3, v10, v1;
	v3 =	vsel vm4, v11, v3;
	v4 =	vsel vm2, v9, v4  }
0x1de: {  	vm0 =	vgt.s32 v0, $0x7A11FFF;
	v5 =	vsel vm5, v12, v5;
	v6 =	vsel vm6, v7, v6  }
0x1df: {  	v7 =	vadd.s32 $0xF85EE000, v0;
	vm1 =	vgt.s32 v2, $0x7A11FFF;
	v8 =	vadd.s32 $0xF85EE000, v2  }
0x1e0: {  	vm3 =	vgt.s32 v1, $0x7A11FFF;
	vm2 =	vgt.s32 v4, $0x7A11FFF;
	v9 =	vadd.s32 $0xF85EE000, v4  }
0x1e1: {  	v10 =	vadd.s32 $0xF85EE000, v1;
	vm4 =	vgt.s32 v3, $0x7A11FFF;
	v11 =	vadd.s32 $0xF85EE000, v3  }
0x1e2: {  	vm5 =	vgt.s32 v5, $0x7A11FFF;
	v12 =	vadd.s32 $0xF85EE000, v5;
	vm6 =	vgt.s32 v6, $0x7A11FFF  }
0x1e3: {  	v0 =	vsel vm0, v7, v0;
	v2 =	vsel vm1, v8, v2;
	v7 =	vadd.s32 $0xF85EE000, v6  }
0x1e4: {  	v1 =	vsel vm3, v10, v1;
	v3 =	vsel vm4, v11, v3;
	v4 =	vsel vm2, v9, v4  }
0x1e5: {  	vm0 =	vgt.s32 v0, $0x3D08FFF;
	v5 =	vsel vm5, v12, v5;
	v6 =	vsel vm6, v7, v6  }
0x1e6: {  	v7 =	vadd.s32 $0xFC2F7000, v0;
	vm1 =	vgt.s32 v2, $0x3D08FFF;
	v8 =	vadd.s32 $0xFC2F7000, v2  }
0x1e7: {  	vm3 =	vgt.s32 v1, $0x3D08FFF;
	vm2 =	vgt.s32 v4, $0x3D08FFF;
	v9 =	vadd.s32 $0xFC2F7000, v4  }
0x1e8: {  	v10 =	vadd.s32 $0xFC2F7000, v1;
	vm4 =	vgt.s32 v3, $0x3D08FFF;
	v11 =	vadd.s32 $0xFC2F7000, v3  }
0x1e9: {  	vm5 =	vgt.s32 v5, $0x3D08FFF;
	v12 =	vadd.s32 $0xFC2F7000, v5;
	vm6 =	vgt.s32 v6, $0x3D08FFF  }
0x1ea: {  	v0 =	vsel vm0, v7, v0;
	v2 =	vsel vm1, v8, v2;
	v7 =	vadd.s32 $0xFC2F7000, v6  }
0x1eb: {  	v1 =	vsel vm3, v10, v1;
	v3 =	vsel vm4, v11, v3;
	v4 =	vsel vm2, v9, v4  }
0x1ec: {  	vm0 =	vgt.s32 v0, $0x1E847FF;
	v5 =	vsel vm5, v12, v5;
	v6 =	vsel vm6, v7, v6  }
0x1ed: {  	v7 =	vadd.s32 $0xFE17B800, v0;
	vm1 =	vgt.s32 v2, $0x1E847FF;
	v8 =	vadd.s32 $0xFE17B800, v2  }
0x1ee: {  	vm3 =	vgt.s32 v1, $0x1E847FF;
	vm2 =	vgt.s32 v4, $0x1E847FF;
	v9 =	vadd.s32 $0xFE17B800, v4  }
0x1ef: {  	v10 =	vadd.s32 $0xFE17B800, v1;
	vm4 =	vgt.s32 v3, $0x1E847FF;
	v11 =	vadd.s32 $0xFE17B800, v3  }
0x1f0: {  	vm5 =	vgt.s32 v5, $0x1E847FF;
	v12 =	vadd.s32 $0xFE17B800, v5;
	vm6 =	vgt.s32 v6, $0x1E847FF  }
0x1f1: {  	v0 =	vsel vm0, v7, v0;
	v2 =	vsel vm1, v8, v2;
	v7 =	vadd.s32 $0xFE17B800, v6  }
0x1f2: {  	v1 =	vsel vm3, v10, v1;
	v3 =	vsel vm4, v11, v3;
	v4 =	vsel vm2, v9, v4  }
0x1f3: {  	vm0 =	vgt.s32 v0, $0xF423FF;
	v5 =	vsel vm5, v12, v5;
	v6 =	vsel vm6, v7, v6  }
0x1f4: {  	v7 =	vadd.s32 $0xFF0BDC00, v0;
	vm1 =	vgt.s32 v2, $0xF423FF;
	v8 =	vadd.s32 $0xFF0BDC00, v2  }
0x1f5: {  	vm3 =	vgt.s32 v1, $0xF423FF;
	vm2 =	vgt.s32 v4, $0xF423FF;
	v9 =	vadd.s32 $0xFF0BDC00, v4  }
0x1f6: {  	v10 =	vadd.s32 $0xFF0BDC00, v1;
	vm4 =	vgt.s32 v3, $0xF423FF;
	v11 =	vadd.s32 $0xFF0BDC00, v3  }
0x1f7: {  	vm5 =	vgt.s32 v5, $0xF423FF;
	v12 =	vadd.s32 $0xFF0BDC00, v5;
	vm6 =	vgt.s32 v6, $0xF423FF  }
0x1f8: {  	v0 =	vsel vm0, v7, v0;
	v2 =	vsel vm1, v8, v2;
	v7 =	vadd.s32 $0xFF0BDC00, v6  }
0x1f9: {  	v1 =	vsel vm3, v10, v1;
	v3 =	vsel vm4, v11, v3;
	v4 =	vsel vm2, v9, v4  }
0x1fa: {  	vm0 =	vgt.s32 v0, $0x7A11FF;
	v5 =	vsel vm5, v12, v5;
	v6 =	vsel vm6, v7, v6  }
0x1fb: {  	v7 =	vadd.s32 $0xFF85EE00, v0;
	vm1 =	vgt.s32 v2, $0x7A11FF;
	v8 =	vadd.s32 $0xFF85EE00, v2  }
0x1fc: {  	vm3 =	vgt.s32 v1, $0x7A11FF;
	vm2 =	vgt.s32 v4, $0x7A11FF;
	v9 =	vadd.s32 $0xFF85EE00, v4  }
0x1fd: {  	v10 =	vadd.s32 $0xFF85EE00, v1;
	vm4 =	vgt.s32 v3, $0x7A11FF;
	v11 =	vadd.s32 $0xFF85EE00, v3  }
0x1fe: {  	vm5 =	vgt.s32 v5, $0x7A11FF;
	v12 =	vadd.s32 $0xFF85EE00, v5;
	vm6 =	vgt.s32 v6, $0x7A11FF  }
0x1ff: {  	v0 =	vsel vm0, v7, v0;
	v2 =	vsel vm1, v8, v2;
	v7 =	vadd.s32 $0xFF85EE00, v6  }
0x200: {  	v1 =	vsel vm3, v10, v1;
	v3 =	vsel vm4, v11, v3;
	v4 =	vsel vm2, v9, v4  }
0x201: {  	vm0 =	vgt.s32 v0, $0x3D08FF;
	v5 =	vsel vm5, v12, v5;
	v6 =	vsel vm6, v7, v6  }
0x202: {  	v7 =	vadd.s32 $0xFFC2F700, v0;
	vm1 =	vgt.s32 v2, $0x3D08FF;
	v8 =	vadd.s32 $0xFFC2F700, v2  }
0x203: {  	vm3 =	vgt.s32 v1, $0x3D08FF;
	vm2 =	vgt.s32 v4, $0x3D08FF;
	v9 =	vadd.s32 $0xFFC2F700, v4  }
0x204: {  	v10 =	vadd.s32 $0xFFC2F700, v1;
	vm4 =	vgt.s32 v3, $0x3D08FF;
	v11 =	vadd.s32 $0xFFC2F700, v3  }
0x205: {  	vm5 =	vgt.s32 v5, $0x3D08FF;
	v12 =	vadd.s32 $0xFFC2F700, v5;
	vm6 =	vgt.s32 v6, $0x3D08FF  }
0x206: {  	v0 =	vsel vm0, v7, v0;
	v2 =	vsel vm1, v8, v2;
	v7 =	vadd.s32 $0xFFC2F700, v6  }
0x207: {  	v1 =	vsel vm3, v10, v1;
	v3 =	vsel vm4, v11, v3;
	v4 =	vsel vm2, v9, v4  }
0x208: {  	vm0 =	vgt.s32 v0, $0x1E847F;
	v8 =	vsel vm5, v12, v5;
	v9 =	vsel vm6, v7, v6  }
0x209: {  	v5 =	vadd.s32 $0xFFE17B80, v0;
	vm1 =	vgt.s32 v2, $0x1E847F;
	v6 =	vadd.s32 $0xFFE17B80, v2  }
0x20a: {  	vm3 =	vgt.s32 v1, $0x1E847F;
	vm2 =	vgt.s32 v4, $0x1E847F;
	v10 =	vadd.s32 $0xFFE17B80, v4  }
0x20b: {  	v11 =	vadd.s32 $0xFFE17B80, v1;
	vm4 =	vgt.s32 v3, $0x1E847F;
	v12 =	vadd.s32 $0xFFE17B80, v3  }
0x20c: {  	vm5 =	vgt.s32 v8, $0x1E847F;
	v13 =	vadd.s32 $0xFFE17B80, v8;
	vm6 =	vgt.s32 v9, $0x1E847F  }
.Ltmp1:
0x20d: {  	v7 =	vsel vm0, v5, v0;
	v6 =	vsel vm1, v6, v2;
	v0 =	vadd.s32 $0xFFE17B80, v9;
	(pc) =	sbr.rel @p0 .LBB2_4-.Ltmp1, $4  }
0x20e: {  	v2 =	vsel vm3, v11, v1;
	v5 =	vsel vm2, v10, v4;
	v4 =	vsel vm4, v12, v3  }
0x20f: {  	vm0 =	vgt.s32 v7, $0xF423F;
	v3 =	vsel vm5, v13, v8;
	v1 =	vsel vm6, v0, v9  }
0x210: {  	v9 =	vadd.s32 $0xFFF0BDC0, v7;
	vm1 =	vgt.s32 v6, $0xF423F;
	v8 =	vadd.s32 $0xFFF0BDC0, v6  }
0x211: {  	s28 =	sshra.s32 s26, $0x2;
	s26 =	sadd.s32 $0x200, s26;
	vm2 =	vgt.s32 v2, $0xF423F;
	vm3 =	vgt.s32 v5, $0xF423F;
	v0 =	vadd.s32 $0xFFF0BDC0, v5  }
0x212: {  	v10 =	vld [tilespmem:s28+$0x270]  }
0x213: {  	v12 =	vadd.s32 $0xFFF0BDC0, v2;
	vm4 =	vgt.s32 v4, $0xF423F;
	v31 =	vld [tilespmem:s28+$0x200]  }
0x214: {  	v13 =	vadd.s32 $0xFFF0BDC0, v4;
	vm5 =	vgt.s32 v3, $0xF423F;
	v14 =	vadd.s32 $0xFFF0BDC0, v3;
	v15 =	vld [tilespmem:s28+$0x210]  }
0x215: {  	vm10 =	vgt.s32 v1, $0xF423F;
	v7 =	vsel vm0, v9, v7;
	v6 =	vsel vm1, v8, v6;
	v34 =	vld [tilespmem:s28+$0x220]  }
0x216: {  	v33 =	vadd.s32 $0xFFF0BDC0, v1;
	v5 =	vsel vm3, v0, v5;
	v36 =	vsel vm2, v12, v2  }
0x217: {  	[tilespmem:s25+$0xF00] =	vst v7;
	v2 =	vsel vm4, v13, v4;
	v0 =	vsel vm5, v14, v3;
	v1 =	vsel vm10, v33, v1  }
0x218: {  	v38 =	vld [tilespmem:s28+$0x230];
	[tilespmem:s25+$0xF10] =	vst v6;
	v11 =	vshrl.u32 v10, $0xA;
	v10 =	vand.u32 $0x3FF, v10;
	v40 =	vshrl.u32 v31, $0xA  }
0x219: {  	v41 =	vld [tilespmem:s28+$0x240];
	v42 =	vand.u32 $0x3FF, v31;
	v44 =	vshrl.u32 v15, $0xA;
	v45 =	vand.u32 $0x3FF, v15  }
0x21a: {  	[tilespmem:s25+$0xF20] =	vst v5;
	v47 =	vshrl.u32 v34, $0xA;
	v49 =	vand.u32 $0x3FF, v34;
	v11 =	vmul.u32 $0x35880, v11  }
0x21b: {  	v46 =	vld [tilespmem:s28+$0x250];
	v10 =	vmul.u32 $0x6A631, v10;
	v6 =	vmul.u32 $0x35880, v40;
	v8 =	vmul.u32 $0x6A631, v42  }
0x21c: {  	v5 =	vmul.u32 $0x35880, v44;
	v12 =	vmul.u32 $0x6A631, v45;
	v13 =	vmul.u32 $0x35880, v47  }
0x21d: {  	v7 =	vmul.u32 $0x6A631, v49;
	v50 =	vshrl.u32 v38, $0xA;
	v10 =	vadd.s32 v10, v11  }
0x21e: {  	[tilespmem:s25+$0xF30] =	vst v36;
	v53 =	vshrl.u32 v41, $0xA;
	v4 =	vand.u32 $0x3FF, v41;
	v6 =	vadd.s32 v8, v6  }
0x21f: {  	v51 =	vld [tilespmem:s28+$0x260];
	v5 =	vadd.s32 v12, v5;
	v7 =	vadd.s32 v7, v13;
	vm6 =	vgt.s32 v10, $0x1E847FFF  }
0x220: {  	v11 =	vadd.s32 $0xE17B8000, v10;
	v54 =	vshrl.u32 v46, $0xA;
	v15 =	vmul.u32 $0x35880, v53  }
0x221: {  	v4 =	vmul.u32 $0x6A631, v4;
	vm12 =	vgt.s32 v6, $0x1E847FFF;
	v60 =	vadd.s32 $0xE17B8000, v6  }
0x222: {  	vm13 =	vgt.s32 v5, $0x1E847FFF;
	v61 =	vadd.s32 $0xE17B8000, v5;
	vm14 =	vgt.s32 v7, $0x1E847FFF  }
0x223: {  	v62 =	vadd.s32 $0xE17B8000, v7;
	v10 =	vsel vm6, v11, v10;
	v11 =	vand.u32 $0x3FF, v46  }
0x224: {  	v56 =	vshrl.u32 v51, $0xA;
	v14 =	vand.u32 $0x3FF, v51;
	v8 =	vmul.u32 $0x35880, v54  }
0x225: {  	v6 =	vsel vm12, v60, v6;
	v5 =	vsel vm13, v61, v5;
	v7 =	vsel vm14, v62, v7  }
0x226: {  	vm11 =	vgt.s32 v10, $0xF423FFF;
	v32 =	vadd.s32 $0xF0BDC000, v10;
	v11 =	vmul.u32 $0x6A631, v11  }
0x227: {  	v12 =	vmul.u32 $0x35880, v56;
	v14 =	vmul.u32 $0x6A631, v14;
	v4 =	vadd.s32 v4, v15  }
0x228: {  	v21 =	vadd.s32 $0xF0BDC000, v6;
	vm12 =	vgt.s32 v5, $0xF423FFF;
	v22 =	vadd.s32 $0xF0BDC000, v5  }
0x229: {  	vm2 =	vgt.s32 v7, $0xF423FFF;
	v13 =	vadd.s32 $0xF0BDC000, v7;
	v9 =	vsel vm11, v32, v10  }
0x22a: {  	v10 =	vmul.u32 $0x35880, v50;
	vm8 =	vgt.s32 v4, $0x1E847FFF;
	v15 =	vadd.s32 $0xE17B8000, v4  }
0x22b: {  	vm11 =	vgt.s32 v6, $0xF423FFF;
	v5 =	vsel vm12, v22, v5;
	v7 =	vsel vm2, v13, v7  }
0x22c: {  	vm0 =	vgt.s32 v9, $0x7A11FFF;
	v35 =	vadd.s32 $0xF85EE000, v9;
	v8 =	vadd.s32 v11, v8  }
0x22d: {  	v59 =	vadd.s32 v14, v12;
	v4 =	vsel vm8, v15, v4;
	v6 =	vsel vm11, v21, v6  }
0x22e: {  	v26 =	vadd.s32 $0xF85EE000, v5;
	vm2 =	vgt.s32 v7, $0x7A11FFF;
	v13 =	vadd.s32 $0xF85EE000, v7  }
0x22f: {  	v37 =	vsel vm0, v35, v9;
	v9 =	vand.u32 $0x3FF, v38;
	vm9 =	vgt.s32 v8, $0x1E847FFF  }
0x230: {  	v18 =	vadd.s32 $0xE17B8000, v8;
	vm10 =	vgt.s32 v59, $0x1E847FFF;
	v19 =	vadd.s32 $0xE17B8000, v59  }
0x231: {  	vm4 =	vgt.s32 v4, $0xF423FFF;
	v15 =	vadd.s32 $0xF0BDC000, v4;
	vm14 =	vgt.s32 v6, $0x7A11FFF  }
0x232: {  	v25 =	vadd.s32 $0xF85EE000, v6;
	v7 =	vsel vm2, v13, v7;
	vm0 =	vgt.s32 v37, $0x3D08FFF  }
0x233: {  	v39 =	vadd.s32 $0xFC2F7000, v37;
	v9 =	vmul.u32 $0x6A631, v9;
	v8 =	vsel vm9, v18, v8  }
0x234: {  	v20 =	vsel vm10, v19, v59;
	v4 =	vsel vm4, v15, v4;
	v6 =	vsel vm14, v25, v6  }
0x235: {  	vm2 =	vgt.s32 v7, $0x3D08FFF;
	v13 =	vadd.s32 $0xFC2F7000, v7;
	v3 =	vsel vm0, v39, v37  }
0x236: {  	vm5 =	vgt.s32 v8, $0xF423FFF;
	v23 =	vadd.s32 $0xF0BDC000, v8;
	vm13 =	vgt.s32 v20, $0xF423FFF  }
0x237: {  	v24 =	vadd.s32 $0xF0BDC000, v20;
	vm4 =	vgt.s32 v4, $0x7A11FFF;
	v15 =	vadd.s32 $0xF85EE000, v4  }
0x238: {  	vm8 =	vgt.s32 v6, $0x3D08FFF;
	v29 =	vadd.s32 $0xFC2F7000, v6;
	v7 =	vsel vm2, v13, v7  }
0x239: {  	vm0 =	vgt.s32 v3, $0x1E847FF;
	v43 =	vadd.s32 $0xFE17B800, v3;
	v9 =	vadd.s32 v9, v10  }
0x23a: {  	v8 =	vsel vm5, v23, v8;
	v10 =	vsel vm13, v24, v20;
	v4 =	vsel vm4, v15, v4  }
0x23b: {  	v6 =	vsel vm8, v29, v6;
	vm2 =	vgt.s32 v7, $0x1E847FF;
	v13 =	vadd.s32 $0xFE17B800, v7  }
0x23c: {  	v3 =	vsel vm0, v43, v3;
	vm15 =	vgt.s32 v9, $0x1E847FFF;
	v63 =	vadd.s32 $0xE17B8000, v9  }
0x23d: {  	vm5 =	vgt.s32 v8, $0x7A11FFF;
	v27 =	vadd.s32 $0xF85EE000, v8;
	vm7 =	vgt.s32 v10, $0x7A11FFF  }
0x23e: {  	v28 =	vadd.s32 $0xF85EE000, v10;
	vm4 =	vgt.s32 v4, $0x3D08FFF;
	v15 =	vadd.s32 $0xFC2F7000, v4  }
0x23f: {  	vm11 =	vgt.s32 v6, $0x1E847FF;
	v33 =	vadd.s32 $0xFE17B800, v6;
	v7 =	vsel vm2, v13, v7  }
0x240: {  	vm0 =	vgt.s32 v3, $0xF423FF;
	v48 =	vadd.s32 $0xFF0BDC00, v3;
	v9 =	vsel vm15, v63, v9  }
0x241: {  	vm15 =	vgt.s32 v5, $0x7A11FFF;
	v8 =	vsel vm5, v27, v8;
	v10 =	vsel vm7, v28, v10  }
0x242: {  	v4 =	vsel vm4, v15, v4;
	v6 =	vsel vm11, v33, v6;
	vm2 =	vgt.s32 v7, $0xF423FF  }
0x243: {  	v13 =	vadd.s32 $0xFF0BDC00, v7;
	v3 =	vsel vm0, v48, v3;
	vm3 =	vgt.s32 v9, $0xF423FFF  }
0x244: {  	v14 =	vadd.s32 $0xF0BDC000, v9;
	v5 =	vsel vm15, v26, v5;
	vm5 =	vgt.s32 v8, $0x3D08FFF  }
0x245: {  	v31 =	vadd.s32 $0xFC2F7000, v8;
	vm10 =	vgt.s32 v10, $0x3D08FFF;
	v32 =	vadd.s32 $0xFC2F7000, v10  }
0x246: {  	vm4 =	vgt.s32 v4, $0x1E847FF;
	v15 =	vadd.s32 $0xFE17B800, v4;
	vm14 =	vgt.s32 v6, $0xF423FF  }
0x247: {  	v37 =	vadd.s32 $0xFF0BDC00, v6;
	v7 =	vsel vm2, v13, v7;
	vm0 =	vgt.s32 v3, $0x7A11FF  }
0x248: {  	v52 =	vadd.s32 $0xFF85EE00, v3;
	v9 =	vsel vm3, v14, v9;
	vm9 =	vgt.s32 v5, $0x3D08FFF  }
0x249: {  	v30 =	vadd.s32 $0xFC2F7000, v5;
	v8 =	vsel vm5, v31, v8;
	v10 =	vsel vm10, v32, v10  }
0x24a: {  	v4 =	vsel vm4, v15, v4;
	v6 =	vsel vm14, v37, v6;
	vm2 =	vgt.s32 v7, $0x7A11FF  }
0x24b: {  	v13 =	vadd.s32 $0xFF85EE00, v7;
	v3 =	vsel vm0, v52, v3;
	vm3 =	vgt.s32 v9, $0x7A11FFF  }
0x24c: {  	v14 =	vadd.s32 $0xF85EE000, v9;
	v5 =	vsel vm9, v30, v5;
	vm5 =	vgt.s32 v8, $0x1E847FF  }
0x24d: {  	v35 =	vadd.s32 $0xFE17B800, v8;
	vm13 =	vgt.s32 v10, $0x1E847FF;
	v36 =	vadd.s32 $0xFE17B800, v10  }
0x24e: {  	vm4 =	vgt.s32 v4, $0xF423FF;
	v15 =	vadd.s32 $0xFF0BDC00, v4;
	vm8 =	vgt.s32 v6, $0x7A11FF  }
0x24f: {  	v41 =	vadd.s32 $0xFF85EE00, v6;
	v7 =	vsel vm2, v13, v7;
	vm0 =	vgt.s32 v3, $0x3D08FF  }
0x250: {  	v55 =	vadd.s32 $0xFFC2F700, v3;
	v9 =	vsel vm3, v14, v9;
	vm12 =	vgt.s32 v5, $0x1E847FF  }
0x251: {  	v34 =	vadd.s32 $0xFE17B800, v5;
	v8 =	vsel vm5, v35, v8;
	v10 =	vsel vm13, v36, v10  }
0x252: {  	v4 =	vsel vm4, v15, v4;
	v6 =	vsel vm8, v41, v6;
	vm2 =	vgt.s32 v7, $0x3D08FF  }
0x253: {  	v13 =	vadd.s32 $0xFFC2F700, v7;
	v3 =	vsel vm0, v55, v3;
	vm3 =	vgt.s32 v9, $0x3D08FFF  }
0x254: {  	v14 =	vadd.s32 $0xFC2F7000, v9;
	v5 =	vsel vm12, v34, v5;
	vm5 =	vgt.s32 v8, $0xF423FF  }
0x255: {  	v39 =	vadd.s32 $0xFF0BDC00, v8;
	vm7 =	vgt.s32 v10, $0xF423FF;
	v40 =	vadd.s32 $0xFF0BDC00, v10  }
0x256: {  	vm4 =	vgt.s32 v4, $0x7A11FF;
	v15 =	vadd.s32 $0xFF85EE00, v4;
	vm11 =	vgt.s32 v6, $0x3D08FF  }
0x257: {  	v45 =	vadd.s32 $0xFFC2F700, v6;
	v7 =	vsel vm2, v13, v7;
	vm0 =	vgt.s32 v3, $0x1E847F  }
0x258: {  	v57 =	vadd.s32 $0xFFE17B80, v3;
	v9 =	vsel vm3, v14, v9;
	vm15 =	vgt.s32 v5, $0xF423FF  }
0x259: {  	v38 =	vadd.s32 $0xFF0BDC00, v5;
	v8 =	vsel vm5, v39, v8;
	v10 =	vsel vm7, v40, v10  }
0x25a: {  	v4 =	vsel vm4, v15, v4;
	v6 =	vsel vm11, v45, v6;
	vm2 =	vgt.s32 v7, $0x1E847F  }
0x25b: {  	v13 =	vadd.s32 $0xFFE17B80, v7;
	v3 =	vsel vm0, v57, v3;
	vm3 =	vgt.s32 v9, $0x1E847FF  }
0x25c: {  	v14 =	vadd.s32 $0xFE17B800, v9;
	v5 =	vsel vm15, v38, v5;
	vm5 =	vgt.s32 v8, $0x7A11FF  }
0x25d: {  	v43 =	vadd.s32 $0xFF85EE00, v8;
	vm10 =	vgt.s32 v10, $0x7A11FF;
	v44 =	vadd.s32 $0xFF85EE00, v10  }
0x25e: {  	vm4 =	vgt.s32 v4, $0x3D08FF;
	v15 =	vadd.s32 $0xFFC2F700, v4;
	vm14 =	vgt.s32 v6, $0x1E847F  }
0x25f: {  	v49 =	vadd.s32 $0xFFE17B80, v6;
	v7 =	vsel vm2, v13, v7;
	vm0 =	vgt.s32 v3, $0xF423F  }
0x260: {  	v58 =	vadd.s32 $0xFFF0BDC0, v3;
	v9 =	vsel vm3, v14, v9;
	vm9 =	vgt.s32 v5, $0x7A11FF  }
0x261: {  	v42 =	vadd.s32 $0xFF85EE00, v5;
	v8 =	vsel vm5, v43, v8;
	v10 =	vsel vm10, v44, v10  }
0x262: {  	v4 =	vsel vm4, v15, v4;
	v6 =	vsel vm14, v49, v6;
	vm11 =	vgt.s32 v7, $0xF423F  }
0x263: {  	v3 =	vsel vm0, v58, v3;
	vm3 =	vgt.s32 v9, $0xF423FF;
	v14 =	vadd.s32 $0xFF0BDC00, v9  }
0x264: {  	v5 =	vsel vm9, v42, v5;
	vm5 =	vgt.s32 v8, $0x3D08FF;
	v47 =	vadd.s32 $0xFFC2F700, v8  }
0x265: {  	vm13 =	vgt.s32 v10, $0x3D08FF;
	v48 =	vadd.s32 $0xFFC2F700, v10;
	vm4 =	vgt.s32 v4, $0x1E847F  }
0x266: {  	v15 =	vadd.s32 $0xFFE17B80, v4;
	vm9 =	vgt.s32 v6, $0xF423F;
	v56 =	vadd.s32 $0xFFF0BDC0, v6  }
0x267: {  	v58 =	vadd.s32 $0xFFF0BDC0, v7;
	v9 =	vsel vm3, v14, v9;
	vm12 =	vgt.s32 v5, $0x3D08FF  }
0x268: {  	v46 =	vadd.s32 $0xFFC2F700, v5;
	v8 =	vsel vm5, v47, v8;
	v10 =	vsel vm13, v48, v10  }
0x269: {  	v4 =	vsel vm4, v15, v4;
	v6 =	vsel vm9, v56, v6;
	v60 =	vsel vm11, v58, v7  }
0x26a: {  	vm3 =	vgt.s32 v9, $0x7A11FF;
	v14 =	vadd.s32 $0xFF85EE00, v9;
	v5 =	vsel vm12, v46, v5  }
0x26b: {  	vm5 =	vgt.s32 v8, $0x1E847F;
	v51 =	vadd.s32 $0xFFE17B80, v8;
	vm8 =	vgt.s32 v10, $0x1E847F  }
0x26c: {  	[tilespmem:s25+$0xF40] =	vst v2;
	v53 =	vadd.s32 $0xFFE17B80, v10;
	vm13 =	vgt.s32 v4, $0xF423F;
	v61 =	vadd.s32 $0xFFF0BDC0, v4  }
0x26d: {  	[tilespmem:s25+$0xF50] =	vst v0;
	v9 =	vsel vm3, v14, v9;
	vm15 =	vgt.s32 v5, $0x1E847F;
	v50 =	vadd.s32 $0xFFE17B80, v5  }
0x26e: {  	[tilespmem:s25+$0xF60] =	vst v1;
	v55 =	vsel vm5, v51, v8;
	vm3 =	vgt.s32 v9, $0x3D08FF;
	v14 =	vadd.s32 $0xFFC2F700, v9  }
0x26f: {  	[tilespmem:s28+$0xF70] =	vst v3;
	v52 =	vsel vm15, v50, v5;
	vm14 =	vgt.s32 v55, $0xF423F;
	v62 =	vadd.s32 $0xFFF0BDC0, v55  }
0x270: {  	[tilespmem:s28+$0xF00] =	vst v6;
	v9 =	vsel vm3, v14, v9;
	vm10 =	vgt.s32 v52, $0xF423F;
	v57 =	vadd.s32 $0xFFF0BDC0, v52  }
0x271: {  	[tilespmem:s28+$0xF20] =	vst v60;
	v1 =	vsel vm14, v62, v55;
	vm3 =	vgt.s32 v9, $0x1E847F;
	v14 =	vadd.s32 $0xFFE17B80, v9  }
0x272: {  	v5 =	vsel vm8, v53, v10;
	v2 =	vsel vm10, v57, v52;
	[tilespmem:s28+$0xF50] =	vst v1;
	v54 =	vsel vm3, v14, v9  }
0x273: {  	[tilespmem:s28+$0xF10] =	vst v2;
	v2 =	vsel vm13, v61, v4;
	vm12 =	vgt.s32 v54, $0xF423F;
	v59 =	vadd.s32 $0xFFF0BDC0, v54  }
0x274: {  	vm15 =	vgt.s32 v5, $0xF423F;
	v63 =	vadd.s32 $0xFFF0BDC0, v5;
	[tilespmem:s28+$0xF40] =	vst v2;
	v0 =	vsel vm12, v59, v54  }
0x275: {  	[tilespmem:s28+$0xF30] =	vst v0;
	v0 =	vsel vm15, v63, v5  }
0x276: {  	[tilespmem:s28+$0xF60] =	vst v0  }
0x277: {  	_ =	swait.ge [sflag:s10], $0x4000  }
0x278: {  	[sflag:s10] =	ssyncset.done $0x0  }
0x279: {  	[sflag:s10] =	ssyncadd.s32 $0xFFFFC000  }
0x27a: {  	[hbm4b:s5+s3] =	stream.linear.scatter [tilespmem:s6], [sflag:$0x8], $0x4000, $0x38;
	[tilespmem:$0x19A00] =	vst v63  }
0x27b: {  	s26 =	simm.s32 $0xF00  }
0x27c: {  	[tilespmem:s11], [sflag:$0x6] =	stream.indirect.gather [hbm4b:s2+s4], $0x80, s26, s4, $0xb8;
	[tilespmem:$0x19A00] =	vst v63  }
0x27d: {  	_ =	swait.ge [sflag:s12], $0x4000  }
0x27e: {  	[sflag:s12] =	ssyncset.done $0x0  }
0x27f: {  	[sflag:s12] =	ssyncadd.s32 $0xFFFFC000  }
0x280: {  	[hbm4b:s1+s3] =	stream.linear.scatter [tilespmem:s7], [sflag:$0x9], $0x4000, $0x38;
	[tilespmem:$0x19A00] =	vst v63  }
0x281: {  	s28 =	simm.s32 $0xF80  }
0x282: {  	[tilespmem:s13], [sflag:$0x7] =	stream.indirect.gather [hbm4b:s2+s4], $0x80, s28, s4, $0xb8;
	[tilespmem:$0x19A00] =	vst v63  }
0x283: {  	_ =	swait.ge [sflag:s14], $0x4000  }
0x284: {  	[sflag:s14] =	ssyncset.done $0x0  }
0x285: {  	s26 =	rddreg [dreg:$0x5];
	[sflag:s14] =	ssyncadd.s32 $0xFFFFC000  }
0x286: {  	[hbm4b:s26+s3] =	stream.linear.scatter [tilespmem:s8], [sflag:$0xA], $0x4000, $0x38;
	[tilespmem:$0x19A00] =	vst v63  }
0x287: {  	_ =	swait.ge [sflag:s15], $0x4000  }
0x288: {  	[sflag:s15] =	ssyncset.done $0x0  }
0x289: {  	s28 =	simm.s32 $0x1000;
	[sflag:s15] =	ssyncadd.s32 $0xFFFFC000  }
0x28a: {  	[tilespmem:s6], [sflag:$0x2] =	stream.indirect.gather [hbm4b:s2+s4], $0x80, s28, s4, $0xb8;
	[tilespmem:$0x19A00] =	vst v63  }
0x28b: {  	_ =	swait.ge [sflag:s16], $0x4000  }
0x28c: {  	[sflag:s16] =	ssyncset.done $0x0  }
0x28d: {  	s26 =	rddreg [dreg:$0x6];
	[sflag:s16] =	ssyncadd.s32 $0xFFFFC000  }
0x28e: {  	[hbm4b:s26+s3] =	stream.linear.scatter [tilespmem:s9], [sflag:$0xB], $0x4000, $0x38;
	[tilespmem:$0x19A00] =	vst v63  }
0x28f: {  	_ =	swait.ge [sflag:s17], $0x4000  }
0x290: {  	[sflag:s17] =	ssyncset.done $0x0  }
0x291: {  	s28 =	simm.s32 $0x1080;
	[sflag:s17] =	ssyncadd.s32 $0xFFFFC000  }
0x292: {  	[tilespmem:s7], [sflag:$0x3] =	stream.indirect.gather [hbm4b:s2+s4], $0x80, s28, s4, $0xb8;
	[tilespmem:$0x19A00] =	vst v63  }
0x293: {  	_ =	swait.ge [sflag:s18], $0x4000  }
0x294: {  	[sflag:s18] =	ssyncset.done $0x0  }
0x295: {  	s26 =	rddreg [dreg:$0x7];
	[sflag:s18] =	ssyncadd.s32 $0xFFFFC000  }
0x296: {  	[hbm4b:s26+s3] =	stream.linear.scatter [tilespmem:s11], [sflag:$0xC], $0x4000, $0x38;
	[tilespmem:$0x19A00] =	vst v63  }
0x297: {  	_ =	swait.ge [sflag:s19], $0x4000  }
0x298: {  	[sflag:s19] =	ssyncset.done $0x0  }
0x299: {  	s28 =	simm.s32 $0x1100;
	[sflag:s19] =	ssyncadd.s32 $0xFFFFC000  }
0x29a: {  	[tilespmem:s8], [sflag:$0x4] =	stream.indirect.gather [hbm4b:s2+s4], $0x80, s28, s4, $0xb8;
	[tilespmem:$0x19A00] =	vst v63  }
0x29b: {  	_ =	swait.ge [sflag:s20], $0x4000  }
0x29c: {  	[sflag:s20] =	ssyncset.done $0x0  }
0x29d: {  	s26 =	rddreg [dreg:$0x8];
	[sflag:s20] =	ssyncadd.s32 $0xFFFFC000  }
0x29e: {  	[hbm4b:s26+s3] =	stream.linear.scatter [tilespmem:s13], [sflag:$0xD], $0x4000, $0x38;
	[tilespmem:$0x19A00] =	vst v63  }
0x29f: {  	_ =	swait.ge [sflag:s21], $0x4000  }
0x2a0: {  	[sflag:s21] =	ssyncset.done $0x0  }
0x2a1: {  	s28 =	simm.s32 $0x1180;
	[sflag:s21] =	ssyncadd.s32 $0xFFFFC000  }
0x2a2: {  	[tilespmem:s9], [sflag:$0x5] =	stream.indirect.gather [hbm4b:s2+s4], $0x80, s28, s4, $0xb8;
	[tilespmem:$0x19A00] =	vst v63  }
0x2a3: {  	_ =	swait.ge [sflag:s10], $0x4000  }
0x2a4: {  	[sflag:s10] =	ssyncset.done $0x0  }
0x2a5: {  	s26 =	rddreg [dreg:$0x9];
	[sflag:s10] =	ssyncadd.s32 $0xFFFFC000  }
0x2a6: {  	[hbm4b:s26+s3] =	stream.linear.scatter [tilespmem:s6], [sflag:$0x8], $0x4000, $0x38;
	[tilespmem:$0x19A00] =	vst v63  }
0x2a7: {  	_ =	swait.ge [sflag:s22], $0x4000  }
0x2a8: {  	[sflag:s22] =	ssyncset.done $0x0  }
0x2a9: {  	s28 =	simm.s32 $0x1200;
	[sflag:s22] =	ssyncadd.s32 $0xFFFFC000  }
0x2aa: {  	[tilespmem:s11], [sflag:$0x6] =	stream.indirect.gather [hbm4b:s2+s4], $0x80, s28, s4, $0xb8;
	[tilespmem:$0x19A00] =	vst v63  }
0x2ab: {  	_ =	swait.ge [sflag:s12], $0x4000  }
0x2ac: {  	[sflag:s12] =	ssyncset.done $0x0  }
0x2ad: {  	s26 =	rddreg [dreg:$0xa];
	[sflag:s12] =	ssyncadd.s32 $0xFFFFC000  }
0x2ae: {  	[hbm4b:s26+s3] =	stream.linear.scatter [tilespmem:s7], [sflag:$0x9], $0x4000, $0x38;
	[tilespmem:$0x19A00] =	vst v63  }
0x2af: {  	_ =	swait.ge [sflag:s23], $0x4000  }
0x2b0: {  	[sflag:s23] =	ssyncset.done $0x0  }
0x2b1: {  	s28 =	simm.s32 $0x1280;
	[sflag:s23] =	ssyncadd.s32 $0xFFFFC000  }
0x2b2: {  	[tilespmem:s13], [sflag:$0x7] =	stream.indirect.gather [hbm4b:s2+s4], $0x80, s28, s4, $0xb8;
	[tilespmem:$0x19A00] =	vst v63  }
0x2b3: {  	_ =	swait.ge [sflag:s14], $0x4000  }
0x2b4: {  	[sflag:s14] =	ssyncset.done $0x0  }
0x2b5: {  	s26 =	rddreg [dreg:$0xb];
	[sflag:s14] =	ssyncadd.s32 $0xFFFFC000  }
0x2b6: {  	[hbm4b:s26+s3] =	stream.linear.scatter [tilespmem:s8], [sflag:$0xA], $0x4000, $0x38;
	[tilespmem:$0x19A00] =	vst v63  }
0x2b7: {  	_ =	swait.ge [sflag:s15], $0x4000  }
0x2b8: {  	[sflag:s15] =	ssyncset.done $0x0  }
0x2b9: {  	s28 =	simm.s32 $0x1300;
	[sflag:s15] =	ssyncadd.s32 $0xFFFFC000  }
0x2ba: {  	[tilespmem:s6], [sflag:$0x2] =	stream.indirect.gather [hbm4b:s2+s4], $0x80, s28, s4, $0xb8;
	[tilespmem:$0x19A00] =	vst v63  }
0x2bb: {  	_ =	swait.ge [sflag:s16], $0x4000  }
0x2bc: {  	[sflag:s16] =	ssyncset.done $0x0  }
0x2bd: {  	s26 =	rddreg [dreg:$0xc];
	[sflag:s16] =	ssyncadd.s32 $0xFFFFC000  }
0x2be: {  	[hbm4b:s26+s3] =	stream.linear.scatter [tilespmem:s9], [sflag:$0xB], $0x4000, $0x38;
	[tilespmem:$0x19A00] =	vst v63  }
0x2bf: {  	_ =	swait.ge [sflag:s17], $0x4000  }
0x2c0: {  	[sflag:s17] =	ssyncset.done $0x0  }
0x2c1: {  	s28 =	simm.s32 $0x1380;
	[sflag:s17] =	ssyncadd.s32 $0xFFFFC000  }
0x2c2: {  	[tilespmem:s7], [sflag:$0x3] =	stream.indirect.gather [hbm4b:s2+s4], $0x80, s28, s4, $0xb8;
	[tilespmem:$0x19A00] =	vst v63  }
0x2c3: {  	_ =	swait.ge [sflag:s18], $0x4000  }
0x2c4: {  	[sflag:s18] =	ssyncset.done $0x0  }
0x2c5: {  	s26 =	rddreg [dreg:$0xd];
	[sflag:s18] =	ssyncadd.s32 $0xFFFFC000  }
0x2c6: {  	[hbm4b:s26+s3] =	stream.linear.scatter [tilespmem:s11], [sflag:$0xC], $0x4000, $0x38;
	[tilespmem:$0x19A00] =	vst v63  }
0x2c7: {  	_ =	swait.ge [sflag:s19], $0x4000  }
0x2c8: {  	[sflag:s19] =	ssyncset.done $0x0  }
0x2c9: {  	s28 =	simm.s32 $0x1400;
	[sflag:s19] =	ssyncadd.s32 $0xFFFFC000  }
0x2ca: {  	[tilespmem:s8], [sflag:$0x4] =	stream.indirect.gather [hbm4b:s2+s4], $0x80, s28, s4, $0xb8;
	[tilespmem:$0x19A00] =	vst v63  }
0x2cb: {  	_ =	swait.ge [sflag:s20], $0x4000  }
0x2cc: {  	[sflag:s20] =	ssyncset.done $0x0  }
0x2cd: {  	s26 =	rddreg [dreg:$0xe];
	[sflag:s20] =	ssyncadd.s32 $0xFFFFC000  }
0x2ce: {  	[hbm4b:s26+s3] =	stream.linear.scatter [tilespmem:s13], [sflag:$0xD], $0x4000, $0x38;
	[tilespmem:$0x19A00] =	vst v63  }
0x2cf: {  	_ =	swait.ge [sflag:s21], $0x4000  }
0x2d0: {  	[sflag:s21] =	ssyncset.done $0x0  }
0x2d1: {  	s28 =	simm.s32 $0x1480;
	[sflag:s21] =	ssyncadd.s32 $0xFFFFC000  }
0x2d2: {  	[tilespmem:s9], [sflag:$0x5] =	stream.indirect.gather [hbm4b:s2+s4], $0x80, s28, s4, $0xb8;
	[tilespmem:$0x19A00] =	vst v63  }
0x2d3: {  	_ =	swait.ge [sflag:s10], $0x4000  }
0x2d4: {  	[sflag:s10] =	ssyncset.done $0x0  }
0x2d5: {  	s26 =	rddreg [dreg:$0xf];
	[sflag:s10] =	ssyncadd.s32 $0xFFFFC000  }
0x2d6: {  	[hbm4b:s26+s3] =	stream.linear.scatter [tilespmem:s6], [sflag:$0x8], $0x4000, $0x38;
	[tilespmem:$0x19A00] =	vst v63  }
0x2d7: {  	_ =	swait.ge [sflag:s22], $0x4000  }
0x2d8: {  	[sflag:s22] =	ssyncset.done $0x0  }
0x2d9: {  	s28 =	simm.s32 $0x1500;
	[sflag:s22] =	ssyncadd.s32 $0xFFFFC000  }
0x2da: {  	[tilespmem:s11], [sflag:$0x6] =	stream.indirect.gather [hbm4b:s2+s4], $0x80, s28, s4, $0xb8;
	[tilespmem:$0x19A00] =	vst v63  }
0x2db: {  	_ =	swait.ge [sflag:s12], $0x4000  }
0x2dc: {  	[sflag:s12] =	ssyncset.done $0x0  }
0x2dd: {  	s26 =	rddreg [dreg:$0x10];
	[sflag:s12] =	ssyncadd.s32 $0xFFFFC000  }
0x2de: {  	[hbm4b:s26+s3] =	stream.linear.scatter [tilespmem:s7], [sflag:$0x9], $0x4000, $0x38;
	[tilespmem:$0x19A00] =	vst v63  }
0x2df: {  	_ =	swait.ge [sflag:s23], $0x4000  }
0x2e0: {  	[sflag:s23] =	ssyncset.done $0x0  }
0x2e1: {  	s28 =	simm.s32 $0x1580;
	[sflag:s23] =	ssyncadd.s32 $0xFFFFC000  }
0x2e2: {  	[tilespmem:s13], [sflag:$0x7] =	stream.indirect.gather [hbm4b:s2+s4], $0x80, s28, s4, $0xb8;
	[tilespmem:$0x19A00] =	vst v63  }
0x2e3: {  	_ =	swait.ge [sflag:s14], $0x4000  }
0x2e4: {  	[sflag:s14] =	ssyncset.done $0x0  }
0x2e5: {  	s26 =	rddreg [dreg:$0x11];
	[sflag:s14] =	ssyncadd.s32 $0xFFFFC000  }
0x2e6: {  	[hbm4b:s26+s3] =	stream.linear.scatter [tilespmem:s8], [sflag:$0xA], $0x4000, $0x38;
	[tilespmem:$0x19A00] =	vst v63  }
0x2e7: {  	_ =	swait.ge [sflag:s15], $0x4000  }
0x2e8: {  	[sflag:s15] =	ssyncset.done $0x0  }
0x2e9: {  	s28 =	simm.s32 $0x1600;
	[sflag:s15] =	ssyncadd.s32 $0xFFFFC000  }
0x2ea: {  	[tilespmem:s6], [sflag:$0x2] =	stream.indirect.gather [hbm4b:s2+s4], $0x80, s28, s4, $0xb8;
	[tilespmem:$0x19A00] =	vst v63  }
0x2eb: {  	_ =	swait.ge [sflag:s16], $0x4000  }
0x2ec: {  	[sflag:s16] =	ssyncset.done $0x0  }
0x2ed: {  	s26 =	rddreg [dreg:$0x12];
	[sflag:s16] =	ssyncadd.s32 $0xFFFFC000  }
0x2ee: {  	[hbm4b:s26+s3] =	stream.linear.scatter [tilespmem:s9], [sflag:$0xB], $0x4000, $0x38;
	[tilespmem:$0x19A00] =	vst v63  }
0x2ef: {  	_ =	swait.ge [sflag:s17], $0x4000  }
0x2f0: {  	[sflag:s17] =	ssyncset.done $0x0  }
0x2f1: {  	s28 =	simm.s32 $0x1680;
	[sflag:s17] =	ssyncadd.s32 $0xFFFFC000  }
0x2f2: {  	[tilespmem:s7], [sflag:$0x3] =	stream.indirect.gather [hbm4b:s2+s4], $0x80, s28, s4, $0xb8;
	[tilespmem:$0x19A00] =	vst v63  }
0x2f3: {  	_ =	swait.ge [sflag:s18], $0x4000  }
0x2f4: {  	[sflag:s18] =	ssyncset.done $0x0  }
0x2f5: {  	s26 =	rddreg [dreg:$0x13];
	[sflag:s18] =	ssyncadd.s32 $0xFFFFC000  }
0x2f6: {  	[hbm4b:s26+s3] =	stream.linear.scatter [tilespmem:s11], [sflag:$0xC], $0x4000, $0x38;
	[tilespmem:$0x19A00] =	vst v63  }
0x2f7: {  	_ =	swait.ge [sflag:s19], $0x4000  }
0x2f8: {  	[sflag:s19] =	ssyncset.done $0x0  }
0x2f9: {  	s28 =	simm.s32 $0x1700;
	[sflag:s19] =	ssyncadd.s32 $0xFFFFC000  }
0x2fa: {  	[tilespmem:s8], [sflag:$0x4] =	stream.indirect.gather [hbm4b:s2+s4], $0x80, s28, s4, $0xb8;
	[tilespmem:$0x19A00] =	vst v63  }
0x2fb: {  	_ =	swait.ge [sflag:s20], $0x4000  }
0x2fc: {  	[sflag:s20] =	ssyncset.done $0x0  }
0x2fd: {  	s26 =	rddreg [dreg:$0x14];
	[sflag:s20] =	ssyncadd.s32 $0xFFFFC000  }
0x2fe: {  	[hbm4b:s26+s3] =	stream.linear.scatter [tilespmem:s13], [sflag:$0xD], $0x4000, $0x38;
	[tilespmem:$0x19A00] =	vst v63  }
0x2ff: {  	_ =	swait.ge [sflag:s21], $0x4000  }
0x300: {  	[sflag:s21] =	ssyncset.done $0x0  }
0x301: {  	s28 =	simm.s32 $0x1780;
	[sflag:s21] =	ssyncadd.s32 $0xFFFFC000  }
0x302: {  	[tilespmem:s9], [sflag:$0x5] =	stream.indirect.gather [hbm4b:s2+s4], $0x80, s28, s4, $0xb8;
	[tilespmem:$0x19A00] =	vst v63  }
0x303: {  	_ =	swait.ge [sflag:s10], $0x4000  }
0x304: {  	[sflag:s10] =	ssyncset.done $0x0  }
0x305: {  	s26 =	rddreg [dreg:$0x15];
	[sflag:s10] =	ssyncadd.s32 $0xFFFFC000  }
0x306: {  	[hbm4b:s26+s3] =	stream.linear.scatter [tilespmem:s6], [sflag:$0x8], $0x4000, $0x38;
	[tilespmem:$0x19A00] =	vst v63  }
0x307: {  	_ =	swait.ge [sflag:s22], $0x4000  }
0x308: {  	[sflag:s22] =	ssyncset.done $0x0  }
0x309: {  	s28 =	simm.s32 $0x1800;
	[sflag:s22] =	ssyncadd.s32 $0xFFFFC000  }
0x30a: {  	[tilespmem:s11], [sflag:$0x6] =	stream.indirect.gather [hbm4b:s2+s4], $0x80, s28, s4, $0xb8;
	[tilespmem:$0x19A00] =	vst v63  }
0x30b: {  	_ =	swait.ge [sflag:s12], $0x4000  }
0x30c: {  	[sflag:s12] =	ssyncset.done $0x0  }
0x30d: {  	s26 =	rddreg [dreg:$0x16];
	[sflag:s12] =	ssyncadd.s32 $0xFFFFC000  }
0x30e: {  	[hbm4b:s26+s3] =	stream.linear.scatter [tilespmem:s7], [sflag:$0x9], $0x4000, $0x38;
	[tilespmem:$0x19A00] =	vst v63  }
0x30f: {  	_ =	swait.ge [sflag:s23], $0x4000  }
0x310: {  	[sflag:s23] =	ssyncset.done $0x0  }
0x311: {  	s28 =	simm.s32 $0x1880;
	[sflag:s23] =	ssyncadd.s32 $0xFFFFC000  }
0x312: {  	[tilespmem:s13], [sflag:$0x7] =	stream.indirect.gather [hbm4b:s2+s4], $0x80, s28, s4, $0xb8;
	[tilespmem:$0x19A00] =	vst v63  }
0x313: {  	_ =	swait.ge [sflag:s14], $0x4000  }
0x314: {  	[sflag:s14] =	ssyncset.done $0x0  }
0x315: {  	s26 =	rddreg [dreg:$0x17];
	[sflag:s14] =	ssyncadd.s32 $0xFFFFC000  }
0x316: {  	[hbm4b:s26+s3] =	stream.linear.scatter [tilespmem:s8], [sflag:$0xA], $0x4000, $0x38;
	[tilespmem:$0x19A00] =	vst v63  }
0x317: {  	_ =	swait.ge [sflag:s15], $0x4000  }
0x318: {  	[sflag:s15] =	ssyncset.done $0x0  }
0x319: {  	s28 =	simm.s32 $0x1900;
	[sflag:s15] =	ssyncadd.s32 $0xFFFFC000  }
0x31a: {  	[tilespmem:s6], [sflag:$0x2] =	stream.indirect.gather [hbm4b:s2+s4], $0x80, s28, s4, $0xb8;
	[tilespmem:$0x19A00] =	vst v63  }
0x31b: {  	_ =	swait.ge [sflag:s16], $0x4000  }
0x31c: {  	[sflag:s16] =	ssyncset.done $0x0  }
0x31d: {  	s26 =	rddreg [dreg:$0x18];
	[sflag:s16] =	ssyncadd.s32 $0xFFFFC000  }
0x31e: {  	[hbm4b:s26+s3] =	stream.linear.scatter [tilespmem:s9], [sflag:$0xB], $0x4000, $0x38;
	[tilespmem:$0x19A00] =	vst v63  }
0x31f: {  	_ =	swait.ge [sflag:s17], $0x4000  }
0x320: {  	[sflag:s17] =	ssyncset.done $0x0  }
0x321: {  	s28 =	simm.s32 $0x1980;
	[sflag:s17] =	ssyncadd.s32 $0xFFFFC000  }
0x322: {  	[tilespmem:s7], [sflag:$0x3] =	stream.indirect.gather [hbm4b:s2+s4], $0x80, s28, s4, $0xb8;
	[tilespmem:$0x19A00] =	vst v63  }
0x323: {  	_ =	swait.ge [sflag:s18], $0x4000  }
0x324: {  	[sflag:s18] =	ssyncset.done $0x0  }
0x325: {  	s26 =	rddreg [dreg:$0x19];
	[sflag:s18] =	ssyncadd.s32 $0xFFFFC000  }
0x326: {  	[hbm4b:s26+s3] =	stream.linear.scatter [tilespmem:s11], [sflag:$0xC], $0x4000, $0x38;
	[tilespmem:$0x19A00] =	vst v63  }
0x327: {  	_ =	swait.ge [sflag:s20], $0x4000  }
0x328: {  	[sflag:s20] =	ssyncset.done $0x0  }
0x329: {  	s28 =	rddreg [dreg:$0x1a];
	[sflag:s20] =	ssyncadd.s32 $0xFFFFC000  }
0x32a: {  	[hbm4b:s28+s3] =	stream.linear.scatter [tilespmem:s13], [sflag:$0xD], $0x4000, $0x38;
	[tilespmem:$0x19A00] =	vst v63  }
0x32b: {  	_ =	swait.ge [sflag:s10], $0x4000  }
0x32c: {  	[sflag:s10] =	ssyncset.done $0x0  }
0x32d: {  	[sflag:s10] =	ssyncadd.s32 $0xFFFFC000  }
0x32e: {  	[hbm4b:s29+s3] =	stream.linear.scatter [tilespmem:s6], [sflag:$0x8], $0x4000, $0x38;
	[tilespmem:$0x19A00] =	vst v63  }
0x32f: {  	_ =	swait.ge [sflag:s12], $0x4000  }
0x330: {  	[sflag:s12] =	ssyncset.done $0x0  }
0x331: {  	[sflag:s12] =	ssyncadd.s32 $0xFFFFC000  }
0x332: {  	[hbm4b:s30+s3] =	stream.linear.scatter [tilespmem:s7], [sflag:$0x9], $0x4000, $0x38;
	[tilespmem:$0x19A00] =	vst v63  }
0x333: {  	_ =	swait.ge [sflag:s19], $0x4000  }
0x334: {  	[sflag:s19] =	ssyncset.done $0x0  }
0x335: {  	[sflag:s19] =	ssyncadd.s32 $0xFFFFC000  }
0x336: {  	_ =	swait.ge [sflag:s21], $0x4000  }
0x337: {  	[sflag:s21] =	ssyncset.done $0x0  }
0x338: {  	[sflag:s21] =	ssyncadd.s32 $0xFFFFC000  }
0x339: {  	_ =	swait.ge [sflag:s22], $0x4000  }
0x33a: {  	[sflag:s22] =	ssyncset.done $0x0  }
0x33b: {  	[sflag:s22] =	ssyncadd.s32 $0xFFFFC000  }
0x33c: {  	_ =	swait.ge [sflag:s23], $0x4000  }
0x33d: {  	[sflag:s23] =	ssyncset.done $0x0  }
0x33e: {  	s24 =	sadd.s32 $0x1, s24;
	[sflag:s23] =	ssyncadd.s32 $0xFFFFC000  }
0x33f: {  	p0 =	sne.s32 s24, s31;
	_ =	swait.ge [sflag:s15], $0x4000  }
.Ltmp2:
0x340: {  	[sflag:s15] =	ssyncset.done $0x0;
	(pc) =	sbr.rel @p0 .LBB2_1-.Ltmp2, $4  }
0x341: {  	[sflag:s15] =	ssyncadd.s32 $0xFFFFC000  }
0x342: {  	_ =	swait.ge [sflag:s17], $0x4000  }
0x343: {  	[sflag:s17] =	ssyncset.done $0x0  }
0x344: {  	[sflag:s17] =	ssyncadd.s32 $0xFFFFC000  }
0x345: {  	_ =	sfence.sel $0x180000  }
0x346: {  	[bflag:$0x0] =	sbarrier.arrive $0xFFFF  }
0x347: {  	_ =	strace $0x90000047  }
0x348: {  	s0 =	stileid.u32;
	[bflag:$0x2] =	sbarrier.arrive $0xFFFF  }
0x349: {  	p0 =	sne.s32 s0, $0x0;
	s0 =	rddreg [dreg:$0x3]  }
0x34a: {  	s0 =	sadd.s32 @!p0 $0x100000, s0  }
0x34b: {  	[sflag:s0] =	ssyncadd.tile.s32 @!p0 $0x1;
	_ =	shalt  }
.Lfunc_end2:
_tile_overlayer_lowered:
.L_overlay_start_2:
0x34c: {  	(tag) =	ssettag $0x2  }
0x34d: {  	s0 =	rddreg [dreg:$0x0];
	s2 =	stileid.u32  }
0x34e: {  	s1 =	rddreg [dreg:$0x1];
	p0 =	sne.s32 s2, $0x0  }
0x34f: {  	s3 =	rddreg [dreg:$0x2];
	[bflag:$0x3] =	sbarrier.arrive $0xFFFF;
	s2 =	simm.s32 @!p0 $0x1C0E  }
0x350: {  	[timem:s3], [sflag:s2] =	dma.local @!p0 [hbm:s0], s1  }
0x351: {  	s0 =	simm.s32 @!p0 $0xE  }
0x352: {  	_ =	swait.ge @!p0 [sflag:s0], s1  }
0x353: {  	s1 =	ssub.s32 @!p0 $0x0, s1;
	[sflag:s0] =	ssyncset.done @!p0 $0x0  }
0x354: {  	[sflag:s0] =	ssyncadd.s32 @!p0 s1  }
0x355: {  	[bflag:$0x3] =	sbarrier.arrive $0xFFFF  }
0x356: {  	_ =	shalt  }

</sc_bundles>
